<compile_context>
chip_gen: v7x
topology: tpu7x:2x2x1
jax: 0.10.2.dev20260603
libtpu: 0.0.44.dev20260713+nightly
codegen_flags: <defaults>
</compile_context>

<pallas_src>
import functools

import jax
import jax.numpy as jnp
from jax import lax
from jax.experimental import pallas as pl
from jax.experimental.pallas import tpu as pltpu
from jax.experimental.pallas import tpu_sc as plsc

N = 10000
F_IN = 128
F_HID = 128
F_OUT = 64
E = 320000

NC = 2
NS = 16
NW = NC * NS
CHUNK = 128
K = 80
K2 = 160
E_PAD = NW * K * CHUNK
NPAD = 10240
STRIPE = NPAD // NS
NBUF = 4

_mesh = plsc.VectorSubcoreMesh(core_axis_name="c", subcore_axis_name="s")
_sc_params = pltpu.CompilerParams(use_tc_tiling_on_sc=False)


@functools.partial(
    pl.kernel,
    out_type=jax.ShapeDtypeStruct((NC, NPAD), jnp.float32),
    mesh=_mesh,
    compiler_params=_sc_params,
    scratch_types=[
        pltpu.VMEM((K, CHUNK), jnp.int32),
        pltpu.VMEM((CHUNK,), jnp.float32),
        pltpu.VMEM((STRIPE,), jnp.float32),
        pltpu.VMEM_SHARED((NPAD,), jnp.float32),
        pltpu.SemaphoreType.DMA,
    ],
)
def _deg_kernel(dst_hbm, deg_out, idx_v, ones_v, z_v, deg_sh, sem):
    c = lax.axis_index("c")
    s = lax.axis_index("s")
    w = s * NC + c

    zero16 = jnp.zeros((16,), jnp.float32)
    one16 = jnp.ones((16,), jnp.float32)

    def fill_z(i, carry):
        z_v[pl.ds(i * 16, 16)] = zero16
        return carry

    lax.fori_loop(0, STRIPE // 16, fill_z, 0)

    def fill_o(i, carry):
        ones_v[pl.ds(i * 16, 16)] = one16
        return carry

    lax.fori_loop(0, CHUNK // 16, fill_o, 0)

    pltpu.sync_copy(z_v, deg_sh.at[pl.ds(s * STRIPE, STRIPE)])
    pltpu.sync_copy(dst_hbm.at[w], idx_v)
    plsc.subcore_barrier()

    GRP = 8

    def group(g, carry):
        for b in range(GRP):
            pltpu.async_copy(
                ones_v, deg_sh.at[idx_v.at[g * GRP + b]], sem, add=True)
        for b in range(GRP):
            pltpu.make_async_copy(
                ones_v, deg_sh.at[idx_v.at[g * GRP + b]], sem).wait()
        return carry

    lax.fori_loop(0, K // GRP, group, 0)
    plsc.subcore_barrier()
    pltpu.sync_copy(deg_sh.at[pl.ds(s * STRIPE, STRIPE)],
                    deg_out.at[c, pl.ds(s * STRIPE, STRIPE)])


AGG_NBUF = 5


def _make_agg(F, colsplit, KC):
    scratch = [
        pltpu.VMEM((KC, CHUNK), jnp.int32),
        pltpu.VMEM((KC, CHUNK), jnp.int32),
        pltpu.VMEM((AGG_NBUF, CHUNK, F), jnp.float32),
        pltpu.VMEM_SHARED((NPAD, F), jnp.float32),
    ] + [pltpu.SemaphoreType.DMA] * (AGG_NBUF + 1)

    @functools.partial(
        pl.kernel,
        out_type=jax.ShapeDtypeStruct((NC, NPAD, F), jnp.float32),
        mesh=_mesh,
        compiler_params=_sc_params,
        scratch_types=scratch,
    )
    def _agg(p_hbm, src_hbm, dst_hbm, out, si_v, di_v, bufs, agg_sh, *sems):
        gsems, ssem = sems[:AGG_NBUF], sems[AGG_NBUF]
        c = lax.axis_index("c")
        s = lax.axis_index("s")

        zero16 = jnp.zeros((16,), jnp.float32)

        def zrow(i, carry):
            for j in range(F // 16):
                bufs[0, i, pl.ds(j * 16, 16)] = zero16
            return carry

        lax.fori_loop(0, CHUNK, zrow, 0)
        for i in range(STRIPE // CHUNK):
            pltpu.sync_copy(
                bufs.at[0], agg_sh.at[pl.ds(s * STRIPE + i * CHUNK, CHUNK)])
        if colsplit:
            pltpu.sync_copy(src_hbm.at[c, s], si_v)
            pltpu.sync_copy(dst_hbm.at[s], di_v)
        else:
            w = s * NC + c
            pltpu.sync_copy(src_hbm.at[w], si_v)
            pltpu.sync_copy(dst_hbm.at[w], di_v)
        plsc.subcore_barrier()

        def gather(jj, b):
            pltpu.async_copy(p_hbm.at[si_v.at[jj]], bufs.at[b], gsems[b])

        def gather_wait(jj, b):
            pltpu.make_async_copy(
                p_hbm.at[si_v.at[jj]], bufs.at[b], gsems[b]).wait()

        for b in range(AGG_NBUF - 1):
            gather(b, b)

        def step(g, carry):
            for i in range(AGG_NBUF):
                jj = g * AGG_NBUF + i
                gather_wait(jj, i)
                pltpu.async_copy(
                    bufs.at[i], agg_sh.at[di_v.at[jj]], ssem, add=True).wait()

                @pl.when(jj + AGG_NBUF - 1 < KC)
                def _():
                    gather(jj + AGG_NBUF - 1, (i + AGG_NBUF - 1) % AGG_NBUF)
            return carry

        lax.fori_loop(0, KC // AGG_NBUF, step, 0)
        plsc.subcore_barrier()
        pltpu.sync_copy(agg_sh.at[pl.ds(s * STRIPE, STRIPE)],
                        out.at[c, pl.ds(s * STRIPE, STRIPE)])

    return _agg


_agg128 = _make_agg(64, True, K2)
_agg64 = _make_agg(F_OUT, False, K)


BN = 1000


def _tc1(x, deg2, W0):
    def body(x_ref, da_ref, db_ref, w_ref, p_ref, n_ref):
        deg = da_ref[0] + db_ref[0]
        norm = jnp.where(deg > 0, lax.rsqrt(jnp.maximum(deg, 1.0)), 0.0)
        n_ref[...] = norm
        p_ref[...] = jnp.dot(x_ref[...] * norm, w_ref[...],
                             preferred_element_type=jnp.float32)

    return pl.pallas_call(
        body,
        grid=(N // BN,),
        in_specs=[
            pl.BlockSpec((BN, F_IN), lambda i: (i, 0)),
            pl.BlockSpec((1, BN, 1), lambda i: (0, i, 0)),
            pl.BlockSpec((1, BN, 1), lambda i: (1, i, 0)),
            pl.BlockSpec((F_IN, F_HID), lambda i: (0, 0)),
        ],
        out_specs=[
            pl.BlockSpec((BN, F_HID), lambda i: (i, 0)),
            pl.BlockSpec((BN, 1), lambda i: (i, 0)),
        ],
        out_shape=[
            jax.ShapeDtypeStruct((N, F_HID), jnp.float32),
            jax.ShapeDtypeStruct((N, 1), jnp.float32),
        ],
    )(x, deg2, deg2, W0)


def _tc_mid(agg, norm, bias, W, Fo):
    def body(aa_ref, ab_ref, n_ref, b_ref, w_ref, o_ref):
        a = jnp.concatenate([aa_ref[0], ab_ref[0]], axis=1)
        nv = n_ref[...]
        h = jnp.maximum(a * nv + b_ref[...], 0.0)
        o_ref[...] = jnp.dot(h * nv, w_ref[...],
                             preferred_element_type=jnp.float32)

    return pl.pallas_call(
        body,
        grid=(N // BN,),
        in_specs=[
            pl.BlockSpec((1, BN, 64), lambda i: (0, i, 0)),
            pl.BlockSpec((1, BN, 64), lambda i: (1, i, 0)),
            pl.BlockSpec((BN, 1), lambda i: (i, 0)),
            pl.BlockSpec((1, F_HID), lambda i: (0, 0)),
            pl.BlockSpec((F_HID, Fo), lambda i: (0, 0)),
        ],
        out_specs=pl.BlockSpec((BN, Fo), lambda i: (i, 0)),
        out_shape=jax.ShapeDtypeStruct((N, Fo), jnp.float32),
    )(agg, agg, norm, bias, W)


def _tc_final(agg, norm, bias):
    def body(aa_ref, ab_ref, n_ref, b_ref, o_ref):
        o_ref[...] = (aa_ref[0] + ab_ref[0]) * n_ref[...] + b_ref[...]

    return pl.pallas_call(
        body,
        grid=(N // BN,),
        in_specs=[
            pl.BlockSpec((1, BN, F_OUT), lambda i: (0, i, 0)),
            pl.BlockSpec((1, BN, F_OUT), lambda i: (1, i, 0)),
            pl.BlockSpec((BN, 1), lambda i: (i, 0)),
            pl.BlockSpec((1, F_OUT), lambda i: (0, 0)),
        ],
        out_specs=pl.BlockSpec((BN, F_OUT), lambda i: (i, 0)),
        out_shape=jax.ShapeDtypeStruct((N, F_OUT), jnp.float32),
    )(agg, agg, norm, bias)


def kernel(x, edge_index, W0, b0, W1, b1, W2, b2):
    src = edge_index[0]
    dst = edge_index[1]
    pad = E_PAD - E
    srcp = jnp.concatenate([src, jnp.zeros((pad,), jnp.int32)])
    dstp = jnp.concatenate(
        [dst, N + (jnp.arange(pad, dtype=jnp.int32) % (NPAD - N))])
    src3 = srcp.reshape(NW, K, CHUNK)
    dst3 = dstp.reshape(NW, K, CHUNK)
    src2 = srcp * 2
    srcs = jnp.stack([src2, src2 + 1]).reshape(NC, NS, K2, CHUNK)
    dst4 = dstp.reshape(NS, K2, CHUNK)

    deg = _deg_kernel(dst3)
    deg2 = deg.reshape(NC, NPAD, 1)
    p0, norm = _tc1(x, deg2, W0)
    agg0 = _agg128(p0.reshape(2 * N, 64), srcs, dst4)
    p1 = _tc_mid(agg0, norm, b0.reshape(1, -1), W1, F_HID)
    agg1 = _agg128(p1.reshape(2 * N, 64), srcs, dst4)
    p2 = _tc_mid(agg1, norm, b1.reshape(1, -1), W2, F_OUT)
    agg2 = _agg64(p2, src3, dst3)
    return _tc_final(agg2, norm, b2.reshape(1, -1))

# --- scband reference (transcript-rebuilt; emitter-appended) ---
"""Pipeline reference for scband-gcn-31894427140505 (READ-ONLY COPY).

The authoritative reference and input builder live on the scoring server;
editing this copy changes nothing except your own understanding.
"""

import jax, jax.numpy as jnp
import numpy as np

N = 10000
E = 320000
IN_FEATS = 128
N_HIDDEN = 128
N_CLASSES = 64


def setup_inputs(seed: int = 0) -> dict:
    key = jax.random.key(seed)
    ks = jax.random.split(key, 9)
    x = jax.random.normal(ks[0], (N, IN_FEATS), dtype=jnp.float32)
    edge_index = jax.random.randint(ks[1], (2, E), 0, N, dtype=jnp.int32)
    # GraphConv weights (glorot-ish init), 3 layers: in->hidden, hidden->hidden, hidden->classes
    W0 = jax.random.normal(ks[2], (IN_FEATS, N_HIDDEN), dtype=jnp.float32) * (1.0 / np.sqrt(IN_FEATS))
    b0 = jnp.zeros((N_HIDDEN,), dtype=jnp.float32)
    W1 = jax.random.normal(ks[3], (N_HIDDEN, N_HIDDEN), dtype=jnp.float32) * (1.0 / np.sqrt(N_HIDDEN))
    b1 = jnp.zeros((N_HIDDEN,), dtype=jnp.float32)
    W2 = jax.random.normal(ks[4], (N_HIDDEN, N_CLASSES), dtype=jnp.float32) * (1.0 / np.sqrt(N_HIDDEN))
    b2 = jnp.zeros((N_CLASSES,), dtype=jnp.float32)
    return {"x": x, "edge_index": edge_index, "W0": W0, "b0": b0, "W1": W1, "b1": b1, "W2": W2, "b2": b2}


def reference(x, edge_index, W0, b0, W1, b1, W2, b2):
    # Faithful GCN (DGL GraphConv, norm='both') with the same graph block for all 3 layers.
    # dropout p=0.0 -> identity in eval/reference.
    src = edge_index[0]
    dst = edge_index[1]
    deg = jnp.zeros((N,), dtype=jnp.float32).at[dst].add(1.0)
    norm = jnp.where(deg > 0, jax.lax.rsqrt(jnp.maximum(deg, 1.0)), 0.0)

    def gconv(h, W, b, act):
        h = h * norm[:, None]
        msg = jnp.take(h, src, axis=0)  # gather along src nodes
        agg = jnp.zeros((N, h.shape[1]), dtype=h.dtype).at[dst].add(msg)  # scatter-add
        h = agg * norm[:, None]
        h = h @ W + b
        if act:
            h = jax.nn.relu(h)
        return h

    h = gconv(x, W0, b0, True)
    h = gconv(h, W1, b1, True)
    h = gconv(h, W2, b2, False)
    return h

if __name__ == "__main__":
    import jax
    _d = setup_inputs()
    print(jax.jit(kernel)(*tuple(_d.values())))

</pallas_src>

<mosaic_0001>
#map = affine_map<(d0, d1) -> (0, 0, 0)>
#map1 = affine_map<(d0, d1) -> (0, 0)>
module attributes {stable_mosaic.version = 14 : i64} {
  func.func @_deg_kernel(%arg0: i32, %arg1: i32, %arg2: memref<32x80x128xi32, #tpu.memory_space<hbm>>, %arg3: memref<2x10240xf32, #tpu.memory_space<hbm>>, %arg4: memref<80x128xi32, #tpu.memory_space<vmem>>, %arg5: memref<128xf32, #tpu.memory_space<vmem>>, %arg6: memref<640xf32, #tpu.memory_space<vmem>>, %arg7: memref<10240xf32, #tpu.memory_space<vmem_shared>>, %arg8: memref<!tpu.dma_semaphore, #tpu.memory_space<semaphore_mem>>) attributes {dimension_semantics = [#tpu.dimension_semantics<core_parallel>, #tpu.dimension_semantics<subcore_parallel>], iteration_bounds = array<i64: 2, 16>, scalar_prefetch = 0 : i64, scratch_operands = 5 : i64, tpu.core_type = #tpu.core_type<sc_vector_subcore>, window_params = [{transform_indices = #map}, {transform_indices = #map1}]} {
    %mul3A = arith.constant 2 : i32
    %mul3A_0 = arith.muli %arg1, %mul3A : i32
    %add3A = arith.addi %mul3A_0, %arg0 : i32
    %broadcast_in_dim3A = arith.constant 0.000000e+00 : f32
    %broadcast_in_dim3A_1 = vector.broadcast %broadcast_in_dim3A : f32 to vector<16xf32>
    %broadcast_in_dim3A_2 = arith.constant 1.000000e+00 : f32
    %broadcast_in_dim3A_3 = vector.broadcast %broadcast_in_dim3A_2 : f32 to vector<16xf32>
    %scan3A = arith.constant 0 : i32
    %scan3A_4 = arith.constant 0 : i32
    %scan3A_5 = arith.constant 40 : i32
    %scan3A_6 = arith.addi %scan3A_4, %scan3A_5 : i32
    %scan3A_7 = arith.constant 1 : i32
    scf.for %scan3A_28 = %scan3A_4 to %scan3A_6 step %scan3A_7  : i32 {
      %mul3A_29 = arith.constant 16 : i32
      %mul3A_30 = arith.muli %scan3A_28, %mul3A_29 : i32
      %swap3A = arith.index_cast %mul3A_30 : i32 to index
      %swap3A_31 = tpu.vector_load %arg6[%swap3A] {strides = array<i32>} : memref<640xf32, #tpu.memory_space<vmem>>, vector<16xf32>,
      %swap3A_32 = vector.shape_cast %swap3A_31 : vector<16xf32> to vector<16xf32>
      %swap3A_33 = vector.shape_cast %broadcast_in_dim3A_1 : vector<16xf32> to vector<16xf32>
      tpu.vector_store %arg6[%swap3A], %swap3A_33 {strides = array<i32>} : memref<640xf32, #tpu.memory_space<vmem>>, vector<16xf32>,
    }
    %scan3A_8 = arith.constant 40 : i32
    %scan3A_9 = arith.constant 0 : i32
    %scan3A_10 = arith.constant 0 : i32
    %scan3A_11 = arith.constant 8 : i32
    %scan3A_12 = arith.addi %scan3A_10, %scan3A_11 : i32
    %scan3A_13 = arith.constant 1 : i32
    scf.for %scan3A_28 = %scan3A_10 to %scan3A_12 step %scan3A_13  : i32 {
      %mul3A_29 = arith.constant 16 : i32
      %mul3A_30 = arith.muli %scan3A_28, %mul3A_29 : i32
      %swap3A = arith.index_cast %mul3A_30 : i32 to index
      %swap3A_31 = tpu.vector_load %arg5[%swap3A] {strides = array<i32>} : memref<128xf32, #tpu.memory_space<vmem>>, vector<16xf32>,
      %swap3A_32 = vector.shape_cast %swap3A_31 : vector<16xf32> to vector<16xf32>
      %swap3A_33 = vector.shape_cast %broadcast_in_dim3A_3 : vector<16xf32> to vector<16xf32>
      tpu.vector_store %arg5[%swap3A], %swap3A_33 {strides = array<i32>} : memref<128xf32, #tpu.memory_space<vmem>>, vector<16xf32>,
    }
    %scan3A_14 = arith.constant 8 : i32
    %mul3A_15 = arith.constant 640 : i32
    %mul3A_16 = arith.muli %arg1, %mul3A_15 : i32
    "tpu.region"() ({
      %run_scoped3A = tpu.sem_alloc : memref<!tpu.dma_semaphore, #tpu.memory_space<semaphore_mem>>
      %dma_start3A = tpu.memref_slice %arg7[%mul3A_16] : memref<10240xf32, #tpu.memory_space<vmem_shared>> -> memref<640xf32, #tpu.memory_space<vmem_shared>>
      %dma_start3A_28 = tpu.memref_slice %arg7[%mul3A_16] : memref<10240xf32, #tpu.memory_space<vmem_shared>> -> memref<640xf32, #tpu.memory_space<vmem_shared>>
      tpu.enqueue_dma source(%arg6 : memref<640xf32, #tpu.memory_space<vmem>>) target(%dma_start3A_28 : memref<640xf32, #tpu.memory_space<vmem_shared>>) target_semaphore(%run_scoped3A : memref<!tpu.dma_semaphore, #tpu.memory_space<semaphore_mem>>)
      %dma_wait3A = tpu.memref_slice %arg7[%mul3A_16] : memref<10240xf32, #tpu.memory_space<vmem_shared>> -> memref<640xf32, #tpu.memory_space<vmem_shared>>
      %dma_wait3A_29 = tpu.memref_slice %arg7[%mul3A_16] : memref<10240xf32, #tpu.memory_space<vmem_shared>> -> memref<640xf32, #tpu.memory_space<vmem_shared>>
      tpu.wait_dma2 semaphore(%run_scoped3A : memref<!tpu.dma_semaphore, #tpu.memory_space<semaphore_mem>>) src(%arg6 : memref<640xf32, #tpu.memory_space<vmem>>) dst(%dma_wait3A_29 : memref<640xf32, #tpu.memory_space<vmem_shared>>)
      tpu.yield
    }) : () -> ()
    "tpu.region"() ({
      %run_scoped3A = tpu.sem_alloc : memref<!tpu.dma_semaphore, #tpu.memory_space<semaphore_mem>>
      %dma_start3A = arith.constant 0 : i32
      %dma_start3A_28 = arith.constant 0 : i32
      %dma_start3A_29 = tpu.memref_slice %arg2[%add3A, %dma_start3A, %dma_start3A_28] : memref<32x80x128xi32, #tpu.memory_space<hbm>> -> memref<1x80x128xi32, #tpu.memory_space<hbm>>
      %dma_start3A_30 = tpu.memref_squeeze %dma_start3A_29 : memref<1x80x128xi32, #tpu.memory_space<hbm>> -> memref<80x128xi32, #tpu.memory_space<hbm>>
      %dma_start3A_31 = arith.constant 0 : i32
      %dma_start3A_32 = arith.constant 0 : i32
      %dma_start3A_33 = tpu.memref_slice %arg2[%add3A, %dma_start3A_31, %dma_start3A_32] : memref<32x80x128xi32, #tpu.memory_space<hbm>> -> memref<1x80x128xi32, #tpu.memory_space<hbm>>
      %dma_start3A_34 = tpu.memref_squeeze %dma_start3A_33 : memref<1x80x128xi32, #tpu.memory_space<hbm>> -> memref<80x128xi32, #tpu.memory_space<hbm>>
      tpu.enqueue_dma source(%dma_start3A_34 : memref<80x128xi32, #tpu.memory_space<hbm>>) target(%arg4 : memref<80x128xi32, #tpu.memory_space<vmem>>) target_semaphore(%run_scoped3A : memref<!tpu.dma_semaphore, #tpu.memory_space<semaphore_mem>>)
      %dma_wait3A = arith.constant 0 : i32
      %dma_wait3A_35 = arith.constant 0 : i32
      %dma_wait3A_36 = tpu.memref_slice %arg2[%add3A, %dma_wait3A, %dma_wait3A_35] : memref<32x80x128xi32, #tpu.memory_space<hbm>> -> memref<1x80x128xi32, #tpu.memory_space<hbm>>
      %dma_wait3A_37 = tpu.memref_squeeze %dma_wait3A_36 : memref<1x80x128xi32, #tpu.memory_space<hbm>> -> memref<80x128xi32, #tpu.memory_space<hbm>>
      %dma_wait3A_38 = arith.constant 0 : i32
      %dma_wait3A_39 = arith.constant 0 : i32
      %dma_wait3A_40 = tpu.memref_slice %arg2[%add3A, %dma_wait3A_38, %dma_wait3A_39] : memref<32x80x128xi32, #tpu.memory_space<hbm>> -> memref<1x80x128xi32, #tpu.memory_space<hbm>>
      %dma_wait3A_41 = tpu.memref_squeeze %dma_wait3A_40 : memref<1x80x128xi32, #tpu.memory_space<hbm>> -> memref<80x128xi32, #tpu.memory_space<hbm>>
      tpu.wait_dma2 semaphore(%run_scoped3A : memref<!tpu.dma_semaphore, #tpu.memory_space<semaphore_mem>>) src(%dma_wait3A_41 : memref<80x128xi32, #tpu.memory_space<hbm>>) dst(%arg4 : memref<80x128xi32, #tpu.memory_space<vmem>>)
      tpu.yield
    }) : () -> ()
    %barrier3A = arith.constant 0 : index
    tpu.barrier barrier_id(%barrier3A)
    %scan3A_17 = arith.constant 0 : i32
    %scan3A_18 = arith.constant 0 : i32
    %scan3A_19 = arith.constant 10 : i32
    %scan3A_20 = arith.addi %scan3A_18, %scan3A_19 : i32
    %scan3A_21 = arith.constant 1 : i32
    scf.for %scan3A_28 = %scan3A_18 to %scan3A_20 step %scan3A_21  : i32 {
      %mul3A_29 = arith.constant 8 : i32
      %mul3A_30 = arith.muli %scan3A_28, %mul3A_29 : i32
      %add3A_31 = arith.constant 0 : i32
      %add3A_32 = arith.addi %mul3A_30, %add3A_31 : i32
      %dma_start3A = arith.constant 0 : i32
      %dma_start3A_33 = tpu.memref_slice %arg4[%add3A_32, %dma_start3A] : memref<80x128xi32, #tpu.memory_space<vmem>> -> memref<1x128xi32, #tpu.memory_space<vmem>>
      %dma_start3A_34 = tpu.memref_squeeze %dma_start3A_33 : memref<1x128xi32, #tpu.memory_space<vmem>> -> memref<128xi32, #tpu.memory_space<vmem>>
      %dma_start3A_35 = arith.constant 0 : i32
      %dma_start3A_36 = tpu.memref_slice %arg7[%dma_start3A_35] : memref<10240xf32, #tpu.memory_space<vmem_shared>> -> memref<10240xf32, #tpu.memory_space<vmem_shared>>
      tpu.enqueue_indirect_dma source(%arg5 : memref<128xf32, #tpu.memory_space<vmem>>) target(%dma_start3A_36 : memref<10240xf32, #tpu.memory_space<vmem_shared>>) offsets(%dma_start3A_34 : memref<128xi32, #tpu.memory_space<vmem>>) semaphore(%arg8 : memref<!tpu.dma_semaphore, #tpu.memory_space<semaphore_mem>>) {add = true}
      %mul3A_37 = arith.constant 8 : i32
      %mul3A_38 = arith.muli %scan3A_28, %mul3A_37 : i32
      %add3A_39 = arith.constant 1 : i32
      %add3A_40 = arith.addi %mul3A_38, %add3A_39 : i32
      %dma_start3A_41 = arith.constant 0 : i32
      %dma_start3A_42 = tpu.memref_slice %arg4[%add3A_40, %dma_start3A_41] : memref<80x128xi32, #tpu.memory_space<vmem>> -> memref<1x128xi32, #tpu.memory_space<vmem>>
      %dma_start3A_43 = tpu.memref_squeeze %dma_start3A_42 : memref<1x128xi32, #tpu.memory_space<vmem>> -> memref<128xi32, #tpu.memory_space<vmem>>
      %dma_start3A_44 = arith.constant 0 : i32
      %dma_start3A_45 = tpu.memref_slice %arg7[%dma_start3A_44] : memref<10240xf32, #tpu.memory_space<vmem_shared>> -> memref<10240xf32, #tpu.memory_space<vmem_shared>>
      tpu.enqueue_indirect_dma source(%arg5 : memref<128xf32, #tpu.memory_space<vmem>>) target(%dma_start3A_45 : memref<10240xf32, #tpu.memory_space<vmem_shared>>) offsets(%dma_start3A_43 : memref<128xi32, #tpu.memory_space<vmem>>) semaphore(%arg8 : memref<!tpu.dma_semaphore, #tpu.memory_space<semaphore_mem>>) {add = true}
      %mul3A_46 = arith.constant 8 : i32
      %mul3A_47 = arith.muli %scan3A_28, %mul3A_46 : i32
      %add3A_48 = arith.constant 2 : i32
      %add3A_49 = arith.addi %mul3A_47, %add3A_48 : i32
      %dma_start3A_50 = arith.constant 0 : i32
      %dma_start3A_51 = tpu.memref_slice %arg4[%add3A_49, %dma_start3A_50] : memref<80x128xi32, #tpu.memory_space<vmem>> -> memref<1x128xi32, #tpu.memory_space<vmem>>
      %dma_start3A_52 = tpu.memref_squeeze %dma_start3A_51 : memref<1x128xi32, #tpu.memory_space<vmem>> -> memref<128xi32, #tpu.memory_space<vmem>>
      %dma_start3A_53 = arith.constant 0 : i32
      %dma_start3A_54 = tpu.memref_slice %arg7[%dma_start3A_53] : memref<10240xf32, #tpu.memory_space<vmem_shared>> -> memref<10240xf32, #tpu.memory_space<vmem_shared>>
      tpu.enqueue_indirect_dma source(%arg5 : memref<128xf32, #tpu.memory_space<vmem>>) target(%dma_start3A_54 : memref<10240xf32, #tpu.memory_space<vmem_shared>>) offsets(%dma_start3A_52 : memref<128xi32, #tpu.memory_space<vmem>>) semaphore(%arg8 : memref<!tpu.dma_semaphore, #tpu.memory_space<semaphore_mem>>) {add = true}
      %mul3A_55 = arith.constant 8 : i32
      %mul3A_56 = arith.muli %scan3A_28, %mul3A_55 : i32
      %add3A_57 = arith.constant 3 : i32
      %add3A_58 = arith.addi %mul3A_56, %add3A_57 : i32
      %dma_start3A_59 = arith.constant 0 : i32
      %dma_start3A_60 = tpu.memref_slice %arg4[%add3A_58, %dma_start3A_59] : memref<80x128xi32, #tpu.memory_space<vmem>> -> memref<1x128xi32, #tpu.memory_space<vmem>>
      %dma_start3A_61 = tpu.memref_squeeze %dma_start3A_60 : memref<1x128xi32, #tpu.memory_space<vmem>> -> memref<128xi32, #tpu.memory_space<vmem>>
      %dma_start3A_62 = arith.constant 0 : i32
      %dma_start3A_63 = tpu.memref_slice %arg7[%dma_start3A_62] : memref<10240xf32, #tpu.memory_space<vmem_shared>> -> memref<10240xf32, #tpu.memory_space<vmem_shared>>
      tpu.enqueue_indirect_dma source(%arg5 : memref<128xf32, #tpu.memory_space<vmem>>) target(%dma_start3A_63 : memref<10240xf32, #tpu.memory_space<vmem_shared>>) offsets(%dma_start3A_61 : memref<128xi32, #tpu.memory_space<vmem>>) semaphore(%arg8 : memref<!tpu.dma_semaphore, #tpu.memory_space<semaphore_mem>>) {add = true}
      %mul3A_64 = arith.constant 8 : i32
      %mul3A_65 = arith.muli %scan3A_28, %mul3A_64 : i32
      %add3A_66 = arith.constant 4 : i32
      %add3A_67 = arith.addi %mul3A_65, %add3A_66 : i32
      %dma_start3A_68 = arith.constant 0 : i32
      %dma_start3A_69 = tpu.memref_slice %arg4[%add3A_67, %dma_start3A_68] : memref<80x128xi32, #tpu.memory_space<vmem>> -> memref<1x128xi32, #tpu.memory_space<vmem>>
      %dma_start3A_70 = tpu.memref_squeeze %dma_start3A_69 : memref<1x128xi32, #tpu.memory_space<vmem>> -> memref<128xi32, #tpu.memory_space<vmem>>
      %dma_start3A_71 = arith.constant 0 : i32
      %dma_start3A_72 = tpu.memref_slice %arg7[%dma_start3A_71] : memref<10240xf32, #tpu.memory_space<vmem_shared>> -> memref<10240xf32, #tpu.memory_space<vmem_shared>>
      tpu.enqueue_indirect_dma source(%arg5 : memref<128xf32, #tpu.memory_space<vmem>>) target(%dma_start3A_72 : memref<10240xf32, #tpu.memory_space<vmem_shared>>) offsets(%dma_start3A_70 : memref<128xi32, #tpu.memory_space<vmem>>) semaphore(%arg8 : memref<!tpu.dma_semaphore, #tpu.memory_space<semaphore_mem>>) {add = true}
      %mul3A_73 = arith.constant 8 : i32
      %mul3A_74 = arith.muli %scan3A_28, %mul3A_73 : i32
      %add3A_75 = arith.constant 5 : i32
      %add3A_76 = arith.addi %mul3A_74, %add3A_75 : i32
      %dma_start3A_77 = arith.constant 0 : i32
      %dma_start3A_78 = tpu.memref_slice %arg4[%add3A_76, %dma_start3A_77] : memref<80x128xi32, #tpu.memory_space<vmem>> -> memref<1x128xi32, #tpu.memory_space<vmem>>
      %dma_start3A_79 = tpu.memref_squeeze %dma_start3A_78 : memref<1x128xi32, #tpu.memory_space<vmem>> -> memref<128xi32, #tpu.memory_space<vmem>>
      %dma_start3A_80 = arith.constant 0 : i32
      %dma_start3A_81 = tpu.memref_slice %arg7[%dma_start3A_80] : memref<10240xf32, #tpu.memory_space<vmem_shared>> -> memref<10240xf32, #tpu.memory_space<vmem_shared>>
      tpu.enqueue_indirect_dma source(%arg5 : memref<128xf32, #tpu.memory_space<vmem>>) target(%dma_start3A_81 : memref<10240xf32, #tpu.memory_space<vmem_shared>>) offsets(%dma_start3A_79 : memref<128xi32, #tpu.memory_space<vmem>>) semaphore(%arg8 : memref<!tpu.dma_semaphore, #tpu.memory_space<semaphore_mem>>) {add = true}
      %mul3A_82 = arith.constant 8 : i32
      %mul3A_83 = arith.muli %scan3A_28, %mul3A_82 : i32
      %add3A_84 = arith.constant 6 : i32
      %add3A_85 = arith.addi %mul3A_83, %add3A_84 : i32
      %dma_start3A_86 = arith.constant 0 : i32
      %dma_start3A_87 = tpu.memref_slice %arg4[%add3A_85, %dma_start3A_86] : memref<80x128xi32, #tpu.memory_space<vmem>> -> memref<1x128xi32, #tpu.memory_space<vmem>>
      %dma_start3A_88 = tpu.memref_squeeze %dma_start3A_87 : memref<1x128xi32, #tpu.memory_space<vmem>> -> memref<128xi32, #tpu.memory_space<vmem>>
      %dma_start3A_89 = arith.constant 0 : i32
      %dma_start3A_90 = tpu.memref_slice %arg7[%dma_start3A_89] : memref<10240xf32, #tpu.memory_space<vmem_shared>> -> memref<10240xf32, #tpu.memory_space<vmem_shared>>
      tpu.enqueue_indirect_dma source(%arg5 : memref<128xf32, #tpu.memory_space<vmem>>) target(%dma_start3A_90 : memref<10240xf32, #tpu.memory_space<vmem_shared>>) offsets(%dma_start3A_88 : memref<128xi32, #tpu.memory_space<vmem>>) semaphore(%arg8 : memref<!tpu.dma_semaphore, #tpu.memory_space<semaphore_mem>>) {add = true}
      %mul3A_91 = arith.constant 8 : i32
      %mul3A_92 = arith.muli %scan3A_28, %mul3A_91 : i32
      %add3A_93 = arith.constant 7 : i32
      %add3A_94 = arith.addi %mul3A_92, %add3A_93 : i32
      %dma_start3A_95 = arith.constant 0 : i32
      %dma_start3A_96 = tpu.memref_slice %arg4[%add3A_94, %dma_start3A_95] : memref<80x128xi32, #tpu.memory_space<vmem>> -> memref<1x128xi32, #tpu.memory_space<vmem>>
      %dma_start3A_97 = tpu.memref_squeeze %dma_start3A_96 : memref<1x128xi32, #tpu.memory_space<vmem>> -> memref<128xi32, #tpu.memory_space<vmem>>
      %dma_start3A_98 = arith.constant 0 : i32
      %dma_start3A_99 = tpu.memref_slice %arg7[%dma_start3A_98] : memref<10240xf32, #tpu.memory_space<vmem_shared>> -> memref<10240xf32, #tpu.memory_space<vmem_shared>>
      tpu.enqueue_indirect_dma source(%arg5 : memref<128xf32, #tpu.memory_space<vmem>>) target(%dma_start3A_99 : memref<10240xf32, #tpu.memory_space<vmem_shared>>) offsets(%dma_start3A_97 : memref<128xi32, #tpu.memory_space<vmem>>) semaphore(%arg8 : memref<!tpu.dma_semaphore, #tpu.memory_space<semaphore_mem>>) {add = true}
      %mul3A_100 = arith.constant 8 : i32
      %mul3A_101 = arith.muli %scan3A_28, %mul3A_100 : i32
      %add3A_102 = arith.constant 0 : i32
      %add3A_103 = arith.addi %mul3A_101, %add3A_102 : i32
      %dma_wait3A = arith.constant 0 : i32
      %dma_wait3A_104 = tpu.memref_slice %arg4[%add3A_103, %dma_wait3A] : memref<80x128xi32, #tpu.memory_space<vmem>> -> memref<1x128xi32, #tpu.memory_space<vmem>>
      %dma_wait3A_105 = tpu.memref_squeeze %dma_wait3A_104 : memref<1x128xi32, #tpu.memory_space<vmem>> -> memref<128xi32, #tpu.memory_space<vmem>>
      %dma_wait3A_106 = arith.constant 0 : i32
      %dma_wait3A_107 = tpu.memref_slice %arg7[%dma_wait3A_106] : memref<10240xf32, #tpu.memory_space<vmem_shared>> -> memref<10240xf32, #tpu.memory_space<vmem_shared>>
      tpu.wait_indirect_dma semaphore(%arg8 : memref<!tpu.dma_semaphore, #tpu.memory_space<semaphore_mem>>) src(%arg5 : memref<128xf32, #tpu.memory_space<vmem>>) dst(%dma_wait3A_107 : memref<10240xf32, #tpu.memory_space<vmem_shared>>)
      %mul3A_108 = arith.constant 8 : i32
      %mul3A_109 = arith.muli %scan3A_28, %mul3A_108 : i32
      %add3A_110 = arith.constant 1 : i32
      %add3A_111 = arith.addi %mul3A_109, %add3A_110 : i32
      %dma_wait3A_112 = arith.constant 0 : i32
      %dma_wait3A_113 = tpu.memref_slice %arg4[%add3A_111, %dma_wait3A_112] : memref<80x128xi32, #tpu.memory_space<vmem>> -> memref<1x128xi32, #tpu.memory_space<vmem>>
      %dma_wait3A_114 = tpu.memref_squeeze %dma_wait3A_113 : memref<1x128xi32, #tpu.memory_space<vmem>> -> memref<128xi32, #tpu.memory_space<vmem>>
      %dma_wait3A_115 = arith.constant 0 : i32
      %dma_wait3A_116 = tpu.memref_slice %arg7[%dma_wait3A_115] : memref<10240xf32, #tpu.memory_space<vmem_shared>> -> memref<10240xf32, #tpu.memory_space<vmem_shared>>
      tpu.wait_indirect_dma semaphore(%arg8 : memref<!tpu.dma_semaphore, #tpu.memory_space<semaphore_mem>>) src(%arg5 : memref<128xf32, #tpu.memory_space<vmem>>) dst(%dma_wait3A_116 : memref<10240xf32, #tpu.memory_space<vmem_shared>>)
      %mul3A_117 = arith.constant 8 : i32
      %mul3A_118 = arith.muli %scan3A_28, %mul3A_117 : i32
      %add3A_119 = arith.constant 2 : i32
      %add3A_120 = arith.addi %mul3A_118, %add3A_119 : i32
      %dma_wait3A_121 = arith.constant 0 : i32
      %dma_wait3A_122 = tpu.memref_slice %arg4[%add3A_120, %dma_wait3A_121] : memref<80x128xi32, #tpu.memory_space<vmem>> -> memref<1x128xi32, #tpu.memory_space<vmem>>
      %dma_wait3A_123 = tpu.memref_squeeze %dma_wait3A_122 : memref<1x128xi32, #tpu.memory_space<vmem>> -> memref<128xi32, #tpu.memory_space<vmem>>
      %dma_wait3A_124 = arith.constant 0 : i32
      %dma_wait3A_125 = tpu.memref_slice %arg7[%dma_wait3A_124] : memref<10240xf32, #tpu.memory_space<vmem_shared>> -> memref<10240xf32, #tpu.memory_space<vmem_shared>>
      tpu.wait_indirect_dma semaphore(%arg8 : memref<!tpu.dma_semaphore, #tpu.memory_space<semaphore_mem>>) src(%arg5 : memref<128xf32, #tpu.memory_space<vmem>>) dst(%dma_wait3A_125 : memref<10240xf32, #tpu.memory_space<vmem_shared>>)
      %mul3A_126 = arith.constant 8 : i32
      %mul3A_127 = arith.muli %scan3A_28, %mul3A_126 : i32
      %add3A_128 = arith.constant 3 : i32
      %add3A_129 = arith.addi %mul3A_127, %add3A_128 : i32
      %dma_wait3A_130 = arith.constant 0 : i32
      %dma_wait3A_131 = tpu.memref_slice %arg4[%add3A_129, %dma_wait3A_130] : memref<80x128xi32, #tpu.memory_space<vmem>> -> memref<1x128xi32, #tpu.memory_space<vmem>>
      %dma_wait3A_132 = tpu.memref_squeeze %dma_wait3A_131 : memref<1x128xi32, #tpu.memory_space<vmem>> -> memref<128xi32, #tpu.memory_space<vmem>>
      %dma_wait3A_133 = arith.constant 0 : i32
      %dma_wait3A_134 = tpu.memref_slice %arg7[%dma_wait3A_133] : memref<10240xf32, #tpu.memory_space<vmem_shared>> -> memref<10240xf32, #tpu.memory_space<vmem_shared>>
      tpu.wait_indirect_dma semaphore(%arg8 : memref<!tpu.dma_semaphore, #tpu.memory_space<semaphore_mem>>) src(%arg5 : memref<128xf32, #tpu.memory_space<vmem>>) dst(%dma_wait3A_134 : memref<10240xf32, #tpu.memory_space<vmem_shared>>)
      %mul3A_135 = arith.constant 8 : i32
      %mul3A_136 = arith.muli %scan3A_28, %mul3A_135 : i32
      %add3A_137 = arith.constant 4 : i32
      %add3A_138 = arith.addi %mul3A_136, %add3A_137 : i32
      %dma_wait3A_139 = arith.constant 0 : i32
      %dma_wait3A_140 = tpu.memref_slice %arg4[%add3A_138, %dma_wait3A_139] : memref<80x128xi32, #tpu.memory_space<vmem>> -> memref<1x128xi32, #tpu.memory_space<vmem>>
      %dma_wait3A_141 = tpu.memref_squeeze %dma_wait3A_140 : memref<1x128xi32, #tpu.memory_space<vmem>> -> memref<128xi32, #tpu.memory_space<vmem>>
      %dma_wait3A_142 = arith.constant 0 : i32
      %dma_wait3A_143 = tpu.memref_slice %arg7[%dma_wait3A_142] : memref<10240xf32, #tpu.memory_space<vmem_shared>> -> memref<10240xf32, #tpu.memory_space<vmem_shared>>
      tpu.wait_indirect_dma semaphore(%arg8 : memref<!tpu.dma_semaphore, #tpu.memory_space<semaphore_mem>>) src(%arg5 : memref<128xf32, #tpu.memory_space<vmem>>) dst(%dma_wait3A_143 : memref<10240xf32, #tpu.memory_space<vmem_shared>>)
      %mul3A_144 = arith.constant 8 : i32
      %mul3A_145 = arith.muli %scan3A_28, %mul3A_144 : i32
      %add3A_146 = arith.constant 5 : i32
      %add3A_147 = arith.addi %mul3A_145, %add3A_146 : i32
      %dma_wait3A_148 = arith.constant 0 : i32
      %dma_wait3A_149 = tpu.memref_slice %arg4[%add3A_147, %dma_wait3A_148] : memref<80x128xi32, #tpu.memory_space<vmem>> -> memref<1x128xi32, #tpu.memory_space<vmem>>
      %dma_wait3A_150 = tpu.memref_squeeze %dma_wait3A_149 : memref<1x128xi32, #tpu.memory_space<vmem>> -> memref<128xi32, #tpu.memory_space<vmem>>
      %dma_wait3A_151 = arith.constant 0 : i32
      %dma_wait3A_152 = tpu.memref_slice %arg7[%dma_wait3A_151] : memref<10240xf32, #tpu.memory_space<vmem_shared>> -> memref<10240xf32, #tpu.memory_space<vmem_shared>>
      tpu.wait_indirect_dma semaphore(%arg8 : memref<!tpu.dma_semaphore, #tpu.memory_space<semaphore_mem>>) src(%arg5 : memref<128xf32, #tpu.memory_space<vmem>>) dst(%dma_wait3A_152 : memref<10240xf32, #tpu.memory_space<vmem_shared>>)
      %mul3A_153 = arith.constant 8 : i32
      %mul3A_154 = arith.muli %scan3A_28, %mul3A_153 : i32
      %add3A_155 = arith.constant 6 : i32
      %add3A_156 = arith.addi %mul3A_154, %add3A_155 : i32
      %dma_wait3A_157 = arith.constant 0 : i32
      %dma_wait3A_158 = tpu.memref_slice %arg4[%add3A_156, %dma_wait3A_157] : memref<80x128xi32, #tpu.memory_space<vmem>> -> memref<1x128xi32, #tpu.memory_space<vmem>>
      %dma_wait3A_159 = tpu.memref_squeeze %dma_wait3A_158 : memref<1x128xi32, #tpu.memory_space<vmem>> -> memref<128xi32, #tpu.memory_space<vmem>>
      %dma_wait3A_160 = arith.constant 0 : i32
      %dma_wait3A_161 = tpu.memref_slice %arg7[%dma_wait3A_160] : memref<10240xf32, #tpu.memory_space<vmem_shared>> -> memref<10240xf32, #tpu.memory_space<vmem_shared>>
      tpu.wait_indirect_dma semaphore(%arg8 : memref<!tpu.dma_semaphore, #tpu.memory_space<semaphore_mem>>) src(%arg5 : memref<128xf32, #tpu.memory_space<vmem>>) dst(%dma_wait3A_161 : memref<10240xf32, #tpu.memory_space<vmem_shared>>)
      %mul3A_162 = arith.constant 8 : i32
      %mul3A_163 = arith.muli %scan3A_28, %mul3A_162 : i32
      %add3A_164 = arith.constant 7 : i32
      %add3A_165 = arith.addi %mul3A_163, %add3A_164 : i32
      %dma_wait3A_166 = arith.constant 0 : i32
      %dma_wait3A_167 = tpu.memref_slice %arg4[%add3A_165, %dma_wait3A_166] : memref<80x128xi32, #tpu.memory_space<vmem>> -> memref<1x128xi32, #tpu.memory_space<vmem>>
      %dma_wait3A_168 = tpu.memref_squeeze %dma_wait3A_167 : memref<1x128xi32, #tpu.memory_space<vmem>> -> memref<128xi32, #tpu.memory_space<vmem>>
      %dma_wait3A_169 = arith.constant 0 : i32
      %dma_wait3A_170 = tpu.memref_slice %arg7[%dma_wait3A_169] : memref<10240xf32, #tpu.memory_space<vmem_shared>> -> memref<10240xf32, #tpu.memory_space<vmem_shared>>
      tpu.wait_indirect_dma semaphore(%arg8 : memref<!tpu.dma_semaphore, #tpu.memory_space<semaphore_mem>>) src(%arg5 : memref<128xf32, #tpu.memory_space<vmem>>) dst(%dma_wait3A_170 : memref<10240xf32, #tpu.memory_space<vmem_shared>>)
    }
    %scan3A_22 = arith.constant 10 : i32
    %barrier3A_23 = arith.constant 0 : index
    tpu.barrier barrier_id(%barrier3A_23)
    %mul3A_24 = arith.constant 640 : i32
    %mul3A_25 = arith.muli %arg1, %mul3A_24 : i32
    %mul3A_26 = arith.constant 640 : i32
    %mul3A_27 = arith.muli %arg1, %mul3A_26 : i32
    "tpu.region"() ({
      %run_scoped3A = tpu.sem_alloc : memref<!tpu.dma_semaphore, #tpu.memory_space<semaphore_mem>>
      %dma_start3A = tpu.memref_slice %arg3[%arg0, %mul3A_27] : memref<2x10240xf32, #tpu.memory_space<hbm>> -> memref<1x640xf32, #tpu.memory_space<hbm>>
      %dma_start3A_28 = tpu.memref_squeeze %dma_start3A : memref<1x640xf32, #tpu.memory_space<hbm>> -> memref<640xf32, #tpu.memory_space<hbm>>
      %dma_start3A_29 = tpu.memref_slice %arg7[%mul3A_25] : memref<10240xf32, #tpu.memory_space<vmem_shared>> -> memref<640xf32, #tpu.memory_space<vmem_shared>>
      tpu.enqueue_dma source(%dma_start3A_29 : memref<640xf32, #tpu.memory_space<vmem_shared>>) target(%dma_start3A_28 : memref<640xf32, #tpu.memory_space<hbm>>) target_semaphore(%run_scoped3A : memref<!tpu.dma_semaphore, #tpu.memory_space<semaphore_mem>>)
      %dma_wait3A = tpu.memref_slice %arg3[%arg0, %mul3A_27] : memref<2x10240xf32, #tpu.memory_space<hbm>> -> memref<1x640xf32, #tpu.memory_space<hbm>>
      %dma_wait3A_30 = tpu.memref_squeeze %dma_wait3A : memref<1x640xf32, #tpu.memory_space<hbm>> -> memref<640xf32, #tpu.memory_space<hbm>>
      %dma_wait3A_31 = tpu.memref_slice %arg7[%mul3A_25] : memref<10240xf32, #tpu.memory_space<vmem_shared>> -> memref<640xf32, #tpu.memory_space<vmem_shared>>
      tpu.wait_dma2 semaphore(%run_scoped3A : memref<!tpu.dma_semaphore, #tpu.memory_space<semaphore_mem>>) src(%dma_wait3A_31 : memref<640xf32, #tpu.memory_space<vmem_shared>>) dst(%dma_wait3A_30 : memref<640xf32, #tpu.memory_space<hbm>>)
      tpu.yield
    }) : () -> ()
    return
  }
}

#map = affine_map<(d0, d1) -> (0, 0)>
#map1 = affine_map<(d0, d1) -> (0, 0, 0, 0)>
#map2 = affine_map<(d0, d1) -> (0, 0, 0)>
module attributes {stable_mosaic.version = 14 : i64} {
  func.func @_agg(%arg0: i32, %arg1: i32, %arg2: memref<20000x64xf32, #tpu.memory_space<hbm>>, %arg3: memref<2x16x160x128xi32, #tpu.memory_space<hbm>>, %arg4: memref<16x160x128xi32, #tpu.memory_space<hbm>>, %arg5: memref<2x10240x64xf32, #tpu.memory_space<hbm>>, %arg6: memref<160x128xi32, #tpu.memory_space<vmem>>, %arg7: memref<160x128xi32, #tpu.memory_space<vmem>>, %arg8: memref<5x128x64xf32, #tpu.memory_space<vmem>>, %arg9: memref<10240x64xf32, #tpu.memory_space<vmem_shared>>, %arg10: memref<!tpu.dma_semaphore, #tpu.memory_space<semaphore_mem>>, %arg11: memref<!tpu.dma_semaphore, #tpu.memory_space<semaphore_mem>>, %arg12: memref<!tpu.dma_semaphore, #tpu.memory_space<semaphore_mem>>, %arg13: memref<!tpu.dma_semaphore, #tpu.memory_space<semaphore_mem>>, %arg14: memref<!tpu.dma_semaphore, #tpu.memory_space<semaphore_mem>>, %arg15: memref<!tpu.dma_semaphore, #tpu.memory_space<semaphore_mem>>) attributes {dimension_semantics = [#tpu.dimension_semantics<core_parallel>, #tpu.dimension_semantics<subcore_parallel>], iteration_bounds = array<i64: 2, 16>, scalar_prefetch = 0 : i64, scratch_operands = 10 : i64, tpu.core_type = #tpu.core_type<sc_vector_subcore>, window_params = [{transform_indices = #map}, {transform_indices = #map1}, {transform_indices = #map2}, {transform_indices = #map2}]} {
    %broadcast_in_dim3A = arith.constant 0.000000e+00 : f32
    %broadcast_in_dim3A_0 = vector.broadcast %broadcast_in_dim3A : f32 to vector<16xf32>
    %scan3A = arith.constant 0 : i32
    %scan3A_1 = arith.constant 0 : i32
    %scan3A_2 = arith.constant 128 : i32
    %scan3A_3 = arith.addi %scan3A_1, %scan3A_2 : i32
    %scan3A_4 = arith.constant 1 : i32
    scf.for %scan3A_86 = %scan3A_1 to %scan3A_3 step %scan3A_4  : i32 {
      %swap3A = arith.constant 0 : i32
      %swap3A_87 = arith.index_cast %swap3A : i32 to index
      %swap3A_88 = arith.index_cast %scan3A_86 : i32 to index
      %swap3A_89 = arith.constant 0 : index
      %swap3A_90 = tpu.vector_load %arg8[%swap3A_87, %swap3A_88, %swap3A_89] {strides = array<i32>} : memref<5x128x64xf32, #tpu.memory_space<vmem>>, vector<1x1x16xf32>,
      %swap3A_91 = vector.shape_cast %swap3A_90 : vector<1x1x16xf32> to vector<16xf32>
      %swap3A_92 = vector.shape_cast %broadcast_in_dim3A_0 : vector<16xf32> to vector<1x1x16xf32>
      tpu.vector_store %arg8[%swap3A_87, %swap3A_88, %swap3A_89], %swap3A_92 {strides = array<i32>} : memref<5x128x64xf32, #tpu.memory_space<vmem>>, vector<1x1x16xf32>,
      %swap3A_93 = arith.constant 0 : i32
      %swap3A_94 = arith.index_cast %swap3A_93 : i32 to index
      %swap3A_95 = arith.index_cast %scan3A_86 : i32 to index
      %swap3A_96 = arith.constant 16 : index
      %swap3A_97 = tpu.vector_load %arg8[%swap3A_94, %swap3A_95, %swap3A_96] {strides = array<i32>} : memref<5x128x64xf32, #tpu.memory_space<vmem>>, vector<1x1x16xf32>,
      %swap3A_98 = vector.shape_cast %swap3A_97 : vector<1x1x16xf32> to vector<16xf32>
      %swap3A_99 = vector.shape_cast %broadcast_in_dim3A_0 : vector<16xf32> to vector<1x1x16xf32>
      tpu.vector_store %arg8[%swap3A_94, %swap3A_95, %swap3A_96], %swap3A_99 {strides = array<i32>} : memref<5x128x64xf32, #tpu.memory_space<vmem>>, vector<1x1x16xf32>,
      %swap3A_100 = arith.constant 0 : i32
      %swap3A_101 = arith.index_cast %swap3A_100 : i32 to index
      %swap3A_102 = arith.index_cast %scan3A_86 : i32 to index
      %swap3A_103 = arith.constant 32 : index
      %swap3A_104 = tpu.vector_load %arg8[%swap3A_101, %swap3A_102, %swap3A_103] {strides = array<i32>} : memref<5x128x64xf32, #tpu.memory_space<vmem>>, vector<1x1x16xf32>,
      %swap3A_105 = vector.shape_cast %swap3A_104 : vector<1x1x16xf32> to vector<16xf32>
      %swap3A_106 = vector.shape_cast %broadcast_in_dim3A_0 : vector<16xf32> to vector<1x1x16xf32>
      tpu.vector_store %arg8[%swap3A_101, %swap3A_102, %swap3A_103], %swap3A_106 {strides = array<i32>} : memref<5x128x64xf32, #tpu.memory_space<vmem>>, vector<1x1x16xf32>,
      %swap3A_107 = arith.constant 0 : i32
      %swap3A_108 = arith.index_cast %swap3A_107 : i32 to index
      %swap3A_109 = arith.index_cast %scan3A_86 : i32 to index
      %swap3A_110 = arith.constant 48 : index
      %swap3A_111 = tpu.vector_load %arg8[%swap3A_108, %swap3A_109, %swap3A_110] {strides = array<i32>} : memref<5x128x64xf32, #tpu.memory_space<vmem>>, vector<1x1x16xf32>,
      %swap3A_112 = vector.shape_cast %swap3A_111 : vector<1x1x16xf32> to vector<16xf32>
      %swap3A_113 = vector.shape_cast %broadcast_in_dim3A_0 : vector<16xf32> to vector<1x1x16xf32>
      tpu.vector_store %arg8[%swap3A_108, %swap3A_109, %swap3A_110], %swap3A_113 {strides = array<i32>} : memref<5x128x64xf32, #tpu.memory_space<vmem>>, vector<1x1x16xf32>,
    }
    %scan3A_5 = arith.constant 128 : i32
    %mul3A = arith.constant 640 : i32
    %mul3A_6 = arith.muli %arg1, %mul3A : i32
    %add3A = arith.constant 0 : i32
    %add3A_7 = arith.addi %mul3A_6, %add3A : i32
    %run_scoped3A = arith.constant 0 : i32
    "tpu.region"() ({
      %run_scoped3A_86 = tpu.sem_alloc : memref<!tpu.dma_semaphore, #tpu.memory_space<semaphore_mem>>
      %dma_start3A_87 = arith.constant 0 : i32
      %dma_start3A_88 = arith.constant 0 : i32
      %dma_start3A_89 = tpu.memref_slice %arg8[%run_scoped3A, %dma_start3A_87, %dma_start3A_88] : memref<5x128x64xf32, #tpu.memory_space<vmem>> -> memref<1x128x64xf32, #tpu.memory_space<vmem>>
      %dma_start3A_90 = tpu.memref_squeeze %dma_start3A_89 : memref<1x128x64xf32, #tpu.memory_space<vmem>> -> memref<128x64xf32, #tpu.memory_space<vmem>>
      %dma_start3A_91 = arith.constant 0 : i32
      %dma_start3A_92 = tpu.memref_slice %arg9[%add3A_7, %dma_start3A_91] : memref<10240x64xf32, #tpu.memory_space<vmem_shared>> -> memref<128x64xf32, #tpu.memory_space<vmem_shared>>
      %dma_start3A_93 = arith.constant 0 : i32
      %dma_start3A_94 = tpu.memref_slice %arg9[%add3A_7, %dma_start3A_93] : memref<10240x64xf32, #tpu.memory_space<vmem_shared>> -> memref<128x64xf32, #tpu.memory_space<vmem_shared>>
      %dma_start3A_95 = arith.constant 0 : i32
      %dma_start3A_96 = arith.constant 0 : i32
      %dma_start3A_97 = tpu.memref_slice %arg8[%run_scoped3A, %dma_start3A_95, %dma_start3A_96] : memref<5x128x64xf32, #tpu.memory_space<vmem>> -> memref<1x128x64xf32, #tpu.memory_space<vmem>>
      %dma_start3A_98 = tpu.memref_squeeze %dma_start3A_97 : memref<1x128x64xf32, #tpu.memory_space<vmem>> -> memref<128x64xf32, #tpu.memory_space<vmem>>
      tpu.enqueue_dma source(%dma_start3A_98 : memref<128x64xf32, #tpu.memory_space<vmem>>) target(%dma_start3A_94 : memref<128x64xf32, #tpu.memory_space<vmem_shared>>) target_semaphore(%run_scoped3A_86 : memref<!tpu.dma_semaphore, #tpu.memory_space<semaphore_mem>>)
      %dma_wait3A = arith.constant 0 : i32
      %dma_wait3A_99 = arith.constant 0 : i32
      %dma_wait3A_100 = tpu.memref_slice %arg8[%run_scoped3A, %dma_wait3A, %dma_wait3A_99] : memref<5x128x64xf32, #tpu.memory_space<vmem>> -> memref<1x128x64xf32, #tpu.memory_space<vmem>>
      %dma_wait3A_101 = tpu.memref_squeeze %dma_wait3A_100 : memref<1x128x64xf32, #tpu.memory_space<vmem>> -> memref<128x64xf32, #tpu.memory_space<vmem>>
      %dma_wait3A_102 = arith.constant 0 : i32
      %dma_wait3A_103 = tpu.memref_slice %arg9[%add3A_7, %dma_wait3A_102] : memref<10240x64xf32, #tpu.memory_space<vmem_shared>> -> memref<128x64xf32, #tpu.memory_space<vmem_shared>>
      %dma_wait3A_104 = arith.constant 0 : i32
      %dma_wait3A_105 = tpu.memref_slice %arg9[%add3A_7, %dma_wait3A_104] : memref<10240x64xf32, #tpu.memory_space<vmem_shared>> -> memref<128x64xf32, #tpu.memory_space<vmem_shared>>
      %dma_wait3A_106 = arith.constant 0 : i32
      %dma_wait3A_107 = arith.constant 0 : i32
      %dma_wait3A_108 = tpu.memref_slice %arg8[%run_scoped3A, %dma_wait3A_106, %dma_wait3A_107] : memref<5x128x64xf32, #tpu.memory_space<vmem>> -> memref<1x128x64xf32, #tpu.memory_space<vmem>>
      %dma_wait3A_109 = tpu.memref_squeeze %dma_wait3A_108 : memref<1x128x64xf32, #tpu.memory_space<vmem>> -> memref<128x64xf32, #tpu.memory_space<vmem>>
      tpu.wait_dma2 semaphore(%run_scoped3A_86 : memref<!tpu.dma_semaphore, #tpu.memory_space<semaphore_mem>>) src(%dma_wait3A_109 : memref<128x64xf32, #tpu.memory_space<vmem>>) dst(%dma_wait3A_105 : memref<128x64xf32, #tpu.memory_space<vmem_shared>>)
      tpu.yield
    }) : () -> ()
    %mul3A_8 = arith.constant 640 : i32
    %mul3A_9 = arith.muli %arg1, %mul3A_8 : i32
    %add3A_10 = arith.constant 128 : i32
    %add3A_11 = arith.addi %mul3A_9, %add3A_10 : i32
    %run_scoped3A_12 = arith.constant 0 : i32
    "tpu.region"() ({
      %run_scoped3A_86 = tpu.sem_alloc : memref<!tpu.dma_semaphore, #tpu.memory_space<semaphore_mem>>
      %dma_start3A_87 = arith.constant 0 : i32
      %dma_start3A_88 = arith.constant 0 : i32
      %dma_start3A_89 = tpu.memref_slice %arg8[%run_scoped3A_12, %dma_start3A_87, %dma_start3A_88] : memref<5x128x64xf32, #tpu.memory_space<vmem>> -> memref<1x128x64xf32, #tpu.memory_space<vmem>>
      %dma_start3A_90 = tpu.memref_squeeze %dma_start3A_89 : memref<1x128x64xf32, #tpu.memory_space<vmem>> -> memref<128x64xf32, #tpu.memory_space<vmem>>
      %dma_start3A_91 = arith.constant 0 : i32
      %dma_start3A_92 = tpu.memref_slice %arg9[%add3A_11, %dma_start3A_91] : memref<10240x64xf32, #tpu.memory_space<vmem_shared>> -> memref<128x64xf32, #tpu.memory_space<vmem_shared>>
      %dma_start3A_93 = arith.constant 0 : i32
      %dma_start3A_94 = tpu.memref_slice %arg9[%add3A_11, %dma_start3A_93] : memref<10240x64xf32, #tpu.memory_space<vmem_shared>> -> memref<128x64xf32, #tpu.memory_space<vmem_shared>>
      %dma_start3A_95 = arith.constant 0 : i32
      %dma_start3A_96 = arith.constant 0 : i32
      %dma_start3A_97 = tpu.memref_slice %arg8[%run_scoped3A_12, %dma_start3A_95, %dma_start3A_96] : memref<5x128x64xf32, #tpu.memory_space<vmem>> -> memref<1x128x64xf32, #tpu.memory_space<vmem>>
      %dma_start3A_98 = tpu.memref_squeeze %dma_start3A_97 : memref<1x128x64xf32, #tpu.memory_space<vmem>> -> memref<128x64xf32, #tpu.memory_space<vmem>>
      tpu.enqueue_dma source(%dma_start3A_98 : memref<128x64xf32, #tpu.memory_space<vmem>>) target(%dma_start3A_94 : memref<128x64xf32, #tpu.memory_space<vmem_shared>>) target_semaphore(%run_scoped3A_86 : memref<!tpu.dma_semaphore, #tpu.memory_space<semaphore_mem>>)
      %dma_wait3A = arith.constant 0 : i32
      %dma_wait3A_99 = arith.constant 0 : i32
      %dma_wait3A_100 = tpu.memref_slice %arg8[%run_scoped3A_12, %dma_wait3A, %dma_wait3A_99] : memref<5x128x64xf32, #tpu.memory_space<vmem>> -> memref<1x128x64xf32, #tpu.memory_space<vmem>>
      %dma_wait3A_101 = tpu.memref_squeeze %dma_wait3A_100 : memref<1x128x64xf32, #tpu.memory_space<vmem>> -> memref<128x64xf32, #tpu.memory_space<vmem>>
      %dma_wait3A_102 = arith.constant 0 : i32
      %dma_wait3A_103 = tpu.memref_slice %arg9[%add3A_11, %dma_wait3A_102] : memref<10240x64xf32, #tpu.memory_space<vmem_shared>> -> memref<128x64xf32, #tpu.memory_space<vmem_shared>>
      %dma_wait3A_104 = arith.constant 0 : i32
      %dma_wait3A_105 = tpu.memref_slice %arg9[%add3A_11, %dma_wait3A_104] : memref<10240x64xf32, #tpu.memory_space<vmem_shared>> -> memref<128x64xf32, #tpu.memory_space<vmem_shared>>
      %dma_wait3A_106 = arith.constant 0 : i32
      %dma_wait3A_107 = arith.constant 0 : i32
      %dma_wait3A_108 = tpu.memref_slice %arg8[%run_scoped3A_12, %dma_wait3A_106, %dma_wait3A_107] : memref<5x128x64xf32, #tpu.memory_space<vmem>> -> memref<1x128x64xf32, #tpu.memory_space<vmem>>
      %dma_wait3A_109 = tpu.memref_squeeze %dma_wait3A_108 : memref<1x128x64xf32, #tpu.memory_space<vmem>> -> memref<128x64xf32, #tpu.memory_space<vmem>>
      tpu.wait_dma2 semaphore(%run_scoped3A_86 : memref<!tpu.dma_semaphore, #tpu.memory_space<semaphore_mem>>) src(%dma_wait3A_109 : memref<128x64xf32, #tpu.memory_space<vmem>>) dst(%dma_wait3A_105 : memref<128x64xf32, #tpu.memory_space<vmem_shared>>)
      tpu.yield
    }) : () -> ()
    %mul3A_13 = arith.constant 640 : i32
    %mul3A_14 = arith.muli %arg1, %mul3A_13 : i32
    %add3A_15 = arith.constant 256 : i32
    %add3A_16 = arith.addi %mul3A_14, %add3A_15 : i32
    %run_scoped3A_17 = arith.constant 0 : i32
    "tpu.region"() ({
      %run_scoped3A_86 = tpu.sem_alloc : memref<!tpu.dma_semaphore, #tpu.memory_space<semaphore_mem>>
      %dma_start3A_87 = arith.constant 0 : i32
      %dma_start3A_88 = arith.constant 0 : i32
      %dma_start3A_89 = tpu.memref_slice %arg8[%run_scoped3A_17, %dma_start3A_87, %dma_start3A_88] : memref<5x128x64xf32, #tpu.memory_space<vmem>> -> memref<1x128x64xf32, #tpu.memory_space<vmem>>
      %dma_start3A_90 = tpu.memref_squeeze %dma_start3A_89 : memref<1x128x64xf32, #tpu.memory_space<vmem>> -> memref<128x64xf32, #tpu.memory_space<vmem>>
      %dma_start3A_91 = arith.constant 0 : i32
      %dma_start3A_92 = tpu.memref_slice %arg9[%add3A_16, %dma_start3A_91] : memref<10240x64xf32, #tpu.memory_space<vmem_shared>> -> memref<128x64xf32, #tpu.memory_space<vmem_shared>>
      %dma_start3A_93 = arith.constant 0 : i32
      %dma_start3A_94 = tpu.memref_slice %arg9[%add3A_16, %dma_start3A_93] : memref<10240x64xf32, #tpu.memory_space<vmem_shared>> -> memref<128x64xf32, #tpu.memory_space<vmem_shared>>
      %dma_start3A_95 = arith.constant 0 : i32
      %dma_start3A_96 = arith.constant 0 : i32
      %dma_start3A_97 = tpu.memref_slice %arg8[%run_scoped3A_17, %dma_start3A_95, %dma_start3A_96] : memref<5x128x64xf32, #tpu.memory_space<vmem>> -> memref<1x128x64xf32, #tpu.memory_space<vmem>>
      %dma_start3A_98 = tpu.memref_squeeze %dma_start3A_97 : memref<1x128x64xf32, #tpu.memory_space<vmem>> -> memref<128x64xf32, #tpu.memory_space<vmem>>
      tpu.enqueue_dma source(%dma_start3A_98 : memref<128x64xf32, #tpu.memory_space<vmem>>) target(%dma_start3A_94 : memref<128x64xf32, #tpu.memory_space<vmem_shared>>) target_semaphore(%run_scoped3A_86 : memref<!tpu.dma_semaphore, #tpu.memory_space<semaphore_mem>>)
      %dma_wait3A = arith.constant 0 : i32
      %dma_wait3A_99 = arith.constant 0 : i32
      %dma_wait3A_100 = tpu.memref_slice %arg8[%run_scoped3A_17, %dma_wait3A, %dma_wait3A_99] : memref<5x128x64xf32, #tpu.memory_space<vmem>> -> memref<1x128x64xf32, #tpu.memory_space<vmem>>
      %dma_wait3A_101 = tpu.memref_squeeze %dma_wait3A_100 : memref<1x128x64xf32, #tpu.memory_space<vmem>> -> memref<128x64xf32, #tpu.memory_space<vmem>>
      %dma_wait3A_102 = arith.constant 0 : i32
      %dma_wait3A_103 = tpu.memref_slice %arg9[%add3A_16, %dma_wait3A_102] : memref<10240x64xf32, #tpu.memory_space<vmem_shared>> -> memref<128x64xf32, #tpu.memory_space<vmem_shared>>
      %dma_wait3A_104 = arith.constant 0 : i32
      %dma_wait3A_105 = tpu.memref_slice %arg9[%add3A_16, %dma_wait3A_104] : memref<10240x64xf32, #tpu.memory_space<vmem_shared>> -> memref<128x64xf32, #tpu.memory_space<vmem_shared>>
      %dma_wait3A_106 = arith.constant 0 : i32
      %dma_wait3A_107 = arith.constant 0 : i32
      %dma_wait3A_108 = tpu.memref_slice %arg8[%run_scoped3A_17, %dma_wait3A_106, %dma_wait3A_107] : memref<5x128x64xf32, #tpu.memory_space<vmem>> -> memref<1x128x64xf32, #tpu.memory_space<vmem>>
      %dma_wait3A_109 = tpu.memref_squeeze %dma_wait3A_108 : memref<1x128x64xf32, #tpu.memory_space<vmem>> -> memref<128x64xf32, #tpu.memory_space<vmem>>
      tpu.wait_dma2 semaphore(%run_scoped3A_86 : memref<!tpu.dma_semaphore, #tpu.memory_space<semaphore_mem>>) src(%dma_wait3A_109 : memref<128x64xf32, #tpu.memory_space<vmem>>) dst(%dma_wait3A_105 : memref<128x64xf32, #tpu.memory_space<vmem_shared>>)
      tpu.yield
    }) : () -> ()
    %mul3A_18 = arith.constant 640 : i32
    %mul3A_19 = arith.muli %arg1, %mul3A_18 : i32
    %add3A_20 = arith.constant 384 : i32
    %add3A_21 = arith.addi %mul3A_19, %add3A_20 : i32
    %run_scoped3A_22 = arith.constant 0 : i32
    "tpu.region"() ({
      %run_scoped3A_86 = tpu.sem_alloc : memref<!tpu.dma_semaphore, #tpu.memory_space<semaphore_mem>>
      %dma_start3A_87 = arith.constant 0 : i32
      %dma_start3A_88 = arith.constant 0 : i32
      %dma_start3A_89 = tpu.memref_slice %arg8[%run_scoped3A_22, %dma_start3A_87, %dma_start3A_88] : memref<5x128x64xf32, #tpu.memory_space<vmem>> -> memref<1x128x64xf32, #tpu.memory_space<vmem>>
      %dma_start3A_90 = tpu.memref_squeeze %dma_start3A_89 : memref<1x128x64xf32, #tpu.memory_space<vmem>> -> memref<128x64xf32, #tpu.memory_space<vmem>>
      %dma_start3A_91 = arith.constant 0 : i32
      %dma_start3A_92 = tpu.memref_slice %arg9[%add3A_21, %dma_start3A_91] : memref<10240x64xf32, #tpu.memory_space<vmem_shared>> -> memref<128x64xf32, #tpu.memory_space<vmem_shared>>
      %dma_start3A_93 = arith.constant 0 : i32
      %dma_start3A_94 = tpu.memref_slice %arg9[%add3A_21, %dma_start3A_93] : memref<10240x64xf32, #tpu.memory_space<vmem_shared>> -> memref<128x64xf32, #tpu.memory_space<vmem_shared>>
      %dma_start3A_95 = arith.constant 0 : i32
      %dma_start3A_96 = arith.constant 0 : i32
      %dma_start3A_97 = tpu.memref_slice %arg8[%run_scoped3A_22, %dma_start3A_95, %dma_start3A_96] : memref<5x128x64xf32, #tpu.memory_space<vmem>> -> memref<1x128x64xf32, #tpu.memory_space<vmem>>
      %dma_start3A_98 = tpu.memref_squeeze %dma_start3A_97 : memref<1x128x64xf32, #tpu.memory_space<vmem>> -> memref<128x64xf32, #tpu.memory_space<vmem>>
      tpu.enqueue_dma source(%dma_start3A_98 : memref<128x64xf32, #tpu.memory_space<vmem>>) target(%dma_start3A_94 : memref<128x64xf32, #tpu.memory_space<vmem_shared>>) target_semaphore(%run_scoped3A_86 : memref<!tpu.dma_semaphore, #tpu.memory_space<semaphore_mem>>)
      %dma_wait3A = arith.constant 0 : i32
      %dma_wait3A_99 = arith.constant 0 : i32
      %dma_wait3A_100 = tpu.memref_slice %arg8[%run_scoped3A_22, %dma_wait3A, %dma_wait3A_99] : memref<5x128x64xf32, #tpu.memory_space<vmem>> -> memref<1x128x64xf32, #tpu.memory_space<vmem>>
      %dma_wait3A_101 = tpu.memref_squeeze %dma_wait3A_100 : memref<1x128x64xf32, #tpu.memory_space<vmem>> -> memref<128x64xf32, #tpu.memory_space<vmem>>
      %dma_wait3A_102 = arith.constant 0 : i32
      %dma_wait3A_103 = tpu.memref_slice %arg9[%add3A_21, %dma_wait3A_102] : memref<10240x64xf32, #tpu.memory_space<vmem_shared>> -> memref<128x64xf32, #tpu.memory_space<vmem_shared>>
      %dma_wait3A_104 = arith.constant 0 : i32
      %dma_wait3A_105 = tpu.memref_slice %arg9[%add3A_21, %dma_wait3A_104] : memref<10240x64xf32, #tpu.memory_space<vmem_shared>> -> memref<128x64xf32, #tpu.memory_space<vmem_shared>>
      %dma_wait3A_106 = arith.constant 0 : i32
      %dma_wait3A_107 = arith.constant 0 : i32
      %dma_wait3A_108 = tpu.memref_slice %arg8[%run_scoped3A_22, %dma_wait3A_106, %dma_wait3A_107] : memref<5x128x64xf32, #tpu.memory_space<vmem>> -> memref<1x128x64xf32, #tpu.memory_space<vmem>>
      %dma_wait3A_109 = tpu.memref_squeeze %dma_wait3A_108 : memref<1x128x64xf32, #tpu.memory_space<vmem>> -> memref<128x64xf32, #tpu.memory_space<vmem>>
      tpu.wait_dma2 semaphore(%run_scoped3A_86 : memref<!tpu.dma_semaphore, #tpu.memory_space<semaphore_mem>>) src(%dma_wait3A_109 : memref<128x64xf32, #tpu.memory_space<vmem>>) dst(%dma_wait3A_105 : memref<128x64xf32, #tpu.memory_space<vmem_shared>>)
      tpu.yield
    }) : () -> ()
    %mul3A_23 = arith.constant 640 : i32
    %mul3A_24 = arith.muli %arg1, %mul3A_23 : i32
    %add3A_25 = arith.constant 512 : i32
    %add3A_26 = arith.addi %mul3A_24, %add3A_25 : i32
    %run_scoped3A_27 = arith.constant 0 : i32
    "tpu.region"() ({
      %run_scoped3A_86 = tpu.sem_alloc : memref<!tpu.dma_semaphore, #tpu.memory_space<semaphore_mem>>
      %dma_start3A_87 = arith.constant 0 : i32
      %dma_start3A_88 = arith.constant 0 : i32
      %dma_start3A_89 = tpu.memref_slice %arg8[%run_scoped3A_27, %dma_start3A_87, %dma_start3A_88] : memref<5x128x64xf32, #tpu.memory_space<vmem>> -> memref<1x128x64xf32, #tpu.memory_space<vmem>>
      %dma_start3A_90 = tpu.memref_squeeze %dma_start3A_89 : memref<1x128x64xf32, #tpu.memory_space<vmem>> -> memref<128x64xf32, #tpu.memory_space<vmem>>
      %dma_start3A_91 = arith.constant 0 : i32
      %dma_start3A_92 = tpu.memref_slice %arg9[%add3A_26, %dma_start3A_91] : memref<10240x64xf32, #tpu.memory_space<vmem_shared>> -> memref<128x64xf32, #tpu.memory_space<vmem_shared>>
      %dma_start3A_93 = arith.constant 0 : i32
      %dma_start3A_94 = tpu.memref_slice %arg9[%add3A_26, %dma_start3A_93] : memref<10240x64xf32, #tpu.memory_space<vmem_shared>> -> memref<128x64xf32, #tpu.memory_space<vmem_shared>>
      %dma_start3A_95 = arith.constant 0 : i32
      %dma_start3A_96 = arith.constant 0 : i32
      %dma_start3A_97 = tpu.memref_slice %arg8[%run_scoped3A_27, %dma_start3A_95, %dma_start3A_96] : memref<5x128x64xf32, #tpu.memory_space<vmem>> -> memref<1x128x64xf32, #tpu.memory_space<vmem>>
      %dma_start3A_98 = tpu.memref_squeeze %dma_start3A_97 : memref<1x128x64xf32, #tpu.memory_space<vmem>> -> memref<128x64xf32, #tpu.memory_space<vmem>>
      tpu.enqueue_dma source(%dma_start3A_98 : memref<128x64xf32, #tpu.memory_space<vmem>>) target(%dma_start3A_94 : memref<128x64xf32, #tpu.memory_space<vmem_shared>>) target_semaphore(%run_scoped3A_86 : memref<!tpu.dma_semaphore, #tpu.memory_space<semaphore_mem>>)
      %dma_wait3A = arith.constant 0 : i32
      %dma_wait3A_99 = arith.constant 0 : i32
      %dma_wait3A_100 = tpu.memref_slice %arg8[%run_scoped3A_27, %dma_wait3A, %dma_wait3A_99] : memref<5x128x64xf32, #tpu.memory_space<vmem>> -> memref<1x128x64xf32, #tpu.memory_space<vmem>>
      %dma_wait3A_101 = tpu.memref_squeeze %dma_wait3A_100 : memref<1x128x64xf32, #tpu.memory_space<vmem>> -> memref<128x64xf32, #tpu.memory_space<vmem>>
      %dma_wait3A_102 = arith.constant 0 : i32
      %dma_wait3A_103 = tpu.memref_slice %arg9[%add3A_26, %dma_wait3A_102] : memref<10240x64xf32, #tpu.memory_space<vmem_shared>> -> memref<128x64xf32, #tpu.memory_space<vmem_shared>>
      %dma_wait3A_104 = arith.constant 0 : i32
      %dma_wait3A_105 = tpu.memref_slice %arg9[%add3A_26, %dma_wait3A_104] : memref<10240x64xf32, #tpu.memory_space<vmem_shared>> -> memref<128x64xf32, #tpu.memory_space<vmem_shared>>
      %dma_wait3A_106 = arith.constant 0 : i32
      %dma_wait3A_107 = arith.constant 0 : i32
      %dma_wait3A_108 = tpu.memref_slice %arg8[%run_scoped3A_27, %dma_wait3A_106, %dma_wait3A_107] : memref<5x128x64xf32, #tpu.memory_space<vmem>> -> memref<1x128x64xf32, #tpu.memory_space<vmem>>
      %dma_wait3A_109 = tpu.memref_squeeze %dma_wait3A_108 : memref<1x128x64xf32, #tpu.memory_space<vmem>> -> memref<128x64xf32, #tpu.memory_space<vmem>>
      tpu.wait_dma2 semaphore(%run_scoped3A_86 : memref<!tpu.dma_semaphore, #tpu.memory_space<semaphore_mem>>) src(%dma_wait3A_109 : memref<128x64xf32, #tpu.memory_space<vmem>>) dst(%dma_wait3A_105 : memref<128x64xf32, #tpu.memory_space<vmem_shared>>)
      tpu.yield
    }) : () -> ()
    "tpu.region"() ({
      %run_scoped3A_86 = tpu.sem_alloc : memref<!tpu.dma_semaphore, #tpu.memory_space<semaphore_mem>>
      %dma_start3A_87 = arith.constant 0 : i32
      %dma_start3A_88 = arith.constant 0 : i32
      %dma_start3A_89 = tpu.memref_slice %arg3[%arg0, %arg1, %dma_start3A_87, %dma_start3A_88] : memref<2x16x160x128xi32, #tpu.memory_space<hbm>> -> memref<1x1x160x128xi32, #tpu.memory_space<hbm>>
      %dma_start3A_90 = tpu.memref_squeeze %dma_start3A_89 : memref<1x1x160x128xi32, #tpu.memory_space<hbm>> -> memref<160x128xi32, #tpu.memory_space<hbm>>
      %dma_start3A_91 = arith.constant 0 : i32
      %dma_start3A_92 = arith.constant 0 : i32
      %dma_start3A_93 = tpu.memref_slice %arg3[%arg0, %arg1, %dma_start3A_91, %dma_start3A_92] : memref<2x16x160x128xi32, #tpu.memory_space<hbm>> -> memref<1x1x160x128xi32, #tpu.memory_space<hbm>>
      %dma_start3A_94 = tpu.memref_squeeze %dma_start3A_93 : memref<1x1x160x128xi32, #tpu.memory_space<hbm>> -> memref<160x128xi32, #tpu.memory_space<hbm>>
      tpu.enqueue_dma source(%dma_start3A_94 : memref<160x128xi32, #tpu.memory_space<hbm>>) target(%arg6 : memref<160x128xi32, #tpu.memory_space<vmem>>) target_semaphore(%run_scoped3A_86 : memref<!tpu.dma_semaphore, #tpu.memory_space<semaphore_mem>>)
      %dma_wait3A = arith.constant 0 : i32
      %dma_wait3A_95 = arith.constant 0 : i32
      %dma_wait3A_96 = tpu.memref_slice %arg3[%arg0, %arg1, %dma_wait3A, %dma_wait3A_95] : memref<2x16x160x128xi32, #tpu.memory_space<hbm>> -> memref<1x1x160x128xi32, #tpu.memory_space<hbm>>
      %dma_wait3A_97 = tpu.memref_squeeze %dma_wait3A_96 : memref<1x1x160x128xi32, #tpu.memory_space<hbm>> -> memref<160x128xi32, #tpu.memory_space<hbm>>
      %dma_wait3A_98 = arith.constant 0 : i32
      %dma_wait3A_99 = arith.constant 0 : i32
      %dma_wait3A_100 = tpu.memref_slice %arg3[%arg0, %arg1, %dma_wait3A_98, %dma_wait3A_99] : memref<2x16x160x128xi32, #tpu.memory_space<hbm>> -> memref<1x1x160x128xi32, #tpu.memory_space<hbm>>
      %dma_wait3A_101 = tpu.memref_squeeze %dma_wait3A_100 : memref<1x1x160x128xi32, #tpu.memory_space<hbm>> -> memref<160x128xi32, #tpu.memory_space<hbm>>
      tpu.wait_dma2 semaphore(%run_scoped3A_86 : memref<!tpu.dma_semaphore, #tpu.memory_space<semaphore_mem>>) src(%dma_wait3A_101 : memref<160x128xi32, #tpu.memory_space<hbm>>) dst(%arg6 : memref<160x128xi32, #tpu.memory_space<vmem>>)
      tpu.yield
    }) : () -> ()
    "tpu.region"() ({
      %run_scoped3A_86 = tpu.sem_alloc : memref<!tpu.dma_semaphore, #tpu.memory_space<semaphore_mem>>
      %dma_start3A_87 = arith.constant 0 : i32
      %dma_start3A_88 = arith.constant 0 : i32
      %dma_start3A_89 = tpu.memref_slice %arg4[%arg1, %dma_start3A_87, %dma_start3A_88] : memref<16x160x128xi32, #tpu.memory_space<hbm>> -> memref<1x160x128xi32, #tpu.memory_space<hbm>>
      %dma_start3A_90 = tpu.memref_squeeze %dma_start3A_89 : memref<1x160x128xi32, #tpu.memory_space<hbm>> -> memref<160x128xi32, #tpu.memory_space<hbm>>
      %dma_start3A_91 = arith.constant 0 : i32
      %dma_start3A_92 = arith.constant 0 : i32
      %dma_start3A_93 = tpu.memref_slice %arg4[%arg1, %dma_start3A_91, %dma_start3A_92] : memref<16x160x128xi32, #tpu.memory_space<hbm>> -> memref<1x160x128xi32, #tpu.memory_space<hbm>>
      %dma_start3A_94 = tpu.memref_squeeze %dma_start3A_93 : memref<1x160x128xi32, #tpu.memory_space<hbm>> -> memref<160x128xi32, #tpu.memory_space<hbm>>
      tpu.enqueue_dma source(%dma_start3A_94 : memref<160x128xi32, #tpu.memory_space<hbm>>) target(%arg7 : memref<160x128xi32, #tpu.memory_space<vmem>>) target_semaphore(%run_scoped3A_86 : memref<!tpu.dma_semaphore, #tpu.memory_space<semaphore_mem>>)
      %dma_wait3A = arith.constant 0 : i32
      %dma_wait3A_95 = arith.constant 0 : i32
      %dma_wait3A_96 = tpu.memref_slice %arg4[%arg1, %dma_wait3A, %dma_wait3A_95] : memref<16x160x128xi32, #tpu.memory_space<hbm>> -> memref<1x160x128xi32, #tpu.memory_space<hbm>>
      %dma_wait3A_97 = tpu.memref_squeeze %dma_wait3A_96 : memref<1x160x128xi32, #tpu.memory_space<hbm>> -> memref<160x128xi32, #tpu.memory_space<hbm>>
      %dma_wait3A_98 = arith.constant 0 : i32
      %dma_wait3A_99 = arith.constant 0 : i32
      %dma_wait3A_100 = tpu.memref_slice %arg4[%arg1, %dma_wait3A_98, %dma_wait3A_99] : memref<16x160x128xi32, #tpu.memory_space<hbm>> -> memref<1x160x128xi32, #tpu.memory_space<hbm>>
      %dma_wait3A_101 = tpu.memref_squeeze %dma_wait3A_100 : memref<1x160x128xi32, #tpu.memory_space<hbm>> -> memref<160x128xi32, #tpu.memory_space<hbm>>
      tpu.wait_dma2 semaphore(%run_scoped3A_86 : memref<!tpu.dma_semaphore, #tpu.memory_space<semaphore_mem>>) src(%dma_wait3A_101 : memref<160x128xi32, #tpu.memory_space<hbm>>) dst(%arg7 : memref<160x128xi32, #tpu.memory_space<vmem>>)
      tpu.yield
    }) : () -> ()
    %barrier3A = arith.constant 0 : index
    tpu.barrier barrier_id(%barrier3A)
    %dma_start3A = arith.constant 0 : i32
    %dma_start3A_28 = arith.constant 0 : i32
    %dma_start3A_29 = arith.constant 0 : i32
    %dma_start3A_30 = arith.constant 0 : i32
    %dma_start3A_31 = tpu.memref_slice %arg8[%dma_start3A_28, %dma_start3A_29, %dma_start3A_30] : memref<5x128x64xf32, #tpu.memory_space<vmem>> -> memref<1x128x64xf32, #tpu.memory_space<vmem>>
    %dma_start3A_32 = tpu.memref_squeeze %dma_start3A_31 : memref<1x128x64xf32, #tpu.memory_space<vmem>> -> memref<128x64xf32, #tpu.memory_space<vmem>>
    %dma_start3A_33 = arith.constant 0 : i32
    %dma_start3A_34 = tpu.memref_slice %arg6[%dma_start3A, %dma_start3A_33] : memref<160x128xi32, #tpu.memory_space<vmem>> -> memref<1x128xi32, #tpu.memory_space<vmem>>
    %dma_start3A_35 = tpu.memref_squeeze %dma_start3A_34 : memref<1x128xi32, #tpu.memory_space<vmem>> -> memref<128xi32, #tpu.memory_space<vmem>>
    %dma_start3A_36 = arith.constant 0 : i32
    %dma_start3A_37 = arith.constant 0 : i32
    %dma_start3A_38 = tpu.memref_slice %arg2[%dma_start3A_36, %dma_start3A_37] : memref<20000x64xf32, #tpu.memory_space<hbm>> -> memref<20000x64xf32, #tpu.memory_space<hbm>>
    tpu.enqueue_indirect_dma source(%dma_start3A_38 : memref<20000x64xf32, #tpu.memory_space<hbm>>) target(%dma_start3A_32 : memref<128x64xf32, #tpu.memory_space<vmem>>) offsets(%dma_start3A_35 : memref<128xi32, #tpu.memory_space<vmem>>) semaphore(%arg10 : memref<!tpu.dma_semaphore, #tpu.memory_space<semaphore_mem>>)
    %dma_start3A_39 = arith.constant 1 : i32
    %dma_start3A_40 = arith.constant 1 : i32
    %dma_start3A_41 = arith.constant 0 : i32
    %dma_start3A_42 = arith.constant 0 : i32
    %dma_start3A_43 = tpu.memref_slice %arg8[%dma_start3A_40, %dma_start3A_41, %dma_start3A_42] : memref<5x128x64xf32, #tpu.memory_space<vmem>> -> memref<1x128x64xf32, #tpu.memory_space<vmem>>
    %dma_start3A_44 = tpu.memref_squeeze %dma_start3A_43 : memref<1x128x64xf32, #tpu.memory_space<vmem>> -> memref<128x64xf32, #tpu.memory_space<vmem>>
    %dma_start3A_45 = arith.constant 0 : i32
    %dma_start3A_46 = tpu.memref_slice %arg6[%dma_start3A_39, %dma_start3A_45] : memref<160x128xi32, #tpu.memory_space<vmem>> -> memref<1x128xi32, #tpu.memory_space<vmem>>
    %dma_start3A_47 = tpu.memref_squeeze %dma_start3A_46 : memref<1x128xi32, #tpu.memory_space<vmem>> -> memref<128xi32, #tpu.memory_space<vmem>>
    %dma_start3A_48 = arith.constant 0 : i32
    %dma_start3A_49 = arith.constant 0 : i32
    %dma_start3A_50 = tpu.memref_slice %arg2[%dma_start3A_48, %dma_start3A_49] : memref<20000x64xf32, #tpu.memory_space<hbm>> -> memref<20000x64xf32, #tpu.memory_space<hbm>>
    tpu.enqueue_indirect_dma source(%dma_start3A_50 : memref<20000x64xf32, #tpu.memory_space<hbm>>) target(%dma_start3A_44 : memref<128x64xf32, #tpu.memory_space<vmem>>) offsets(%dma_start3A_47 : memref<128xi32, #tpu.memory_space<vmem>>) semaphore(%arg11 : memref<!tpu.dma_semaphore, #tpu.memory_space<semaphore_mem>>)
    %dma_start3A_51 = arith.constant 2 : i32
    %dma_start3A_52 = arith.constant 2 : i32
    %dma_start3A_53 = arith.constant 0 : i32
    %dma_start3A_54 = arith.constant 0 : i32
    %dma_start3A_55 = tpu.memref_slice %arg8[%dma_start3A_52, %dma_start3A_53, %dma_start3A_54] : memref<5x128x64xf32, #tpu.memory_space<vmem>> -> memref<1x128x64xf32, #tpu.memory_space<vmem>>
    %dma_start3A_56 = tpu.memref_squeeze %dma_start3A_55 : memref<1x128x64xf32, #tpu.memory_space<vmem>> -> memref<128x64xf32, #tpu.memory_space<vmem>>
    %dma_start3A_57 = arith.constant 0 : i32
    %dma_start3A_58 = tpu.memref_slice %arg6[%dma_start3A_51, %dma_start3A_57] : memref<160x128xi32, #tpu.memory_space<vmem>> -> memref<1x128xi32, #tpu.memory_space<vmem>>
    %dma_start3A_59 = tpu.memref_squeeze %dma_start3A_58 : memref<1x128xi32, #tpu.memory_space<vmem>> -> memref<128xi32, #tpu.memory_space<vmem>>
    %dma_start3A_60 = arith.constant 0 : i32
    %dma_start3A_61 = arith.constant 0 : i32
    %dma_start3A_62 = tpu.memref_slice %arg2[%dma_start3A_60, %dma_start3A_61] : memref<20000x64xf32, #tpu.memory_space<hbm>> -> memref<20000x64xf32, #tpu.memory_space<hbm>>
    tpu.enqueue_indirect_dma source(%dma_start3A_62 : memref<20000x64xf32, #tpu.memory_space<hbm>>) target(%dma_start3A_56 : memref<128x64xf32, #tpu.memory_space<vmem>>) offsets(%dma_start3A_59 : memref<128xi32, #tpu.memory_space<vmem>>) semaphore(%arg12 : memref<!tpu.dma_semaphore, #tpu.memory_space<semaphore_mem>>)
    %dma_start3A_63 = arith.constant 3 : i32
    %dma_start3A_64 = arith.constant 3 : i32
    %dma_start3A_65 = arith.constant 0 : i32
    %dma_start3A_66 = arith.constant 0 : i32
    %dma_start3A_67 = tpu.memref_slice %arg8[%dma_start3A_64, %dma_start3A_65, %dma_start3A_66] : memref<5x128x64xf32, #tpu.memory_space<vmem>> -> memref<1x128x64xf32, #tpu.memory_space<vmem>>
    %dma_start3A_68 = tpu.memref_squeeze %dma_start3A_67 : memref<1x128x64xf32, #tpu.memory_space<vmem>> -> memref<128x64xf32, #tpu.memory_space<vmem>>
    %dma_start3A_69 = arith.constant 0 : i32
    %dma_start3A_70 = tpu.memref_slice %arg6[%dma_start3A_63, %dma_start3A_69] : memref<160x128xi32, #tpu.memory_space<vmem>> -> memref<1x128xi32, #tpu.memory_space<vmem>>
    %dma_start3A_71 = tpu.memref_squeeze %dma_start3A_70 : memref<1x128xi32, #tpu.memory_space<vmem>> -> memref<128xi32, #tpu.memory_space<vmem>>
    %dma_start3A_72 = arith.constant 0 : i32
    %dma_start3A_73 = arith.constant 0 : i32
    %dma_start3A_74 = tpu.memref_slice %arg2[%dma_start3A_72, %dma_start3A_73] : memref<20000x64xf32, #tpu.memory_space<hbm>> -> memref<20000x64xf32, #tpu.memory_space<hbm>>
    tpu.enqueue_indirect_dma source(%dma_start3A_74 : memref<20000x64xf32, #tpu.memory_space<hbm>>) target(%dma_start3A_68 : memref<128x64xf32, #tpu.memory_space<vmem>>) offsets(%dma_start3A_71 : memref<128xi32, #tpu.memory_space<vmem>>) semaphore(%arg13 : memref<!tpu.dma_semaphore, #tpu.memory_space<semaphore_mem>>)
    %scan3A_75 = arith.constant 0 : i32
    %scan3A_76 = arith.constant 0 : i32
    %scan3A_77 = arith.constant 32 : i32
    %scan3A_78 = arith.addi %scan3A_76, %scan3A_77 : i32
    %scan3A_79 = arith.constant 1 : i32
    scf.for %scan3A_86 = %scan3A_76 to %scan3A_78 step %scan3A_79  : i32 {
      %mul3A_87 = arith.constant 5 : i32
      %mul3A_88 = arith.muli %scan3A_86, %mul3A_87 : i32
      %add3A_89 = arith.constant 0 : i32
      %add3A_90 = arith.addi %mul3A_88, %add3A_89 : i32
      %dma_wait3A = arith.constant 0 : i32
      %dma_wait3A_91 = arith.constant 0 : i32
      %dma_wait3A_92 = arith.constant 0 : i32
      %dma_wait3A_93 = tpu.memref_slice %arg8[%dma_wait3A, %dma_wait3A_91, %dma_wait3A_92] : memref<5x128x64xf32, #tpu.memory_space<vmem>> -> memref<1x128x64xf32, #tpu.memory_space<vmem>>
      %dma_wait3A_94 = tpu.memref_squeeze %dma_wait3A_93 : memref<1x128x64xf32, #tpu.memory_space<vmem>> -> memref<128x64xf32, #tpu.memory_space<vmem>>
      %dma_wait3A_95 = arith.constant 0 : i32
      %dma_wait3A_96 = tpu.memref_slice %arg6[%add3A_90, %dma_wait3A_95] : memref<160x128xi32, #tpu.memory_space<vmem>> -> memref<1x128xi32, #tpu.memory_space<vmem>>
      %dma_wait3A_97 = tpu.memref_squeeze %dma_wait3A_96 : memref<1x128xi32, #tpu.memory_space<vmem>> -> memref<128xi32, #tpu.memory_space<vmem>>
      %dma_wait3A_98 = arith.constant 0 : i32
      %dma_wait3A_99 = arith.constant 0 : i32
      %dma_wait3A_100 = tpu.memref_slice %arg2[%dma_wait3A_98, %dma_wait3A_99] : memref<20000x64xf32, #tpu.memory_space<hbm>> -> memref<20000x64xf32, #tpu.memory_space<hbm>>
      tpu.wait_indirect_dma semaphore(%arg10 : memref<!tpu.dma_semaphore, #tpu.memory_space<semaphore_mem>>) src(%dma_wait3A_100 : memref<20000x64xf32, #tpu.memory_space<hbm>>) dst(%dma_wait3A_94 : memref<128x64xf32, #tpu.memory_space<vmem>>)
      %dma_start3A_101 = arith.constant 0 : i32
      %dma_start3A_102 = arith.constant 0 : i32
      %dma_start3A_103 = arith.constant 0 : i32
      %dma_start3A_104 = tpu.memref_slice %arg8[%dma_start3A_101, %dma_start3A_102, %dma_start3A_103] : memref<5x128x64xf32, #tpu.memory_space<vmem>> -> memref<1x128x64xf32, #tpu.memory_space<vmem>>
      %dma_start3A_105 = tpu.memref_squeeze %dma_start3A_104 : memref<1x128x64xf32, #tpu.memory_space<vmem>> -> memref<128x64xf32, #tpu.memory_space<vmem>>
      %dma_start3A_106 = arith.constant 0 : i32
      %dma_start3A_107 = tpu.memref_slice %arg7[%add3A_90, %dma_start3A_106] : memref<160x128xi32, #tpu.memory_space<vmem>> -> memref<1x128xi32, #tpu.memory_space<vmem>>
      %dma_start3A_108 = tpu.memref_squeeze %dma_start3A_107 : memref<1x128xi32, #tpu.memory_space<vmem>> -> memref<128xi32, #tpu.memory_space<vmem>>
      %dma_start3A_109 = arith.constant 0 : i32
      %dma_start3A_110 = arith.constant 0 : i32
      %dma_start3A_111 = tpu.memref_slice %arg9[%dma_start3A_109, %dma_start3A_110] : memref<10240x64xf32, #tpu.memory_space<vmem_shared>> -> memref<10240x64xf32, #tpu.memory_space<vmem_shared>>
      tpu.enqueue_indirect_dma source(%dma_start3A_105 : memref<128x64xf32, #tpu.memory_space<vmem>>) target(%dma_start3A_111 : memref<10240x64xf32, #tpu.memory_space<vmem_shared>>) offsets(%dma_start3A_108 : memref<128xi32, #tpu.memory_space<vmem>>) semaphore(%arg15 : memref<!tpu.dma_semaphore, #tpu.memory_space<semaphore_mem>>) {add = true}
      %dma_wait3A_112 = arith.constant 0 : i32
      %dma_wait3A_113 = arith.constant 0 : i32
      %dma_wait3A_114 = arith.constant 0 : i32
      %dma_wait3A_115 = tpu.memref_slice %arg8[%dma_wait3A_112, %dma_wait3A_113, %dma_wait3A_114] : memref<5x128x64xf32, #tpu.memory_space<vmem>> -> memref<1x128x64xf32, #tpu.memory_space<vmem>>
      %dma_wait3A_116 = tpu.memref_squeeze %dma_wait3A_115 : memref<1x128x64xf32, #tpu.memory_space<vmem>> -> memref<128x64xf32, #tpu.memory_space<vmem>>
      %dma_wait3A_117 = arith.constant 0 : i32
      %dma_wait3A_118 = tpu.memref_slice %arg7[%add3A_90, %dma_wait3A_117] : memref<160x128xi32, #tpu.memory_space<vmem>> -> memref<1x128xi32, #tpu.memory_space<vmem>>
      %dma_wait3A_119 = tpu.memref_squeeze %dma_wait3A_118 : memref<1x128xi32, #tpu.memory_space<vmem>> -> memref<128xi32, #tpu.memory_space<vmem>>
      %dma_wait3A_120 = arith.constant 0 : i32
      %dma_wait3A_121 = arith.constant 0 : i32
      %dma_wait3A_122 = tpu.memref_slice %arg9[%dma_wait3A_120, %dma_wait3A_121] : memref<10240x64xf32, #tpu.memory_space<vmem_shared>> -> memref<10240x64xf32, #tpu.memory_space<vmem_shared>>
      tpu.wait_indirect_dma semaphore(%arg15 : memref<!tpu.dma_semaphore, #tpu.memory_space<semaphore_mem>>) src(%dma_wait3A_116 : memref<128x64xf32, #tpu.memory_space<vmem>>) dst(%dma_wait3A_122 : memref<10240x64xf32, #tpu.memory_space<vmem_shared>>)
      %add3A_123 = arith.constant 5 : i32
      %add3A_124 = arith.addi %add3A_90, %add3A_123 : i32
      %sub3A = arith.constant 1 : i32
      %sub3A_125 = arith.subi %add3A_124, %sub3A : i32
      %lt3A = arith.constant 160 : i32
      %lt3A_126 = arith.cmpi slt, %sub3A_125, %lt3A : i32
      %convert_element_type3A = arith.extui %lt3A_126 : i1 to i32
      %cond3A = arith.constant 0 : i32
      %cond3A_127 = arith.cmpi ne, %convert_element_type3A, %cond3A : i32
      scf.if %cond3A_127 {
        %add3A_312 = arith.constant 5 : i32
        %add3A_313 = arith.addi %add3A_90, %add3A_312 : i32
        %sub3A_314 = arith.constant 1 : i32
        %sub3A_315 = arith.subi %add3A_313, %sub3A_314 : i32
        %dma_start3A_316 = arith.constant 4 : i32
        %dma_start3A_317 = arith.constant 0 : i32
        %dma_start3A_318 = arith.constant 0 : i32
        %dma_start3A_319 = tpu.memref_slice %arg8[%dma_start3A_316, %dma_start3A_317, %dma_start3A_318] : memref<5x128x64xf32, #tpu.memory_space<vmem>> -> memref<1x128x64xf32, #tpu.memory_space<vmem>>
        %dma_start3A_320 = tpu.memref_squeeze %dma_start3A_319 : memref<1x128x64xf32, #tpu.memory_space<vmem>> -> memref<128x64xf32, #tpu.memory_space<vmem>>
        %dma_start3A_321 = arith.constant 0 : i32
        %dma_start3A_322 = tpu.memref_slice %arg6[%sub3A_315, %dma_start3A_321] : memref<160x128xi32, #tpu.memory_space<vmem>> -> memref<1x128xi32, #tpu.memory_space<vmem>>
        %dma_start3A_323 = tpu.memref_squeeze %dma_start3A_322 : memref<1x128xi32, #tpu.memory_space<vmem>> -> memref<128xi32, #tpu.memory_space<vmem>>
        %dma_start3A_324 = arith.constant 0 : i32
        %dma_start3A_325 = arith.constant 0 : i32
        %dma_start3A_326 = tpu.memref_slice %arg2[%dma_start3A_324, %dma_start3A_325] : memref<20000x64xf32, #tpu.memory_space<hbm>> -> memref<20000x64xf32, #tpu.memory_space<hbm>>
        tpu.enqueue_indirect_dma source(%dma_start3A_326 : memref<20000x64xf32, #tpu.memory_space<hbm>>) target(%dma_start3A_320 : memref<128x64xf32, #tpu.memory_space<vmem>>) offsets(%dma_start3A_323 : memref<128xi32, #tpu.memory_space<vmem>>) semaphore(%arg14 : memref<!tpu.dma_semaphore, #tpu.memory_space<semaphore_mem>>)
      } else {
      }
      %mul3A_128 = arith.constant 5 : i32
      %mul3A_129 = arith.muli %scan3A_86, %mul3A_128 : i32
      %add3A_130 = arith.constant 1 : i32
      %add3A_131 = arith.addi %mul3A_129, %add3A_130 : i32
      %dma_wait3A_132 = arith.constant 1 : i32
      %dma_wait3A_133 = arith.constant 0 : i32
      %dma_wait3A_134 = arith.constant 0 : i32
      %dma_wait3A_135 = tpu.memref_slice %arg8[%dma_wait3A_132, %dma_wait3A_133, %dma_wait3A_134] : memref<5x128x64xf32, #tpu.memory_space<vmem>> -> memref<1x128x64xf32, #tpu.memory_space<vmem>>
      %dma_wait3A_136 = tpu.memref_squeeze %dma_wait3A_135 : memref<1x128x64xf32, #tpu.memory_space<vmem>> -> memref<128x64xf32, #tpu.memory_space<vmem>>
      %dma_wait3A_137 = arith.constant 0 : i32
      %dma_wait3A_138 = tpu.memref_slice %arg6[%add3A_131, %dma_wait3A_137] : memref<160x128xi32, #tpu.memory_space<vmem>> -> memref<1x128xi32, #tpu.memory_space<vmem>>
      %dma_wait3A_139 = tpu.memref_squeeze %dma_wait3A_138 : memref<1x128xi32, #tpu.memory_space<vmem>> -> memref<128xi32, #tpu.memory_space<vmem>>
      %dma_wait3A_140 = arith.constant 0 : i32
      %dma_wait3A_141 = arith.constant 0 : i32
      %dma_wait3A_142 = tpu.memref_slice %arg2[%dma_wait3A_140, %dma_wait3A_141] : memref<20000x64xf32, #tpu.memory_space<hbm>> -> memref<20000x64xf32, #tpu.memory_space<hbm>>
      tpu.wait_indirect_dma semaphore(%arg11 : memref<!tpu.dma_semaphore, #tpu.memory_space<semaphore_mem>>) src(%dma_wait3A_142 : memref<20000x64xf32, #tpu.memory_space<hbm>>) dst(%dma_wait3A_136 : memref<128x64xf32, #tpu.memory_space<vmem>>)
      %dma_start3A_143 = arith.constant 1 : i32
      %dma_start3A_144 = arith.constant 0 : i32
      %dma_start3A_145 = arith.constant 0 : i32
      %dma_start3A_146 = tpu.memref_slice %arg8[%dma_start3A_143, %dma_start3A_144, %dma_start3A_145] : memref<5x128x64xf32, #tpu.memory_space<vmem>> -> memref<1x128x64xf32, #tpu.memory_space<vmem>>
      %dma_start3A_147 = tpu.memref_squeeze %dma_start3A_146 : memref<1x128x64xf32, #tpu.memory_space<vmem>> -> memref<128x64xf32, #tpu.memory_space<vmem>>
      %dma_start3A_148 = arith.constant 0 : i32
      %dma_start3A_149 = tpu.memref_slice %arg7[%add3A_131, %dma_start3A_148] : memref<160x128xi32, #tpu.memory_space<vmem>> -> memref<1x128xi32, #tpu.memory_space<vmem>>
      %dma_start3A_150 = tpu.memref_squeeze %dma_start3A_149 : memref<1x128xi32, #tpu.memory_space<vmem>> -> memref<128xi32, #tpu.memory_space<vmem>>
      %dma_start3A_151 = arith.constant 0 : i32
      %dma_start3A_152 = arith.constant 0 : i32
      %dma_start3A_153 = tpu.memref_slice %arg9[%dma_start3A_151, %dma_start3A_152] : memref<10240x64xf32, #tpu.memory_space<vmem_shared>> -> memref<10240x64xf32, #tpu.memory_space<vmem_shared>>
      tpu.enqueue_indirect_dma source(%dma_start3A_147 : memref<128x64xf32, #tpu.memory_space<vmem>>) target(%dma_start3A_153 : memref<10240x64xf32, #tpu.memory_space<vmem_shared>>) offsets(%dma_start3A_150 : memref<128xi32, #tpu.memory_space<vmem>>) semaphore(%arg15 : memref<!tpu.dma_semaphore, #tpu.memory_space<semaphore_mem>>) {add = true}
      %dma_wait3A_154 = arith.constant 1 : i32
      %dma_wait3A_155 = arith.constant 0 : i32
      %dma_wait3A_156 = arith.constant 0 : i32
      %dma_wait3A_157 = tpu.memref_slice %arg8[%dma_wait3A_154, %dma_wait3A_155, %dma_wait3A_156] : memref<5x128x64xf32, #tpu.memory_space<vmem>> -> memref<1x128x64xf32, #tpu.memory_space<vmem>>
      %dma_wait3A_158 = tpu.memref_squeeze %dma_wait3A_157 : memref<1x128x64xf32, #tpu.memory_space<vmem>> -> memref<128x64xf32, #tpu.memory_space<vmem>>
      %dma_wait3A_159 = arith.constant 0 : i32
      %dma_wait3A_160 = tpu.memref_slice %arg7[%add3A_131, %dma_wait3A_159] : memref<160x128xi32, #tpu.memory_space<vmem>> -> memref<1x128xi32, #tpu.memory_space<vmem>>
      %dma_wait3A_161 = tpu.memref_squeeze %dma_wait3A_160 : memref<1x128xi32, #tpu.memory_space<vmem>> -> memref<128xi32, #tpu.memory_space<vmem>>
      %dma_wait3A_162 = arith.constant 0 : i32
      %dma_wait3A_163 = arith.constant 0 : i32
      %dma_wait3A_164 = tpu.memref_slice %arg9[%dma_wait3A_162, %dma_wait3A_163] : memref<10240x64xf32, #tpu.memory_space<vmem_shared>> -> memref<10240x64xf32, #tpu.memory_space<vmem_shared>>
      tpu.wait_indirect_dma semaphore(%arg15 : memref<!tpu.dma_semaphore, #tpu.memory_space<semaphore_mem>>) src(%dma_wait3A_158 : memref<128x64xf32, #tpu.memory_space<vmem>>) dst(%dma_wait3A_164 : memref<10240x64xf32, #tpu.memory_space<vmem_shared>>)
      %add3A_165 = arith.constant 5 : i32
      %add3A_166 = arith.addi %add3A_131, %add3A_165 : i32
      %sub3A_167 = arith.constant 1 : i32
      %sub3A_168 = arith.subi %add3A_166, %sub3A_167 : i32
      %lt3A_169 = arith.constant 160 : i32
      %lt3A_170 = arith.cmpi slt, %sub3A_168, %lt3A_169 : i32
      %convert_element_type3A_171 = arith.extui %lt3A_170 : i1 to i32
      %cond3A_172 = arith.constant 0 : i32
      %cond3A_173 = arith.cmpi ne, %convert_element_type3A_171, %cond3A_172 : i32
      scf.if %cond3A_173 {
        %add3A_312 = arith.constant 5 : i32
        %add3A_313 = arith.addi %add3A_131, %add3A_312 : i32
        %sub3A_314 = arith.constant 1 : i32
        %sub3A_315 = arith.subi %add3A_313, %sub3A_314 : i32
        %dma_start3A_316 = arith.constant 0 : i32
        %dma_start3A_317 = arith.constant 0 : i32
        %dma_start3A_318 = arith.constant 0 : i32
        %dma_start3A_319 = tpu.memref_slice %arg8[%dma_start3A_316, %dma_start3A_317, %dma_start3A_318] : memref<5x128x64xf32, #tpu.memory_space<vmem>> -> memref<1x128x64xf32, #tpu.memory_space<vmem>>
        %dma_start3A_320 = tpu.memref_squeeze %dma_start3A_319 : memref<1x128x64xf32, #tpu.memory_space<vmem>> -> memref<128x64xf32, #tpu.memory_space<vmem>>
        %dma_start3A_321 = arith.constant 0 : i32
        %dma_start3A_322 = tpu.memref_slice %arg6[%sub3A_315, %dma_start3A_321] : memref<160x128xi32, #tpu.memory_space<vmem>> -> memref<1x128xi32, #tpu.memory_space<vmem>>
        %dma_start3A_323 = tpu.memref_squeeze %dma_start3A_322 : memref<1x128xi32, #tpu.memory_space<vmem>> -> memref<128xi32, #tpu.memory_space<vmem>>
        %dma_start3A_324 = arith.constant 0 : i32
        %dma_start3A_325 = arith.constant 0 : i32
        %dma_start3A_326 = tpu.memref_slice %arg2[%dma_start3A_324, %dma_start3A_325] : memref<20000x64xf32, #tpu.memory_space<hbm>> -> memref<20000x64xf32, #tpu.memory_space<hbm>>
        tpu.enqueue_indirect_dma source(%dma_start3A_326 : memref<20000x64xf32, #tpu.memory_space<hbm>>) target(%dma_start3A_320 : memref<128x64xf32, #tpu.memory_space<vmem>>) offsets(%dma_start3A_323 : memref<128xi32, #tpu.memory_space<vmem>>) semaphore(%arg10 : memref<!tpu.dma_semaphore, #tpu.memory_space<semaphore_mem>>)
      } else {
      }
      %mul3A_174 = arith.constant 5 : i32
      %mul3A_175 = arith.muli %scan3A_86, %mul3A_174 : i32
      %add3A_176 = arith.constant 2 : i32
      %add3A_177 = arith.addi %mul3A_175, %add3A_176 : i32
      %dma_wait3A_178 = arith.constant 2 : i32
      %dma_wait3A_179 = arith.constant 0 : i32
      %dma_wait3A_180 = arith.constant 0 : i32
      %dma_wait3A_181 = tpu.memref_slice %arg8[%dma_wait3A_178, %dma_wait3A_179, %dma_wait3A_180] : memref<5x128x64xf32, #tpu.memory_space<vmem>> -> memref<1x128x64xf32, #tpu.memory_space<vmem>>
      %dma_wait3A_182 = tpu.memref_squeeze %dma_wait3A_181 : memref<1x128x64xf32, #tpu.memory_space<vmem>> -> memref<128x64xf32, #tpu.memory_space<vmem>>
      %dma_wait3A_183 = arith.constant 0 : i32
      %dma_wait3A_184 = tpu.memref_slice %arg6[%add3A_177, %dma_wait3A_183] : memref<160x128xi32, #tpu.memory_space<vmem>> -> memref<1x128xi32, #tpu.memory_space<vmem>>
      %dma_wait3A_185 = tpu.memref_squeeze %dma_wait3A_184 : memref<1x128xi32, #tpu.memory_space<vmem>> -> memref<128xi32, #tpu.memory_space<vmem>>
      %dma_wait3A_186 = arith.constant 0 : i32
      %dma_wait3A_187 = arith.constant 0 : i32
      %dma_wait3A_188 = tpu.memref_slice %arg2[%dma_wait3A_186, %dma_wait3A_187] : memref<20000x64xf32, #tpu.memory_space<hbm>> -> memref<20000x64xf32, #tpu.memory_space<hbm>>
      tpu.wait_indirect_dma semaphore(%arg12 : memref<!tpu.dma_semaphore, #tpu.memory_space<semaphore_mem>>) src(%dma_wait3A_188 : memref<20000x64xf32, #tpu.memory_space<hbm>>) dst(%dma_wait3A_182 : memref<128x64xf32, #tpu.memory_space<vmem>>)
      %dma_start3A_189 = arith.constant 2 : i32
      %dma_start3A_190 = arith.constant 0 : i32
      %dma_start3A_191 = arith.constant 0 : i32
      %dma_start3A_192 = tpu.memref_slice %arg8[%dma_start3A_189, %dma_start3A_190, %dma_start3A_191] : memref<5x128x64xf32, #tpu.memory_space<vmem>> -> memref<1x128x64xf32, #tpu.memory_space<vmem>>
      %dma_start3A_193 = tpu.memref_squeeze %dma_start3A_192 : memref<1x128x64xf32, #tpu.memory_space<vmem>> -> memref<128x64xf32, #tpu.memory_space<vmem>>
      %dma_start3A_194 = arith.constant 0 : i32
      %dma_start3A_195 = tpu.memref_slice %arg7[%add3A_177, %dma_start3A_194] : memref<160x128xi32, #tpu.memory_space<vmem>> -> memref<1x128xi32, #tpu.memory_space<vmem>>
      %dma_start3A_196 = tpu.memref_squeeze %dma_start3A_195 : memref<1x128xi32, #tpu.memory_space<vmem>> -> memref<128xi32, #tpu.memory_space<vmem>>
      %dma_start3A_197 = arith.constant 0 : i32
      %dma_start3A_198 = arith.constant 0 : i32
      %dma_start3A_199 = tpu.memref_slice %arg9[%dma_start3A_197, %dma_start3A_198] : memref<10240x64xf32, #tpu.memory_space<vmem_shared>> -> memref<10240x64xf32, #tpu.memory_space<vmem_shared>>
      tpu.enqueue_indirect_dma source(%dma_start3A_193 : memref<128x64xf32, #tpu.memory_space<vmem>>) target(%dma_start3A_199 : memref<10240x64xf32, #tpu.memory_space<vmem_shared>>) offsets(%dma_start3A_196 : memref<128xi32, #tpu.memory_space<vmem>>) semaphore(%arg15 : memref<!tpu.dma_semaphore, #tpu.memory_space<semaphore_mem>>) {add = true}
      %dma_wait3A_200 = arith.constant 2 : i32
      %dma_wait3A_201 = arith.constant 0 : i32
      %dma_wait3A_202 = arith.constant 0 : i32
      %dma_wait3A_203 = tpu.memref_slice %arg8[%dma_wait3A_200, %dma_wait3A_201, %dma_wait3A_202] : memref<5x128x64xf32, #tpu.memory_space<vmem>> -> memref<1x128x64xf32, #tpu.memory_space<vmem>>
      %dma_wait3A_204 = tpu.memref_squeeze %dma_wait3A_203 : memref<1x128x64xf32, #tpu.memory_space<vmem>> -> memref<128x64xf32, #tpu.memory_space<vmem>>
      %dma_wait3A_205 = arith.constant 0 : i32
      %dma_wait3A_206 = tpu.memref_slice %arg7[%add3A_177, %dma_wait3A_205] : memref<160x128xi32, #tpu.memory_space<vmem>> -> memref<1x128xi32, #tpu.memory_space<vmem>>
      %dma_wait3A_207 = tpu.memref_squeeze %dma_wait3A_206 : memref<1x128xi32, #tpu.memory_space<vmem>> -> memref<128xi32, #tpu.memory_space<vmem>>
      %dma_wait3A_208 = arith.constant 0 : i32
      %dma_wait3A_209 = arith.constant 0 : i32
      %dma_wait3A_210 = tpu.memref_slice %arg9[%dma_wait3A_208, %dma_wait3A_209] : memref<10240x64xf32, #tpu.memory_space<vmem_shared>> -> memref<10240x64xf32, #tpu.memory_space<vmem_shared>>
      tpu.wait_indirect_dma semaphore(%arg15 : memref<!tpu.dma_semaphore, #tpu.memory_space<semaphore_mem>>) src(%dma_wait3A_204 : memref<128x64xf32, #tpu.memory_space<vmem>>) dst(%dma_wait3A_210 : memref<10240x64xf32, #tpu.memory_space<vmem_shared>>)
      %add3A_211 = arith.constant 5 : i32
      %add3A_212 = arith.addi %add3A_177, %add3A_211 : i32
      %sub3A_213 = arith.constant 1 : i32
      %sub3A_214 = arith.subi %add3A_212, %sub3A_213 : i32
      %lt3A_215 = arith.constant 160 : i32
      %lt3A_216 = arith.cmpi slt, %sub3A_214, %lt3A_215 : i32
      %convert_element_type3A_217 = arith.extui %lt3A_216 : i1 to i32
      %cond3A_218 = arith.constant 0 : i32
      %cond3A_219 = arith.cmpi ne, %convert_element_type3A_217, %cond3A_218 : i32
      scf.if %cond3A_219 {
        %add3A_312 = arith.constant 5 : i32
        %add3A_313 = arith.addi %add3A_177, %add3A_312 : i32
        %sub3A_314 = arith.constant 1 : i32
        %sub3A_315 = arith.subi %add3A_313, %sub3A_314 : i32
        %dma_start3A_316 = arith.constant 1 : i32
        %dma_start3A_317 = arith.constant 0 : i32
        %dma_start3A_318 = arith.constant 0 : i32
        %dma_start3A_319 = tpu.memref_slice %arg8[%dma_start3A_316, %dma_start3A_317, %dma_start3A_318] : memref<5x128x64xf32, #tpu.memory_space<vmem>> -> memref<1x128x64xf32, #tpu.memory_space<vmem>>
        %dma_start3A_320 = tpu.memref_squeeze %dma_start3A_319 : memref<1x128x64xf32, #tpu.memory_space<vmem>> -> memref<128x64xf32, #tpu.memory_space<vmem>>
        %dma_start3A_321 = arith.constant 0 : i32
        %dma_start3A_322 = tpu.memref_slice %arg6[%sub3A_315, %dma_start3A_321] : memref<160x128xi32, #tpu.memory_space<vmem>> -> memref<1x128xi32, #tpu.memory_space<vmem>>
        %dma_start3A_323 = tpu.memref_squeeze %dma_start3A_322 : memref<1x128xi32, #tpu.memory_space<vmem>> -> memref<128xi32, #tpu.memory_space<vmem>>
        %dma_start3A_324 = arith.constant 0 : i32
        %dma_start3A_325 = arith.constant 0 : i32
        %dma_start3A_326 = tpu.memref_slice %arg2[%dma_start3A_324, %dma_start3A_325] : memref<20000x64xf32, #tpu.memory_space<hbm>> -> memref<20000x64xf32, #tpu.memory_space<hbm>>
        tpu.enqueue_indirect_dma source(%dma_start3A_326 : memref<20000x64xf32, #tpu.memory_space<hbm>>) target(%dma_start3A_320 : memref<128x64xf32, #tpu.memory_space<vmem>>) offsets(%dma_start3A_323 : memref<128xi32, #tpu.memory_space<vmem>>) semaphore(%arg11 : memref<!tpu.dma_semaphore, #tpu.memory_space<semaphore_mem>>)
      } else {
      }
      %mul3A_220 = arith.constant 5 : i32
      %mul3A_221 = arith.muli %scan3A_86, %mul3A_220 : i32
      %add3A_222 = arith.constant 3 : i32
      %add3A_223 = arith.addi %mul3A_221, %add3A_222 : i32
      %dma_wait3A_224 = arith.constant 3 : i32
      %dma_wait3A_225 = arith.constant 0 : i32
      %dma_wait3A_226 = arith.constant 0 : i32
      %dma_wait3A_227 = tpu.memref_slice %arg8[%dma_wait3A_224, %dma_wait3A_225, %dma_wait3A_226] : memref<5x128x64xf32, #tpu.memory_space<vmem>> -> memref<1x128x64xf32, #tpu.memory_space<vmem>>
      %dma_wait3A_228 = tpu.memref_squeeze %dma_wait3A_227 : memref<1x128x64xf32, #tpu.memory_space<vmem>> -> memref<128x64xf32, #tpu.memory_space<vmem>>
      %dma_wait3A_229 = arith.constant 0 : i32
      %dma_wait3A_230 = tpu.memref_slice %arg6[%add3A_223, %dma_wait3A_229] : memref<160x128xi32, #tpu.memory_space<vmem>> -> memref<1x128xi32, #tpu.memory_space<vmem>>
      %dma_wait3A_231 = tpu.memref_squeeze %dma_wait3A_230 : memref<1x128xi32, #tpu.memory_space<vmem>> -> memref<128xi32, #tpu.memory_space<vmem>>
      %dma_wait3A_232 = arith.constant 0 : i32
      %dma_wait3A_233 = arith.constant 0 : i32
      %dma_wait3A_234 = tpu.memref_slice %arg2[%dma_wait3A_232, %dma_wait3A_233] : memref<20000x64xf32, #tpu.memory_space<hbm>> -> memref<20000x64xf32, #tpu.memory_space<hbm>>
      tpu.wait_indirect_dma semaphore(%arg13 : memref<!tpu.dma_semaphore, #tpu.memory_space<semaphore_mem>>) src(%dma_wait3A_234 : memref<20000x64xf32, #tpu.memory_space<hbm>>) dst(%dma_wait3A_228 : memref<128x64xf32, #tpu.memory_space<vmem>>)
      %dma_start3A_235 = arith.constant 3 : i32
      %dma_start3A_236 = arith.constant 0 : i32
      %dma_start3A_237 = arith.constant 0 : i32
      %dma_start3A_238 = tpu.memref_slice %arg8[%dma_start3A_235, %dma_start3A_236, %dma_start3A_237] : memref<5x128x64xf32, #tpu.memory_space<vmem>> -> memref<1x128x64xf32, #tpu.memory_space<vmem>>
      %dma_start3A_239 = tpu.memref_squeeze %dma_start3A_238 : memref<1x128x64xf32, #tpu.memory_space<vmem>> -> memref<128x64xf32, #tpu.memory_space<vmem>>
      %dma_start3A_240 = arith.constant 0 : i32
      %dma_start3A_241 = tpu.memref_slice %arg7[%add3A_223, %dma_start3A_240] : memref<160x128xi32, #tpu.memory_space<vmem>> -> memref<1x128xi32, #tpu.memory_space<vmem>>
      %dma_start3A_242 = tpu.memref_squeeze %dma_start3A_241 : memref<1x128xi32, #tpu.memory_space<vmem>> -> memref<128xi32, #tpu.memory_space<vmem>>
      %dma_start3A_243 = arith.constant 0 : i32
      %dma_start3A_244 = arith.constant 0 : i32
      %dma_start3A_245 = tpu.memref_slice %arg9[%dma_start3A_243, %dma_start3A_244] : memref<10240x64xf32, #tpu.memory_space<vmem_shared>> -> memref<10240x64xf32, #tpu.memory_space<vmem_shared>>
      tpu.enqueue_indirect_dma source(%dma_start3A_239 : memref<128x64xf32, #tpu.memory_space<vmem>>) target(%dma_start3A_245 : memref<10240x64xf32, #tpu.memory_space<vmem_shared>>) offsets(%dma_start3A_242 : memref<128xi32, #tpu.memory_space<vmem>>) semaphore(%arg15 : memref<!tpu.dma_semaphore, #tpu.memory_space<semaphore_mem>>) {add = true}
      %dma_wait3A_246 = arith.constant 3 : i32
      %dma_wait3A_247 = arith.constant 0 : i32
      %dma_wait3A_248 = arith.constant 0 : i32
      %dma_wait3A_249 = tpu.memref_slice %arg8[%dma_wait3A_246, %dma_wait3A_247, %dma_wait3A_248] : memref<5x128x64xf32, #tpu.memory_space<vmem>> -> memref<1x128x64xf32, #tpu.memory_space<vmem>>
      %dma_wait3A_250 = tpu.memref_squeeze %dma_wait3A_249 : memref<1x128x64xf32, #tpu.memory_space<vmem>> -> memref<128x64xf32, #tpu.memory_space<vmem>>
      %dma_wait3A_251 = arith.constant 0 : i32
      %dma_wait3A_252 = tpu.memref_slice %arg7[%add3A_223, %dma_wait3A_251] : memref<160x128xi32, #tpu.memory_space<vmem>> -> memref<1x128xi32, #tpu.memory_space<vmem>>
      %dma_wait3A_253 = tpu.memref_squeeze %dma_wait3A_252 : memref<1x128xi32, #tpu.memory_space<vmem>> -> memref<128xi32, #tpu.memory_space<vmem>>
      %dma_wait3A_254 = arith.constant 0 : i32
      %dma_wait3A_255 = arith.constant 0 : i32
      %dma_wait3A_256 = tpu.memref_slice %arg9[%dma_wait3A_254, %dma_wait3A_255] : memref<10240x64xf32, #tpu.memory_space<vmem_shared>> -> memref<10240x64xf32, #tpu.memory_space<vmem_shared>>
      tpu.wait_indirect_dma semaphore(%arg15 : memref<!tpu.dma_semaphore, #tpu.memory_space<semaphore_mem>>) src(%dma_wait3A_250 : memref<128x64xf32, #tpu.memory_space<vmem>>) dst(%dma_wait3A_256 : memref<10240x64xf32, #tpu.memory_space<vmem_shared>>)
      %add3A_257 = arith.constant 5 : i32
      %add3A_258 = arith.addi %add3A_223, %add3A_257 : i32
      %sub3A_259 = arith.constant 1 : i32
      %sub3A_260 = arith.subi %add3A_258, %sub3A_259 : i32
      %lt3A_261 = arith.constant 160 : i32
      %lt3A_262 = arith.cmpi slt, %sub3A_260, %lt3A_261 : i32
      %convert_element_type3A_263 = arith.extui %lt3A_262 : i1 to i32
      %cond3A_264 = arith.constant 0 : i32
      %cond3A_265 = arith.cmpi ne, %convert_element_type3A_263, %cond3A_264 : i32
      scf.if %cond3A_265 {
        %add3A_312 = arith.constant 5 : i32
        %add3A_313 = arith.addi %add3A_223, %add3A_312 : i32
        %sub3A_314 = arith.constant 1 : i32
        %sub3A_315 = arith.subi %add3A_313, %sub3A_314 : i32
        %dma_start3A_316 = arith.constant 2 : i32
        %dma_start3A_317 = arith.constant 0 : i32
        %dma_start3A_318 = arith.constant 0 : i32
        %dma_start3A_319 = tpu.memref_slice %arg8[%dma_start3A_316, %dma_start3A_317, %dma_start3A_318] : memref<5x128x64xf32, #tpu.memory_space<vmem>> -> memref<1x128x64xf32, #tpu.memory_space<vmem>>
        %dma_start3A_320 = tpu.memref_squeeze %dma_start3A_319 : memref<1x128x64xf32, #tpu.memory_space<vmem>> -> memref<128x64xf32, #tpu.memory_space<vmem>>
        %dma_start3A_321 = arith.constant 0 : i32
        %dma_start3A_322 = tpu.memref_slice %arg6[%sub3A_315, %dma_start3A_321] : memref<160x128xi32, #tpu.memory_space<vmem>> -> memref<1x128xi32, #tpu.memory_space<vmem>>
        %dma_start3A_323 = tpu.memref_squeeze %dma_start3A_322 : memref<1x128xi32, #tpu.memory_space<vmem>> -> memref<128xi32, #tpu.memory_space<vmem>>
        %dma_start3A_324 = arith.constant 0 : i32
        %dma_start3A_325 = arith.constant 0 : i32
        %dma_start3A_326 = tpu.memref_slice %arg2[%dma_start3A_324, %dma_start3A_325] : memref<20000x64xf32, #tpu.memory_space<hbm>> -> memref<20000x64xf32, #tpu.memory_space<hbm>>
        tpu.enqueue_indirect_dma source(%dma_start3A_326 : memref<20000x64xf32, #tpu.memory_space<hbm>>) target(%dma_start3A_320 : memref<128x64xf32, #tpu.memory_space<vmem>>) offsets(%dma_start3A_323 : memref<128xi32, #tpu.memory_space<vmem>>) semaphore(%arg12 : memref<!tpu.dma_semaphore, #tpu.memory_space<semaphore_mem>>)
      } else {
      }
      %mul3A_266 = arith.constant 5 : i32
      %mul3A_267 = arith.muli %scan3A_86, %mul3A_266 : i32
      %add3A_268 = arith.constant 4 : i32
      %add3A_269 = arith.addi %mul3A_267, %add3A_268 : i32
      %dma_wait3A_270 = arith.constant 4 : i32
      %dma_wait3A_271 = arith.constant 0 : i32
      %dma_wait3A_272 = arith.constant 0 : i32
      %dma_wait3A_273 = tpu.memref_slice %arg8[%dma_wait3A_270, %dma_wait3A_271, %dma_wait3A_272] : memref<5x128x64xf32, #tpu.memory_space<vmem>> -> memref<1x128x64xf32, #tpu.memory_space<vmem>>
      %dma_wait3A_274 = tpu.memref_squeeze %dma_wait3A_273 : memref<1x128x64xf32, #tpu.memory_space<vmem>> -> memref<128x64xf32, #tpu.memory_space<vmem>>
      %dma_wait3A_275 = arith.constant 0 : i32
      %dma_wait3A_276 = tpu.memref_slice %arg6[%add3A_269, %dma_wait3A_275] : memref<160x128xi32, #tpu.memory_space<vmem>> -> memref<1x128xi32, #tpu.memory_space<vmem>>
      %dma_wait3A_277 = tpu.memref_squeeze %dma_wait3A_276 : memref<1x128xi32, #tpu.memory_space<vmem>> -> memref<128xi32, #tpu.memory_space<vmem>>
      %dma_wait3A_278 = arith.constant 0 : i32
      %dma_wait3A_279 = arith.constant 0 : i32
      %dma_wait3A_280 = tpu.memref_slice %arg2[%dma_wait3A_278, %dma_wait3A_279] : memref<20000x64xf32, #tpu.memory_space<hbm>> -> memref<20000x64xf32, #tpu.memory_space<hbm>>
      tpu.wait_indirect_dma semaphore(%arg14 : memref<!tpu.dma_semaphore, #tpu.memory_space<semaphore_mem>>) src(%dma_wait3A_280 : memref<20000x64xf32, #tpu.memory_space<hbm>>) dst(%dma_wait3A_274 : memref<128x64xf32, #tpu.memory_space<vmem>>)
      %dma_start3A_281 = arith.constant 4 : i32
      %dma_start3A_282 = arith.constant 0 : i32
      %dma_start3A_283 = arith.constant 0 : i32
      %dma_start3A_284 = tpu.memref_slice %arg8[%dma_start3A_281, %dma_start3A_282, %dma_start3A_283] : memref<5x128x64xf32, #tpu.memory_space<vmem>> -> memref<1x128x64xf32, #tpu.memory_space<vmem>>
      %dma_start3A_285 = tpu.memref_squeeze %dma_start3A_284 : memref<1x128x64xf32, #tpu.memory_space<vmem>> -> memref<128x64xf32, #tpu.memory_space<vmem>>
      %dma_start3A_286 = arith.constant 0 : i32
      %dma_start3A_287 = tpu.memref_slice %arg7[%add3A_269, %dma_start3A_286] : memref<160x128xi32, #tpu.memory_space<vmem>> -> memref<1x128xi32, #tpu.memory_space<vmem>>
      %dma_start3A_288 = tpu.memref_squeeze %dma_start3A_287 : memref<1x128xi32, #tpu.memory_space<vmem>> -> memref<128xi32, #tpu.memory_space<vmem>>
      %dma_start3A_289 = arith.constant 0 : i32
      %dma_start3A_290 = arith.constant 0 : i32
      %dma_start3A_291 = tpu.memref_slice %arg9[%dma_start3A_289, %dma_start3A_290] : memref<10240x64xf32, #tpu.memory_space<vmem_shared>> -> memref<10240x64xf32, #tpu.memory_space<vmem_shared>>
      tpu.enqueue_indirect_dma source(%dma_start3A_285 : memref<128x64xf32, #tpu.memory_space<vmem>>) target(%dma_start3A_291 : memref<10240x64xf32, #tpu.memory_space<vmem_shared>>) offsets(%dma_start3A_288 : memref<128xi32, #tpu.memory_space<vmem>>) semaphore(%arg15 : memref<!tpu.dma_semaphore, #tpu.memory_space<semaphore_mem>>) {add = true}
      %dma_wait3A_292 = arith.constant 4 : i32
      %dma_wait3A_293 = arith.constant 0 : i32
      %dma_wait3A_294 = arith.constant 0 : i32
      %dma_wait3A_295 = tpu.memref_slice %arg8[%dma_wait3A_292, %dma_wait3A_293, %dma_wait3A_294] : memref<5x128x64xf32, #tpu.memory_space<vmem>> -> memref<1x128x64xf32, #tpu.memory_space<vmem>>
      %dma_wait3A_296 = tpu.memref_squeeze %dma_wait3A_295 : memref<1x128x64xf32, #tpu.memory_space<vmem>> -> memref<128x64xf32, #tpu.memory_space<vmem>>
      %dma_wait3A_297 = arith.constant 0 : i32
      %dma_wait3A_298 = tpu.memref_slice %arg7[%add3A_269, %dma_wait3A_297] : memref<160x128xi32, #tpu.memory_space<vmem>> -> memref<1x128xi32, #tpu.memory_space<vmem>>
      %dma_wait3A_299 = tpu.memref_squeeze %dma_wait3A_298 : memref<1x128xi32, #tpu.memory_space<vmem>> -> memref<128xi32, #tpu.memory_space<vmem>>
      %dma_wait3A_300 = arith.constant 0 : i32
      %dma_wait3A_301 = arith.constant 0 : i32
      %dma_wait3A_302 = tpu.memref_slice %arg9[%dma_wait3A_300, %dma_wait3A_301] : memref<10240x64xf32, #tpu.memory_space<vmem_shared>> -> memref<10240x64xf32, #tpu.memory_space<vmem_shared>>
      tpu.wait_indirect_dma semaphore(%arg15 : memref<!tpu.dma_semaphore, #tpu.memory_space<semaphore_mem>>) src(%dma_wait3A_296 : memref<128x64xf32, #tpu.memory_space<vmem>>) dst(%dma_wait3A_302 : memref<10240x64xf32, #tpu.memory_space<vmem_shared>>)
      %add3A_303 = arith.constant 5 : i32
      %add3A_304 = arith.addi %add3A_269, %add3A_303 : i32
      %sub3A_305 = arith.constant 1 : i32
      %sub3A_306 = arith.subi %add3A_304, %sub3A_305 : i32
      %lt3A_307 = arith.constant 160 : i32
      %lt3A_308 = arith.cmpi slt, %sub3A_306, %lt3A_307 : i32
      %convert_element_type3A_309 = arith.extui %lt3A_308 : i1 to i32
      %cond3A_310 = arith.constant 0 : i32
      %cond3A_311 = arith.cmpi ne, %convert_element_type3A_309, %cond3A_310 : i32
      scf.if %cond3A_311 {
        %add3A_312 = arith.constant 5 : i32
        %add3A_313 = arith.addi %add3A_269, %add3A_312 : i32
        %sub3A_314 = arith.constant 1 : i32
        %sub3A_315 = arith.subi %add3A_313, %sub3A_314 : i32
        %dma_start3A_316 = arith.constant 3 : i32
        %dma_start3A_317 = arith.constant 0 : i32
        %dma_start3A_318 = arith.constant 0 : i32
        %dma_start3A_319 = tpu.memref_slice %arg8[%dma_start3A_316, %dma_start3A_317, %dma_start3A_318] : memref<5x128x64xf32, #tpu.memory_space<vmem>> -> memref<1x128x64xf32, #tpu.memory_space<vmem>>
        %dma_start3A_320 = tpu.memref_squeeze %dma_start3A_319 : memref<1x128x64xf32, #tpu.memory_space<vmem>> -> memref<128x64xf32, #tpu.memory_space<vmem>>
        %dma_start3A_321 = arith.constant 0 : i32
        %dma_start3A_322 = tpu.memref_slice %arg6[%sub3A_315, %dma_start3A_321] : memref<160x128xi32, #tpu.memory_space<vmem>> -> memref<1x128xi32, #tpu.memory_space<vmem>>
        %dma_start3A_323 = tpu.memref_squeeze %dma_start3A_322 : memref<1x128xi32, #tpu.memory_space<vmem>> -> memref<128xi32, #tpu.memory_space<vmem>>
        %dma_start3A_324 = arith.constant 0 : i32
        %dma_start3A_325 = arith.constant 0 : i32
        %dma_start3A_326 = tpu.memref_slice %arg2[%dma_start3A_324, %dma_start3A_325] : memref<20000x64xf32, #tpu.memory_space<hbm>> -> memref<20000x64xf32, #tpu.memory_space<hbm>>
        tpu.enqueue_indirect_dma source(%dma_start3A_326 : memref<20000x64xf32, #tpu.memory_space<hbm>>) target(%dma_start3A_320 : memref<128x64xf32, #tpu.memory_space<vmem>>) offsets(%dma_start3A_323 : memref<128xi32, #tpu.memory_space<vmem>>) semaphore(%arg13 : memref<!tpu.dma_semaphore, #tpu.memory_space<semaphore_mem>>)
      } else {
      }
    }
    %scan3A_80 = arith.constant 32 : i32
    %barrier3A_81 = arith.constant 0 : index
    tpu.barrier barrier_id(%barrier3A_81)
    %mul3A_82 = arith.constant 640 : i32
    %mul3A_83 = arith.muli %arg1, %mul3A_82 : i32
    %mul3A_84 = arith.constant 640 : i32
    %mul3A_85 = arith.muli %arg1, %mul3A_84 : i32
    "tpu.region"() ({
      %run_scoped3A_86 = tpu.sem_alloc : memref<!tpu.dma_semaphore, #tpu.memory_space<semaphore_mem>>
      %dma_start3A_87 = arith.constant 0 : i32
      %dma_start3A_88 = tpu.memref_slice %arg5[%arg0, %mul3A_85, %dma_start3A_87] : memref<2x10240x64xf32, #tpu.memory_space<hbm>> -> memref<1x640x64xf32, #tpu.memory_space<hbm>>
      %dma_start3A_89 = tpu.memref_squeeze %dma_start3A_88 : memref<1x640x64xf32, #tpu.memory_space<hbm>> -> memref<640x64xf32, #tpu.memory_space<hbm>>
      %dma_start3A_90 = arith.constant 0 : i32
      %dma_start3A_91 = tpu.memref_slice %arg9[%mul3A_83, %dma_start3A_90] : memref<10240x64xf32, #tpu.memory_space<vmem_shared>> -> memref<640x64xf32, #tpu.memory_space<vmem_shared>>
      tpu.enqueue_dma source(%dma_start3A_91 : memref<640x64xf32, #tpu.memory_space<vmem_shared>>) target(%dma_start3A_89 : memref<640x64xf32, #tpu.memory_space<hbm>>) target_semaphore(%run_scoped3A_86 : memref<!tpu.dma_semaphore, #tpu.memory_space<semaphore_mem>>)
      %dma_wait3A = arith.constant 0 : i32
      %dma_wait3A_92 = tpu.memref_slice %arg5[%arg0, %mul3A_85, %dma_wait3A] : memref<2x10240x64xf32, #tpu.memory_space<hbm>> -> memref<1x640x64xf32, #tpu.memory_space<hbm>>
      %dma_wait3A_93 = tpu.memref_squeeze %dma_wait3A_92 : memref<1x640x64xf32, #tpu.memory_space<hbm>> -> memref<640x64xf32, #tpu.memory_space<hbm>>
      %dma_wait3A_94 = arith.constant 0 : i32
      %dma_wait3A_95 = tpu.memref_slice %arg9[%mul3A_83, %dma_wait3A_94] : memref<10240x64xf32, #tpu.memory_space<vmem_shared>> -> memref<640x64xf32, #tpu.memory_space<vmem_shared>>
      tpu.wait_dma2 semaphore(%run_scoped3A_86 : memref<!tpu.dma_semaphore, #tpu.memory_space<semaphore_mem>>) src(%dma_wait3A_95 : memref<640x64xf32, #tpu.memory_space<vmem_shared>>) dst(%dma_wait3A_93 : memref<640x64xf32, #tpu.memory_space<hbm>>)
      tpu.yield
    }) : () -> ()
    return
  }
}

#map = affine_map<(d0, d1) -> (0, 0)>
#map1 = affine_map<(d0, d1) -> (0, 0, 0, 0)>
#map2 = affine_map<(d0, d1) -> (0, 0, 0)>
module attributes {stable_mosaic.version = 14 : i64} {
  func.func @_agg(%arg0: i32, %arg1: i32, %arg2: memref<20000x64xf32, #tpu.memory_space<hbm>>, %arg3: memref<2x16x160x128xi32, #tpu.memory_space<hbm>>, %arg4: memref<16x160x128xi32, #tpu.memory_space<hbm>>, %arg5: memref<2x10240x64xf32, #tpu.memory_space<hbm>>, %arg6: memref<160x128xi32, #tpu.memory_space<vmem>>, %arg7: memref<160x128xi32, #tpu.memory_space<vmem>>, %arg8: memref<5x128x64xf32, #tpu.memory_space<vmem>>, %arg9: memref<10240x64xf32, #tpu.memory_space<vmem_shared>>, %arg10: memref<!tpu.dma_semaphore, #tpu.memory_space<semaphore_mem>>, %arg11: memref<!tpu.dma_semaphore, #tpu.memory_space<semaphore_mem>>, %arg12: memref<!tpu.dma_semaphore, #tpu.memory_space<semaphore_mem>>, %arg13: memref<!tpu.dma_semaphore, #tpu.memory_space<semaphore_mem>>, %arg14: memref<!tpu.dma_semaphore, #tpu.memory_space<semaphore_mem>>, %arg15: memref<!tpu.dma_semaphore, #tpu.memory_space<semaphore_mem>>) attributes {dimension_semantics = [#tpu.dimension_semantics<core_parallel>, #tpu.dimension_semantics<subcore_parallel>], iteration_bounds = array<i64: 2, 16>, scalar_prefetch = 0 : i64, scratch_operands = 10 : i64, tpu.core_type = #tpu.core_type<sc_vector_subcore>, window_params = [{transform_indices = #map}, {transform_indices = #map1}, {transform_indices = #map2}, {transform_indices = #map2}]} {
    %broadcast_in_dim3A = arith.constant 0.000000e+00 : f32
    %broadcast_in_dim3A_0 = vector.broadcast %broadcast_in_dim3A : f32 to vector<16xf32>
    %scan3A = arith.constant 0 : i32
    %scan3A_1 = arith.constant 0 : i32
    %scan3A_2 = arith.constant 128 : i32
    %scan3A_3 = arith.addi %scan3A_1, %scan3A_2 : i32
    %scan3A_4 = arith.constant 1 : i32
    scf.for %scan3A_86 = %scan3A_1 to %scan3A_3 step %scan3A_4  : i32 {
      %swap3A = arith.constant 0 : i32
      %swap3A_87 = arith.index_cast %swap3A : i32 to index
      %swap3A_88 = arith.index_cast %scan3A_86 : i32 to index
      %swap3A_89 = arith.constant 0 : index
      %swap3A_90 = tpu.vector_load %arg8[%swap3A_87, %swap3A_88, %swap3A_89] {strides = array<i32>} : memref<5x128x64xf32, #tpu.memory_space<vmem>>, vector<1x1x16xf32>,
      %swap3A_91 = vector.shape_cast %swap3A_90 : vector<1x1x16xf32> to vector<16xf32>
      %swap3A_92 = vector.shape_cast %broadcast_in_dim3A_0 : vector<16xf32> to vector<1x1x16xf32>
      tpu.vector_store %arg8[%swap3A_87, %swap3A_88, %swap3A_89], %swap3A_92 {strides = array<i32>} : memref<5x128x64xf32, #tpu.memory_space<vmem>>, vector<1x1x16xf32>,
      %swap3A_93 = arith.constant 0 : i32
      %swap3A_94 = arith.index_cast %swap3A_93 : i32 to index
      %swap3A_95 = arith.index_cast %scan3A_86 : i32 to index
      %swap3A_96 = arith.constant 16 : index
      %swap3A_97 = tpu.vector_load %arg8[%swap3A_94, %swap3A_95, %swap3A_96] {strides = array<i32>} : memref<5x128x64xf32, #tpu.memory_space<vmem>>, vector<1x1x16xf32>,
      %swap3A_98 = vector.shape_cast %swap3A_97 : vector<1x1x16xf32> to vector<16xf32>
      %swap3A_99 = vector.shape_cast %broadcast_in_dim3A_0 : vector<16xf32> to vector<1x1x16xf32>
      tpu.vector_store %arg8[%swap3A_94, %swap3A_95, %swap3A_96], %swap3A_99 {strides = array<i32>} : memref<5x128x64xf32, #tpu.memory_space<vmem>>, vector<1x1x16xf32>,
      %swap3A_100 = arith.constant 0 : i32
      %swap3A_101 = arith.index_cast %swap3A_100 : i32 to index
      %swap3A_102 = arith.index_cast %scan3A_86 : i32 to index
      %swap3A_103 = arith.constant 32 : index
      %swap3A_104 = tpu.vector_load %arg8[%swap3A_101, %swap3A_102, %swap3A_103] {strides = array<i32>} : memref<5x128x64xf32, #tpu.memory_space<vmem>>, vector<1x1x16xf32>,
      %swap3A_105 = vector.shape_cast %swap3A_104 : vector<1x1x16xf32> to vector<16xf32>
      %swap3A_106 = vector.shape_cast %broadcast_in_dim3A_0 : vector<16xf32> to vector<1x1x16xf32>
      tpu.vector_store %arg8[%swap3A_101, %swap3A_102, %swap3A_103], %swap3A_106 {strides = array<i32>} : memref<5x128x64xf32, #tpu.memory_space<vmem>>, vector<1x1x16xf32>,
      %swap3A_107 = arith.constant 0 : i32
      %swap3A_108 = arith.index_cast %swap3A_107 : i32 to index
      %swap3A_109 = arith.index_cast %scan3A_86 : i32 to index
      %swap3A_110 = arith.constant 48 : index
      %swap3A_111 = tpu.vector_load %arg8[%swap3A_108, %swap3A_109, %swap3A_110] {strides = array<i32>} : memref<5x128x64xf32, #tpu.memory_space<vmem>>, vector<1x1x16xf32>,
      %swap3A_112 = vector.shape_cast %swap3A_111 : vector<1x1x16xf32> to vector<16xf32>
      %swap3A_113 = vector.shape_cast %broadcast_in_dim3A_0 : vector<16xf32> to vector<1x1x16xf32>
      tpu.vector_store %arg8[%swap3A_108, %swap3A_109, %swap3A_110], %swap3A_113 {strides = array<i32>} : memref<5x128x64xf32, #tpu.memory_space<vmem>>, vector<1x1x16xf32>,
    }
    %scan3A_5 = arith.constant 128 : i32
    %mul3A = arith.constant 640 : i32
    %mul3A_6 = arith.muli %arg1, %mul3A : i32
    %add3A = arith.constant 0 : i32
    %add3A_7 = arith.addi %mul3A_6, %add3A : i32
    %run_scoped3A = arith.constant 0 : i32
    "tpu.region"() ({
      %run_scoped3A_86 = tpu.sem_alloc : memref<!tpu.dma_semaphore, #tpu.memory_space<semaphore_mem>>
      %dma_start3A_87 = arith.constant 0 : i32
      %dma_start3A_88 = arith.constant 0 : i32
      %dma_start3A_89 = tpu.memref_slice %arg8[%run_scoped3A, %dma_start3A_87, %dma_start3A_88] : memref<5x128x64xf32, #tpu.memory_space<vmem>> -> memref<1x128x64xf32, #tpu.memory_space<vmem>>
      %dma_start3A_90 = tpu.memref_squeeze %dma_start3A_89 : memref<1x128x64xf32, #tpu.memory_space<vmem>> -> memref<128x64xf32, #tpu.memory_space<vmem>>
      %dma_start3A_91 = arith.constant 0 : i32
      %dma_start3A_92 = tpu.memref_slice %arg9[%add3A_7, %dma_start3A_91] : memref<10240x64xf32, #tpu.memory_space<vmem_shared>> -> memref<128x64xf32, #tpu.memory_space<vmem_shared>>
      %dma_start3A_93 = arith.constant 0 : i32
      %dma_start3A_94 = tpu.memref_slice %arg9[%add3A_7, %dma_start3A_93] : memref<10240x64xf32, #tpu.memory_space<vmem_shared>> -> memref<128x64xf32, #tpu.memory_space<vmem_shared>>
      %dma_start3A_95 = arith.constant 0 : i32
      %dma_start3A_96 = arith.constant 0 : i32
      %dma_start3A_97 = tpu.memref_slice %arg8[%run_scoped3A, %dma_start3A_95, %dma_start3A_96] : memref<5x128x64xf32, #tpu.memory_space<vmem>> -> memref<1x128x64xf32, #tpu.memory_space<vmem>>
      %dma_start3A_98 = tpu.memref_squeeze %dma_start3A_97 : memref<1x128x64xf32, #tpu.memory_space<vmem>> -> memref<128x64xf32, #tpu.memory_space<vmem>>
      tpu.enqueue_dma source(%dma_start3A_98 : memref<128x64xf32, #tpu.memory_space<vmem>>) target(%dma_start3A_94 : memref<128x64xf32, #tpu.memory_space<vmem_shared>>) target_semaphore(%run_scoped3A_86 : memref<!tpu.dma_semaphore, #tpu.memory_space<semaphore_mem>>)
      %dma_wait3A = arith.constant 0 : i32
      %dma_wait3A_99 = arith.constant 0 : i32
      %dma_wait3A_100 = tpu.memref_slice %arg8[%run_scoped3A, %dma_wait3A, %dma_wait3A_99] : memref<5x128x64xf32, #tpu.memory_space<vmem>> -> memref<1x128x64xf32, #tpu.memory_space<vmem>>
      %dma_wait3A_101 = tpu.memref_squeeze %dma_wait3A_100 : memref<1x128x64xf32, #tpu.memory_space<vmem>> -> memref<128x64xf32, #tpu.memory_space<vmem>>
      %dma_wait3A_102 = arith.constant 0 : i32
      %dma_wait3A_103 = tpu.memref_slice %arg9[%add3A_7, %dma_wait3A_102] : memref<10240x64xf32, #tpu.memory_space<vmem_shared>> -> memref<128x64xf32, #tpu.memory_space<vmem_shared>>
      %dma_wait3A_104 = arith.constant 0 : i32
      %dma_wait3A_105 = tpu.memref_slice %arg9[%add3A_7, %dma_wait3A_104] : memref<10240x64xf32, #tpu.memory_space<vmem_shared>> -> memref<128x64xf32, #tpu.memory_space<vmem_shared>>
      %dma_wait3A_106 = arith.constant 0 : i32
      %dma_wait3A_107 = arith.constant 0 : i32
      %dma_wait3A_108 = tpu.memref_slice %arg8[%run_scoped3A, %dma_wait3A_106, %dma_wait3A_107] : memref<5x128x64xf32, #tpu.memory_space<vmem>> -> memref<1x128x64xf32, #tpu.memory_space<vmem>>
      %dma_wait3A_109 = tpu.memref_squeeze %dma_wait3A_108 : memref<1x128x64xf32, #tpu.memory_space<vmem>> -> memref<128x64xf32, #tpu.memory_space<vmem>>
      tpu.wait_dma2 semaphore(%run_scoped3A_86 : memref<!tpu.dma_semaphore, #tpu.memory_space<semaphore_mem>>) src(%dma_wait3A_109 : memref<128x64xf32, #tpu.memory_space<vmem>>) dst(%dma_wait3A_105 : memref<128x64xf32, #tpu.memory_space<vmem_shared>>)
      tpu.yield
    }) : () -> ()
    %mul3A_8 = arith.constant 640 : i32
    %mul3A_9 = arith.muli %arg1, %mul3A_8 : i32
    %add3A_10 = arith.constant 128 : i32
    %add3A_11 = arith.addi %mul3A_9, %add3A_10 : i32
    %run_scoped3A_12 = arith.constant 0 : i32
    "tpu.region"() ({
      %run_scoped3A_86 = tpu.sem_alloc : memref<!tpu.dma_semaphore, #tpu.memory_space<semaphore_mem>>
      %dma_start3A_87 = arith.constant 0 : i32
      %dma_start3A_88 = arith.constant 0 : i32
      %dma_start3A_89 = tpu.memref_slice %arg8[%run_scoped3A_12, %dma_start3A_87, %dma_start3A_88] : memref<5x128x64xf32, #tpu.memory_space<vmem>> -> memref<1x128x64xf32, #tpu.memory_space<vmem>>
      %dma_start3A_90 = tpu.memref_squeeze %dma_start3A_89 : memref<1x128x64xf32, #tpu.memory_space<vmem>> -> memref<128x64xf32, #tpu.memory_space<vmem>>
      %dma_start3A_91 = arith.constant 0 : i32
      %dma_start3A_92 = tpu.memref_slice %arg9[%add3A_11, %dma_start3A_91] : memref<10240x64xf32, #tpu.memory_space<vmem_shared>> -> memref<128x64xf32, #tpu.memory_space<vmem_shared>>
      %dma_start3A_93 = arith.constant 0 : i32
      %dma_start3A_94 = tpu.memref_slice %arg9[%add3A_11, %dma_start3A_93] : memref<10240x64xf32, #tpu.memory_space<vmem_shared>> -> memref<128x64xf32, #tpu.memory_space<vmem_shared>>
      %dma_start3A_95 = arith.constant 0 : i32
      %dma_start3A_96 = arith.constant 0 : i32
      %dma_start3A_97 = tpu.memref_slice %arg8[%run_scoped3A_12, %dma_start3A_95, %dma_start3A_96] : memref<5x128x64xf32, #tpu.memory_space<vmem>> -> memref<1x128x64xf32, #tpu.memory_space<vmem>>
      %dma_start3A_98 = tpu.memref_squeeze %dma_start3A_97 : memref<1x128x64xf32, #tpu.memory_space<vmem>> -> memref<128x64xf32, #tpu.memory_space<vmem>>
      tpu.enqueue_dma source(%dma_start3A_98 : memref<128x64xf32, #tpu.memory_space<vmem>>) target(%dma_start3A_94 : memref<128x64xf32, #tpu.memory_space<vmem_shared>>) target_semaphore(%run_scoped3A_86 : memref<!tpu.dma_semaphore, #tpu.memory_space<semaphore_mem>>)
      %dma_wait3A = arith.constant 0 : i32
      %dma_wait3A_99 = arith.constant 0 : i32
      %dma_wait3A_100 = tpu.memref_slice %arg8[%run_scoped3A_12, %dma_wait3A, %dma_wait3A_99] : memref<5x128x64xf32, #tpu.memory_space<vmem>> -> memref<1x128x64xf32, #tpu.memory_space<vmem>>
      %dma_wait3A_101 = tpu.memref_squeeze %dma_wait3A_100 : memref<1x128x64xf32, #tpu.memory_space<vmem>> -> memref<128x64xf32, #tpu.memory_space<vmem>>
      %dma_wait3A_102 = arith.constant 0 : i32
      %dma_wait3A_103 = tpu.memref_slice %arg9[%add3A_11, %dma_wait3A_102] : memref<10240x64xf32, #tpu.memory_space<vmem_shared>> -> memref<128x64xf32, #tpu.memory_space<vmem_shared>>
      %dma_wait3A_104 = arith.constant 0 : i32
      %dma_wait3A_105 = tpu.memref_slice %arg9[%add3A_11, %dma_wait3A_104] : memref<10240x64xf32, #tpu.memory_space<vmem_shared>> -> memref<128x64xf32, #tpu.memory_space<vmem_shared>>
      %dma_wait3A_106 = arith.constant 0 : i32
      %dma_wait3A_107 = arith.constant 0 : i32
      %dma_wait3A_108 = tpu.memref_slice %arg8[%run_scoped3A_12, %dma_wait3A_106, %dma_wait3A_107] : memref<5x128x64xf32, #tpu.memory_space<vmem>> -> memref<1x128x64xf32, #tpu.memory_space<vmem>>
      %dma_wait3A_109 = tpu.memref_squeeze %dma_wait3A_108 : memref<1x128x64xf32, #tpu.memory_space<vmem>> -> memref<128x64xf32, #tpu.memory_space<vmem>>
      tpu.wait_dma2 semaphore(%run_scoped3A_86 : memref<!tpu.dma_semaphore, #tpu.memory_space<semaphore_mem>>) src(%dma_wait3A_109 : memref<128x64xf32, #tpu.memory_space<vmem>>) dst(%dma_wait3A_105 : memref<128x64xf32, #tpu.memory_space<vmem_shared>>)
      tpu.yield
    }) : () -> ()
    %mul3A_13 = arith.constant 640 : i32
    %mul3A_14 = arith.muli %arg1, %mul3A_13 : i32
    %add3A_15 = arith.constant 256 : i32
    %add3A_16 = arith.addi %mul3A_14, %add3A_15 : i32
    %run_scoped3A_17 = arith.constant 0 : i32
    "tpu.region"() ({
      %run_scoped3A_86 = tpu.sem_alloc : memref<!tpu.dma_semaphore, #tpu.memory_space<semaphore_mem>>
      %dma_start3A_87 = arith.constant 0 : i32
      %dma_start3A_88 = arith.constant 0 : i32
      %dma_start3A_89 = tpu.memref_slice %arg8[%run_scoped3A_17, %dma_start3A_87, %dma_start3A_88] : memref<5x128x64xf32, #tpu.memory_space<vmem>> -> memref<1x128x64xf32, #tpu.memory_space<vmem>>
      %dma_start3A_90 = tpu.memref_squeeze %dma_start3A_89 : memref<1x128x64xf32, #tpu.memory_space<vmem>> -> memref<128x64xf32, #tpu.memory_space<vmem>>
      %dma_start3A_91 = arith.constant 0 : i32
      %dma_start3A_92 = tpu.memref_slice %arg9[%add3A_16, %dma_start3A_91] : memref<10240x64xf32, #tpu.memory_space<vmem_shared>> -> memref<128x64xf32, #tpu.memory_space<vmem_shared>>
      %dma_start3A_93 = arith.constant 0 : i32
      %dma_start3A_94 = tpu.memref_slice %arg9[%add3A_16, %dma_start3A_93] : memref<10240x64xf32, #tpu.memory_space<vmem_shared>> -> memref<128x64xf32, #tpu.memory_space<vmem_shared>>
      %dma_start3A_95 = arith.constant 0 : i32
      %dma_start3A_96 = arith.constant 0 : i32
      %dma_start3A_97 = tpu.memref_slice %arg8[%run_scoped3A_17, %dma_start3A_95, %dma_start3A_96] : memref<5x128x64xf32, #tpu.memory_space<vmem>> -> memref<1x128x64xf32, #tpu.memory_space<vmem>>
      %dma_start3A_98 = tpu.memref_squeeze %dma_start3A_97 : memref<1x128x64xf32, #tpu.memory_space<vmem>> -> memref<128x64xf32, #tpu.memory_space<vmem>>
      tpu.enqueue_dma source(%dma_start3A_98 : memref<128x64xf32, #tpu.memory_space<vmem>>) target(%dma_start3A_94 : memref<128x64xf32, #tpu.memory_space<vmem_shared>>) target_semaphore(%run_scoped3A_86 : memref<!tpu.dma_semaphore, #tpu.memory_space<semaphore_mem>>)
      %dma_wait3A = arith.constant 0 : i32
      %dma_wait3A_99 = arith.constant 0 : i32
      %dma_wait3A_100 = tpu.memref_slice %arg8[%run_scoped3A_17, %dma_wait3A, %dma_wait3A_99] : memref<5x128x64xf32, #tpu.memory_space<vmem>> -> memref<1x128x64xf32, #tpu.memory_space<vmem>>
      %dma_wait3A_101 = tpu.memref_squeeze %dma_wait3A_100 : memref<1x128x64xf32, #tpu.memory_space<vmem>> -> memref<128x64xf32, #tpu.memory_space<vmem>>
      %dma_wait3A_102 = arith.constant 0 : i32
      %dma_wait3A_103 = tpu.memref_slice %arg9[%add3A_16, %dma_wait3A_102] : memref<10240x64xf32, #tpu.memory_space<vmem_shared>> -> memref<128x64xf32, #tpu.memory_space<vmem_shared>>
      %dma_wait3A_104 = arith.constant 0 : i32
      %dma_wait3A_105 = tpu.memref_slice %arg9[%add3A_16, %dma_wait3A_104] : memref<10240x64xf32, #tpu.memory_space<vmem_shared>> -> memref<128x64xf32, #tpu.memory_space<vmem_shared>>
      %dma_wait3A_106 = arith.constant 0 : i32
      %dma_wait3A_107 = arith.constant 0 : i32
      %dma_wait3A_108 = tpu.memref_slice %arg8[%run_scoped3A_17, %dma_wait3A_106, %dma_wait3A_107] : memref<5x128x64xf32, #tpu.memory_space<vmem>> -> memref<1x128x64xf32, #tpu.memory_space<vmem>>
      %dma_wait3A_109 = tpu.memref_squeeze %dma_wait3A_108 : memref<1x128x64xf32, #tpu.memory_space<vmem>> -> memref<128x64xf32, #tpu.memory_space<vmem>>
      tpu.wait_dma2 semaphore(%run_scoped3A_86 : memref<!tpu.dma_semaphore, #tpu.memory_space<semaphore_mem>>) src(%dma_wait3A_109 : memref<128x64xf32, #tpu.memory_space<vmem>>) dst(%dma_wait3A_105 : memref<128x64xf32, #tpu.memory_space<vmem_shared>>)
      tpu.yield
    }) : () -> ()
    %mul3A_18 = arith.constant 640 : i32
    %mul3A_19 = arith.muli %arg1, %mul3A_18 : i32
    %add3A_20 = arith.constant 384 : i32
    %add3A_21 = arith.addi %mul3A_19, %add3A_20 : i32
    %run_scoped3A_22 = arith.constant 0 : i32
    "tpu.region"() ({
      %run_scoped3A_86 = tpu.sem_alloc : memref<!tpu.dma_semaphore, #tpu.memory_space<semaphore_mem>>
      %dma_start3A_87 = arith.constant 0 : i32
      %dma_start3A_88 = arith.constant 0 : i32
      %dma_start3A_89 = tpu.memref_slice %arg8[%run_scoped3A_22, %dma_start3A_87, %dma_start3A_88] : memref<5x128x64xf32, #tpu.memory_space<vmem>> -> memref<1x128x64xf32, #tpu.memory_space<vmem>>
      %dma_start3A_90 = tpu.memref_squeeze %dma_start3A_89 : memref<1x128x64xf32, #tpu.memory_space<vmem>> -> memref<128x64xf32, #tpu.memory_space<vmem>>
      %dma_start3A_91 = arith.constant 0 : i32
      %dma_start3A_92 = tpu.memref_slice %arg9[%add3A_21, %dma_start3A_91] : memref<10240x64xf32, #tpu.memory_space<vmem_shared>> -> memref<128x64xf32, #tpu.memory_space<vmem_shared>>
      %dma_start3A_93 = arith.constant 0 : i32
      %dma_start3A_94 = tpu.memref_slice %arg9[%add3A_21, %dma_start3A_93] : memref<10240x64xf32, #tpu.memory_space<vmem_shared>> -> memref<128x64xf32, #tpu.memory_space<vmem_shared>>
      %dma_start3A_95 = arith.constant 0 : i32
      %dma_start3A_96 = arith.constant 0 : i32
      %dma_start3A_97 = tpu.memref_slice %arg8[%run_scoped3A_22, %dma_start3A_95, %dma_start3A_96] : memref<5x128x64xf32, #tpu.memory_space<vmem>> -> memref<1x128x64xf32, #tpu.memory_space<vmem>>
      %dma_start3A_98 = tpu.memref_squeeze %dma_start3A_97 : memref<1x128x64xf32, #tpu.memory_space<vmem>> -> memref<128x64xf32, #tpu.memory_space<vmem>>
      tpu.enqueue_dma source(%dma_start3A_98 : memref<128x64xf32, #tpu.memory_space<vmem>>) target(%dma_start3A_94 : memref<128x64xf32, #tpu.memory_space<vmem_shared>>) target_semaphore(%run_scoped3A_86 : memref<!tpu.dma_semaphore, #tpu.memory_space<semaphore_mem>>)
      %dma_wait3A = arith.constant 0 : i32
      %dma_wait3A_99 = arith.constant 0 : i32
      %dma_wait3A_100 = tpu.memref_slice %arg8[%run_scoped3A_22, %dma_wait3A, %dma_wait3A_99] : memref<5x128x64xf32, #tpu.memory_space<vmem>> -> memref<1x128x64xf32, #tpu.memory_space<vmem>>
      %dma_wait3A_101 = tpu.memref_squeeze %dma_wait3A_100 : memref<1x128x64xf32, #tpu.memory_space<vmem>> -> memref<128x64xf32, #tpu.memory_space<vmem>>
      %dma_wait3A_102 = arith.constant 0 : i32
      %dma_wait3A_103 = tpu.memref_slice %arg9[%add3A_21, %dma_wait3A_102] : memref<10240x64xf32, #tpu.memory_space<vmem_shared>> -> memref<128x64xf32, #tpu.memory_space<vmem_shared>>
      %dma_wait3A_104 = arith.constant 0 : i32
      %dma_wait3A_105 = tpu.memref_slice %arg9[%add3A_21, %dma_wait3A_104] : memref<10240x64xf32, #tpu.memory_space<vmem_shared>> -> memref<128x64xf32, #tpu.memory_space<vmem_shared>>
      %dma_wait3A_106 = arith.constant 0 : i32
      %dma_wait3A_107 = arith.constant 0 : i32
      %dma_wait3A_108 = tpu.memref_slice %arg8[%run_scoped3A_22, %dma_wait3A_106, %dma_wait3A_107] : memref<5x128x64xf32, #tpu.memory_space<vmem>> -> memref<1x128x64xf32, #tpu.memory_space<vmem>>
      %dma_wait3A_109 = tpu.memref_squeeze %dma_wait3A_108 : memref<1x128x64xf32, #tpu.memory_space<vmem>> -> memref<128x64xf32, #tpu.memory_space<vmem>>
      tpu.wait_dma2 semaphore(%run_scoped3A_86 : memref<!tpu.dma_semaphore, #tpu.memory_space<semaphore_mem>>) src(%dma_wait3A_109 : memref<128x64xf32, #tpu.memory_space<vmem>>) dst(%dma_wait3A_105 : memref<128x64xf32, #tpu.memory_space<vmem_shared>>)
      tpu.yield
    }) : () -> ()
    %mul3A_23 = arith.constant 640 : i32
    %mul3A_24 = arith.muli %arg1, %mul3A_23 : i32
    %add3A_25 = arith.constant 512 : i32
    %add3A_26 = arith.addi %mul3A_24, %add3A_25 : i32
    %run_scoped3A_27 = arith.constant 0 : i32
    "tpu.region"() ({
      %run_scoped3A_86 = tpu.sem_alloc : memref<!tpu.dma_semaphore, #tpu.memory_space<semaphore_mem>>
      %dma_start3A_87 = arith.constant 0 : i32
      %dma_start3A_88 = arith.constant 0 : i32
      %dma_start3A_89 = tpu.memref_slice %arg8[%run_scoped3A_27, %dma_start3A_87, %dma_start3A_88] : memref<5x128x64xf32, #tpu.memory_space<vmem>> -> memref<1x128x64xf32, #tpu.memory_space<vmem>>
      %dma_start3A_90 = tpu.memref_squeeze %dma_start3A_89 : memref<1x128x64xf32, #tpu.memory_space<vmem>> -> memref<128x64xf32, #tpu.memory_space<vmem>>
      %dma_start3A_91 = arith.constant 0 : i32
      %dma_start3A_92 = tpu.memref_slice %arg9[%add3A_26, %dma_start3A_91] : memref<10240x64xf32, #tpu.memory_space<vmem_shared>> -> memref<128x64xf32, #tpu.memory_space<vmem_shared>>
      %dma_start3A_93 = arith.constant 0 : i32
      %dma_start3A_94 = tpu.memref_slice %arg9[%add3A_26, %dma_start3A_93] : memref<10240x64xf32, #tpu.memory_space<vmem_shared>> -> memref<128x64xf32, #tpu.memory_space<vmem_shared>>
      %dma_start3A_95 = arith.constant 0 : i32
      %dma_start3A_96 = arith.constant 0 : i32
      %dma_start3A_97 = tpu.memref_slice %arg8[%run_scoped3A_27, %dma_start3A_95, %dma_start3A_96] : memref<5x128x64xf32, #tpu.memory_space<vmem>> -> memref<1x128x64xf32, #tpu.memory_space<vmem>>
      %dma_start3A_98 = tpu.memref_squeeze %dma_start3A_97 : memref<1x128x64xf32, #tpu.memory_space<vmem>> -> memref<128x64xf32, #tpu.memory_space<vmem>>
      tpu.enqueue_dma source(%dma_start3A_98 : memref<128x64xf32, #tpu.memory_space<vmem>>) target(%dma_start3A_94 : memref<128x64xf32, #tpu.memory_space<vmem_shared>>) target_semaphore(%run_scoped3A_86 : memref<!tpu.dma_semaphore, #tpu.memory_space<semaphore_mem>>)
      %dma_wait3A = arith.constant 0 : i32
      %dma_wait3A_99 = arith.constant 0 : i32
      %dma_wait3A_100 = tpu.memref_slice %arg8[%run_scoped3A_27, %dma_wait3A, %dma_wait3A_99] : memref<5x128x64xf32, #tpu.memory_space<vmem>> -> memref<1x128x64xf32, #tpu.memory_space<vmem>>
      %dma_wait3A_101 = tpu.memref_squeeze %dma_wait3A_100 : memref<1x128x64xf32, #tpu.memory_space<vmem>> -> memref<128x64xf32, #tpu.memory_space<vmem>>
      %dma_wait3A_102 = arith.constant 0 : i32
      %dma_wait3A_103 = tpu.memref_slice %arg9[%add3A_26, %dma_wait3A_102] : memref<10240x64xf32, #tpu.memory_space<vmem_shared>> -> memref<128x64xf32, #tpu.memory_space<vmem_shared>>
      %dma_wait3A_104 = arith.constant 0 : i32
      %dma_wait3A_105 = tpu.memref_slice %arg9[%add3A_26, %dma_wait3A_104] : memref<10240x64xf32, #tpu.memory_space<vmem_shared>> -> memref<128x64xf32, #tpu.memory_space<vmem_shared>>
      %dma_wait3A_106 = arith.constant 0 : i32
      %dma_wait3A_107 = arith.constant 0 : i32
      %dma_wait3A_108 = tpu.memref_slice %arg8[%run_scoped3A_27, %dma_wait3A_106, %dma_wait3A_107] : memref<5x128x64xf32, #tpu.memory_space<vmem>> -> memref<1x128x64xf32, #tpu.memory_space<vmem>>
      %dma_wait3A_109 = tpu.memref_squeeze %dma_wait3A_108 : memref<1x128x64xf32, #tpu.memory_space<vmem>> -> memref<128x64xf32, #tpu.memory_space<vmem>>
      tpu.wait_dma2 semaphore(%run_scoped3A_86 : memref<!tpu.dma_semaphore, #tpu.memory_space<semaphore_mem>>) src(%dma_wait3A_109 : memref<128x64xf32, #tpu.memory_space<vmem>>) dst(%dma_wait3A_105 : memref<128x64xf32, #tpu.memory_space<vmem_shared>>)
      tpu.yield
    }) : () -> ()
    "tpu.region"() ({
      %run_scoped3A_86 = tpu.sem_alloc : memref<!tpu.dma_semaphore, #tpu.memory_space<semaphore_mem>>
      %dma_start3A_87 = arith.constant 0 : i32
      %dma_start3A_88 = arith.constant 0 : i32
      %dma_start3A_89 = tpu.memref_slice %arg3[%arg0, %arg1, %dma_start3A_87, %dma_start3A_88] : memref<2x16x160x128xi32, #tpu.memory_space<hbm>> -> memref<1x1x160x128xi32, #tpu.memory_space<hbm>>
      %dma_start3A_90 = tpu.memref_squeeze %dma_start3A_89 : memref<1x1x160x128xi32, #tpu.memory_space<hbm>> -> memref<160x128xi32, #tpu.memory_space<hbm>>
      %dma_start3A_91 = arith.constant 0 : i32
      %dma_start3A_92 = arith.constant 0 : i32
      %dma_start3A_93 = tpu.memref_slice %arg3[%arg0, %arg1, %dma_start3A_91, %dma_start3A_92] : memref<2x16x160x128xi32, #tpu.memory_space<hbm>> -> memref<1x1x160x128xi32, #tpu.memory_space<hbm>>
      %dma_start3A_94 = tpu.memref_squeeze %dma_start3A_93 : memref<1x1x160x128xi32, #tpu.memory_space<hbm>> -> memref<160x128xi32, #tpu.memory_space<hbm>>
      tpu.enqueue_dma source(%dma_start3A_94 : memref<160x128xi32, #tpu.memory_space<hbm>>) target(%arg6 : memref<160x128xi32, #tpu.memory_space<vmem>>) target_semaphore(%run_scoped3A_86 : memref<!tpu.dma_semaphore, #tpu.memory_space<semaphore_mem>>)
      %dma_wait3A = arith.constant 0 : i32
      %dma_wait3A_95 = arith.constant 0 : i32
      %dma_wait3A_96 = tpu.memref_slice %arg3[%arg0, %arg1, %dma_wait3A, %dma_wait3A_95] : memref<2x16x160x128xi32, #tpu.memory_space<hbm>> -> memref<1x1x160x128xi32, #tpu.memory_space<hbm>>
      %dma_wait3A_97 = tpu.memref_squeeze %dma_wait3A_96 : memref<1x1x160x128xi32, #tpu.memory_space<hbm>> -> memref<160x128xi32, #tpu.memory_space<hbm>>
      %dma_wait3A_98 = arith.constant 0 : i32
      %dma_wait3A_99 = arith.constant 0 : i32
      %dma_wait3A_100 = tpu.memref_slice %arg3[%arg0, %arg1, %dma_wait3A_98, %dma_wait3A_99] : memref<2x16x160x128xi32, #tpu.memory_space<hbm>> -> memref<1x1x160x128xi32, #tpu.memory_space<hbm>>
      %dma_wait3A_101 = tpu.memref_squeeze %dma_wait3A_100 : memref<1x1x160x128xi32, #tpu.memory_space<hbm>> -> memref<160x128xi32, #tpu.memory_space<hbm>>
      tpu.wait_dma2 semaphore(%run_scoped3A_86 : memref<!tpu.dma_semaphore, #tpu.memory_space<semaphore_mem>>) src(%dma_wait3A_101 : memref<160x128xi32, #tpu.memory_space<hbm>>) dst(%arg6 : memref<160x128xi32, #tpu.memory_space<vmem>>)
      tpu.yield
    }) : () -> ()
    "tpu.region"() ({
      %run_scoped3A_86 = tpu.sem_alloc : memref<!tpu.dma_semaphore, #tpu.memory_space<semaphore_mem>>
      %dma_start3A_87 = arith.constant 0 : i32
      %dma_start3A_88 = arith.constant 0 : i32
      %dma_start3A_89 = tpu.memref_slice %arg4[%arg1, %dma_start3A_87, %dma_start3A_88] : memref<16x160x128xi32, #tpu.memory_space<hbm>> -> memref<1x160x128xi32, #tpu.memory_space<hbm>>
      %dma_start3A_90 = tpu.memref_squeeze %dma_start3A_89 : memref<1x160x128xi32, #tpu.memory_space<hbm>> -> memref<160x128xi32, #tpu.memory_space<hbm>>
      %dma_start3A_91 = arith.constant 0 : i32
      %dma_start3A_92 = arith.constant 0 : i32
      %dma_start3A_93 = tpu.memref_slice %arg4[%arg1, %dma_start3A_91, %dma_start3A_92] : memref<16x160x128xi32, #tpu.memory_space<hbm>> -> memref<1x160x128xi32, #tpu.memory_space<hbm>>
      %dma_start3A_94 = tpu.memref_squeeze %dma_start3A_93 : memref<1x160x128xi32, #tpu.memory_space<hbm>> -> memref<160x128xi32, #tpu.memory_space<hbm>>
      tpu.enqueue_dma source(%dma_start3A_94 : memref<160x128xi32, #tpu.memory_space<hbm>>) target(%arg7 : memref<160x128xi32, #tpu.memory_space<vmem>>) target_semaphore(%run_scoped3A_86 : memref<!tpu.dma_semaphore, #tpu.memory_space<semaphore_mem>>)
      %dma_wait3A = arith.constant 0 : i32
      %dma_wait3A_95 = arith.constant 0 : i32
      %dma_wait3A_96 = tpu.memref_slice %arg4[%arg1, %dma_wait3A, %dma_wait3A_95] : memref<16x160x128xi32, #tpu.memory_space<hbm>> -> memref<1x160x128xi32, #tpu.memory_space<hbm>>
      %dma_wait3A_97 = tpu.memref_squeeze %dma_wait3A_96 : memref<1x160x128xi32, #tpu.memory_space<hbm>> -> memref<160x128xi32, #tpu.memory_space<hbm>>
      %dma_wait3A_98 = arith.constant 0 : i32
      %dma_wait3A_99 = arith.constant 0 : i32
      %dma_wait3A_100 = tpu.memref_slice %arg4[%arg1, %dma_wait3A_98, %dma_wait3A_99] : memref<16x160x128xi32, #tpu.memory_space<hbm>> -> memref<1x160x128xi32, #tpu.memory_space<hbm>>
      %dma_wait3A_101 = tpu.memref_squeeze %dma_wait3A_100 : memref<1x160x128xi32, #tpu.memory_space<hbm>> -> memref<160x128xi32, #tpu.memory_space<hbm>>
      tpu.wait_dma2 semaphore(%run_scoped3A_86 : memref<!tpu.dma_semaphore, #tpu.memory_space<semaphore_mem>>) src(%dma_wait3A_101 : memref<160x128xi32, #tpu.memory_space<hbm>>) dst(%arg7 : memref<160x128xi32, #tpu.memory_space<vmem>>)
      tpu.yield
    }) : () -> ()
    %barrier3A = arith.constant 0 : index
    tpu.barrier barrier_id(%barrier3A)
    %dma_start3A = arith.constant 0 : i32
    %dma_start3A_28 = arith.constant 0 : i32
    %dma_start3A_29 = arith.constant 0 : i32
    %dma_start3A_30 = arith.constant 0 : i32
    %dma_start3A_31 = tpu.memref_slice %arg8[%dma_start3A_28, %dma_start3A_29, %dma_start3A_30] : memref<5x128x64xf32, #tpu.memory_space<vmem>> -> memref<1x128x64xf32, #tpu.memory_space<vmem>>
    %dma_start3A_32 = tpu.memref_squeeze %dma_start3A_31 : memref<1x128x64xf32, #tpu.memory_space<vmem>> -> memref<128x64xf32, #tpu.memory_space<vmem>>
    %dma_start3A_33 = arith.constant 0 : i32
    %dma_start3A_34 = tpu.memref_slice %arg6[%dma_start3A, %dma_start3A_33] : memref<160x128xi32, #tpu.memory_space<vmem>> -> memref<1x128xi32, #tpu.memory_space<vmem>>
    %dma_start3A_35 = tpu.memref_squeeze %dma_start3A_34 : memref<1x128xi32, #tpu.memory_space<vmem>> -> memref<128xi32, #tpu.memory_space<vmem>>
    %dma_start3A_36 = arith.constant 0 : i32
    %dma_start3A_37 = arith.constant 0 : i32
    %dma_start3A_38 = tpu.memref_slice %arg2[%dma_start3A_36, %dma_start3A_37] : memref<20000x64xf32, #tpu.memory_space<hbm>> -> memref<20000x64xf32, #tpu.memory_space<hbm>>
    tpu.enqueue_indirect_dma source(%dma_start3A_38 : memref<20000x64xf32, #tpu.memory_space<hbm>>) target(%dma_start3A_32 : memref<128x64xf32, #tpu.memory_space<vmem>>) offsets(%dma_start3A_35 : memref<128xi32, #tpu.memory_space<vmem>>) semaphore(%arg10 : memref<!tpu.dma_semaphore, #tpu.memory_space<semaphore_mem>>)
    %dma_start3A_39 = arith.constant 1 : i32
    %dma_start3A_40 = arith.constant 1 : i32
    %dma_start3A_41 = arith.constant 0 : i32
    %dma_start3A_42 = arith.constant 0 : i32
    %dma_start3A_43 = tpu.memref_slice %arg8[%dma_start3A_40, %dma_start3A_41, %dma_start3A_42] : memref<5x128x64xf32, #tpu.memory_space<vmem>> -> memref<1x128x64xf32, #tpu.memory_space<vmem>>
    %dma_start3A_44 = tpu.memref_squeeze %dma_start3A_43 : memref<1x128x64xf32, #tpu.memory_space<vmem>> -> memref<128x64xf32, #tpu.memory_space<vmem>>
    %dma_start3A_45 = arith.constant 0 : i32
    %dma_start3A_46 = tpu.memref_slice %arg6[%dma_start3A_39, %dma_start3A_45] : memref<160x128xi32, #tpu.memory_space<vmem>> -> memref<1x128xi32, #tpu.memory_space<vmem>>
    %dma_start3A_47 = tpu.memref_squeeze %dma_start3A_46 : memref<1x128xi32, #tpu.memory_space<vmem>> -> memref<128xi32, #tpu.memory_space<vmem>>
    %dma_start3A_48 = arith.constant 0 : i32
    %dma_start3A_49 = arith.constant 0 : i32
    %dma_start3A_50 = tpu.memref_slice %arg2[%dma_start3A_48, %dma_start3A_49] : memref<20000x64xf32, #tpu.memory_space<hbm>> -> memref<20000x64xf32, #tpu.memory_space<hbm>>
    tpu.enqueue_indirect_dma source(%dma_start3A_50 : memref<20000x64xf32, #tpu.memory_space<hbm>>) target(%dma_start3A_44 : memref<128x64xf32, #tpu.memory_space<vmem>>) offsets(%dma_start3A_47 : memref<128xi32, #tpu.memory_space<vmem>>) semaphore(%arg11 : memref<!tpu.dma_semaphore, #tpu.memory_space<semaphore_mem>>)
    %dma_start3A_51 = arith.constant 2 : i32
    %dma_start3A_52 = arith.constant 2 : i32
    %dma_start3A_53 = arith.constant 0 : i32
    %dma_start3A_54 = arith.constant 0 : i32
    %dma_start3A_55 = tpu.memref_slice %arg8[%dma_start3A_52, %dma_start3A_53, %dma_start3A_54] : memref<5x128x64xf32, #tpu.memory_space<vmem>> -> memref<1x128x64xf32, #tpu.memory_space<vmem>>
    %dma_start3A_56 = tpu.memref_squeeze %dma_start3A_55 : memref<1x128x64xf32, #tpu.memory_space<vmem>> -> memref<128x64xf32, #tpu.memory_space<vmem>>
    %dma_start3A_57 = arith.constant 0 : i32
    %dma_start3A_58 = tpu.memref_slice %arg6[%dma_start3A_51, %dma_start3A_57] : memref<160x128xi32, #tpu.memory_space<vmem>> -> memref<1x128xi32, #tpu.memory_space<vmem>>
    %dma_start3A_59 = tpu.memref_squeeze %dma_start3A_58 : memref<1x128xi32, #tpu.memory_space<vmem>> -> memref<128xi32, #tpu.memory_space<vmem>>
    %dma_start3A_60 = arith.constant 0 : i32
    %dma_start3A_61 = arith.constant 0 : i32
    %dma_start3A_62 = tpu.memref_slice %arg2[%dma_start3A_60, %dma_start3A_61] : memref<20000x64xf32, #tpu.memory_space<hbm>> -> memref<20000x64xf32, #tpu.memory_space<hbm>>
    tpu.enqueue_indirect_dma source(%dma_start3A_62 : memref<20000x64xf32, #tpu.memory_space<hbm>>) target(%dma_start3A_56 : memref<128x64xf32, #tpu.memory_space<vmem>>) offsets(%dma_start3A_59 : memref<128xi32, #tpu.memory_space<vmem>>) semaphore(%arg12 : memref<!tpu.dma_semaphore, #tpu.memory_space<semaphore_mem>>)
    %dma_start3A_63 = arith.constant 3 : i32
    %dma_start3A_64 = arith.constant 3 : i32
    %dma_start3A_65 = arith.constant 0 : i32
    %dma_start3A_66 = arith.constant 0 : i32
    %dma_start3A_67 = tpu.memref_slice %arg8[%dma_start3A_64, %dma_start3A_65, %dma_start3A_66] : memref<5x128x64xf32, #tpu.memory_space<vmem>> -> memref<1x128x64xf32, #tpu.memory_space<vmem>>
    %dma_start3A_68 = tpu.memref_squeeze %dma_start3A_67 : memref<1x128x64xf32, #tpu.memory_space<vmem>> -> memref<128x64xf32, #tpu.memory_space<vmem>>
    %dma_start3A_69 = arith.constant 0 : i32
    %dma_start3A_70 = tpu.memref_slice %arg6[%dma_start3A_63, %dma_start3A_69] : memref<160x128xi32, #tpu.memory_space<vmem>> -> memref<1x128xi32, #tpu.memory_space<vmem>>
    %dma_start3A_71 = tpu.memref_squeeze %dma_start3A_70 : memref<1x128xi32, #tpu.memory_space<vmem>> -> memref<128xi32, #tpu.memory_space<vmem>>
    %dma_start3A_72 = arith.constant 0 : i32
    %dma_start3A_73 = arith.constant 0 : i32
    %dma_start3A_74 = tpu.memref_slice %arg2[%dma_start3A_72, %dma_start3A_73] : memref<20000x64xf32, #tpu.memory_space<hbm>> -> memref<20000x64xf32, #tpu.memory_space<hbm>>
    tpu.enqueue_indirect_dma source(%dma_start3A_74 : memref<20000x64xf32, #tpu.memory_space<hbm>>) target(%dma_start3A_68 : memref<128x64xf32, #tpu.memory_space<vmem>>) offsets(%dma_start3A_71 : memref<128xi32, #tpu.memory_space<vmem>>) semaphore(%arg13 : memref<!tpu.dma_semaphore, #tpu.memory_space<semaphore_mem>>)
    %scan3A_75 = arith.constant 0 : i32
    %scan3A_76 = arith.constant 0 : i32
    %scan3A_77 = arith.constant 32 : i32
    %scan3A_78 = arith.addi %scan3A_76, %scan3A_77 : i32
    %scan3A_79 = arith.constant 1 : i32
    scf.for %scan3A_86 = %scan3A_76 to %scan3A_78 step %scan3A_79  : i32 {
      %mul3A_87 = arith.constant 5 : i32
      %mul3A_88 = arith.muli %scan3A_86, %mul3A_87 : i32
      %add3A_89 = arith.constant 0 : i32
      %add3A_90 = arith.addi %mul3A_88, %add3A_89 : i32
      %dma_wait3A = arith.constant 0 : i32
      %dma_wait3A_91 = arith.constant 0 : i32
      %dma_wait3A_92 = arith.constant 0 : i32
      %dma_wait3A_93 = tpu.memref_slice %arg8[%dma_wait3A, %dma_wait3A_91, %dma_wait3A_92] : memref<5x128x64xf32, #tpu.memory_space<vmem>> -> memref<1x128x64xf32, #tpu.memory_space<vmem>>
      %dma_wait3A_94 = tpu.memref_squeeze %dma_wait3A_93 : memref<1x128x64xf32, #tpu.memory_space<vmem>> -> memref<128x64xf32, #tpu.memory_space<vmem>>
      %dma_wait3A_95 = arith.constant 0 : i32
      %dma_wait3A_96 = tpu.memref_slice %arg6[%add3A_90, %dma_wait3A_95] : memref<160x128xi32, #tpu.memory_space<vmem>> -> memref<1x128xi32, #tpu.memory_space<vmem>>
      %dma_wait3A_97 = tpu.memref_squeeze %dma_wait3A_96 : memref<1x128xi32, #tpu.memory_space<vmem>> -> memref<128xi32, #tpu.memory_space<vmem>>
      %dma_wait3A_98 = arith.constant 0 : i32
      %dma_wait3A_99 = arith.constant 0 : i32
      %dma_wait3A_100 = tpu.memref_slice %arg2[%dma_wait3A_98, %dma_wait3A_99] : memref<20000x64xf32, #tpu.memory_space<hbm>> -> memref<20000x64xf32, #tpu.memory_space<hbm>>
      tpu.wait_indirect_dma semaphore(%arg10 : memref<!tpu.dma_semaphore, #tpu.memory_space<semaphore_mem>>) src(%dma_wait3A_100 : memref<20000x64xf32, #tpu.memory_space<hbm>>) dst(%dma_wait3A_94 : memref<128x64xf32, #tpu.memory_space<vmem>>)
      %dma_start3A_101 = arith.constant 0 : i32
      %dma_start3A_102 = arith.constant 0 : i32
      %dma_start3A_103 = arith.constant 0 : i32
      %dma_start3A_104 = tpu.memref_slice %arg8[%dma_start3A_101, %dma_start3A_102, %dma_start3A_103] : memref<5x128x64xf32, #tpu.memory_space<vmem>> -> memref<1x128x64xf32, #tpu.memory_space<vmem>>
      %dma_start3A_105 = tpu.memref_squeeze %dma_start3A_104 : memref<1x128x64xf32, #tpu.memory_space<vmem>> -> memref<128x64xf32, #tpu.memory_space<vmem>>
      %dma_start3A_106 = arith.constant 0 : i32
      %dma_start3A_107 = tpu.memref_slice %arg7[%add3A_90, %dma_start3A_106] : memref<160x128xi32, #tpu.memory_space<vmem>> -> memref<1x128xi32, #tpu.memory_space<vmem>>
      %dma_start3A_108 = tpu.memref_squeeze %dma_start3A_107 : memref<1x128xi32, #tpu.memory_space<vmem>> -> memref<128xi32, #tpu.memory_space<vmem>>
      %dma_start3A_109 = arith.constant 0 : i32
      %dma_start3A_110 = arith.constant 0 : i32
      %dma_start3A_111 = tpu.memref_slice %arg9[%dma_start3A_109, %dma_start3A_110] : memref<10240x64xf32, #tpu.memory_space<vmem_shared>> -> memref<10240x64xf32, #tpu.memory_space<vmem_shared>>
      tpu.enqueue_indirect_dma source(%dma_start3A_105 : memref<128x64xf32, #tpu.memory_space<vmem>>) target(%dma_start3A_111 : memref<10240x64xf32, #tpu.memory_space<vmem_shared>>) offsets(%dma_start3A_108 : memref<128xi32, #tpu.memory_space<vmem>>) semaphore(%arg15 : memref<!tpu.dma_semaphore, #tpu.memory_space<semaphore_mem>>) {add = true}
      %dma_wait3A_112 = arith.constant 0 : i32
      %dma_wait3A_113 = arith.constant 0 : i32
      %dma_wait3A_114 = arith.constant 0 : i32
      %dma_wait3A_115 = tpu.memref_slice %arg8[%dma_wait3A_112, %dma_wait3A_113, %dma_wait3A_114] : memref<5x128x64xf32, #tpu.memory_space<vmem>> -> memref<1x128x64xf32, #tpu.memory_space<vmem>>
      %dma_wait3A_116 = tpu.memref_squeeze %dma_wait3A_115 : memref<1x128x64xf32, #tpu.memory_space<vmem>> -> memref<128x64xf32, #tpu.memory_space<vmem>>
      %dma_wait3A_117 = arith.constant 0 : i32
      %dma_wait3A_118 = tpu.memref_slice %arg7[%add3A_90, %dma_wait3A_117] : memref<160x128xi32, #tpu.memory_space<vmem>> -> memref<1x128xi32, #tpu.memory_space<vmem>>
      %dma_wait3A_119 = tpu.memref_squeeze %dma_wait3A_118 : memref<1x128xi32, #tpu.memory_space<vmem>> -> memref<128xi32, #tpu.memory_space<vmem>>
      %dma_wait3A_120 = arith.constant 0 : i32
      %dma_wait3A_121 = arith.constant 0 : i32
      %dma_wait3A_122 = tpu.memref_slice %arg9[%dma_wait3A_120, %dma_wait3A_121] : memref<10240x64xf32, #tpu.memory_space<vmem_shared>> -> memref<10240x64xf32, #tpu.memory_space<vmem_shared>>
      tpu.wait_indirect_dma semaphore(%arg15 : memref<!tpu.dma_semaphore, #tpu.memory_space<semaphore_mem>>) src(%dma_wait3A_116 : memref<128x64xf32, #tpu.memory_space<vmem>>) dst(%dma_wait3A_122 : memref<10240x64xf32, #tpu.memory_space<vmem_shared>>)
      %add3A_123 = arith.constant 5 : i32
      %add3A_124 = arith.addi %add3A_90, %add3A_123 : i32
      %sub3A = arith.constant 1 : i32
      %sub3A_125 = arith.subi %add3A_124, %sub3A : i32
      %lt3A = arith.constant 160 : i32
      %lt3A_126 = arith.cmpi slt, %sub3A_125, %lt3A : i32
      %convert_element_type3A = arith.extui %lt3A_126 : i1 to i32
      %cond3A = arith.constant 0 : i32
      %cond3A_127 = arith.cmpi ne, %convert_element_type3A, %cond3A : i32
      scf.if %cond3A_127 {
        %add3A_312 = arith.constant 5 : i32
        %add3A_313 = arith.addi %add3A_90, %add3A_312 : i32
        %sub3A_314 = arith.constant 1 : i32
        %sub3A_315 = arith.subi %add3A_313, %sub3A_314 : i32
        %dma_start3A_316 = arith.constant 4 : i32
        %dma_start3A_317 = arith.constant 0 : i32
        %dma_start3A_318 = arith.constant 0 : i32
        %dma_start3A_319 = tpu.memref_slice %arg8[%dma_start3A_316, %dma_start3A_317, %dma_start3A_318] : memref<5x128x64xf32, #tpu.memory_space<vmem>> -> memref<1x128x64xf32, #tpu.memory_space<vmem>>
        %dma_start3A_320 = tpu.memref_squeeze %dma_start3A_319 : memref<1x128x64xf32, #tpu.memory_space<vmem>> -> memref<128x64xf32, #tpu.memory_space<vmem>>
        %dma_start3A_321 = arith.constant 0 : i32
        %dma_start3A_322 = tpu.memref_slice %arg6[%sub3A_315, %dma_start3A_321] : memref<160x128xi32, #tpu.memory_space<vmem>> -> memref<1x128xi32, #tpu.memory_space<vmem>>
        %dma_start3A_323 = tpu.memref_squeeze %dma_start3A_322 : memref<1x128xi32, #tpu.memory_space<vmem>> -> memref<128xi32, #tpu.memory_space<vmem>>
        %dma_start3A_324 = arith.constant 0 : i32
        %dma_start3A_325 = arith.constant 0 : i32
        %dma_start3A_326 = tpu.memref_slice %arg2[%dma_start3A_324, %dma_start3A_325] : memref<20000x64xf32, #tpu.memory_space<hbm>> -> memref<20000x64xf32, #tpu.memory_space<hbm>>
        tpu.enqueue_indirect_dma source(%dma_start3A_326 : memref<20000x64xf32, #tpu.memory_space<hbm>>) target(%dma_start3A_320 : memref<128x64xf32, #tpu.memory_space<vmem>>) offsets(%dma_start3A_323 : memref<128xi32, #tpu.memory_space<vmem>>) semaphore(%arg14 : memref<!tpu.dma_semaphore, #tpu.memory_space<semaphore_mem>>)
      } else {
      }
      %mul3A_128 = arith.constant 5 : i32
      %mul3A_129 = arith.muli %scan3A_86, %mul3A_128 : i32
      %add3A_130 = arith.constant 1 : i32
      %add3A_131 = arith.addi %mul3A_129, %add3A_130 : i32
      %dma_wait3A_132 = arith.constant 1 : i32
      %dma_wait3A_133 = arith.constant 0 : i32
      %dma_wait3A_134 = arith.constant 0 : i32
      %dma_wait3A_135 = tpu.memref_slice %arg8[%dma_wait3A_132, %dma_wait3A_133, %dma_wait3A_134] : memref<5x128x64xf32, #tpu.memory_space<vmem>> -> memref<1x128x64xf32, #tpu.memory_space<vmem>>
      %dma_wait3A_136 = tpu.memref_squeeze %dma_wait3A_135 : memref<1x128x64xf32, #tpu.memory_space<vmem>> -> memref<128x64xf32, #tpu.memory_space<vmem>>
      %dma_wait3A_137 = arith.constant 0 : i32
      %dma_wait3A_138 = tpu.memref_slice %arg6[%add3A_131, %dma_wait3A_137] : memref<160x128xi32, #tpu.memory_space<vmem>> -> memref<1x128xi32, #tpu.memory_space<vmem>>
      %dma_wait3A_139 = tpu.memref_squeeze %dma_wait3A_138 : memref<1x128xi32, #tpu.memory_space<vmem>> -> memref<128xi32, #tpu.memory_space<vmem>>
      %dma_wait3A_140 = arith.constant 0 : i32
      %dma_wait3A_141 = arith.constant 0 : i32
      %dma_wait3A_142 = tpu.memref_slice %arg2[%dma_wait3A_140, %dma_wait3A_141] : memref<20000x64xf32, #tpu.memory_space<hbm>> -> memref<20000x64xf32, #tpu.memory_space<hbm>>
      tpu.wait_indirect_dma semaphore(%arg11 : memref<!tpu.dma_semaphore, #tpu.memory_space<semaphore_mem>>) src(%dma_wait3A_142 : memref<20000x64xf32, #tpu.memory_space<hbm>>) dst(%dma_wait3A_136 : memref<128x64xf32, #tpu.memory_space<vmem>>)
      %dma_start3A_143 = arith.constant 1 : i32
      %dma_start3A_144 = arith.constant 0 : i32
      %dma_start3A_145 = arith.constant 0 : i32
      %dma_start3A_146 = tpu.memref_slice %arg8[%dma_start3A_143, %dma_start3A_144, %dma_start3A_145] : memref<5x128x64xf32, #tpu.memory_space<vmem>> -> memref<1x128x64xf32, #tpu.memory_space<vmem>>
      %dma_start3A_147 = tpu.memref_squeeze %dma_start3A_146 : memref<1x128x64xf32, #tpu.memory_space<vmem>> -> memref<128x64xf32, #tpu.memory_space<vmem>>
      %dma_start3A_148 = arith.constant 0 : i32
      %dma_start3A_149 = tpu.memref_slice %arg7[%add3A_131, %dma_start3A_148] : memref<160x128xi32, #tpu.memory_space<vmem>> -> memref<1x128xi32, #tpu.memory_space<vmem>>
      %dma_start3A_150 = tpu.memref_squeeze %dma_start3A_149 : memref<1x128xi32, #tpu.memory_space<vmem>> -> memref<128xi32, #tpu.memory_space<vmem>>
      %dma_start3A_151 = arith.constant 0 : i32
      %dma_start3A_152 = arith.constant 0 : i32
      %dma_start3A_153 = tpu.memref_slice %arg9[%dma_start3A_151, %dma_start3A_152] : memref<10240x64xf32, #tpu.memory_space<vmem_shared>> -> memref<10240x64xf32, #tpu.memory_space<vmem_shared>>
      tpu.enqueue_indirect_dma source(%dma_start3A_147 : memref<128x64xf32, #tpu.memory_space<vmem>>) target(%dma_start3A_153 : memref<10240x64xf32, #tpu.memory_space<vmem_shared>>) offsets(%dma_start3A_150 : memref<128xi32, #tpu.memory_space<vmem>>) semaphore(%arg15 : memref<!tpu.dma_semaphore, #tpu.memory_space<semaphore_mem>>) {add = true}
      %dma_wait3A_154 = arith.constant 1 : i32
      %dma_wait3A_155 = arith.constant 0 : i32
      %dma_wait3A_156 = arith.constant 0 : i32
      %dma_wait3A_157 = tpu.memref_slice %arg8[%dma_wait3A_154, %dma_wait3A_155, %dma_wait3A_156] : memref<5x128x64xf32, #tpu.memory_space<vmem>> -> memref<1x128x64xf32, #tpu.memory_space<vmem>>
      %dma_wait3A_158 = tpu.memref_squeeze %dma_wait3A_157 : memref<1x128x64xf32, #tpu.memory_space<vmem>> -> memref<128x64xf32, #tpu.memory_space<vmem>>
      %dma_wait3A_159 = arith.constant 0 : i32
      %dma_wait3A_160 = tpu.memref_slice %arg7[%add3A_131, %dma_wait3A_159] : memref<160x128xi32, #tpu.memory_space<vmem>> -> memref<1x128xi32, #tpu.memory_space<vmem>>
      %dma_wait3A_161 = tpu.memref_squeeze %dma_wait3A_160 : memref<1x128xi32, #tpu.memory_space<vmem>> -> memref<128xi32, #tpu.memory_space<vmem>>
      %dma_wait3A_162 = arith.constant 0 : i32
      %dma_wait3A_163 = arith.constant 0 : i32
      %dma_wait3A_164 = tpu.memref_slice %arg9[%dma_wait3A_162, %dma_wait3A_163] : memref<10240x64xf32, #tpu.memory_space<vmem_shared>> -> memref<10240x64xf32, #tpu.memory_space<vmem_shared>>
      tpu.wait_indirect_dma semaphore(%arg15 : memref<!tpu.dma_semaphore, #tpu.memory_space<semaphore_mem>>) src(%dma_wait3A_158 : memref<128x64xf32, #tpu.memory_space<vmem>>) dst(%dma_wait3A_164 : memref<10240x64xf32, #tpu.memory_space<vmem_shared>>)
      %add3A_165 = arith.constant 5 : i32
      %add3A_166 = arith.addi %add3A_131, %add3A_165 : i32
      %sub3A_167 = arith.constant 1 : i32
      %sub3A_168 = arith.subi %add3A_166, %sub3A_167 : i32
      %lt3A_169 = arith.constant 160 : i32
      %lt3A_170 = arith.cmpi slt, %sub3A_168, %lt3A_169 : i32
      %convert_element_type3A_171 = arith.extui %lt3A_170 : i1 to i32
      %cond3A_172 = arith.constant 0 : i32
      %cond3A_173 = arith.cmpi ne, %convert_element_type3A_171, %cond3A_172 : i32
      scf.if %cond3A_173 {
        %add3A_312 = arith.constant 5 : i32
        %add3A_313 = arith.addi %add3A_131, %add3A_312 : i32
        %sub3A_314 = arith.constant 1 : i32
        %sub3A_315 = arith.subi %add3A_313, %sub3A_314 : i32
        %dma_start3A_316 = arith.constant 0 : i32
        %dma_start3A_317 = arith.constant 0 : i32
        %dma_start3A_318 = arith.constant 0 : i32
        %dma_start3A_319 = tpu.memref_slice %arg8[%dma_start3A_316, %dma_start3A_317, %dma_start3A_318] : memref<5x128x64xf32, #tpu.memory_space<vmem>> -> memref<1x128x64xf32, #tpu.memory_space<vmem>>
        %dma_start3A_320 = tpu.memref_squeeze %dma_start3A_319 : memref<1x128x64xf32, #tpu.memory_space<vmem>> -> memref<128x64xf32, #tpu.memory_space<vmem>>
        %dma_start3A_321 = arith.constant 0 : i32
        %dma_start3A_322 = tpu.memref_slice %arg6[%sub3A_315, %dma_start3A_321] : memref<160x128xi32, #tpu.memory_space<vmem>> -> memref<1x128xi32, #tpu.memory_space<vmem>>
        %dma_start3A_323 = tpu.memref_squeeze %dma_start3A_322 : memref<1x128xi32, #tpu.memory_space<vmem>> -> memref<128xi32, #tpu.memory_space<vmem>>
        %dma_start3A_324 = arith.constant 0 : i32
        %dma_start3A_325 = arith.constant 0 : i32
        %dma_start3A_326 = tpu.memref_slice %arg2[%dma_start3A_324, %dma_start3A_325] : memref<20000x64xf32, #tpu.memory_space<hbm>> -> memref<20000x64xf32, #tpu.memory_space<hbm>>
        tpu.enqueue_indirect_dma source(%dma_start3A_326 : memref<20000x64xf32, #tpu.memory_space<hbm>>) target(%dma_start3A_320 : memref<128x64xf32, #tpu.memory_space<vmem>>) offsets(%dma_start3A_323 : memref<128xi32, #tpu.memory_space<vmem>>) semaphore(%arg10 : memref<!tpu.dma_semaphore, #tpu.memory_space<semaphore_mem>>)
      } else {
      }
      %mul3A_174 = arith.constant 5 : i32
      %mul3A_175 = arith.muli %scan3A_86, %mul3A_174 : i32
      %add3A_176 = arith.constant 2 : i32
      %add3A_177 = arith.addi %mul3A_175, %add3A_176 : i32
      %dma_wait3A_178 = arith.constant 2 : i32
      %dma_wait3A_179 = arith.constant 0 : i32
      %dma_wait3A_180 = arith.constant 0 : i32
      %dma_wait3A_181 = tpu.memref_slice %arg8[%dma_wait3A_178, %dma_wait3A_179, %dma_wait3A_180] : memref<5x128x64xf32, #tpu.memory_space<vmem>> -> memref<1x128x64xf32, #tpu.memory_space<vmem>>
      %dma_wait3A_182 = tpu.memref_squeeze %dma_wait3A_181 : memref<1x128x64xf32, #tpu.memory_space<vmem>> -> memref<128x64xf32, #tpu.memory_space<vmem>>
      %dma_wait3A_183 = arith.constant 0 : i32
      %dma_wait3A_184 = tpu.memref_slice %arg6[%add3A_177, %dma_wait3A_183] : memref<160x128xi32, #tpu.memory_space<vmem>> -> memref<1x128xi32, #tpu.memory_space<vmem>>
      %dma_wait3A_185 = tpu.memref_squeeze %dma_wait3A_184 : memref<1x128xi32, #tpu.memory_space<vmem>> -> memref<128xi32, #tpu.memory_space<vmem>>
      %dma_wait3A_186 = arith.constant 0 : i32
      %dma_wait3A_187 = arith.constant 0 : i32
      %dma_wait3A_188 = tpu.memref_slice %arg2[%dma_wait3A_186, %dma_wait3A_187] : memref<20000x64xf32, #tpu.memory_space<hbm>> -> memref<20000x64xf32, #tpu.memory_space<hbm>>
      tpu.wait_indirect_dma semaphore(%arg12 : memref<!tpu.dma_semaphore, #tpu.memory_space<semaphore_mem>>) src(%dma_wait3A_188 : memref<20000x64xf32, #tpu.memory_space<hbm>>) dst(%dma_wait3A_182 : memref<128x64xf32, #tpu.memory_space<vmem>>)
      %dma_start3A_189 = arith.constant 2 : i32
      %dma_start3A_190 = arith.constant 0 : i32
      %dma_start3A_191 = arith.constant 0 : i32
      %dma_start3A_192 = tpu.memref_slice %arg8[%dma_start3A_189, %dma_start3A_190, %dma_start3A_191] : memref<5x128x64xf32, #tpu.memory_space<vmem>> -> memref<1x128x64xf32, #tpu.memory_space<vmem>>
      %dma_start3A_193 = tpu.memref_squeeze %dma_start3A_192 : memref<1x128x64xf32, #tpu.memory_space<vmem>> -> memref<128x64xf32, #tpu.memory_space<vmem>>
      %dma_start3A_194 = arith.constant 0 : i32
      %dma_start3A_195 = tpu.memref_slice %arg7[%add3A_177, %dma_start3A_194] : memref<160x128xi32, #tpu.memory_space<vmem>> -> memref<1x128xi32, #tpu.memory_space<vmem>>
      %dma_start3A_196 = tpu.memref_squeeze %dma_start3A_195 : memref<1x128xi32, #tpu.memory_space<vmem>> -> memref<128xi32, #tpu.memory_space<vmem>>
      %dma_start3A_197 = arith.constant 0 : i32
      %dma_start3A_198 = arith.constant 0 : i32
      %dma_start3A_199 = tpu.memref_slice %arg9[%dma_start3A_197, %dma_start3A_198] : memref<10240x64xf32, #tpu.memory_space<vmem_shared>> -> memref<10240x64xf32, #tpu.memory_space<vmem_shared>>
      tpu.enqueue_indirect_dma source(%dma_start3A_193 : memref<128x64xf32, #tpu.memory_space<vmem>>) target(%dma_start3A_199 : memref<10240x64xf32, #tpu.memory_space<vmem_shared>>) offsets(%dma_start3A_196 : memref<128xi32, #tpu.memory_space<vmem>>) semaphore(%arg15 : memref<!tpu.dma_semaphore, #tpu.memory_space<semaphore_mem>>) {add = true}
      %dma_wait3A_200 = arith.constant 2 : i32
      %dma_wait3A_201 = arith.constant 0 : i32
      %dma_wait3A_202 = arith.constant 0 : i32
      %dma_wait3A_203 = tpu.memref_slice %arg8[%dma_wait3A_200, %dma_wait3A_201, %dma_wait3A_202] : memref<5x128x64xf32, #tpu.memory_space<vmem>> -> memref<1x128x64xf32, #tpu.memory_space<vmem>>
      %dma_wait3A_204 = tpu.memref_squeeze %dma_wait3A_203 : memref<1x128x64xf32, #tpu.memory_space<vmem>> -> memref<128x64xf32, #tpu.memory_space<vmem>>
      %dma_wait3A_205 = arith.constant 0 : i32
      %dma_wait3A_206 = tpu.memref_slice %arg7[%add3A_177, %dma_wait3A_205] : memref<160x128xi32, #tpu.memory_space<vmem>> -> memref<1x128xi32, #tpu.memory_space<vmem>>
      %dma_wait3A_207 = tpu.memref_squeeze %dma_wait3A_206 : memref<1x128xi32, #tpu.memory_space<vmem>> -> memref<128xi32, #tpu.memory_space<vmem>>
      %dma_wait3A_208 = arith.constant 0 : i32
      %dma_wait3A_209 = arith.constant 0 : i32
      %dma_wait3A_210 = tpu.memref_slice %arg9[%dma_wait3A_208, %dma_wait3A_209] : memref<10240x64xf32, #tpu.memory_space<vmem_shared>> -> memref<10240x64xf32, #tpu.memory_space<vmem_shared>>
      tpu.wait_indirect_dma semaphore(%arg15 : memref<!tpu.dma_semaphore, #tpu.memory_space<semaphore_mem>>) src(%dma_wait3A_204 : memref<128x64xf32, #tpu.memory_space<vmem>>) dst(%dma_wait3A_210 : memref<10240x64xf32, #tpu.memory_space<vmem_shared>>)
      %add3A_211 = arith.constant 5 : i32
      %add3A_212 = arith.addi %add3A_177, %add3A_211 : i32
      %sub3A_213 = arith.constant 1 : i32
      %sub3A_214 = arith.subi %add3A_212, %sub3A_213 : i32
      %lt3A_215 = arith.constant 160 : i32
      %lt3A_216 = arith.cmpi slt, %sub3A_214, %lt3A_215 : i32
      %convert_element_type3A_217 = arith.extui %lt3A_216 : i1 to i32
      %cond3A_218 = arith.constant 0 : i32
      %cond3A_219 = arith.cmpi ne, %convert_element_type3A_217, %cond3A_218 : i32
      scf.if %cond3A_219 {
        %add3A_312 = arith.constant 5 : i32
        %add3A_313 = arith.addi %add3A_177, %add3A_312 : i32
        %sub3A_314 = arith.constant 1 : i32
        %sub3A_315 = arith.subi %add3A_313, %sub3A_314 : i32
        %dma_start3A_316 = arith.constant 1 : i32
        %dma_start3A_317 = arith.constant 0 : i32
        %dma_start3A_318 = arith.constant 0 : i32
        %dma_start3A_319 = tpu.memref_slice %arg8[%dma_start3A_316, %dma_start3A_317, %dma_start3A_318] : memref<5x128x64xf32, #tpu.memory_space<vmem>> -> memref<1x128x64xf32, #tpu.memory_space<vmem>>
        %dma_start3A_320 = tpu.memref_squeeze %dma_start3A_319 : memref<1x128x64xf32, #tpu.memory_space<vmem>> -> memref<128x64xf32, #tpu.memory_space<vmem>>
        %dma_start3A_321 = arith.constant 0 : i32
        %dma_start3A_322 = tpu.memref_slice %arg6[%sub3A_315, %dma_start3A_321] : memref<160x128xi32, #tpu.memory_space<vmem>> -> memref<1x128xi32, #tpu.memory_space<vmem>>
        %dma_start3A_323 = tpu.memref_squeeze %dma_start3A_322 : memref<1x128xi32, #tpu.memory_space<vmem>> -> memref<128xi32, #tpu.memory_space<vmem>>
        %dma_start3A_324 = arith.constant 0 : i32
        %dma_start3A_325 = arith.constant 0 : i32
        %dma_start3A_326 = tpu.memref_slice %arg2[%dma_start3A_324, %dma_start3A_325] : memref<20000x64xf32, #tpu.memory_space<hbm>> -> memref<20000x64xf32, #tpu.memory_space<hbm>>
        tpu.enqueue_indirect_dma source(%dma_start3A_326 : memref<20000x64xf32, #tpu.memory_space<hbm>>) target(%dma_start3A_320 : memref<128x64xf32, #tpu.memory_space<vmem>>) offsets(%dma_start3A_323 : memref<128xi32, #tpu.memory_space<vmem>>) semaphore(%arg11 : memref<!tpu.dma_semaphore, #tpu.memory_space<semaphore_mem>>)
      } else {
      }
      %mul3A_220 = arith.constant 5 : i32
      %mul3A_221 = arith.muli %scan3A_86, %mul3A_220 : i32
      %add3A_222 = arith.constant 3 : i32
      %add3A_223 = arith.addi %mul3A_221, %add3A_222 : i32
      %dma_wait3A_224 = arith.constant 3 : i32
      %dma_wait3A_225 = arith.constant 0 : i32
      %dma_wait3A_226 = arith.constant 0 : i32
      %dma_wait3A_227 = tpu.memref_slice %arg8[%dma_wait3A_224, %dma_wait3A_225, %dma_wait3A_226] : memref<5x128x64xf32, #tpu.memory_space<vmem>> -> memref<1x128x64xf32, #tpu.memory_space<vmem>>
      %dma_wait3A_228 = tpu.memref_squeeze %dma_wait3A_227 : memref<1x128x64xf32, #tpu.memory_space<vmem>> -> memref<128x64xf32, #tpu.memory_space<vmem>>
      %dma_wait3A_229 = arith.constant 0 : i32
      %dma_wait3A_230 = tpu.memref_slice %arg6[%add3A_223, %dma_wait3A_229] : memref<160x128xi32, #tpu.memory_space<vmem>> -> memref<1x128xi32, #tpu.memory_space<vmem>>
      %dma_wait3A_231 = tpu.memref_squeeze %dma_wait3A_230 : memref<1x128xi32, #tpu.memory_space<vmem>> -> memref<128xi32, #tpu.memory_space<vmem>>
      %dma_wait3A_232 = arith.constant 0 : i32
      %dma_wait3A_233 = arith.constant 0 : i32
      %dma_wait3A_234 = tpu.memref_slice %arg2[%dma_wait3A_232, %dma_wait3A_233] : memref<20000x64xf32, #tpu.memory_space<hbm>> -> memref<20000x64xf32, #tpu.memory_space<hbm>>
      tpu.wait_indirect_dma semaphore(%arg13 : memref<!tpu.dma_semaphore, #tpu.memory_space<semaphore_mem>>) src(%dma_wait3A_234 : memref<20000x64xf32, #tpu.memory_space<hbm>>) dst(%dma_wait3A_228 : memref<128x64xf32, #tpu.memory_space<vmem>>)
      %dma_start3A_235 = arith.constant 3 : i32
      %dma_start3A_236 = arith.constant 0 : i32
      %dma_start3A_237 = arith.constant 0 : i32
      %dma_start3A_238 = tpu.memref_slice %arg8[%dma_start3A_235, %dma_start3A_236, %dma_start3A_237] : memref<5x128x64xf32, #tpu.memory_space<vmem>> -> memref<1x128x64xf32, #tpu.memory_space<vmem>>
      %dma_start3A_239 = tpu.memref_squeeze %dma_start3A_238 : memref<1x128x64xf32, #tpu.memory_space<vmem>> -> memref<128x64xf32, #tpu.memory_space<vmem>>
      %dma_start3A_240 = arith.constant 0 : i32
      %dma_start3A_241 = tpu.memref_slice %arg7[%add3A_223, %dma_start3A_240] : memref<160x128xi32, #tpu.memory_space<vmem>> -> memref<1x128xi32, #tpu.memory_space<vmem>>
      %dma_start3A_242 = tpu.memref_squeeze %dma_start3A_241 : memref<1x128xi32, #tpu.memory_space<vmem>> -> memref<128xi32, #tpu.memory_space<vmem>>
      %dma_start3A_243 = arith.constant 0 : i32
      %dma_start3A_244 = arith.constant 0 : i32
      %dma_start3A_245 = tpu.memref_slice %arg9[%dma_start3A_243, %dma_start3A_244] : memref<10240x64xf32, #tpu.memory_space<vmem_shared>> -> memref<10240x64xf32, #tpu.memory_space<vmem_shared>>
      tpu.enqueue_indirect_dma source(%dma_start3A_239 : memref<128x64xf32, #tpu.memory_space<vmem>>) target(%dma_start3A_245 : memref<10240x64xf32, #tpu.memory_space<vmem_shared>>) offsets(%dma_start3A_242 : memref<128xi32, #tpu.memory_space<vmem>>) semaphore(%arg15 : memref<!tpu.dma_semaphore, #tpu.memory_space<semaphore_mem>>) {add = true}
      %dma_wait3A_246 = arith.constant 3 : i32
      %dma_wait3A_247 = arith.constant 0 : i32
      %dma_wait3A_248 = arith.constant 0 : i32
      %dma_wait3A_249 = tpu.memref_slice %arg8[%dma_wait3A_246, %dma_wait3A_247, %dma_wait3A_248] : memref<5x128x64xf32, #tpu.memory_space<vmem>> -> memref<1x128x64xf32, #tpu.memory_space<vmem>>
      %dma_wait3A_250 = tpu.memref_squeeze %dma_wait3A_249 : memref<1x128x64xf32, #tpu.memory_space<vmem>> -> memref<128x64xf32, #tpu.memory_space<vmem>>
      %dma_wait3A_251 = arith.constant 0 : i32
      %dma_wait3A_252 = tpu.memref_slice %arg7[%add3A_223, %dma_wait3A_251] : memref<160x128xi32, #tpu.memory_space<vmem>> -> memref<1x128xi32, #tpu.memory_space<vmem>>
      %dma_wait3A_253 = tpu.memref_squeeze %dma_wait3A_252 : memref<1x128xi32, #tpu.memory_space<vmem>> -> memref<128xi32, #tpu.memory_space<vmem>>
      %dma_wait3A_254 = arith.constant 0 : i32
      %dma_wait3A_255 = arith.constant 0 : i32
      %dma_wait3A_256 = tpu.memref_slice %arg9[%dma_wait3A_254, %dma_wait3A_255] : memref<10240x64xf32, #tpu.memory_space<vmem_shared>> -> memref<10240x64xf32, #tpu.memory_space<vmem_shared>>
      tpu.wait_indirect_dma semaphore(%arg15 : memref<!tpu.dma_semaphore, #tpu.memory_space<semaphore_mem>>) src(%dma_wait3A_250 : memref<128x64xf32, #tpu.memory_space<vmem>>) dst(%dma_wait3A_256 : memref<10240x64xf32, #tpu.memory_space<vmem_shared>>)
      %add3A_257 = arith.constant 5 : i32
      %add3A_258 = arith.addi %add3A_223, %add3A_257 : i32
      %sub3A_259 = arith.constant 1 : i32
      %sub3A_260 = arith.subi %add3A_258, %sub3A_259 : i32
      %lt3A_261 = arith.constant 160 : i32
      %lt3A_262 = arith.cmpi slt, %sub3A_260, %lt3A_261 : i32
      %convert_element_type3A_263 = arith.extui %lt3A_262 : i1 to i32
      %cond3A_264 = arith.constant 0 : i32
      %cond3A_265 = arith.cmpi ne, %convert_element_type3A_263, %cond3A_264 : i32
      scf.if %cond3A_265 {
        %add3A_312 = arith.constant 5 : i32
        %add3A_313 = arith.addi %add3A_223, %add3A_312 : i32
        %sub3A_314 = arith.constant 1 : i32
        %sub3A_315 = arith.subi %add3A_313, %sub3A_314 : i32
        %dma_start3A_316 = arith.constant 2 : i32
        %dma_start3A_317 = arith.constant 0 : i32
        %dma_start3A_318 = arith.constant 0 : i32
        %dma_start3A_319 = tpu.memref_slice %arg8[%dma_start3A_316, %dma_start3A_317, %dma_start3A_318] : memref<5x128x64xf32, #tpu.memory_space<vmem>> -> memref<1x128x64xf32, #tpu.memory_space<vmem>>
        %dma_start3A_320 = tpu.memref_squeeze %dma_start3A_319 : memref<1x128x64xf32, #tpu.memory_space<vmem>> -> memref<128x64xf32, #tpu.memory_space<vmem>>
        %dma_start3A_321 = arith.constant 0 : i32
        %dma_start3A_322 = tpu.memref_slice %arg6[%sub3A_315, %dma_start3A_321] : memref<160x128xi32, #tpu.memory_space<vmem>> -> memref<1x128xi32, #tpu.memory_space<vmem>>
        %dma_start3A_323 = tpu.memref_squeeze %dma_start3A_322 : memref<1x128xi32, #tpu.memory_space<vmem>> -> memref<128xi32, #tpu.memory_space<vmem>>
        %dma_start3A_324 = arith.constant 0 : i32
        %dma_start3A_325 = arith.constant 0 : i32
        %dma_start3A_326 = tpu.memref_slice %arg2[%dma_start3A_324, %dma_start3A_325] : memref<20000x64xf32, #tpu.memory_space<hbm>> -> memref<20000x64xf32, #tpu.memory_space<hbm>>
        tpu.enqueue_indirect_dma source(%dma_start3A_326 : memref<20000x64xf32, #tpu.memory_space<hbm>>) target(%dma_start3A_320 : memref<128x64xf32, #tpu.memory_space<vmem>>) offsets(%dma_start3A_323 : memref<128xi32, #tpu.memory_space<vmem>>) semaphore(%arg12 : memref<!tpu.dma_semaphore, #tpu.memory_space<semaphore_mem>>)
      } else {
      }
      %mul3A_266 = arith.constant 5 : i32
      %mul3A_267 = arith.muli %scan3A_86, %mul3A_266 : i32
      %add3A_268 = arith.constant 4 : i32
      %add3A_269 = arith.addi %mul3A_267, %add3A_268 : i32
      %dma_wait3A_270 = arith.constant 4 : i32
      %dma_wait3A_271 = arith.constant 0 : i32
      %dma_wait3A_272 = arith.constant 0 : i32
      %dma_wait3A_273 = tpu.memref_slice %arg8[%dma_wait3A_270, %dma_wait3A_271, %dma_wait3A_272] : memref<5x128x64xf32, #tpu.memory_space<vmem>> -> memref<1x128x64xf32, #tpu.memory_space<vmem>>
      %dma_wait3A_274 = tpu.memref_squeeze %dma_wait3A_273 : memref<1x128x64xf32, #tpu.memory_space<vmem>> -> memref<128x64xf32, #tpu.memory_space<vmem>>
      %dma_wait3A_275 = arith.constant 0 : i32
      %dma_wait3A_276 = tpu.memref_slice %arg6[%add3A_269, %dma_wait3A_275] : memref<160x128xi32, #tpu.memory_space<vmem>> -> memref<1x128xi32, #tpu.memory_space<vmem>>
      %dma_wait3A_277 = tpu.memref_squeeze %dma_wait3A_276 : memref<1x128xi32, #tpu.memory_space<vmem>> -> memref<128xi32, #tpu.memory_space<vmem>>
      %dma_wait3A_278 = arith.constant 0 : i32
      %dma_wait3A_279 = arith.constant 0 : i32
      %dma_wait3A_280 = tpu.memref_slice %arg2[%dma_wait3A_278, %dma_wait3A_279] : memref<20000x64xf32, #tpu.memory_space<hbm>> -> memref<20000x64xf32, #tpu.memory_space<hbm>>
      tpu.wait_indirect_dma semaphore(%arg14 : memref<!tpu.dma_semaphore, #tpu.memory_space<semaphore_mem>>) src(%dma_wait3A_280 : memref<20000x64xf32, #tpu.memory_space<hbm>>) dst(%dma_wait3A_274 : memref<128x64xf32, #tpu.memory_space<vmem>>)
      %dma_start3A_281 = arith.constant 4 : i32
      %dma_start3A_282 = arith.constant 0 : i32
      %dma_start3A_283 = arith.constant 0 : i32
      %dma_start3A_284 = tpu.memref_slice %arg8[%dma_start3A_281, %dma_start3A_282, %dma_start3A_283] : memref<5x128x64xf32, #tpu.memory_space<vmem>> -> memref<1x128x64xf32, #tpu.memory_space<vmem>>
      %dma_start3A_285 = tpu.memref_squeeze %dma_start3A_284 : memref<1x128x64xf32, #tpu.memory_space<vmem>> -> memref<128x64xf32, #tpu.memory_space<vmem>>
      %dma_start3A_286 = arith.constant 0 : i32
      %dma_start3A_287 = tpu.memref_slice %arg7[%add3A_269, %dma_start3A_286] : memref<160x128xi32, #tpu.memory_space<vmem>> -> memref<1x128xi32, #tpu.memory_space<vmem>>
      %dma_start3A_288 = tpu.memref_squeeze %dma_start3A_287 : memref<1x128xi32, #tpu.memory_space<vmem>> -> memref<128xi32, #tpu.memory_space<vmem>>
      %dma_start3A_289 = arith.constant 0 : i32
      %dma_start3A_290 = arith.constant 0 : i32
      %dma_start3A_291 = tpu.memref_slice %arg9[%dma_start3A_289, %dma_start3A_290] : memref<10240x64xf32, #tpu.memory_space<vmem_shared>> -> memref<10240x64xf32, #tpu.memory_space<vmem_shared>>
      tpu.enqueue_indirect_dma source(%dma_start3A_285 : memref<128x64xf32, #tpu.memory_space<vmem>>) target(%dma_start3A_291 : memref<10240x64xf32, #tpu.memory_space<vmem_shared>>) offsets(%dma_start3A_288 : memref<128xi32, #tpu.memory_space<vmem>>) semaphore(%arg15 : memref<!tpu.dma_semaphore, #tpu.memory_space<semaphore_mem>>) {add = true}
      %dma_wait3A_292 = arith.constant 4 : i32
      %dma_wait3A_293 = arith.constant 0 : i32
      %dma_wait3A_294 = arith.constant 0 : i32
      %dma_wait3A_295 = tpu.memref_slice %arg8[%dma_wait3A_292, %dma_wait3A_293, %dma_wait3A_294] : memref<5x128x64xf32, #tpu.memory_space<vmem>> -> memref<1x128x64xf32, #tpu.memory_space<vmem>>
      %dma_wait3A_296 = tpu.memref_squeeze %dma_wait3A_295 : memref<1x128x64xf32, #tpu.memory_space<vmem>> -> memref<128x64xf32, #tpu.memory_space<vmem>>
      %dma_wait3A_297 = arith.constant 0 : i32
      %dma_wait3A_298 = tpu.memref_slice %arg7[%add3A_269, %dma_wait3A_297] : memref<160x128xi32, #tpu.memory_space<vmem>> -> memref<1x128xi32, #tpu.memory_space<vmem>>
      %dma_wait3A_299 = tpu.memref_squeeze %dma_wait3A_298 : memref<1x128xi32, #tpu.memory_space<vmem>> -> memref<128xi32, #tpu.memory_space<vmem>>
      %dma_wait3A_300 = arith.constant 0 : i32
      %dma_wait3A_301 = arith.constant 0 : i32
      %dma_wait3A_302 = tpu.memref_slice %arg9[%dma_wait3A_300, %dma_wait3A_301] : memref<10240x64xf32, #tpu.memory_space<vmem_shared>> -> memref<10240x64xf32, #tpu.memory_space<vmem_shared>>
      tpu.wait_indirect_dma semaphore(%arg15 : memref<!tpu.dma_semaphore, #tpu.memory_space<semaphore_mem>>) src(%dma_wait3A_296 : memref<128x64xf32, #tpu.memory_space<vmem>>) dst(%dma_wait3A_302 : memref<10240x64xf32, #tpu.memory_space<vmem_shared>>)
      %add3A_303 = arith.constant 5 : i32
      %add3A_304 = arith.addi %add3A_269, %add3A_303 : i32
      %sub3A_305 = arith.constant 1 : i32
      %sub3A_306 = arith.subi %add3A_304, %sub3A_305 : i32
      %lt3A_307 = arith.constant 160 : i32
      %lt3A_308 = arith.cmpi slt, %sub3A_306, %lt3A_307 : i32
      %convert_element_type3A_309 = arith.extui %lt3A_308 : i1 to i32
      %cond3A_310 = arith.constant 0 : i32
      %cond3A_311 = arith.cmpi ne, %convert_element_type3A_309, %cond3A_310 : i32
      scf.if %cond3A_311 {
        %add3A_312 = arith.constant 5 : i32
        %add3A_313 = arith.addi %add3A_269, %add3A_312 : i32
        %sub3A_314 = arith.constant 1 : i32
        %sub3A_315 = arith.subi %add3A_313, %sub3A_314 : i32
        %dma_start3A_316 = arith.constant 3 : i32
        %dma_start3A_317 = arith.constant 0 : i32
        %dma_start3A_318 = arith.constant 0 : i32
        %dma_start3A_319 = tpu.memref_slice %arg8[%dma_start3A_316, %dma_start3A_317, %dma_start3A_318] : memref<5x128x64xf32, #tpu.memory_space<vmem>> -> memref<1x128x64xf32, #tpu.memory_space<vmem>>
        %dma_start3A_320 = tpu.memref_squeeze %dma_start3A_319 : memref<1x128x64xf32, #tpu.memory_space<vmem>> -> memref<128x64xf32, #tpu.memory_space<vmem>>
        %dma_start3A_321 = arith.constant 0 : i32
        %dma_start3A_322 = tpu.memref_slice %arg6[%sub3A_315, %dma_start3A_321] : memref<160x128xi32, #tpu.memory_space<vmem>> -> memref<1x128xi32, #tpu.memory_space<vmem>>
        %dma_start3A_323 = tpu.memref_squeeze %dma_start3A_322 : memref<1x128xi32, #tpu.memory_space<vmem>> -> memref<128xi32, #tpu.memory_space<vmem>>
        %dma_start3A_324 = arith.constant 0 : i32
        %dma_start3A_325 = arith.constant 0 : i32
        %dma_start3A_326 = tpu.memref_slice %arg2[%dma_start3A_324, %dma_start3A_325] : memref<20000x64xf32, #tpu.memory_space<hbm>> -> memref<20000x64xf32, #tpu.memory_space<hbm>>
        tpu.enqueue_indirect_dma source(%dma_start3A_326 : memref<20000x64xf32, #tpu.memory_space<hbm>>) target(%dma_start3A_320 : memref<128x64xf32, #tpu.memory_space<vmem>>) offsets(%dma_start3A_323 : memref<128xi32, #tpu.memory_space<vmem>>) semaphore(%arg13 : memref<!tpu.dma_semaphore, #tpu.memory_space<semaphore_mem>>)
      } else {
      }
    }
    %scan3A_80 = arith.constant 32 : i32
    %barrier3A_81 = arith.constant 0 : index
    tpu.barrier barrier_id(%barrier3A_81)
    %mul3A_82 = arith.constant 640 : i32
    %mul3A_83 = arith.muli %arg1, %mul3A_82 : i32
    %mul3A_84 = arith.constant 640 : i32
    %mul3A_85 = arith.muli %arg1, %mul3A_84 : i32
    "tpu.region"() ({
      %run_scoped3A_86 = tpu.sem_alloc : memref<!tpu.dma_semaphore, #tpu.memory_space<semaphore_mem>>
      %dma_start3A_87 = arith.constant 0 : i32
      %dma_start3A_88 = tpu.memref_slice %arg5[%arg0, %mul3A_85, %dma_start3A_87] : memref<2x10240x64xf32, #tpu.memory_space<hbm>> -> memref<1x640x64xf32, #tpu.memory_space<hbm>>
      %dma_start3A_89 = tpu.memref_squeeze %dma_start3A_88 : memref<1x640x64xf32, #tpu.memory_space<hbm>> -> memref<640x64xf32, #tpu.memory_space<hbm>>
      %dma_start3A_90 = arith.constant 0 : i32
      %dma_start3A_91 = tpu.memref_slice %arg9[%mul3A_83, %dma_start3A_90] : memref<10240x64xf32, #tpu.memory_space<vmem_shared>> -> memref<640x64xf32, #tpu.memory_space<vmem_shared>>
      tpu.enqueue_dma source(%dma_start3A_91 : memref<640x64xf32, #tpu.memory_space<vmem_shared>>) target(%dma_start3A_89 : memref<640x64xf32, #tpu.memory_space<hbm>>) target_semaphore(%run_scoped3A_86 : memref<!tpu.dma_semaphore, #tpu.memory_space<semaphore_mem>>)
      %dma_wait3A = arith.constant 0 : i32
      %dma_wait3A_92 = tpu.memref_slice %arg5[%arg0, %mul3A_85, %dma_wait3A] : memref<2x10240x64xf32, #tpu.memory_space<hbm>> -> memref<1x640x64xf32, #tpu.memory_space<hbm>>
      %dma_wait3A_93 = tpu.memref_squeeze %dma_wait3A_92 : memref<1x640x64xf32, #tpu.memory_space<hbm>> -> memref<640x64xf32, #tpu.memory_space<hbm>>
      %dma_wait3A_94 = arith.constant 0 : i32
      %dma_wait3A_95 = tpu.memref_slice %arg9[%mul3A_83, %dma_wait3A_94] : memref<10240x64xf32, #tpu.memory_space<vmem_shared>> -> memref<640x64xf32, #tpu.memory_space<vmem_shared>>
      tpu.wait_dma2 semaphore(%run_scoped3A_86 : memref<!tpu.dma_semaphore, #tpu.memory_space<semaphore_mem>>) src(%dma_wait3A_95 : memref<640x64xf32, #tpu.memory_space<vmem_shared>>) dst(%dma_wait3A_93 : memref<640x64xf32, #tpu.memory_space<hbm>>)
      tpu.yield
    }) : () -> ()
    return
  }
}

#map = affine_map<(d0, d1) -> (0, 0)>
#map1 = affine_map<(d0, d1) -> (0, 0, 0)>
module attributes {stable_mosaic.version = 14 : i64} {
  func.func @_agg(%arg0: i32, %arg1: i32, %arg2: memref<10000x64xf32, #tpu.memory_space<hbm>>, %arg3: memref<32x80x128xi32, #tpu.memory_space<hbm>>, %arg4: memref<32x80x128xi32, #tpu.memory_space<hbm>>, %arg5: memref<2x10240x64xf32, #tpu.memory_space<hbm>>, %arg6: memref<80x128xi32, #tpu.memory_space<vmem>>, %arg7: memref<80x128xi32, #tpu.memory_space<vmem>>, %arg8: memref<5x128x64xf32, #tpu.memory_space<vmem>>, %arg9: memref<10240x64xf32, #tpu.memory_space<vmem_shared>>, %arg10: memref<!tpu.dma_semaphore, #tpu.memory_space<semaphore_mem>>, %arg11: memref<!tpu.dma_semaphore, #tpu.memory_space<semaphore_mem>>, %arg12: memref<!tpu.dma_semaphore, #tpu.memory_space<semaphore_mem>>, %arg13: memref<!tpu.dma_semaphore, #tpu.memory_space<semaphore_mem>>, %arg14: memref<!tpu.dma_semaphore, #tpu.memory_space<semaphore_mem>>, %arg15: memref<!tpu.dma_semaphore, #tpu.memory_space<semaphore_mem>>) attributes {dimension_semantics = [#tpu.dimension_semantics<core_parallel>, #tpu.dimension_semantics<subcore_parallel>], iteration_bounds = array<i64: 2, 16>, scalar_prefetch = 0 : i64, scratch_operands = 10 : i64, tpu.core_type = #tpu.core_type<sc_vector_subcore>, window_params = [{transform_indices = #map}, {transform_indices = #map1}, {transform_indices = #map1}, {transform_indices = #map1}]} {
    %broadcast_in_dim3A = arith.constant 0.000000e+00 : f32
    %broadcast_in_dim3A_0 = vector.broadcast %broadcast_in_dim3A : f32 to vector<16xf32>
    %scan3A = arith.constant 0 : i32
    %scan3A_1 = arith.constant 0 : i32
    %scan3A_2 = arith.constant 128 : i32
    %scan3A_3 = arith.addi %scan3A_1, %scan3A_2 : i32
    %scan3A_4 = arith.constant 1 : i32
    scf.for %scan3A_89 = %scan3A_1 to %scan3A_3 step %scan3A_4  : i32 {
      %swap3A = arith.constant 0 : i32
      %swap3A_90 = arith.index_cast %swap3A : i32 to index
      %swap3A_91 = arith.index_cast %scan3A_89 : i32 to index
      %swap3A_92 = arith.constant 0 : index
      %swap3A_93 = tpu.vector_load %arg8[%swap3A_90, %swap3A_91, %swap3A_92] {strides = array<i32>} : memref<5x128x64xf32, #tpu.memory_space<vmem>>, vector<1x1x16xf32>,
      %swap3A_94 = vector.shape_cast %swap3A_93 : vector<1x1x16xf32> to vector<16xf32>
      %swap3A_95 = vector.shape_cast %broadcast_in_dim3A_0 : vector<16xf32> to vector<1x1x16xf32>
      tpu.vector_store %arg8[%swap3A_90, %swap3A_91, %swap3A_92], %swap3A_95 {strides = array<i32>} : memref<5x128x64xf32, #tpu.memory_space<vmem>>, vector<1x1x16xf32>,
      %swap3A_96 = arith.constant 0 : i32
      %swap3A_97 = arith.index_cast %swap3A_96 : i32 to index
      %swap3A_98 = arith.index_cast %scan3A_89 : i32 to index
      %swap3A_99 = arith.constant 16 : index
      %swap3A_100 = tpu.vector_load %arg8[%swap3A_97, %swap3A_98, %swap3A_99] {strides = array<i32>} : memref<5x128x64xf32, #tpu.memory_space<vmem>>, vector<1x1x16xf32>,
      %swap3A_101 = vector.shape_cast %swap3A_100 : vector<1x1x16xf32> to vector<16xf32>
      %swap3A_102 = vector.shape_cast %broadcast_in_dim3A_0 : vector<16xf32> to vector<1x1x16xf32>
      tpu.vector_store %arg8[%swap3A_97, %swap3A_98, %swap3A_99], %swap3A_102 {strides = array<i32>} : memref<5x128x64xf32, #tpu.memory_space<vmem>>, vector<1x1x16xf32>,
      %swap3A_103 = arith.constant 0 : i32
      %swap3A_104 = arith.index_cast %swap3A_103 : i32 to index
      %swap3A_105 = arith.index_cast %scan3A_89 : i32 to index
      %swap3A_106 = arith.constant 32 : index
      %swap3A_107 = tpu.vector_load %arg8[%swap3A_104, %swap3A_105, %swap3A_106] {strides = array<i32>} : memref<5x128x64xf32, #tpu.memory_space<vmem>>, vector<1x1x16xf32>,
      %swap3A_108 = vector.shape_cast %swap3A_107 : vector<1x1x16xf32> to vector<16xf32>
      %swap3A_109 = vector.shape_cast %broadcast_in_dim3A_0 : vector<16xf32> to vector<1x1x16xf32>
      tpu.vector_store %arg8[%swap3A_104, %swap3A_105, %swap3A_106], %swap3A_109 {strides = array<i32>} : memref<5x128x64xf32, #tpu.memory_space<vmem>>, vector<1x1x16xf32>,
      %swap3A_110 = arith.constant 0 : i32
      %swap3A_111 = arith.index_cast %swap3A_110 : i32 to index
      %swap3A_112 = arith.index_cast %scan3A_89 : i32 to index
      %swap3A_113 = arith.constant 48 : index
      %swap3A_114 = tpu.vector_load %arg8[%swap3A_111, %swap3A_112, %swap3A_113] {strides = array<i32>} : memref<5x128x64xf32, #tpu.memory_space<vmem>>, vector<1x1x16xf32>,
      %swap3A_115 = vector.shape_cast %swap3A_114 : vector<1x1x16xf32> to vector<16xf32>
      %swap3A_116 = vector.shape_cast %broadcast_in_dim3A_0 : vector<16xf32> to vector<1x1x16xf32>
      tpu.vector_store %arg8[%swap3A_111, %swap3A_112, %swap3A_113], %swap3A_116 {strides = array<i32>} : memref<5x128x64xf32, #tpu.memory_space<vmem>>, vector<1x1x16xf32>,
    }
    %scan3A_5 = arith.constant 128 : i32
    %mul3A = arith.constant 640 : i32
    %mul3A_6 = arith.muli %arg1, %mul3A : i32
    %add3A = arith.constant 0 : i32
    %add3A_7 = arith.addi %mul3A_6, %add3A : i32
    %run_scoped3A = arith.constant 0 : i32
    "tpu.region"() ({
      %run_scoped3A_89 = tpu.sem_alloc : memref<!tpu.dma_semaphore, #tpu.memory_space<semaphore_mem>>
      %dma_start3A_90 = arith.constant 0 : i32
      %dma_start3A_91 = arith.constant 0 : i32
      %dma_start3A_92 = tpu.memref_slice %arg8[%run_scoped3A, %dma_start3A_90, %dma_start3A_91] : memref<5x128x64xf32, #tpu.memory_space<vmem>> -> memref<1x128x64xf32, #tpu.memory_space<vmem>>
      %dma_start3A_93 = tpu.memref_squeeze %dma_start3A_92 : memref<1x128x64xf32, #tpu.memory_space<vmem>> -> memref<128x64xf32, #tpu.memory_space<vmem>>
      %dma_start3A_94 = arith.constant 0 : i32
      %dma_start3A_95 = tpu.memref_slice %arg9[%add3A_7, %dma_start3A_94] : memref<10240x64xf32, #tpu.memory_space<vmem_shared>> -> memref<128x64xf32, #tpu.memory_space<vmem_shared>>
      %dma_start3A_96 = arith.constant 0 : i32
      %dma_start3A_97 = tpu.memref_slice %arg9[%add3A_7, %dma_start3A_96] : memref<10240x64xf32, #tpu.memory_space<vmem_shared>> -> memref<128x64xf32, #tpu.memory_space<vmem_shared>>
      %dma_start3A_98 = arith.constant 0 : i32
      %dma_start3A_99 = arith.constant 0 : i32
      %dma_start3A_100 = tpu.memref_slice %arg8[%run_scoped3A, %dma_start3A_98, %dma_start3A_99] : memref<5x128x64xf32, #tpu.memory_space<vmem>> -> memref<1x128x64xf32, #tpu.memory_space<vmem>>
      %dma_start3A_101 = tpu.memref_squeeze %dma_start3A_100 : memref<1x128x64xf32, #tpu.memory_space<vmem>> -> memref<128x64xf32, #tpu.memory_space<vmem>>
      tpu.enqueue_dma source(%dma_start3A_101 : memref<128x64xf32, #tpu.memory_space<vmem>>) target(%dma_start3A_97 : memref<128x64xf32, #tpu.memory_space<vmem_shared>>) target_semaphore(%run_scoped3A_89 : memref<!tpu.dma_semaphore, #tpu.memory_space<semaphore_mem>>)
      %dma_wait3A = arith.constant 0 : i32
      %dma_wait3A_102 = arith.constant 0 : i32
      %dma_wait3A_103 = tpu.memref_slice %arg8[%run_scoped3A, %dma_wait3A, %dma_wait3A_102] : memref<5x128x64xf32, #tpu.memory_space<vmem>> -> memref<1x128x64xf32, #tpu.memory_space<vmem>>
      %dma_wait3A_104 = tpu.memref_squeeze %dma_wait3A_103 : memref<1x128x64xf32, #tpu.memory_space<vmem>> -> memref<128x64xf32, #tpu.memory_space<vmem>>
      %dma_wait3A_105 = arith.constant 0 : i32
      %dma_wait3A_106 = tpu.memref_slice %arg9[%add3A_7, %dma_wait3A_105] : memref<10240x64xf32, #tpu.memory_space<vmem_shared>> -> memref<128x64xf32, #tpu.memory_space<vmem_shared>>
      %dma_wait3A_107 = arith.constant 0 : i32
      %dma_wait3A_108 = tpu.memref_slice %arg9[%add3A_7, %dma_wait3A_107] : memref<10240x64xf32, #tpu.memory_space<vmem_shared>> -> memref<128x64xf32, #tpu.memory_space<vmem_shared>>
      %dma_wait3A_109 = arith.constant 0 : i32
      %dma_wait3A_110 = arith.constant 0 : i32
      %dma_wait3A_111 = tpu.memref_slice %arg8[%run_scoped3A, %dma_wait3A_109, %dma_wait3A_110] : memref<5x128x64xf32, #tpu.memory_space<vmem>> -> memref<1x128x64xf32, #tpu.memory_space<vmem>>
      %dma_wait3A_112 = tpu.memref_squeeze %dma_wait3A_111 : memref<1x128x64xf32, #tpu.memory_space<vmem>> -> memref<128x64xf32, #tpu.memory_space<vmem>>
      tpu.wait_dma2 semaphore(%run_scoped3A_89 : memref<!tpu.dma_semaphore, #tpu.memory_space<semaphore_mem>>) src(%dma_wait3A_112 : memref<128x64xf32, #tpu.memory_space<vmem>>) dst(%dma_wait3A_108 : memref<128x64xf32, #tpu.memory_space<vmem_shared>>)
      tpu.yield
    }) : () -> ()
    %mul3A_8 = arith.constant 640 : i32
    %mul3A_9 = arith.muli %arg1, %mul3A_8 : i32
    %add3A_10 = arith.constant 128 : i32
    %add3A_11 = arith.addi %mul3A_9, %add3A_10 : i32
    %run_scoped3A_12 = arith.constant 0 : i32
    "tpu.region"() ({
      %run_scoped3A_89 = tpu.sem_alloc : memref<!tpu.dma_semaphore, #tpu.memory_space<semaphore_mem>>
      %dma_start3A_90 = arith.constant 0 : i32
      %dma_start3A_91 = arith.constant 0 : i32
      %dma_start3A_92 = tpu.memref_slice %arg8[%run_scoped3A_12, %dma_start3A_90, %dma_start3A_91] : memref<5x128x64xf32, #tpu.memory_space<vmem>> -> memref<1x128x64xf32, #tpu.memory_space<vmem>>
      %dma_start3A_93 = tpu.memref_squeeze %dma_start3A_92 : memref<1x128x64xf32, #tpu.memory_space<vmem>> -> memref<128x64xf32, #tpu.memory_space<vmem>>
      %dma_start3A_94 = arith.constant 0 : i32
      %dma_start3A_95 = tpu.memref_slice %arg9[%add3A_11, %dma_start3A_94] : memref<10240x64xf32, #tpu.memory_space<vmem_shared>> -> memref<128x64xf32, #tpu.memory_space<vmem_shared>>
      %dma_start3A_96 = arith.constant 0 : i32
      %dma_start3A_97 = tpu.memref_slice %arg9[%add3A_11, %dma_start3A_96] : memref<10240x64xf32, #tpu.memory_space<vmem_shared>> -> memref<128x64xf32, #tpu.memory_space<vmem_shared>>
      %dma_start3A_98 = arith.constant 0 : i32
      %dma_start3A_99 = arith.constant 0 : i32
      %dma_start3A_100 = tpu.memref_slice %arg8[%run_scoped3A_12, %dma_start3A_98, %dma_start3A_99] : memref<5x128x64xf32, #tpu.memory_space<vmem>> -> memref<1x128x64xf32, #tpu.memory_space<vmem>>
      %dma_start3A_101 = tpu.memref_squeeze %dma_start3A_100 : memref<1x128x64xf32, #tpu.memory_space<vmem>> -> memref<128x64xf32, #tpu.memory_space<vmem>>
      tpu.enqueue_dma source(%dma_start3A_101 : memref<128x64xf32, #tpu.memory_space<vmem>>) target(%dma_start3A_97 : memref<128x64xf32, #tpu.memory_space<vmem_shared>>) target_semaphore(%run_scoped3A_89 : memref<!tpu.dma_semaphore, #tpu.memory_space<semaphore_mem>>)
      %dma_wait3A = arith.constant 0 : i32
      %dma_wait3A_102 = arith.constant 0 : i32
      %dma_wait3A_103 = tpu.memref_slice %arg8[%run_scoped3A_12, %dma_wait3A, %dma_wait3A_102] : memref<5x128x64xf32, #tpu.memory_space<vmem>> -> memref<1x128x64xf32, #tpu.memory_space<vmem>>
      %dma_wait3A_104 = tpu.memref_squeeze %dma_wait3A_103 : memref<1x128x64xf32, #tpu.memory_space<vmem>> -> memref<128x64xf32, #tpu.memory_space<vmem>>
      %dma_wait3A_105 = arith.constant 0 : i32
      %dma_wait3A_106 = tpu.memref_slice %arg9[%add3A_11, %dma_wait3A_105] : memref<10240x64xf32, #tpu.memory_space<vmem_shared>> -> memref<128x64xf32, #tpu.memory_space<vmem_shared>>
      %dma_wait3A_107 = arith.constant 0 : i32
      %dma_wait3A_108 = tpu.memref_slice %arg9[%add3A_11, %dma_wait3A_107] : memref<10240x64xf32, #tpu.memory_space<vmem_shared>> -> memref<128x64xf32, #tpu.memory_space<vmem_shared>>
      %dma_wait3A_109 = arith.constant 0 : i32
      %dma_wait3A_110 = arith.constant 0 : i32
      %dma_wait3A_111 = tpu.memref_slice %arg8[%run_scoped3A_12, %dma_wait3A_109, %dma_wait3A_110] : memref<5x128x64xf32, #tpu.memory_space<vmem>> -> memref<1x128x64xf32, #tpu.memory_space<vmem>>
      %dma_wait3A_112 = tpu.memref_squeeze %dma_wait3A_111 : memref<1x128x64xf32, #tpu.memory_space<vmem>> -> memref<128x64xf32, #tpu.memory_space<vmem>>
      tpu.wait_dma2 semaphore(%run_scoped3A_89 : memref<!tpu.dma_semaphore, #tpu.memory_space<semaphore_mem>>) src(%dma_wait3A_112 : memref<128x64xf32, #tpu.memory_space<vmem>>) dst(%dma_wait3A_108 : memref<128x64xf32, #tpu.memory_space<vmem_shared>>)
      tpu.yield
    }) : () -> ()
    %mul3A_13 = arith.constant 640 : i32
    %mul3A_14 = arith.muli %arg1, %mul3A_13 : i32
    %add3A_15 = arith.constant 256 : i32
    %add3A_16 = arith.addi %mul3A_14, %add3A_15 : i32
    %run_scoped3A_17 = arith.constant 0 : i32
    "tpu.region"() ({
      %run_scoped3A_89 = tpu.sem_alloc : memref<!tpu.dma_semaphore, #tpu.memory_space<semaphore_mem>>
      %dma_start3A_90 = arith.constant 0 : i32
      %dma_start3A_91 = arith.constant 0 : i32
      %dma_start3A_92 = tpu.memref_slice %arg8[%run_scoped3A_17, %dma_start3A_90, %dma_start3A_91] : memref<5x128x64xf32, #tpu.memory_space<vmem>> -> memref<1x128x64xf32, #tpu.memory_space<vmem>>
      %dma_start3A_93 = tpu.memref_squeeze %dma_start3A_92 : memref<1x128x64xf32, #tpu.memory_space<vmem>> -> memref<128x64xf32, #tpu.memory_space<vmem>>
      %dma_start3A_94 = arith.constant 0 : i32
      %dma_start3A_95 = tpu.memref_slice %arg9[%add3A_16, %dma_start3A_94] : memref<10240x64xf32, #tpu.memory_space<vmem_shared>> -> memref<128x64xf32, #tpu.memory_space<vmem_shared>>
      %dma_start3A_96 = arith.constant 0 : i32
      %dma_start3A_97 = tpu.memref_slice %arg9[%add3A_16, %dma_start3A_96] : memref<10240x64xf32, #tpu.memory_space<vmem_shared>> -> memref<128x64xf32, #tpu.memory_space<vmem_shared>>
      %dma_start3A_98 = arith.constant 0 : i32
      %dma_start3A_99 = arith.constant 0 : i32
      %dma_start3A_100 = tpu.memref_slice %arg8[%run_scoped3A_17, %dma_start3A_98, %dma_start3A_99] : memref<5x128x64xf32, #tpu.memory_space<vmem>> -> memref<1x128x64xf32, #tpu.memory_space<vmem>>
      %dma_start3A_101 = tpu.memref_squeeze %dma_start3A_100 : memref<1x128x64xf32, #tpu.memory_space<vmem>> -> memref<128x64xf32, #tpu.memory_space<vmem>>
      tpu.enqueue_dma source(%dma_start3A_101 : memref<128x64xf32, #tpu.memory_space<vmem>>) target(%dma_start3A_97 : memref<128x64xf32, #tpu.memory_space<vmem_shared>>) target_semaphore(%run_scoped3A_89 : memref<!tpu.dma_semaphore, #tpu.memory_space<semaphore_mem>>)
      %dma_wait3A = arith.constant 0 : i32
      %dma_wait3A_102 = arith.constant 0 : i32
      %dma_wait3A_103 = tpu.memref_slice %arg8[%run_scoped3A_17, %dma_wait3A, %dma_wait3A_102] : memref<5x128x64xf32, #tpu.memory_space<vmem>> -> memref<1x128x64xf32, #tpu.memory_space<vmem>>
      %dma_wait3A_104 = tpu.memref_squeeze %dma_wait3A_103 : memref<1x128x64xf32, #tpu.memory_space<vmem>> -> memref<128x64xf32, #tpu.memory_space<vmem>>
      %dma_wait3A_105 = arith.constant 0 : i32
      %dma_wait3A_106 = tpu.memref_slice %arg9[%add3A_16, %dma_wait3A_105] : memref<10240x64xf32, #tpu.memory_space<vmem_shared>> -> memref<128x64xf32, #tpu.memory_space<vmem_shared>>
      %dma_wait3A_107 = arith.constant 0 : i32
      %dma_wait3A_108 = tpu.memref_slice %arg9[%add3A_16, %dma_wait3A_107] : memref<10240x64xf32, #tpu.memory_space<vmem_shared>> -> memref<128x64xf32, #tpu.memory_space<vmem_shared>>
      %dma_wait3A_109 = arith.constant 0 : i32
      %dma_wait3A_110 = arith.constant 0 : i32
      %dma_wait3A_111 = tpu.memref_slice %arg8[%run_scoped3A_17, %dma_wait3A_109, %dma_wait3A_110] : memref<5x128x64xf32, #tpu.memory_space<vmem>> -> memref<1x128x64xf32, #tpu.memory_space<vmem>>
      %dma_wait3A_112 = tpu.memref_squeeze %dma_wait3A_111 : memref<1x128x64xf32, #tpu.memory_space<vmem>> -> memref<128x64xf32, #tpu.memory_space<vmem>>
      tpu.wait_dma2 semaphore(%run_scoped3A_89 : memref<!tpu.dma_semaphore, #tpu.memory_space<semaphore_mem>>) src(%dma_wait3A_112 : memref<128x64xf32, #tpu.memory_space<vmem>>) dst(%dma_wait3A_108 : memref<128x64xf32, #tpu.memory_space<vmem_shared>>)
      tpu.yield
    }) : () -> ()
    %mul3A_18 = arith.constant 640 : i32
    %mul3A_19 = arith.muli %arg1, %mul3A_18 : i32
    %add3A_20 = arith.constant 384 : i32
    %add3A_21 = arith.addi %mul3A_19, %add3A_20 : i32
    %run_scoped3A_22 = arith.constant 0 : i32
    "tpu.region"() ({
      %run_scoped3A_89 = tpu.sem_alloc : memref<!tpu.dma_semaphore, #tpu.memory_space<semaphore_mem>>
      %dma_start3A_90 = arith.constant 0 : i32
      %dma_start3A_91 = arith.constant 0 : i32
      %dma_start3A_92 = tpu.memref_slice %arg8[%run_scoped3A_22, %dma_start3A_90, %dma_start3A_91] : memref<5x128x64xf32, #tpu.memory_space<vmem>> -> memref<1x128x64xf32, #tpu.memory_space<vmem>>
      %dma_start3A_93 = tpu.memref_squeeze %dma_start3A_92 : memref<1x128x64xf32, #tpu.memory_space<vmem>> -> memref<128x64xf32, #tpu.memory_space<vmem>>
      %dma_start3A_94 = arith.constant 0 : i32
      %dma_start3A_95 = tpu.memref_slice %arg9[%add3A_21, %dma_start3A_94] : memref<10240x64xf32, #tpu.memory_space<vmem_shared>> -> memref<128x64xf32, #tpu.memory_space<vmem_shared>>
      %dma_start3A_96 = arith.constant 0 : i32
      %dma_start3A_97 = tpu.memref_slice %arg9[%add3A_21, %dma_start3A_96] : memref<10240x64xf32, #tpu.memory_space<vmem_shared>> -> memref<128x64xf32, #tpu.memory_space<vmem_shared>>
      %dma_start3A_98 = arith.constant 0 : i32
      %dma_start3A_99 = arith.constant 0 : i32
      %dma_start3A_100 = tpu.memref_slice %arg8[%run_scoped3A_22, %dma_start3A_98, %dma_start3A_99] : memref<5x128x64xf32, #tpu.memory_space<vmem>> -> memref<1x128x64xf32, #tpu.memory_space<vmem>>
      %dma_start3A_101 = tpu.memref_squeeze %dma_start3A_100 : memref<1x128x64xf32, #tpu.memory_space<vmem>> -> memref<128x64xf32, #tpu.memory_space<vmem>>
      tpu.enqueue_dma source(%dma_start3A_101 : memref<128x64xf32, #tpu.memory_space<vmem>>) target(%dma_start3A_97 : memref<128x64xf32, #tpu.memory_space<vmem_shared>>) target_semaphore(%run_scoped3A_89 : memref<!tpu.dma_semaphore, #tpu.memory_space<semaphore_mem>>)
      %dma_wait3A = arith.constant 0 : i32
      %dma_wait3A_102 = arith.constant 0 : i32
      %dma_wait3A_103 = tpu.memref_slice %arg8[%run_scoped3A_22, %dma_wait3A, %dma_wait3A_102] : memref<5x128x64xf32, #tpu.memory_space<vmem>> -> memref<1x128x64xf32, #tpu.memory_space<vmem>>
      %dma_wait3A_104 = tpu.memref_squeeze %dma_wait3A_103 : memref<1x128x64xf32, #tpu.memory_space<vmem>> -> memref<128x64xf32, #tpu.memory_space<vmem>>
      %dma_wait3A_105 = arith.constant 0 : i32
      %dma_wait3A_106 = tpu.memref_slice %arg9[%add3A_21, %dma_wait3A_105] : memref<10240x64xf32, #tpu.memory_space<vmem_shared>> -> memref<128x64xf32, #tpu.memory_space<vmem_shared>>
      %dma_wait3A_107 = arith.constant 0 : i32
      %dma_wait3A_108 = tpu.memref_slice %arg9[%add3A_21, %dma_wait3A_107] : memref<10240x64xf32, #tpu.memory_space<vmem_shared>> -> memref<128x64xf32, #tpu.memory_space<vmem_shared>>
      %dma_wait3A_109 = arith.constant 0 : i32
      %dma_wait3A_110 = arith.constant 0 : i32
      %dma_wait3A_111 = tpu.memref_slice %arg8[%run_scoped3A_22, %dma_wait3A_109, %dma_wait3A_110] : memref<5x128x64xf32, #tpu.memory_space<vmem>> -> memref<1x128x64xf32, #tpu.memory_space<vmem>>
      %dma_wait3A_112 = tpu.memref_squeeze %dma_wait3A_111 : memref<1x128x64xf32, #tpu.memory_space<vmem>> -> memref<128x64xf32, #tpu.memory_space<vmem>>
      tpu.wait_dma2 semaphore(%run_scoped3A_89 : memref<!tpu.dma_semaphore, #tpu.memory_space<semaphore_mem>>) src(%dma_wait3A_112 : memref<128x64xf32, #tpu.memory_space<vmem>>) dst(%dma_wait3A_108 : memref<128x64xf32, #tpu.memory_space<vmem_shared>>)
      tpu.yield
    }) : () -> ()
    %mul3A_23 = arith.constant 640 : i32
    %mul3A_24 = arith.muli %arg1, %mul3A_23 : i32
    %add3A_25 = arith.constant 512 : i32
    %add3A_26 = arith.addi %mul3A_24, %add3A_25 : i32
    %run_scoped3A_27 = arith.constant 0 : i32
    "tpu.region"() ({
      %run_scoped3A_89 = tpu.sem_alloc : memref<!tpu.dma_semaphore, #tpu.memory_space<semaphore_mem>>
      %dma_start3A_90 = arith.constant 0 : i32
      %dma_start3A_91 = arith.constant 0 : i32
      %dma_start3A_92 = tpu.memref_slice %arg8[%run_scoped3A_27, %dma_start3A_90, %dma_start3A_91] : memref<5x128x64xf32, #tpu.memory_space<vmem>> -> memref<1x128x64xf32, #tpu.memory_space<vmem>>
      %dma_start3A_93 = tpu.memref_squeeze %dma_start3A_92 : memref<1x128x64xf32, #tpu.memory_space<vmem>> -> memref<128x64xf32, #tpu.memory_space<vmem>>
      %dma_start3A_94 = arith.constant 0 : i32
      %dma_start3A_95 = tpu.memref_slice %arg9[%add3A_26, %dma_start3A_94] : memref<10240x64xf32, #tpu.memory_space<vmem_shared>> -> memref<128x64xf32, #tpu.memory_space<vmem_shared>>
      %dma_start3A_96 = arith.constant 0 : i32
      %dma_start3A_97 = tpu.memref_slice %arg9[%add3A_26, %dma_start3A_96] : memref<10240x64xf32, #tpu.memory_space<vmem_shared>> -> memref<128x64xf32, #tpu.memory_space<vmem_shared>>
      %dma_start3A_98 = arith.constant 0 : i32
      %dma_start3A_99 = arith.constant 0 : i32
      %dma_start3A_100 = tpu.memref_slice %arg8[%run_scoped3A_27, %dma_start3A_98, %dma_start3A_99] : memref<5x128x64xf32, #tpu.memory_space<vmem>> -> memref<1x128x64xf32, #tpu.memory_space<vmem>>
      %dma_start3A_101 = tpu.memref_squeeze %dma_start3A_100 : memref<1x128x64xf32, #tpu.memory_space<vmem>> -> memref<128x64xf32, #tpu.memory_space<vmem>>
      tpu.enqueue_dma source(%dma_start3A_101 : memref<128x64xf32, #tpu.memory_space<vmem>>) target(%dma_start3A_97 : memref<128x64xf32, #tpu.memory_space<vmem_shared>>) target_semaphore(%run_scoped3A_89 : memref<!tpu.dma_semaphore, #tpu.memory_space<semaphore_mem>>)
      %dma_wait3A = arith.constant 0 : i32
      %dma_wait3A_102 = arith.constant 0 : i32
      %dma_wait3A_103 = tpu.memref_slice %arg8[%run_scoped3A_27, %dma_wait3A, %dma_wait3A_102] : memref<5x128x64xf32, #tpu.memory_space<vmem>> -> memref<1x128x64xf32, #tpu.memory_space<vmem>>
      %dma_wait3A_104 = tpu.memref_squeeze %dma_wait3A_103 : memref<1x128x64xf32, #tpu.memory_space<vmem>> -> memref<128x64xf32, #tpu.memory_space<vmem>>
      %dma_wait3A_105 = arith.constant 0 : i32
      %dma_wait3A_106 = tpu.memref_slice %arg9[%add3A_26, %dma_wait3A_105] : memref<10240x64xf32, #tpu.memory_space<vmem_shared>> -> memref<128x64xf32, #tpu.memory_space<vmem_shared>>
      %dma_wait3A_107 = arith.constant 0 : i32
      %dma_wait3A_108 = tpu.memref_slice %arg9[%add3A_26, %dma_wait3A_107] : memref<10240x64xf32, #tpu.memory_space<vmem_shared>> -> memref<128x64xf32, #tpu.memory_space<vmem_shared>>
      %dma_wait3A_109 = arith.constant 0 : i32
      %dma_wait3A_110 = arith.constant 0 : i32
      %dma_wait3A_111 = tpu.memref_slice %arg8[%run_scoped3A_27, %dma_wait3A_109, %dma_wait3A_110] : memref<5x128x64xf32, #tpu.memory_space<vmem>> -> memref<1x128x64xf32, #tpu.memory_space<vmem>>
      %dma_wait3A_112 = tpu.memref_squeeze %dma_wait3A_111 : memref<1x128x64xf32, #tpu.memory_space<vmem>> -> memref<128x64xf32, #tpu.memory_space<vmem>>
      tpu.wait_dma2 semaphore(%run_scoped3A_89 : memref<!tpu.dma_semaphore, #tpu.memory_space<semaphore_mem>>) src(%dma_wait3A_112 : memref<128x64xf32, #tpu.memory_space<vmem>>) dst(%dma_wait3A_108 : memref<128x64xf32, #tpu.memory_space<vmem_shared>>)
      tpu.yield
    }) : () -> ()
    %mul3A_28 = arith.constant 2 : i32
    %mul3A_29 = arith.muli %arg1, %mul3A_28 : i32
    %add3A_30 = arith.addi %mul3A_29, %arg0 : i32
    "tpu.region"() ({
      %run_scoped3A_89 = tpu.sem_alloc : memref<!tpu.dma_semaphore, #tpu.memory_space<semaphore_mem>>
      %dma_start3A_90 = arith.constant 0 : i32
      %dma_start3A_91 = arith.constant 0 : i32
      %dma_start3A_92 = tpu.memref_slice %arg3[%add3A_30, %dma_start3A_90, %dma_start3A_91] : memref<32x80x128xi32, #tpu.memory_space<hbm>> -> memref<1x80x128xi32, #tpu.memory_space<hbm>>
      %dma_start3A_93 = tpu.memref_squeeze %dma_start3A_92 : memref<1x80x128xi32, #tpu.memory_space<hbm>> -> memref<80x128xi32, #tpu.memory_space<hbm>>
      %dma_start3A_94 = arith.constant 0 : i32
      %dma_start3A_95 = arith.constant 0 : i32
      %dma_start3A_96 = tpu.memref_slice %arg3[%add3A_30, %dma_start3A_94, %dma_start3A_95] : memref<32x80x128xi32, #tpu.memory_space<hbm>> -> memref<1x80x128xi32, #tpu.memory_space<hbm>>
      %dma_start3A_97 = tpu.memref_squeeze %dma_start3A_96 : memref<1x80x128xi32, #tpu.memory_space<hbm>> -> memref<80x128xi32, #tpu.memory_space<hbm>>
      tpu.enqueue_dma source(%dma_start3A_97 : memref<80x128xi32, #tpu.memory_space<hbm>>) target(%arg6 : memref<80x128xi32, #tpu.memory_space<vmem>>) target_semaphore(%run_scoped3A_89 : memref<!tpu.dma_semaphore, #tpu.memory_space<semaphore_mem>>)
      %dma_wait3A = arith.constant 0 : i32
      %dma_wait3A_98 = arith.constant 0 : i32
      %dma_wait3A_99 = tpu.memref_slice %arg3[%add3A_30, %dma_wait3A, %dma_wait3A_98] : memref<32x80x128xi32, #tpu.memory_space<hbm>> -> memref<1x80x128xi32, #tpu.memory_space<hbm>>
      %dma_wait3A_100 = tpu.memref_squeeze %dma_wait3A_99 : memref<1x80x128xi32, #tpu.memory_space<hbm>> -> memref<80x128xi32, #tpu.memory_space<hbm>>
      %dma_wait3A_101 = arith.constant 0 : i32
      %dma_wait3A_102 = arith.constant 0 : i32
      %dma_wait3A_103 = tpu.memref_slice %arg3[%add3A_30, %dma_wait3A_101, %dma_wait3A_102] : memref<32x80x128xi32, #tpu.memory_space<hbm>> -> memref<1x80x128xi32, #tpu.memory_space<hbm>>
      %dma_wait3A_104 = tpu.memref_squeeze %dma_wait3A_103 : memref<1x80x128xi32, #tpu.memory_space<hbm>> -> memref<80x128xi32, #tpu.memory_space<hbm>>
      tpu.wait_dma2 semaphore(%run_scoped3A_89 : memref<!tpu.dma_semaphore, #tpu.memory_space<semaphore_mem>>) src(%dma_wait3A_104 : memref<80x128xi32, #tpu.memory_space<hbm>>) dst(%arg6 : memref<80x128xi32, #tpu.memory_space<vmem>>)
      tpu.yield
    }) : () -> ()
    "tpu.region"() ({
      %run_scoped3A_89 = tpu.sem_alloc : memref<!tpu.dma_semaphore, #tpu.memory_space<semaphore_mem>>
      %dma_start3A_90 = arith.constant 0 : i32
      %dma_start3A_91 = arith.constant 0 : i32
      %dma_start3A_92 = tpu.memref_slice %arg4[%add3A_30, %dma_start3A_90, %dma_start3A_91] : memref<32x80x128xi32, #tpu.memory_space<hbm>> -> memref<1x80x128xi32, #tpu.memory_space<hbm>>
      %dma_start3A_93 = tpu.memref_squeeze %dma_start3A_92 : memref<1x80x128xi32, #tpu.memory_space<hbm>> -> memref<80x128xi32, #tpu.memory_space<hbm>>
      %dma_start3A_94 = arith.constant 0 : i32
      %dma_start3A_95 = arith.constant 0 : i32
      %dma_start3A_96 = tpu.memref_slice %arg4[%add3A_30, %dma_start3A_94, %dma_start3A_95] : memref<32x80x128xi32, #tpu.memory_space<hbm>> -> memref<1x80x128xi32, #tpu.memory_space<hbm>>
      %dma_start3A_97 = tpu.memref_squeeze %dma_start3A_96 : memref<1x80x128xi32, #tpu.memory_space<hbm>> -> memref<80x128xi32, #tpu.memory_space<hbm>>
      tpu.enqueue_dma source(%dma_start3A_97 : memref<80x128xi32, #tpu.memory_space<hbm>>) target(%arg7 : memref<80x128xi32, #tpu.memory_space<vmem>>) target_semaphore(%run_scoped3A_89 : memref<!tpu.dma_semaphore, #tpu.memory_space<semaphore_mem>>)
      %dma_wait3A = arith.constant 0 : i32
      %dma_wait3A_98 = arith.constant 0 : i32
      %dma_wait3A_99 = tpu.memref_slice %arg4[%add3A_30, %dma_wait3A, %dma_wait3A_98] : memref<32x80x128xi32, #tpu.memory_space<hbm>> -> memref<1x80x128xi32, #tpu.memory_space<hbm>>
      %dma_wait3A_100 = tpu.memref_squeeze %dma_wait3A_99 : memref<1x80x128xi32, #tpu.memory_space<hbm>> -> memref<80x128xi32, #tpu.memory_space<hbm>>
      %dma_wait3A_101 = arith.constant 0 : i32
      %dma_wait3A_102 = arith.constant 0 : i32
      %dma_wait3A_103 = tpu.memref_slice %arg4[%add3A_30, %dma_wait3A_101, %dma_wait3A_102] : memref<32x80x128xi32, #tpu.memory_space<hbm>> -> memref<1x80x128xi32, #tpu.memory_space<hbm>>
      %dma_wait3A_104 = tpu.memref_squeeze %dma_wait3A_103 : memref<1x80x128xi32, #tpu.memory_space<hbm>> -> memref<80x128xi32, #tpu.memory_space<hbm>>
      tpu.wait_dma2 semaphore(%run_scoped3A_89 : memref<!tpu.dma_semaphore, #tpu.memory_space<semaphore_mem>>) src(%dma_wait3A_104 : memref<80x128xi32, #tpu.memory_space<hbm>>) dst(%arg7 : memref<80x128xi32, #tpu.memory_space<vmem>>)
      tpu.yield
    }) : () -> ()
    %barrier3A = arith.constant 0 : index
    tpu.barrier barrier_id(%barrier3A)
    %dma_start3A = arith.constant 0 : i32
    %dma_start3A_31 = arith.constant 0 : i32
    %dma_start3A_32 = arith.constant 0 : i32
    %dma_start3A_33 = arith.constant 0 : i32
    %dma_start3A_34 = tpu.memref_slice %arg8[%dma_start3A_31, %dma_start3A_32, %dma_start3A_33] : memref<5x128x64xf32, #tpu.memory_space<vmem>> -> memref<1x128x64xf32, #tpu.memory_space<vmem>>
    %dma_start3A_35 = tpu.memref_squeeze %dma_start3A_34 : memref<1x128x64xf32, #tpu.memory_space<vmem>> -> memref<128x64xf32, #tpu.memory_space<vmem>>
    %dma_start3A_36 = arith.constant 0 : i32
    %dma_start3A_37 = tpu.memref_slice %arg6[%dma_start3A, %dma_start3A_36] : memref<80x128xi32, #tpu.memory_space<vmem>> -> memref<1x128xi32, #tpu.memory_space<vmem>>
    %dma_start3A_38 = tpu.memref_squeeze %dma_start3A_37 : memref<1x128xi32, #tpu.memory_space<vmem>> -> memref<128xi32, #tpu.memory_space<vmem>>
    %dma_start3A_39 = arith.constant 0 : i32
    %dma_start3A_40 = arith.constant 0 : i32
    %dma_start3A_41 = tpu.memref_slice %arg2[%dma_start3A_39, %dma_start3A_40] : memref<10000x64xf32, #tpu.memory_space<hbm>> -> memref<10000x64xf32, #tpu.memory_space<hbm>>
    tpu.enqueue_indirect_dma source(%dma_start3A_41 : memref<10000x64xf32, #tpu.memory_space<hbm>>) target(%dma_start3A_35 : memref<128x64xf32, #tpu.memory_space<vmem>>) offsets(%dma_start3A_38 : memref<128xi32, #tpu.memory_space<vmem>>) semaphore(%arg10 : memref<!tpu.dma_semaphore, #tpu.memory_space<semaphore_mem>>)
    %dma_start3A_42 = arith.constant 1 : i32
    %dma_start3A_43 = arith.constant 1 : i32
    %dma_start3A_44 = arith.constant 0 : i32
    %dma_start3A_45 = arith.constant 0 : i32
    %dma_start3A_46 = tpu.memref_slice %arg8[%dma_start3A_43, %dma_start3A_44, %dma_start3A_45] : memref<5x128x64xf32, #tpu.memory_space<vmem>> -> memref<1x128x64xf32, #tpu.memory_space<vmem>>
    %dma_start3A_47 = tpu.memref_squeeze %dma_start3A_46 : memref<1x128x64xf32, #tpu.memory_space<vmem>> -> memref<128x64xf32, #tpu.memory_space<vmem>>
    %dma_start3A_48 = arith.constant 0 : i32
    %dma_start3A_49 = tpu.memref_slice %arg6[%dma_start3A_42, %dma_start3A_48] : memref<80x128xi32, #tpu.memory_space<vmem>> -> memref<1x128xi32, #tpu.memory_space<vmem>>
    %dma_start3A_50 = tpu.memref_squeeze %dma_start3A_49 : memref<1x128xi32, #tpu.memory_space<vmem>> -> memref<128xi32, #tpu.memory_space<vmem>>
    %dma_start3A_51 = arith.constant 0 : i32
    %dma_start3A_52 = arith.constant 0 : i32
    %dma_start3A_53 = tpu.memref_slice %arg2[%dma_start3A_51, %dma_start3A_52] : memref<10000x64xf32, #tpu.memory_space<hbm>> -> memref<10000x64xf32, #tpu.memory_space<hbm>>
    tpu.enqueue_indirect_dma source(%dma_start3A_53 : memref<10000x64xf32, #tpu.memory_space<hbm>>) target(%dma_start3A_47 : memref<128x64xf32, #tpu.memory_space<vmem>>) offsets(%dma_start3A_50 : memref<128xi32, #tpu.memory_space<vmem>>) semaphore(%arg11 : memref<!tpu.dma_semaphore, #tpu.memory_space<semaphore_mem>>)
    %dma_start3A_54 = arith.constant 2 : i32
    %dma_start3A_55 = arith.constant 2 : i32
    %dma_start3A_56 = arith.constant 0 : i32
    %dma_start3A_57 = arith.constant 0 : i32
    %dma_start3A_58 = tpu.memref_slice %arg8[%dma_start3A_55, %dma_start3A_56, %dma_start3A_57] : memref<5x128x64xf32, #tpu.memory_space<vmem>> -> memref<1x128x64xf32, #tpu.memory_space<vmem>>
    %dma_start3A_59 = tpu.memref_squeeze %dma_start3A_58 : memref<1x128x64xf32, #tpu.memory_space<vmem>> -> memref<128x64xf32, #tpu.memory_space<vmem>>
    %dma_start3A_60 = arith.constant 0 : i32
    %dma_start3A_61 = tpu.memref_slice %arg6[%dma_start3A_54, %dma_start3A_60] : memref<80x128xi32, #tpu.memory_space<vmem>> -> memref<1x128xi32, #tpu.memory_space<vmem>>
    %dma_start3A_62 = tpu.memref_squeeze %dma_start3A_61 : memref<1x128xi32, #tpu.memory_space<vmem>> -> memref<128xi32, #tpu.memory_space<vmem>>
    %dma_start3A_63 = arith.constant 0 : i32
    %dma_start3A_64 = arith.constant 0 : i32
    %dma_start3A_65 = tpu.memref_slice %arg2[%dma_start3A_63, %dma_start3A_64] : memref<10000x64xf32, #tpu.memory_space<hbm>> -> memref<10000x64xf32, #tpu.memory_space<hbm>>
    tpu.enqueue_indirect_dma source(%dma_start3A_65 : memref<10000x64xf32, #tpu.memory_space<hbm>>) target(%dma_start3A_59 : memref<128x64xf32, #tpu.memory_space<vmem>>) offsets(%dma_start3A_62 : memref<128xi32, #tpu.memory_space<vmem>>) semaphore(%arg12 : memref<!tpu.dma_semaphore, #tpu.memory_space<semaphore_mem>>)
    %dma_start3A_66 = arith.constant 3 : i32
    %dma_start3A_67 = arith.constant 3 : i32
    %dma_start3A_68 = arith.constant 0 : i32
    %dma_start3A_69 = arith.constant 0 : i32
    %dma_start3A_70 = tpu.memref_slice %arg8[%dma_start3A_67, %dma_start3A_68, %dma_start3A_69] : memref<5x128x64xf32, #tpu.memory_space<vmem>> -> memref<1x128x64xf32, #tpu.memory_space<vmem>>
    %dma_start3A_71 = tpu.memref_squeeze %dma_start3A_70 : memref<1x128x64xf32, #tpu.memory_space<vmem>> -> memref<128x64xf32, #tpu.memory_space<vmem>>
    %dma_start3A_72 = arith.constant 0 : i32
    %dma_start3A_73 = tpu.memref_slice %arg6[%dma_start3A_66, %dma_start3A_72] : memref<80x128xi32, #tpu.memory_space<vmem>> -> memref<1x128xi32, #tpu.memory_space<vmem>>
    %dma_start3A_74 = tpu.memref_squeeze %dma_start3A_73 : memref<1x128xi32, #tpu.memory_space<vmem>> -> memref<128xi32, #tpu.memory_space<vmem>>
    %dma_start3A_75 = arith.constant 0 : i32
    %dma_start3A_76 = arith.constant 0 : i32
    %dma_start3A_77 = tpu.memref_slice %arg2[%dma_start3A_75, %dma_start3A_76] : memref<10000x64xf32, #tpu.memory_space<hbm>> -> memref<10000x64xf32, #tpu.memory_space<hbm>>
    tpu.enqueue_indirect_dma source(%dma_start3A_77 : memref<10000x64xf32, #tpu.memory_space<hbm>>) target(%dma_start3A_71 : memref<128x64xf32, #tpu.memory_space<vmem>>) offsets(%dma_start3A_74 : memref<128xi32, #tpu.memory_space<vmem>>) semaphore(%arg13 : memref<!tpu.dma_semaphore, #tpu.memory_space<semaphore_mem>>)
    %scan3A_78 = arith.constant 0 : i32
    %scan3A_79 = arith.constant 0 : i32
    %scan3A_80 = arith.constant 16 : i32
    %scan3A_81 = arith.addi %scan3A_79, %scan3A_80 : i32
    %scan3A_82 = arith.constant 1 : i32
    scf.for %scan3A_89 = %scan3A_79 to %scan3A_81 step %scan3A_82  : i32 {
      %mul3A_90 = arith.constant 5 : i32
      %mul3A_91 = arith.muli %scan3A_89, %mul3A_90 : i32
      %add3A_92 = arith.constant 0 : i32
      %add3A_93 = arith.addi %mul3A_91, %add3A_92 : i32
      %dma_wait3A = arith.constant 0 : i32
      %dma_wait3A_94 = arith.constant 0 : i32
      %dma_wait3A_95 = arith.constant 0 : i32
      %dma_wait3A_96 = tpu.memref_slice %arg8[%dma_wait3A, %dma_wait3A_94, %dma_wait3A_95] : memref<5x128x64xf32, #tpu.memory_space<vmem>> -> memref<1x128x64xf32, #tpu.memory_space<vmem>>
      %dma_wait3A_97 = tpu.memref_squeeze %dma_wait3A_96 : memref<1x128x64xf32, #tpu.memory_space<vmem>> -> memref<128x64xf32, #tpu.memory_space<vmem>>
      %dma_wait3A_98 = arith.constant 0 : i32
      %dma_wait3A_99 = tpu.memref_slice %arg6[%add3A_93, %dma_wait3A_98] : memref<80x128xi32, #tpu.memory_space<vmem>> -> memref<1x128xi32, #tpu.memory_space<vmem>>
      %dma_wait3A_100 = tpu.memref_squeeze %dma_wait3A_99 : memref<1x128xi32, #tpu.memory_space<vmem>> -> memref<128xi32, #tpu.memory_space<vmem>>
      %dma_wait3A_101 = arith.constant 0 : i32
      %dma_wait3A_102 = arith.constant 0 : i32
      %dma_wait3A_103 = tpu.memref_slice %arg2[%dma_wait3A_101, %dma_wait3A_102] : memref<10000x64xf32, #tpu.memory_space<hbm>> -> memref<10000x64xf32, #tpu.memory_space<hbm>>
      tpu.wait_indirect_dma semaphore(%arg10 : memref<!tpu.dma_semaphore, #tpu.memory_space<semaphore_mem>>) src(%dma_wait3A_103 : memref<10000x64xf32, #tpu.memory_space<hbm>>) dst(%dma_wait3A_97 : memref<128x64xf32, #tpu.memory_space<vmem>>)
      %dma_start3A_104 = arith.constant 0 : i32
      %dma_start3A_105 = arith.constant 0 : i32
      %dma_start3A_106 = arith.constant 0 : i32
      %dma_start3A_107 = tpu.memref_slice %arg8[%dma_start3A_104, %dma_start3A_105, %dma_start3A_106] : memref<5x128x64xf32, #tpu.memory_space<vmem>> -> memref<1x128x64xf32, #tpu.memory_space<vmem>>
      %dma_start3A_108 = tpu.memref_squeeze %dma_start3A_107 : memref<1x128x64xf32, #tpu.memory_space<vmem>> -> memref<128x64xf32, #tpu.memory_space<vmem>>
      %dma_start3A_109 = arith.constant 0 : i32
      %dma_start3A_110 = tpu.memref_slice %arg7[%add3A_93, %dma_start3A_109] : memref<80x128xi32, #tpu.memory_space<vmem>> -> memref<1x128xi32, #tpu.memory_space<vmem>>
      %dma_start3A_111 = tpu.memref_squeeze %dma_start3A_110 : memref<1x128xi32, #tpu.memory_space<vmem>> -> memref<128xi32, #tpu.memory_space<vmem>>
      %dma_start3A_112 = arith.constant 0 : i32
      %dma_start3A_113 = arith.constant 0 : i32
      %dma_start3A_114 = tpu.memref_slice %arg9[%dma_start3A_112, %dma_start3A_113] : memref<10240x64xf32, #tpu.memory_space<vmem_shared>> -> memref<10240x64xf32, #tpu.memory_space<vmem_shared>>
      tpu.enqueue_indirect_dma source(%dma_start3A_108 : memref<128x64xf32, #tpu.memory_space<vmem>>) target(%dma_start3A_114 : memref<10240x64xf32, #tpu.memory_space<vmem_shared>>) offsets(%dma_start3A_111 : memref<128xi32, #tpu.memory_space<vmem>>) semaphore(%arg15 : memref<!tpu.dma_semaphore, #tpu.memory_space<semaphore_mem>>) {add = true}
      %dma_wait3A_115 = arith.constant 0 : i32
      %dma_wait3A_116 = arith.constant 0 : i32
      %dma_wait3A_117 = arith.constant 0 : i32
      %dma_wait3A_118 = tpu.memref_slice %arg8[%dma_wait3A_115, %dma_wait3A_116, %dma_wait3A_117] : memref<5x128x64xf32, #tpu.memory_space<vmem>> -> memref<1x128x64xf32, #tpu.memory_space<vmem>>
      %dma_wait3A_119 = tpu.memref_squeeze %dma_wait3A_118 : memref<1x128x64xf32, #tpu.memory_space<vmem>> -> memref<128x64xf32, #tpu.memory_space<vmem>>
      %dma_wait3A_120 = arith.constant 0 : i32
      %dma_wait3A_121 = tpu.memref_slice %arg7[%add3A_93, %dma_wait3A_120] : memref<80x128xi32, #tpu.memory_space<vmem>> -> memref<1x128xi32, #tpu.memory_space<vmem>>
      %dma_wait3A_122 = tpu.memref_squeeze %dma_wait3A_121 : memref<1x128xi32, #tpu.memory_space<vmem>> -> memref<128xi32, #tpu.memory_space<vmem>>
      %dma_wait3A_123 = arith.constant 0 : i32
      %dma_wait3A_124 = arith.constant 0 : i32
      %dma_wait3A_125 = tpu.memref_slice %arg9[%dma_wait3A_123, %dma_wait3A_124] : memref<10240x64xf32, #tpu.memory_space<vmem_shared>> -> memref<10240x64xf32, #tpu.memory_space<vmem_shared>>
      tpu.wait_indirect_dma semaphore(%arg15 : memref<!tpu.dma_semaphore, #tpu.memory_space<semaphore_mem>>) src(%dma_wait3A_119 : memref<128x64xf32, #tpu.memory_space<vmem>>) dst(%dma_wait3A_125 : memref<10240x64xf32, #tpu.memory_space<vmem_shared>>)
      %add3A_126 = arith.constant 5 : i32
      %add3A_127 = arith.addi %add3A_93, %add3A_126 : i32
      %sub3A = arith.constant 1 : i32
      %sub3A_128 = arith.subi %add3A_127, %sub3A : i32
      %lt3A = arith.constant 80 : i32
      %lt3A_129 = arith.cmpi slt, %sub3A_128, %lt3A : i32
      %convert_element_type3A = arith.extui %lt3A_129 : i1 to i32
      %cond3A = arith.constant 0 : i32
      %cond3A_130 = arith.cmpi ne, %convert_element_type3A, %cond3A : i32
      scf.if %cond3A_130 {
        %add3A_315 = arith.constant 5 : i32
        %add3A_316 = arith.addi %add3A_93, %add3A_315 : i32
        %sub3A_317 = arith.constant 1 : i32
        %sub3A_318 = arith.subi %add3A_316, %sub3A_317 : i32
        %dma_start3A_319 = arith.constant 4 : i32
        %dma_start3A_320 = arith.constant 0 : i32
        %dma_start3A_321 = arith.constant 0 : i32
        %dma_start3A_322 = tpu.memref_slice %arg8[%dma_start3A_319, %dma_start3A_320, %dma_start3A_321] : memref<5x128x64xf32, #tpu.memory_space<vmem>> -> memref<1x128x64xf32, #tpu.memory_space<vmem>>
        %dma_start3A_323 = tpu.memref_squeeze %dma_start3A_322 : memref<1x128x64xf32, #tpu.memory_space<vmem>> -> memref<128x64xf32, #tpu.memory_space<vmem>>
        %dma_start3A_324 = arith.constant 0 : i32
        %dma_start3A_325 = tpu.memref_slice %arg6[%sub3A_318, %dma_start3A_324] : memref<80x128xi32, #tpu.memory_space<vmem>> -> memref<1x128xi32, #tpu.memory_space<vmem>>
        %dma_start3A_326 = tpu.memref_squeeze %dma_start3A_325 : memref<1x128xi32, #tpu.memory_space<vmem>> -> memref<128xi32, #tpu.memory_space<vmem>>
        %dma_start3A_327 = arith.constant 0 : i32
        %dma_start3A_328 = arith.constant 0 : i32
        %dma_start3A_329 = tpu.memref_slice %arg2[%dma_start3A_327, %dma_start3A_328] : memref<10000x64xf32, #tpu.memory_space<hbm>> -> memref<10000x64xf32, #tpu.memory_space<hbm>>
        tpu.enqueue_indirect_dma source(%dma_start3A_329 : memref<10000x64xf32, #tpu.memory_space<hbm>>) target(%dma_start3A_323 : memref<128x64xf32, #tpu.memory_space<vmem>>) offsets(%dma_start3A_326 : memref<128xi32, #tpu.memory_space<vmem>>) semaphore(%arg14 : memref<!tpu.dma_semaphore, #tpu.memory_space<semaphore_mem>>)
      } else {
      }
      %mul3A_131 = arith.constant 5 : i32
      %mul3A_132 = arith.muli %scan3A_89, %mul3A_131 : i32
      %add3A_133 = arith.constant 1 : i32
      %add3A_134 = arith.addi %mul3A_132, %add3A_133 : i32
      %dma_wait3A_135 = arith.constant 1 : i32
      %dma_wait3A_136 = arith.constant 0 : i32
      %dma_wait3A_137 = arith.constant 0 : i32
      %dma_wait3A_138 = tpu.memref_slice %arg8[%dma_wait3A_135, %dma_wait3A_136, %dma_wait3A_137] : memref<5x128x64xf32, #tpu.memory_space<vmem>> -> memref<1x128x64xf32, #tpu.memory_space<vmem>>
      %dma_wait3A_139 = tpu.memref_squeeze %dma_wait3A_138 : memref<1x128x64xf32, #tpu.memory_space<vmem>> -> memref<128x64xf32, #tpu.memory_space<vmem>>
      %dma_wait3A_140 = arith.constant 0 : i32
      %dma_wait3A_141 = tpu.memref_slice %arg6[%add3A_134, %dma_wait3A_140] : memref<80x128xi32, #tpu.memory_space<vmem>> -> memref<1x128xi32, #tpu.memory_space<vmem>>
      %dma_wait3A_142 = tpu.memref_squeeze %dma_wait3A_141 : memref<1x128xi32, #tpu.memory_space<vmem>> -> memref<128xi32, #tpu.memory_space<vmem>>
      %dma_wait3A_143 = arith.constant 0 : i32
      %dma_wait3A_144 = arith.constant 0 : i32
      %dma_wait3A_145 = tpu.memref_slice %arg2[%dma_wait3A_143, %dma_wait3A_144] : memref<10000x64xf32, #tpu.memory_space<hbm>> -> memref<10000x64xf32, #tpu.memory_space<hbm>>
      tpu.wait_indirect_dma semaphore(%arg11 : memref<!tpu.dma_semaphore, #tpu.memory_space<semaphore_mem>>) src(%dma_wait3A_145 : memref<10000x64xf32, #tpu.memory_space<hbm>>) dst(%dma_wait3A_139 : memref<128x64xf32, #tpu.memory_space<vmem>>)
      %dma_start3A_146 = arith.constant 1 : i32
      %dma_start3A_147 = arith.constant 0 : i32
      %dma_start3A_148 = arith.constant 0 : i32
      %dma_start3A_149 = tpu.memref_slice %arg8[%dma_start3A_146, %dma_start3A_147, %dma_start3A_148] : memref<5x128x64xf32, #tpu.memory_space<vmem>> -> memref<1x128x64xf32, #tpu.memory_space<vmem>>
      %dma_start3A_150 = tpu.memref_squeeze %dma_start3A_149 : memref<1x128x64xf32, #tpu.memory_space<vmem>> -> memref<128x64xf32, #tpu.memory_space<vmem>>
      %dma_start3A_151 = arith.constant 0 : i32
      %dma_start3A_152 = tpu.memref_slice %arg7[%add3A_134, %dma_start3A_151] : memref<80x128xi32, #tpu.memory_space<vmem>> -> memref<1x128xi32, #tpu.memory_space<vmem>>
      %dma_start3A_153 = tpu.memref_squeeze %dma_start3A_152 : memref<1x128xi32, #tpu.memory_space<vmem>> -> memref<128xi32, #tpu.memory_space<vmem>>
      %dma_start3A_154 = arith.constant 0 : i32
      %dma_start3A_155 = arith.constant 0 : i32
      %dma_start3A_156 = tpu.memref_slice %arg9[%dma_start3A_154, %dma_start3A_155] : memref<10240x64xf32, #tpu.memory_space<vmem_shared>> -> memref<10240x64xf32, #tpu.memory_space<vmem_shared>>
      tpu.enqueue_indirect_dma source(%dma_start3A_150 : memref<128x64xf32, #tpu.memory_space<vmem>>) target(%dma_start3A_156 : memref<10240x64xf32, #tpu.memory_space<vmem_shared>>) offsets(%dma_start3A_153 : memref<128xi32, #tpu.memory_space<vmem>>) semaphore(%arg15 : memref<!tpu.dma_semaphore, #tpu.memory_space<semaphore_mem>>) {add = true}
      %dma_wait3A_157 = arith.constant 1 : i32
      %dma_wait3A_158 = arith.constant 0 : i32
      %dma_wait3A_159 = arith.constant 0 : i32
      %dma_wait3A_160 = tpu.memref_slice %arg8[%dma_wait3A_157, %dma_wait3A_158, %dma_wait3A_159] : memref<5x128x64xf32, #tpu.memory_space<vmem>> -> memref<1x128x64xf32, #tpu.memory_space<vmem>>
      %dma_wait3A_161 = tpu.memref_squeeze %dma_wait3A_160 : memref<1x128x64xf32, #tpu.memory_space<vmem>> -> memref<128x64xf32, #tpu.memory_space<vmem>>
      %dma_wait3A_162 = arith.constant 0 : i32
      %dma_wait3A_163 = tpu.memref_slice %arg7[%add3A_134, %dma_wait3A_162] : memref<80x128xi32, #tpu.memory_space<vmem>> -> memref<1x128xi32, #tpu.memory_space<vmem>>
      %dma_wait3A_164 = tpu.memref_squeeze %dma_wait3A_163 : memref<1x128xi32, #tpu.memory_space<vmem>> -> memref<128xi32, #tpu.memory_space<vmem>>
      %dma_wait3A_165 = arith.constant 0 : i32
      %dma_wait3A_166 = arith.constant 0 : i32
      %dma_wait3A_167 = tpu.memref_slice %arg9[%dma_wait3A_165, %dma_wait3A_166] : memref<10240x64xf32, #tpu.memory_space<vmem_shared>> -> memref<10240x64xf32, #tpu.memory_space<vmem_shared>>
      tpu.wait_indirect_dma semaphore(%arg15 : memref<!tpu.dma_semaphore, #tpu.memory_space<semaphore_mem>>) src(%dma_wait3A_161 : memref<128x64xf32, #tpu.memory_space<vmem>>) dst(%dma_wait3A_167 : memref<10240x64xf32, #tpu.memory_space<vmem_shared>>)
      %add3A_168 = arith.constant 5 : i32
      %add3A_169 = arith.addi %add3A_134, %add3A_168 : i32
      %sub3A_170 = arith.constant 1 : i32
      %sub3A_171 = arith.subi %add3A_169, %sub3A_170 : i32
      %lt3A_172 = arith.constant 80 : i32
      %lt3A_173 = arith.cmpi slt, %sub3A_171, %lt3A_172 : i32
      %convert_element_type3A_174 = arith.extui %lt3A_173 : i1 to i32
      %cond3A_175 = arith.constant 0 : i32
      %cond3A_176 = arith.cmpi ne, %convert_element_type3A_174, %cond3A_175 : i32
      scf.if %cond3A_176 {
        %add3A_315 = arith.constant 5 : i32
        %add3A_316 = arith.addi %add3A_134, %add3A_315 : i32
        %sub3A_317 = arith.constant 1 : i32
        %sub3A_318 = arith.subi %add3A_316, %sub3A_317 : i32
        %dma_start3A_319 = arith.constant 0 : i32
        %dma_start3A_320 = arith.constant 0 : i32
        %dma_start3A_321 = arith.constant 0 : i32
        %dma_start3A_322 = tpu.memref_slice %arg8[%dma_start3A_319, %dma_start3A_320, %dma_start3A_321] : memref<5x128x64xf32, #tpu.memory_space<vmem>> -> memref<1x128x64xf32, #tpu.memory_space<vmem>>
        %dma_start3A_323 = tpu.memref_squeeze %dma_start3A_322 : memref<1x128x64xf32, #tpu.memory_space<vmem>> -> memref<128x64xf32, #tpu.memory_space<vmem>>
        %dma_start3A_324 = arith.constant 0 : i32
        %dma_start3A_325 = tpu.memref_slice %arg6[%sub3A_318, %dma_start3A_324] : memref<80x128xi32, #tpu.memory_space<vmem>> -> memref<1x128xi32, #tpu.memory_space<vmem>>
        %dma_start3A_326 = tpu.memref_squeeze %dma_start3A_325 : memref<1x128xi32, #tpu.memory_space<vmem>> -> memref<128xi32, #tpu.memory_space<vmem>>
        %dma_start3A_327 = arith.constant 0 : i32
        %dma_start3A_328 = arith.constant 0 : i32
        %dma_start3A_329 = tpu.memref_slice %arg2[%dma_start3A_327, %dma_start3A_328] : memref<10000x64xf32, #tpu.memory_space<hbm>> -> memref<10000x64xf32, #tpu.memory_space<hbm>>
        tpu.enqueue_indirect_dma source(%dma_start3A_329 : memref<10000x64xf32, #tpu.memory_space<hbm>>) target(%dma_start3A_323 : memref<128x64xf32, #tpu.memory_space<vmem>>) offsets(%dma_start3A_326 : memref<128xi32, #tpu.memory_space<vmem>>) semaphore(%arg10 : memref<!tpu.dma_semaphore, #tpu.memory_space<semaphore_mem>>)
      } else {
      }
      %mul3A_177 = arith.constant 5 : i32
      %mul3A_178 = arith.muli %scan3A_89, %mul3A_177 : i32
      %add3A_179 = arith.constant 2 : i32
      %add3A_180 = arith.addi %mul3A_178, %add3A_179 : i32
      %dma_wait3A_181 = arith.constant 2 : i32
      %dma_wait3A_182 = arith.constant 0 : i32
      %dma_wait3A_183 = arith.constant 0 : i32
      %dma_wait3A_184 = tpu.memref_slice %arg8[%dma_wait3A_181, %dma_wait3A_182, %dma_wait3A_183] : memref<5x128x64xf32, #tpu.memory_space<vmem>> -> memref<1x128x64xf32, #tpu.memory_space<vmem>>
      %dma_wait3A_185 = tpu.memref_squeeze %dma_wait3A_184 : memref<1x128x64xf32, #tpu.memory_space<vmem>> -> memref<128x64xf32, #tpu.memory_space<vmem>>
      %dma_wait3A_186 = arith.constant 0 : i32
      %dma_wait3A_187 = tpu.memref_slice %arg6[%add3A_180, %dma_wait3A_186] : memref<80x128xi32, #tpu.memory_space<vmem>> -> memref<1x128xi32, #tpu.memory_space<vmem>>
      %dma_wait3A_188 = tpu.memref_squeeze %dma_wait3A_187 : memref<1x128xi32, #tpu.memory_space<vmem>> -> memref<128xi32, #tpu.memory_space<vmem>>
      %dma_wait3A_189 = arith.constant 0 : i32
      %dma_wait3A_190 = arith.constant 0 : i32
      %dma_wait3A_191 = tpu.memref_slice %arg2[%dma_wait3A_189, %dma_wait3A_190] : memref<10000x64xf32, #tpu.memory_space<hbm>> -> memref<10000x64xf32, #tpu.memory_space<hbm>>
      tpu.wait_indirect_dma semaphore(%arg12 : memref<!tpu.dma_semaphore, #tpu.memory_space<semaphore_mem>>) src(%dma_wait3A_191 : memref<10000x64xf32, #tpu.memory_space<hbm>>) dst(%dma_wait3A_185 : memref<128x64xf32, #tpu.memory_space<vmem>>)
      %dma_start3A_192 = arith.constant 2 : i32
      %dma_start3A_193 = arith.constant 0 : i32
      %dma_start3A_194 = arith.constant 0 : i32
      %dma_start3A_195 = tpu.memref_slice %arg8[%dma_start3A_192, %dma_start3A_193, %dma_start3A_194] : memref<5x128x64xf32, #tpu.memory_space<vmem>> -> memref<1x128x64xf32, #tpu.memory_space<vmem>>
      %dma_start3A_196 = tpu.memref_squeeze %dma_start3A_195 : memref<1x128x64xf32, #tpu.memory_space<vmem>> -> memref<128x64xf32, #tpu.memory_space<vmem>>
      %dma_start3A_197 = arith.constant 0 : i32
      %dma_start3A_198 = tpu.memref_slice %arg7[%add3A_180, %dma_start3A_197] : memref<80x128xi32, #tpu.memory_space<vmem>> -> memref<1x128xi32, #tpu.memory_space<vmem>>
      %dma_start3A_199 = tpu.memref_squeeze %dma_start3A_198 : memref<1x128xi32, #tpu.memory_space<vmem>> -> memref<128xi32, #tpu.memory_space<vmem>>
      %dma_start3A_200 = arith.constant 0 : i32
      %dma_start3A_201 = arith.constant 0 : i32
      %dma_start3A_202 = tpu.memref_slice %arg9[%dma_start3A_200, %dma_start3A_201] : memref<10240x64xf32, #tpu.memory_space<vmem_shared>> -> memref<10240x64xf32, #tpu.memory_space<vmem_shared>>
      tpu.enqueue_indirect_dma source(%dma_start3A_196 : memref<128x64xf32, #tpu.memory_space<vmem>>) target(%dma_start3A_202 : memref<10240x64xf32, #tpu.memory_space<vmem_shared>>) offsets(%dma_start3A_199 : memref<128xi32, #tpu.memory_space<vmem>>) semaphore(%arg15 : memref<!tpu.dma_semaphore, #tpu.memory_space<semaphore_mem>>) {add = true}
      %dma_wait3A_203 = arith.constant 2 : i32
      %dma_wait3A_204 = arith.constant 0 : i32
      %dma_wait3A_205 = arith.constant 0 : i32
      %dma_wait3A_206 = tpu.memref_slice %arg8[%dma_wait3A_203, %dma_wait3A_204, %dma_wait3A_205] : memref<5x128x64xf32, #tpu.memory_space<vmem>> -> memref<1x128x64xf32, #tpu.memory_space<vmem>>
      %dma_wait3A_207 = tpu.memref_squeeze %dma_wait3A_206 : memref<1x128x64xf32, #tpu.memory_space<vmem>> -> memref<128x64xf32, #tpu.memory_space<vmem>>
      %dma_wait3A_208 = arith.constant 0 : i32
      %dma_wait3A_209 = tpu.memref_slice %arg7[%add3A_180, %dma_wait3A_208] : memref<80x128xi32, #tpu.memory_space<vmem>> -> memref<1x128xi32, #tpu.memory_space<vmem>>
      %dma_wait3A_210 = tpu.memref_squeeze %dma_wait3A_209 : memref<1x128xi32, #tpu.memory_space<vmem>> -> memref<128xi32, #tpu.memory_space<vmem>>
      %dma_wait3A_211 = arith.constant 0 : i32
      %dma_wait3A_212 = arith.constant 0 : i32
      %dma_wait3A_213 = tpu.memref_slice %arg9[%dma_wait3A_211, %dma_wait3A_212] : memref<10240x64xf32, #tpu.memory_space<vmem_shared>> -> memref<10240x64xf32, #tpu.memory_space<vmem_shared>>
      tpu.wait_indirect_dma semaphore(%arg15 : memref<!tpu.dma_semaphore, #tpu.memory_space<semaphore_mem>>) src(%dma_wait3A_207 : memref<128x64xf32, #tpu.memory_space<vmem>>) dst(%dma_wait3A_213 : memref<10240x64xf32, #tpu.memory_space<vmem_shared>>)
      %add3A_214 = arith.constant 5 : i32
      %add3A_215 = arith.addi %add3A_180, %add3A_214 : i32
      %sub3A_216 = arith.constant 1 : i32
      %sub3A_217 = arith.subi %add3A_215, %sub3A_216 : i32
      %lt3A_218 = arith.constant 80 : i32
      %lt3A_219 = arith.cmpi slt, %sub3A_217, %lt3A_218 : i32
      %convert_element_type3A_220 = arith.extui %lt3A_219 : i1 to i32
      %cond3A_221 = arith.constant 0 : i32
      %cond3A_222 = arith.cmpi ne, %convert_element_type3A_220, %cond3A_221 : i32
      scf.if %cond3A_222 {
        %add3A_315 = arith.constant 5 : i32
        %add3A_316 = arith.addi %add3A_180, %add3A_315 : i32
        %sub3A_317 = arith.constant 1 : i32
        %sub3A_318 = arith.subi %add3A_316, %sub3A_317 : i32
        %dma_start3A_319 = arith.constant 1 : i32
        %dma_start3A_320 = arith.constant 0 : i32
        %dma_start3A_321 = arith.constant 0 : i32
        %dma_start3A_322 = tpu.memref_slice %arg8[%dma_start3A_319, %dma_start3A_320, %dma_start3A_321] : memref<5x128x64xf32, #tpu.memory_space<vmem>> -> memref<1x128x64xf32, #tpu.memory_space<vmem>>
        %dma_start3A_323 = tpu.memref_squeeze %dma_start3A_322 : memref<1x128x64xf32, #tpu.memory_space<vmem>> -> memref<128x64xf32, #tpu.memory_space<vmem>>
        %dma_start3A_324 = arith.constant 0 : i32
        %dma_start3A_325 = tpu.memref_slice %arg6[%sub3A_318, %dma_start3A_324] : memref<80x128xi32, #tpu.memory_space<vmem>> -> memref<1x128xi32, #tpu.memory_space<vmem>>
        %dma_start3A_326 = tpu.memref_squeeze %dma_start3A_325 : memref<1x128xi32, #tpu.memory_space<vmem>> -> memref<128xi32, #tpu.memory_space<vmem>>
        %dma_start3A_327 = arith.constant 0 : i32
        %dma_start3A_328 = arith.constant 0 : i32
        %dma_start3A_329 = tpu.memref_slice %arg2[%dma_start3A_327, %dma_start3A_328] : memref<10000x64xf32, #tpu.memory_space<hbm>> -> memref<10000x64xf32, #tpu.memory_space<hbm>>
        tpu.enqueue_indirect_dma source(%dma_start3A_329 : memref<10000x64xf32, #tpu.memory_space<hbm>>) target(%dma_start3A_323 : memref<128x64xf32, #tpu.memory_space<vmem>>) offsets(%dma_start3A_326 : memref<128xi32, #tpu.memory_space<vmem>>) semaphore(%arg11 : memref<!tpu.dma_semaphore, #tpu.memory_space<semaphore_mem>>)
      } else {
      }
      %mul3A_223 = arith.constant 5 : i32
      %mul3A_224 = arith.muli %scan3A_89, %mul3A_223 : i32
      %add3A_225 = arith.constant 3 : i32
      %add3A_226 = arith.addi %mul3A_224, %add3A_225 : i32
      %dma_wait3A_227 = arith.constant 3 : i32
      %dma_wait3A_228 = arith.constant 0 : i32
      %dma_wait3A_229 = arith.constant 0 : i32
      %dma_wait3A_230 = tpu.memref_slice %arg8[%dma_wait3A_227, %dma_wait3A_228, %dma_wait3A_229] : memref<5x128x64xf32, #tpu.memory_space<vmem>> -> memref<1x128x64xf32, #tpu.memory_space<vmem>>
      %dma_wait3A_231 = tpu.memref_squeeze %dma_wait3A_230 : memref<1x128x64xf32, #tpu.memory_space<vmem>> -> memref<128x64xf32, #tpu.memory_space<vmem>>
      %dma_wait3A_232 = arith.constant 0 : i32
      %dma_wait3A_233 = tpu.memref_slice %arg6[%add3A_226, %dma_wait3A_232] : memref<80x128xi32, #tpu.memory_space<vmem>> -> memref<1x128xi32, #tpu.memory_space<vmem>>
      %dma_wait3A_234 = tpu.memref_squeeze %dma_wait3A_233 : memref<1x128xi32, #tpu.memory_space<vmem>> -> memref<128xi32, #tpu.memory_space<vmem>>
      %dma_wait3A_235 = arith.constant 0 : i32
      %dma_wait3A_236 = arith.constant 0 : i32
      %dma_wait3A_237 = tpu.memref_slice %arg2[%dma_wait3A_235, %dma_wait3A_236] : memref<10000x64xf32, #tpu.memory_space<hbm>> -> memref<10000x64xf32, #tpu.memory_space<hbm>>
      tpu.wait_indirect_dma semaphore(%arg13 : memref<!tpu.dma_semaphore, #tpu.memory_space<semaphore_mem>>) src(%dma_wait3A_237 : memref<10000x64xf32, #tpu.memory_space<hbm>>) dst(%dma_wait3A_231 : memref<128x64xf32, #tpu.memory_space<vmem>>)
      %dma_start3A_238 = arith.constant 3 : i32
      %dma_start3A_239 = arith.constant 0 : i32
      %dma_start3A_240 = arith.constant 0 : i32
      %dma_start3A_241 = tpu.memref_slice %arg8[%dma_start3A_238, %dma_start3A_239, %dma_start3A_240] : memref<5x128x64xf32, #tpu.memory_space<vmem>> -> memref<1x128x64xf32, #tpu.memory_space<vmem>>
      %dma_start3A_242 = tpu.memref_squeeze %dma_start3A_241 : memref<1x128x64xf32, #tpu.memory_space<vmem>> -> memref<128x64xf32, #tpu.memory_space<vmem>>
      %dma_start3A_243 = arith.constant 0 : i32
      %dma_start3A_244 = tpu.memref_slice %arg7[%add3A_226, %dma_start3A_243] : memref<80x128xi32, #tpu.memory_space<vmem>> -> memref<1x128xi32, #tpu.memory_space<vmem>>
      %dma_start3A_245 = tpu.memref_squeeze %dma_start3A_244 : memref<1x128xi32, #tpu.memory_space<vmem>> -> memref<128xi32, #tpu.memory_space<vmem>>
      %dma_start3A_246 = arith.constant 0 : i32
      %dma_start3A_247 = arith.constant 0 : i32
      %dma_start3A_248 = tpu.memref_slice %arg9[%dma_start3A_246, %dma_start3A_247] : memref<10240x64xf32, #tpu.memory_space<vmem_shared>> -> memref<10240x64xf32, #tpu.memory_space<vmem_shared>>
      tpu.enqueue_indirect_dma source(%dma_start3A_242 : memref<128x64xf32, #tpu.memory_space<vmem>>) target(%dma_start3A_248 : memref<10240x64xf32, #tpu.memory_space<vmem_shared>>) offsets(%dma_start3A_245 : memref<128xi32, #tpu.memory_space<vmem>>) semaphore(%arg15 : memref<!tpu.dma_semaphore, #tpu.memory_space<semaphore_mem>>) {add = true}
      %dma_wait3A_249 = arith.constant 3 : i32
      %dma_wait3A_250 = arith.constant 0 : i32
      %dma_wait3A_251 = arith.constant 0 : i32
      %dma_wait3A_252 = tpu.memref_slice %arg8[%dma_wait3A_249, %dma_wait3A_250, %dma_wait3A_251] : memref<5x128x64xf32, #tpu.memory_space<vmem>> -> memref<1x128x64xf32, #tpu.memory_space<vmem>>
      %dma_wait3A_253 = tpu.memref_squeeze %dma_wait3A_252 : memref<1x128x64xf32, #tpu.memory_space<vmem>> -> memref<128x64xf32, #tpu.memory_space<vmem>>
      %dma_wait3A_254 = arith.constant 0 : i32
      %dma_wait3A_255 = tpu.memref_slice %arg7[%add3A_226, %dma_wait3A_254] : memref<80x128xi32, #tpu.memory_space<vmem>> -> memref<1x128xi32, #tpu.memory_space<vmem>>
      %dma_wait3A_256 = tpu.memref_squeeze %dma_wait3A_255 : memref<1x128xi32, #tpu.memory_space<vmem>> -> memref<128xi32, #tpu.memory_space<vmem>>
      %dma_wait3A_257 = arith.constant 0 : i32
      %dma_wait3A_258 = arith.constant 0 : i32
      %dma_wait3A_259 = tpu.memref_slice %arg9[%dma_wait3A_257, %dma_wait3A_258] : memref<10240x64xf32, #tpu.memory_space<vmem_shared>> -> memref<10240x64xf32, #tpu.memory_space<vmem_shared>>
      tpu.wait_indirect_dma semaphore(%arg15 : memref<!tpu.dma_semaphore, #tpu.memory_space<semaphore_mem>>) src(%dma_wait3A_253 : memref<128x64xf32, #tpu.memory_space<vmem>>) dst(%dma_wait3A_259 : memref<10240x64xf32, #tpu.memory_space<vmem_shared>>)
      %add3A_260 = arith.constant 5 : i32
      %add3A_261 = arith.addi %add3A_226, %add3A_260 : i32
      %sub3A_262 = arith.constant 1 : i32
      %sub3A_263 = arith.subi %add3A_261, %sub3A_262 : i32
      %lt3A_264 = arith.constant 80 : i32
      %lt3A_265 = arith.cmpi slt, %sub3A_263, %lt3A_264 : i32
      %convert_element_type3A_266 = arith.extui %lt3A_265 : i1 to i32
      %cond3A_267 = arith.constant 0 : i32
      %cond3A_268 = arith.cmpi ne, %convert_element_type3A_266, %cond3A_267 : i32
      scf.if %cond3A_268 {
        %add3A_315 = arith.constant 5 : i32
        %add3A_316 = arith.addi %add3A_226, %add3A_315 : i32
        %sub3A_317 = arith.constant 1 : i32
        %sub3A_318 = arith.subi %add3A_316, %sub3A_317 : i32
        %dma_start3A_319 = arith.constant 2 : i32
        %dma_start3A_320 = arith.constant 0 : i32
        %dma_start3A_321 = arith.constant 0 : i32
        %dma_start3A_322 = tpu.memref_slice %arg8[%dma_start3A_319, %dma_start3A_320, %dma_start3A_321] : memref<5x128x64xf32, #tpu.memory_space<vmem>> -> memref<1x128x64xf32, #tpu.memory_space<vmem>>
        %dma_start3A_323 = tpu.memref_squeeze %dma_start3A_322 : memref<1x128x64xf32, #tpu.memory_space<vmem>> -> memref<128x64xf32, #tpu.memory_space<vmem>>
        %dma_start3A_324 = arith.constant 0 : i32
        %dma_start3A_325 = tpu.memref_slice %arg6[%sub3A_318, %dma_start3A_324] : memref<80x128xi32, #tpu.memory_space<vmem>> -> memref<1x128xi32, #tpu.memory_space<vmem>>
        %dma_start3A_326 = tpu.memref_squeeze %dma_start3A_325 : memref<1x128xi32, #tpu.memory_space<vmem>> -> memref<128xi32, #tpu.memory_space<vmem>>
        %dma_start3A_327 = arith.constant 0 : i32
        %dma_start3A_328 = arith.constant 0 : i32
        %dma_start3A_329 = tpu.memref_slice %arg2[%dma_start3A_327, %dma_start3A_328] : memref<10000x64xf32, #tpu.memory_space<hbm>> -> memref<10000x64xf32, #tpu.memory_space<hbm>>
        tpu.enqueue_indirect_dma source(%dma_start3A_329 : memref<10000x64xf32, #tpu.memory_space<hbm>>) target(%dma_start3A_323 : memref<128x64xf32, #tpu.memory_space<vmem>>) offsets(%dma_start3A_326 : memref<128xi32, #tpu.memory_space<vmem>>) semaphore(%arg12 : memref<!tpu.dma_semaphore, #tpu.memory_space<semaphore_mem>>)
      } else {
      }
      %mul3A_269 = arith.constant 5 : i32
      %mul3A_270 = arith.muli %scan3A_89, %mul3A_269 : i32
      %add3A_271 = arith.constant 4 : i32
      %add3A_272 = arith.addi %mul3A_270, %add3A_271 : i32
      %dma_wait3A_273 = arith.constant 4 : i32
      %dma_wait3A_274 = arith.constant 0 : i32
      %dma_wait3A_275 = arith.constant 0 : i32
      %dma_wait3A_276 = tpu.memref_slice %arg8[%dma_wait3A_273, %dma_wait3A_274, %dma_wait3A_275] : memref<5x128x64xf32, #tpu.memory_space<vmem>> -> memref<1x128x64xf32, #tpu.memory_space<vmem>>
      %dma_wait3A_277 = tpu.memref_squeeze %dma_wait3A_276 : memref<1x128x64xf32, #tpu.memory_space<vmem>> -> memref<128x64xf32, #tpu.memory_space<vmem>>
      %dma_wait3A_278 = arith.constant 0 : i32
      %dma_wait3A_279 = tpu.memref_slice %arg6[%add3A_272, %dma_wait3A_278] : memref<80x128xi32, #tpu.memory_space<vmem>> -> memref<1x128xi32, #tpu.memory_space<vmem>>
      %dma_wait3A_280 = tpu.memref_squeeze %dma_wait3A_279 : memref<1x128xi32, #tpu.memory_space<vmem>> -> memref<128xi32, #tpu.memory_space<vmem>>
      %dma_wait3A_281 = arith.constant 0 : i32
      %dma_wait3A_282 = arith.constant 0 : i32
      %dma_wait3A_283 = tpu.memref_slice %arg2[%dma_wait3A_281, %dma_wait3A_282] : memref<10000x64xf32, #tpu.memory_space<hbm>> -> memref<10000x64xf32, #tpu.memory_space<hbm>>
      tpu.wait_indirect_dma semaphore(%arg14 : memref<!tpu.dma_semaphore, #tpu.memory_space<semaphore_mem>>) src(%dma_wait3A_283 : memref<10000x64xf32, #tpu.memory_space<hbm>>) dst(%dma_wait3A_277 : memref<128x64xf32, #tpu.memory_space<vmem>>)
      %dma_start3A_284 = arith.constant 4 : i32
      %dma_start3A_285 = arith.constant 0 : i32
      %dma_start3A_286 = arith.constant 0 : i32
      %dma_start3A_287 = tpu.memref_slice %arg8[%dma_start3A_284, %dma_start3A_285, %dma_start3A_286] : memref<5x128x64xf32, #tpu.memory_space<vmem>> -> memref<1x128x64xf32, #tpu.memory_space<vmem>>
      %dma_start3A_288 = tpu.memref_squeeze %dma_start3A_287 : memref<1x128x64xf32, #tpu.memory_space<vmem>> -> memref<128x64xf32, #tpu.memory_space<vmem>>
      %dma_start3A_289 = arith.constant 0 : i32
      %dma_start3A_290 = tpu.memref_slice %arg7[%add3A_272, %dma_start3A_289] : memref<80x128xi32, #tpu.memory_space<vmem>> -> memref<1x128xi32, #tpu.memory_space<vmem>>
      %dma_start3A_291 = tpu.memref_squeeze %dma_start3A_290 : memref<1x128xi32, #tpu.memory_space<vmem>> -> memref<128xi32, #tpu.memory_space<vmem>>
      %dma_start3A_292 = arith.constant 0 : i32
      %dma_start3A_293 = arith.constant 0 : i32
      %dma_start3A_294 = tpu.memref_slice %arg9[%dma_start3A_292, %dma_start3A_293] : memref<10240x64xf32, #tpu.memory_space<vmem_shared>> -> memref<10240x64xf32, #tpu.memory_space<vmem_shared>>
      tpu.enqueue_indirect_dma source(%dma_start3A_288 : memref<128x64xf32, #tpu.memory_space<vmem>>) target(%dma_start3A_294 : memref<10240x64xf32, #tpu.memory_space<vmem_shared>>) offsets(%dma_start3A_291 : memref<128xi32, #tpu.memory_space<vmem>>) semaphore(%arg15 : memref<!tpu.dma_semaphore, #tpu.memory_space<semaphore_mem>>) {add = true}
      %dma_wait3A_295 = arith.constant 4 : i32
      %dma_wait3A_296 = arith.constant 0 : i32
      %dma_wait3A_297 = arith.constant 0 : i32
      %dma_wait3A_298 = tpu.memref_slice %arg8[%dma_wait3A_295, %dma_wait3A_296, %dma_wait3A_297] : memref<5x128x64xf32, #tpu.memory_space<vmem>> -> memref<1x128x64xf32, #tpu.memory_space<vmem>>
      %dma_wait3A_299 = tpu.memref_squeeze %dma_wait3A_298 : memref<1x128x64xf32, #tpu.memory_space<vmem>> -> memref<128x64xf32, #tpu.memory_space<vmem>>
      %dma_wait3A_300 = arith.constant 0 : i32
      %dma_wait3A_301 = tpu.memref_slice %arg7[%add3A_272, %dma_wait3A_300] : memref<80x128xi32, #tpu.memory_space<vmem>> -> memref<1x128xi32, #tpu.memory_space<vmem>>
      %dma_wait3A_302 = tpu.memref_squeeze %dma_wait3A_301 : memref<1x128xi32, #tpu.memory_space<vmem>> -> memref<128xi32, #tpu.memory_space<vmem>>
      %dma_wait3A_303 = arith.constant 0 : i32
      %dma_wait3A_304 = arith.constant 0 : i32
      %dma_wait3A_305 = tpu.memref_slice %arg9[%dma_wait3A_303, %dma_wait3A_304] : memref<10240x64xf32, #tpu.memory_space<vmem_shared>> -> memref<10240x64xf32, #tpu.memory_space<vmem_shared>>
      tpu.wait_indirect_dma semaphore(%arg15 : memref<!tpu.dma_semaphore, #tpu.memory_space<semaphore_mem>>) src(%dma_wait3A_299 : memref<128x64xf32, #tpu.memory_space<vmem>>) dst(%dma_wait3A_305 : memref<10240x64xf32, #tpu.memory_space<vmem_shared>>)
      %add3A_306 = arith.constant 5 : i32
      %add3A_307 = arith.addi %add3A_272, %add3A_306 : i32
      %sub3A_308 = arith.constant 1 : i32
      %sub3A_309 = arith.subi %add3A_307, %sub3A_308 : i32
      %lt3A_310 = arith.constant 80 : i32
      %lt3A_311 = arith.cmpi slt, %sub3A_309, %lt3A_310 : i32
      %convert_element_type3A_312 = arith.extui %lt3A_311 : i1 to i32
      %cond3A_313 = arith.constant 0 : i32
      %cond3A_314 = arith.cmpi ne, %convert_element_type3A_312, %cond3A_313 : i32
      scf.if %cond3A_314 {
        %add3A_315 = arith.constant 5 : i32
        %add3A_316 = arith.addi %add3A_272, %add3A_315 : i32
        %sub3A_317 = arith.constant 1 : i32
        %sub3A_318 = arith.subi %add3A_316, %sub3A_317 : i32
        %dma_start3A_319 = arith.constant 3 : i32
        %dma_start3A_320 = arith.constant 0 : i32
        %dma_start3A_321 = arith.constant 0 : i32
        %dma_start3A_322 = tpu.memref_slice %arg8[%dma_start3A_319, %dma_start3A_320, %dma_start3A_321] : memref<5x128x64xf32, #tpu.memory_space<vmem>> -> memref<1x128x64xf32, #tpu.memory_space<vmem>>
        %dma_start3A_323 = tpu.memref_squeeze %dma_start3A_322 : memref<1x128x64xf32, #tpu.memory_space<vmem>> -> memref<128x64xf32, #tpu.memory_space<vmem>>
        %dma_start3A_324 = arith.constant 0 : i32
        %dma_start3A_325 = tpu.memref_slice %arg6[%sub3A_318, %dma_start3A_324] : memref<80x128xi32, #tpu.memory_space<vmem>> -> memref<1x128xi32, #tpu.memory_space<vmem>>
        %dma_start3A_326 = tpu.memref_squeeze %dma_start3A_325 : memref<1x128xi32, #tpu.memory_space<vmem>> -> memref<128xi32, #tpu.memory_space<vmem>>
        %dma_start3A_327 = arith.constant 0 : i32
        %dma_start3A_328 = arith.constant 0 : i32
        %dma_start3A_329 = tpu.memref_slice %arg2[%dma_start3A_327, %dma_start3A_328] : memref<10000x64xf32, #tpu.memory_space<hbm>> -> memref<10000x64xf32, #tpu.memory_space<hbm>>
        tpu.enqueue_indirect_dma source(%dma_start3A_329 : memref<10000x64xf32, #tpu.memory_space<hbm>>) target(%dma_start3A_323 : memref<128x64xf32, #tpu.memory_space<vmem>>) offsets(%dma_start3A_326 : memref<128xi32, #tpu.memory_space<vmem>>) semaphore(%arg13 : memref<!tpu.dma_semaphore, #tpu.memory_space<semaphore_mem>>)
      } else {
      }
    }
    %scan3A_83 = arith.constant 16 : i32
    %barrier3A_84 = arith.constant 0 : index
    tpu.barrier barrier_id(%barrier3A_84)
    %mul3A_85 = arith.constant 640 : i32
    %mul3A_86 = arith.muli %arg1, %mul3A_85 : i32
    %mul3A_87 = arith.constant 640 : i32
    %mul3A_88 = arith.muli %arg1, %mul3A_87 : i32
    "tpu.region"() ({
      %run_scoped3A_89 = tpu.sem_alloc : memref<!tpu.dma_semaphore, #tpu.memory_space<semaphore_mem>>
      %dma_start3A_90 = arith.constant 0 : i32
      %dma_start3A_91 = tpu.memref_slice %arg5[%arg0, %mul3A_88, %dma_start3A_90] : memref<2x10240x64xf32, #tpu.memory_space<hbm>> -> memref<1x640x64xf32, #tpu.memory_space<hbm>>
      %dma_start3A_92 = tpu.memref_squeeze %dma_start3A_91 : memref<1x640x64xf32, #tpu.memory_space<hbm>> -> memref<640x64xf32, #tpu.memory_space<hbm>>
      %dma_start3A_93 = arith.constant 0 : i32
      %dma_start3A_94 = tpu.memref_slice %arg9[%mul3A_86, %dma_start3A_93] : memref<10240x64xf32, #tpu.memory_space<vmem_shared>> -> memref<640x64xf32, #tpu.memory_space<vmem_shared>>
      tpu.enqueue_dma source(%dma_start3A_94 : memref<640x64xf32, #tpu.memory_space<vmem_shared>>) target(%dma_start3A_92 : memref<640x64xf32, #tpu.memory_space<hbm>>) target_semaphore(%run_scoped3A_89 : memref<!tpu.dma_semaphore, #tpu.memory_space<semaphore_mem>>)
      %dma_wait3A = arith.constant 0 : i32
      %dma_wait3A_95 = tpu.memref_slice %arg5[%arg0, %mul3A_88, %dma_wait3A] : memref<2x10240x64xf32, #tpu.memory_space<hbm>> -> memref<1x640x64xf32, #tpu.memory_space<hbm>>
      %dma_wait3A_96 = tpu.memref_squeeze %dma_wait3A_95 : memref<1x640x64xf32, #tpu.memory_space<hbm>> -> memref<640x64xf32, #tpu.memory_space<hbm>>
      %dma_wait3A_97 = arith.constant 0 : i32
      %dma_wait3A_98 = tpu.memref_slice %arg9[%mul3A_86, %dma_wait3A_97] : memref<10240x64xf32, #tpu.memory_space<vmem_shared>> -> memref<640x64xf32, #tpu.memory_space<vmem_shared>>
      tpu.wait_dma2 semaphore(%run_scoped3A_89 : memref<!tpu.dma_semaphore, #tpu.memory_space<semaphore_mem>>) src(%dma_wait3A_98 : memref<640x64xf32, #tpu.memory_space<vmem_shared>>) dst(%dma_wait3A_96 : memref<640x64xf32, #tpu.memory_space<hbm>>)
      tpu.yield
    }) : () -> ()
    return
  }
}

module attributes {stable_mosaic.version = 14 : i64} {
  func.func @body(%arg0: i32, %arg1: memref<1000x128xf32, #tpu.memory_space<vmem>>, %arg2: memref<1x1000x1xf32, #tpu.memory_space<vmem>>, %arg3: memref<1x1000x1xf32, #tpu.memory_space<vmem>>, %arg4: memref<128x128xf32, #tpu.memory_space<vmem>>, %arg5: memref<1000x128xf32, #tpu.memory_space<vmem>>, %arg6: memref<1000x1xf32, #tpu.memory_space<vmem>>) attributes {dimension_semantics = [#tpu.dimension_semantics<arbitrary>], iteration_bounds = array<i64: 10>, scalar_prefetch = 0 : i64, scratch_operands = 0 : i64, tpu.core_type = #tpu.core_type<tc>, window_params = [{transform_indices = @transform_0, window_bounds = array<i64: 1000, 128>}, {transform_indices = @transform_1, window_bounds = array<i64: 1, 1000, 1>}, {transform_indices = @transform_2, window_bounds = array<i64: 1, 1000, 1>}, {pipeline_mode = #tpu.pipeline_mode<synchronous>, transform_indices = @transform_3, window_bounds = array<i64: 128, 128>}, {transform_indices = @transform_4, window_bounds = array<i64: 1000, 128>}, {transform_indices = @transform_5, window_bounds = array<i64: 1000, 1>}]} {
    %get3A = arith.constant 0 : index
    %get3A_0 = arith.constant 0 : index
    %get3A_1 = arith.constant 0 : index
    %get3A_2 = vector.load %arg2[%get3A, %get3A_0, %get3A_1] : memref<1x1000x1xf32, #tpu.memory_space<vmem>>, vector<1x1000x1xf32>
    %get3A_3 = vector.shape_cast %get3A_2 : vector<1x1000x1xf32> to vector<1000x1xf32>
    %get3A_4 = arith.constant 0 : index
    %get3A_5 = arith.constant 0 : index
    %get3A_6 = arith.constant 0 : index
    %get3A_7 = vector.load %arg3[%get3A_4, %get3A_5, %get3A_6] : memref<1x1000x1xf32, #tpu.memory_space<vmem>>, vector<1x1000x1xf32>
    %get3A_8 = vector.shape_cast %get3A_7 : vector<1x1000x1xf32> to vector<1000x1xf32>
    %add3A = arith.addf %get3A_3, %get3A_8 : vector<1000x1xf32>
    %gt3A = arith.constant 0.000000e+00 : f32
    %gt3A_9 = vector.broadcast %gt3A : f32 to vector<1000x1xf32>
    %gt3A_10 = arith.cmpf ogt, %add3A, %gt3A_9 : vector<1000x1xf32>
    %max3A = arith.constant 1.000000e+00 : f32
    %max3A_11 = vector.broadcast %max3A : f32 to vector<1000x1xf32>
    %max3A_12 = arith.maximumf %add3A, %max3A_11 : vector<1000x1xf32>
    %rsqrt3A = math.rsqrt %max3A_12 : vector<1000x1xf32>
    %jit3A = arith.constant 0.000000e+00 : f32
    %broadcast_in_dim3A = vector.broadcast %jit3A : f32 to vector<1000x1xf32>
    %select_n3A = arith.select %gt3A_10, %rsqrt3A, %broadcast_in_dim3A : vector<1000x1xi1>, vector<1000x1xf32>
    %swap3A = arith.constant 0 : index
    %swap3A_13 = arith.constant 0 : index
    %swap3A_14 = vector.load %arg6[%swap3A, %swap3A_13] : memref<1000x1xf32, #tpu.memory_space<vmem>>, vector<1000x1xf32>
    tpu.vector_store %arg6[%swap3A, %swap3A_13], %select_n3A {strides = array<i32>} : memref<1000x1xf32, #tpu.memory_space<vmem>>, vector<1000x1xf32>,
    %get3A_15 = arith.constant 0 : index
    %get3A_16 = arith.constant 0 : index
    %get3A_17 = vector.load %arg1[%get3A_15, %get3A_16] : memref<1000x128xf32, #tpu.memory_space<vmem>>, vector<1000x128xf32>
    %mul3A = vector.broadcast %select_n3A : vector<1000x1xf32> to vector<1000x128xf32>
    %mul3A_18 = arith.mulf %get3A_17, %mul3A : vector<1000x128xf32>
    %get3A_19 = arith.constant 0 : index
    %get3A_20 = arith.constant 0 : index
    %get3A_21 = vector.load %arg4[%get3A_19, %get3A_20] : memref<128x128xf32, #tpu.memory_space<vmem>>, vector<128x128xf32>
    %dot_general3A = arith.constant dense<0.000000e+00> : vector<1000x128xf32>
    %dot_general3A_22 = tpu.matmul %mul3A_18, %get3A_21, %dot_general3A {dimension_numbers = #tpu.dot_dimension_numbers<[1], [0], [0], [1], [0, 0, 1, 1], [], []>, transpose_lhs_hint = false} : vector<1000x128xf32>, vector<128x128xf32>, vector<1000x128xf32> -> vector<1000x128xf32>
    %swap3A_23 = arith.constant 0 : index
    %swap3A_24 = arith.constant 0 : index
    %swap3A_25 = vector.load %arg5[%swap3A_23, %swap3A_24] : memref<1000x128xf32, #tpu.memory_space<vmem>>, vector<1000x128xf32>
    tpu.vector_store %arg5[%swap3A_23, %swap3A_24], %dot_general3A_22 {strides = array<i32>} : memref<1000x128xf32, #tpu.memory_space<vmem>>, vector<1000x128xf32>,
    return
  }
  func.func @transform_0(%arg0: i32) -> (i32, i32) {
    %c0_i32 = arith.constant 0 : i32
    %c0_i32_0 = arith.constant 0 : i32
    return %arg0, %c0_i32 : i32, i32
  }
  func.func @transform_1(%arg0: i32) -> (i32, i32, i32) {
    %c0_i32 = arith.constant 0 : i32
    %c0_i32_0 = arith.constant 0 : i32
    %c0_i32_1 = arith.constant 0 : i32
    return %c0_i32, %arg0, %c0_i32_0 : i32, i32, i32
  }
  func.func @transform_2(%arg0: i32) -> (i32, i32, i32) {
    %c1_i32 = arith.constant 1 : i32
    %c0_i32 = arith.constant 0 : i32
    %c0_i32_0 = arith.constant 0 : i32
    return %c1_i32, %arg0, %c0_i32 : i32, i32, i32
  }
  func.func @transform_3(%arg0: i32) -> (i32, i32) {
    %c0_i32 = arith.constant 0 : i32
    %c0_i32_0 = arith.constant 0 : i32
    %c0_i32_1 = arith.constant 0 : i32
    return %c0_i32, %c0_i32_0 : i32, i32
  }
  func.func @transform_4(%arg0: i32) -> (i32, i32) {
    %c0_i32 = arith.constant 0 : i32
    %c0_i32_0 = arith.constant 0 : i32
    return %arg0, %c0_i32 : i32, i32
  }
  func.func @transform_5(%arg0: i32) -> (i32, i32) {
    %c0_i32 = arith.constant 0 : i32
    %c0_i32_0 = arith.constant 0 : i32
    return %arg0, %c0_i32 : i32, i32
  }
}

module attributes {stable_mosaic.version = 14 : i64} {
  func.func @body(%arg0: i32, %arg1: memref<1x1000x64xf32, #tpu.memory_space<vmem>>, %arg2: memref<1x1000x64xf32, #tpu.memory_space<vmem>>, %arg3: memref<1000x1xf32, #tpu.memory_space<vmem>>, %arg4: memref<1x128xf32, #tpu.memory_space<vmem>>, %arg5: memref<128x128xf32, #tpu.memory_space<vmem>>, %arg6: memref<1000x128xf32, #tpu.memory_space<vmem>>) attributes {dimension_semantics = [#tpu.dimension_semantics<arbitrary>], iteration_bounds = array<i64: 10>, scalar_prefetch = 0 : i64, scratch_operands = 0 : i64, tpu.core_type = #tpu.core_type<tc>, window_params = [{transform_indices = @transform_0, window_bounds = array<i64: 1, 1000, 64>}, {transform_indices = @transform_1, window_bounds = array<i64: 1, 1000, 64>}, {transform_indices = @transform_2, window_bounds = array<i64: 1000, 1>}, {pipeline_mode = #tpu.pipeline_mode<synchronous>, transform_indices = @transform_3, window_bounds = array<i64: 1, 128>}, {pipeline_mode = #tpu.pipeline_mode<synchronous>, transform_indices = @transform_4, window_bounds = array<i64: 128, 128>}, {transform_indices = @transform_5, window_bounds = array<i64: 1000, 128>}]} {
    %get3A = arith.constant 0 : index
    %get3A_0 = arith.constant 0 : index
    %get3A_1 = arith.constant 0 : index
    %get3A_2 = vector.load %arg1[%get3A, %get3A_0, %get3A_1] : memref<1x1000x64xf32, #tpu.memory_space<vmem>>, vector<1x1000x64xf32>
    %get3A_3 = vector.shape_cast %get3A_2 : vector<1x1000x64xf32> to vector<1000x64xf32>
    %get3A_4 = arith.constant 0 : index
    %get3A_5 = arith.constant 0 : index
    %get3A_6 = arith.constant 0 : index
    %get3A_7 = vector.load %arg2[%get3A_4, %get3A_5, %get3A_6] : memref<1x1000x64xf32, #tpu.memory_space<vmem>>, vector<1x1000x64xf32>
    %get3A_8 = vector.shape_cast %get3A_7 : vector<1x1000x64xf32> to vector<1000x64xf32>
    %concatenate3A = tpu.concatenate %get3A_3, %get3A_8 in 1 : vector<1000x64xf32>, vector<1000x64xf32> -> vector<1000x128xf32>
    %get3A_9 = arith.constant 0 : index
    %get3A_10 = arith.constant 0 : index
    %get3A_11 = vector.load %arg3[%get3A_9, %get3A_10] : memref<1000x1xf32, #tpu.memory_space<vmem>>, vector<1000x1xf32>
    %mul3A = vector.broadcast %get3A_11 : vector<1000x1xf32> to vector<1000x128xf32>
    %mul3A_12 = arith.mulf %concatenate3A, %mul3A : vector<1000x128xf32>
    %get3A_13 = arith.constant 0 : index
    %get3A_14 = arith.constant 0 : index
    %get3A_15 = vector.load %arg4[%get3A_13, %get3A_14] : memref<1x128xf32, #tpu.memory_space<vmem>>, vector<1x128xf32>
    %add3A = vector.broadcast %get3A_15 : vector<1x128xf32> to vector<1000x128xf32>
    %add3A_16 = arith.addf %mul3A_12, %add3A : vector<1000x128xf32>
    %max3A = arith.constant 0.000000e+00 : f32
    %max3A_17 = vector.broadcast %max3A : f32 to vector<1000x128xf32>
    %max3A_18 = arith.maximumf %add3A_16, %max3A_17 : vector<1000x128xf32>
    %mul3A_19 = vector.broadcast %get3A_11 : vector<1000x1xf32> to vector<1000x128xf32>
    %mul3A_20 = arith.mulf %max3A_18, %mul3A_19 : vector<1000x128xf32>
    %get3A_21 = arith.constant 0 : index
    %get3A_22 = arith.constant 0 : index
    %get3A_23 = vector.load %arg5[%get3A_21, %get3A_22] : memref<128x128xf32, #tpu.memory_space<vmem>>, vector<128x128xf32>
    %dot_general3A = arith.constant dense<0.000000e+00> : vector<1000x128xf32>
    %dot_general3A_24 = tpu.matmul %mul3A_20, %get3A_23, %dot_general3A {dimension_numbers = #tpu.dot_dimension_numbers<[1], [0], [0], [1], [0, 0, 1, 1], [], []>, transpose_lhs_hint = false} : vector<1000x128xf32>, vector<128x128xf32>, vector<1000x128xf32> -> vector<1000x128xf32>
    %swap3A = arith.constant 0 : index
    %swap3A_25 = arith.constant 0 : index
    %swap3A_26 = vector.load %arg6[%swap3A, %swap3A_25] : memref<1000x128xf32, #tpu.memory_space<vmem>>, vector<1000x128xf32>
    tpu.vector_store %arg6[%swap3A, %swap3A_25], %dot_general3A_24 {strides = array<i32>} : memref<1000x128xf32, #tpu.memory_space<vmem>>, vector<1000x128xf32>,
    return
  }
  func.func @transform_0(%arg0: i32) -> (i32, i32, i32) {
    %c0_i32 = arith.constant 0 : i32
    %c0_i32_0 = arith.constant 0 : i32
    %c0_i32_1 = arith.constant 0 : i32
    return %c0_i32, %arg0, %c0_i32_0 : i32, i32, i32
  }
  func.func @transform_1(%arg0: i32) -> (i32, i32, i32) {
    %c1_i32 = arith.constant 1 : i32
    %c0_i32 = arith.constant 0 : i32
    %c0_i32_0 = arith.constant 0 : i32
    return %c1_i32, %arg0, %c0_i32 : i32, i32, i32
  }
  func.func @transform_2(%arg0: i32) -> (i32, i32) {
    %c0_i32 = arith.constant 0 : i32
    %c0_i32_0 = arith.constant 0 : i32
    return %arg0, %c0_i32 : i32, i32
  }
  func.func @transform_3(%arg0: i32) -> (i32, i32) {
    %c0_i32 = arith.constant 0 : i32
    %c0_i32_0 = arith.constant 0 : i32
    %c0_i32_1 = arith.constant 0 : i32
    return %c0_i32, %c0_i32_0 : i32, i32
  }
  func.func @transform_4(%arg0: i32) -> (i32, i32) {
    %c0_i32 = arith.constant 0 : i32
    %c0_i32_0 = arith.constant 0 : i32
    %c0_i32_1 = arith.constant 0 : i32
    return %c0_i32, %c0_i32_0 : i32, i32
  }
  func.func @transform_5(%arg0: i32) -> (i32, i32) {
    %c0_i32 = arith.constant 0 : i32
    %c0_i32_0 = arith.constant 0 : i32
    return %arg0, %c0_i32 : i32, i32
  }
}

module attributes {stable_mosaic.version = 14 : i64} {
  func.func @body(%arg0: i32, %arg1: memref<1x1000x64xf32, #tpu.memory_space<vmem>>, %arg2: memref<1x1000x64xf32, #tpu.memory_space<vmem>>, %arg3: memref<1000x1xf32, #tpu.memory_space<vmem>>, %arg4: memref<1x128xf32, #tpu.memory_space<vmem>>, %arg5: memref<128x64xf32, #tpu.memory_space<vmem>>, %arg6: memref<1000x64xf32, #tpu.memory_space<vmem>>) attributes {dimension_semantics = [#tpu.dimension_semantics<arbitrary>], iteration_bounds = array<i64: 10>, scalar_prefetch = 0 : i64, scratch_operands = 0 : i64, tpu.core_type = #tpu.core_type<tc>, window_params = [{transform_indices = @transform_0, window_bounds = array<i64: 1, 1000, 64>}, {transform_indices = @transform_1, window_bounds = array<i64: 1, 1000, 64>}, {transform_indices = @transform_2, window_bounds = array<i64: 1000, 1>}, {pipeline_mode = #tpu.pipeline_mode<synchronous>, transform_indices = @transform_3, window_bounds = array<i64: 1, 128>}, {pipeline_mode = #tpu.pipeline_mode<synchronous>, transform_indices = @transform_4, window_bounds = array<i64: 128, 64>}, {transform_indices = @transform_5, window_bounds = array<i64: 1000, 64>}]} {
    %get3A = arith.constant 0 : index
    %get3A_0 = arith.constant 0 : index
    %get3A_1 = arith.constant 0 : index
    %get3A_2 = vector.load %arg1[%get3A, %get3A_0, %get3A_1] : memref<1x1000x64xf32, #tpu.memory_space<vmem>>, vector<1x1000x64xf32>
    %get3A_3 = vector.shape_cast %get3A_2 : vector<1x1000x64xf32> to vector<1000x64xf32>
    %get3A_4 = arith.constant 0 : index
    %get3A_5 = arith.constant 0 : index
    %get3A_6 = arith.constant 0 : index
    %get3A_7 = vector.load %arg2[%get3A_4, %get3A_5, %get3A_6] : memref<1x1000x64xf32, #tpu.memory_space<vmem>>, vector<1x1000x64xf32>
    %get3A_8 = vector.shape_cast %get3A_7 : vector<1x1000x64xf32> to vector<1000x64xf32>
    %concatenate3A = tpu.concatenate %get3A_3, %get3A_8 in 1 : vector<1000x64xf32>, vector<1000x64xf32> -> vector<1000x128xf32>
    %get3A_9 = arith.constant 0 : index
    %get3A_10 = arith.constant 0 : index
    %get3A_11 = vector.load %arg3[%get3A_9, %get3A_10] : memref<1000x1xf32, #tpu.memory_space<vmem>>, vector<1000x1xf32>
    %mul3A = vector.broadcast %get3A_11 : vector<1000x1xf32> to vector<1000x128xf32>
    %mul3A_12 = arith.mulf %concatenate3A, %mul3A : vector<1000x128xf32>
    %get3A_13 = arith.constant 0 : index
    %get3A_14 = arith.constant 0 : index
    %get3A_15 = vector.load %arg4[%get3A_13, %get3A_14] : memref<1x128xf32, #tpu.memory_space<vmem>>, vector<1x128xf32>
    %add3A = vector.broadcast %get3A_15 : vector<1x128xf32> to vector<1000x128xf32>
    %add3A_16 = arith.addf %mul3A_12, %add3A : vector<1000x128xf32>
    %max3A = arith.constant 0.000000e+00 : f32
    %max3A_17 = vector.broadcast %max3A : f32 to vector<1000x128xf32>
    %max3A_18 = arith.maximumf %add3A_16, %max3A_17 : vector<1000x128xf32>
    %mul3A_19 = vector.broadcast %get3A_11 : vector<1000x1xf32> to vector<1000x128xf32>
    %mul3A_20 = arith.mulf %max3A_18, %mul3A_19 : vector<1000x128xf32>
    %get3A_21 = arith.constant 0 : index
    %get3A_22 = arith.constant 0 : index
    %get3A_23 = vector.load %arg5[%get3A_21, %get3A_22] : memref<128x64xf32, #tpu.memory_space<vmem>>, vector<128x64xf32>
    %dot_general3A = arith.constant dense<0.000000e+00> : vector<1000x64xf32>
    %dot_general3A_24 = tpu.matmul %mul3A_20, %get3A_23, %dot_general3A {dimension_numbers = #tpu.dot_dimension_numbers<[1], [0], [0], [1], [0, 0, 1, 1], [], []>, transpose_lhs_hint = false} : vector<1000x128xf32>, vector<128x64xf32>, vector<1000x64xf32> -> vector<1000x64xf32>
    %swap3A = arith.constant 0 : index
    %swap3A_25 = arith.constant 0 : index
    %swap3A_26 = vector.load %arg6[%swap3A, %swap3A_25] : memref<1000x64xf32, #tpu.memory_space<vmem>>, vector<1000x64xf32>
    tpu.vector_store %arg6[%swap3A, %swap3A_25], %dot_general3A_24 {strides = array<i32>} : memref<1000x64xf32, #tpu.memory_space<vmem>>, vector<1000x64xf32>,
    return
  }
  func.func @transform_0(%arg0: i32) -> (i32, i32, i32) {
    %c0_i32 = arith.constant 0 : i32
    %c0_i32_0 = arith.constant 0 : i32
    %c0_i32_1 = arith.constant 0 : i32
    return %c0_i32, %arg0, %c0_i32_0 : i32, i32, i32
  }
  func.func @transform_1(%arg0: i32) -> (i32, i32, i32) {
    %c1_i32 = arith.constant 1 : i32
    %c0_i32 = arith.constant 0 : i32
    %c0_i32_0 = arith.constant 0 : i32
    return %c1_i32, %arg0, %c0_i32 : i32, i32, i32
  }
  func.func @transform_2(%arg0: i32) -> (i32, i32) {
    %c0_i32 = arith.constant 0 : i32
    %c0_i32_0 = arith.constant 0 : i32
    return %arg0, %c0_i32 : i32, i32
  }
  func.func @transform_3(%arg0: i32) -> (i32, i32) {
    %c0_i32 = arith.constant 0 : i32
    %c0_i32_0 = arith.constant 0 : i32
    %c0_i32_1 = arith.constant 0 : i32
    return %c0_i32, %c0_i32_0 : i32, i32
  }
  func.func @transform_4(%arg0: i32) -> (i32, i32) {
    %c0_i32 = arith.constant 0 : i32
    %c0_i32_0 = arith.constant 0 : i32
    %c0_i32_1 = arith.constant 0 : i32
    return %c0_i32, %c0_i32_0 : i32, i32
  }
  func.func @transform_5(%arg0: i32) -> (i32, i32) {
    %c0_i32 = arith.constant 0 : i32
    %c0_i32_0 = arith.constant 0 : i32
    return %arg0, %c0_i32 : i32, i32
  }
}

module attributes {stable_mosaic.version = 14 : i64} {
  func.func @body(%arg0: i32, %arg1: memref<1x1000x64xf32, #tpu.memory_space<vmem>>, %arg2: memref<1x1000x64xf32, #tpu.memory_space<vmem>>, %arg3: memref<1000x1xf32, #tpu.memory_space<vmem>>, %arg4: memref<1x64xf32, #tpu.memory_space<vmem>>, %arg5: memref<1000x64xf32, #tpu.memory_space<vmem>>) attributes {dimension_semantics = [#tpu.dimension_semantics<arbitrary>], iteration_bounds = array<i64: 10>, scalar_prefetch = 0 : i64, scratch_operands = 0 : i64, tpu.core_type = #tpu.core_type<tc>, window_params = [{transform_indices = @transform_0, window_bounds = array<i64: 1, 1000, 64>}, {transform_indices = @transform_1, window_bounds = array<i64: 1, 1000, 64>}, {transform_indices = @transform_2, window_bounds = array<i64: 1000, 1>}, {pipeline_mode = #tpu.pipeline_mode<synchronous>, transform_indices = @transform_3, window_bounds = array<i64: 1, 64>}, {transform_indices = @transform_4, window_bounds = array<i64: 1000, 64>}]} {
    %get3A = arith.constant 0 : index
    %get3A_0 = arith.constant 0 : index
    %get3A_1 = arith.constant 0 : index
    %get3A_2 = vector.load %arg1[%get3A, %get3A_0, %get3A_1] : memref<1x1000x64xf32, #tpu.memory_space<vmem>>, vector<1x1000x64xf32>
    %get3A_3 = vector.shape_cast %get3A_2 : vector<1x1000x64xf32> to vector<1000x64xf32>
    %get3A_4 = arith.constant 0 : index
    %get3A_5 = arith.constant 0 : index
    %get3A_6 = arith.constant 0 : index
    %get3A_7 = vector.load %arg2[%get3A_4, %get3A_5, %get3A_6] : memref<1x1000x64xf32, #tpu.memory_space<vmem>>, vector<1x1000x64xf32>
    %get3A_8 = vector.shape_cast %get3A_7 : vector<1x1000x64xf32> to vector<1000x64xf32>
    %add3A = arith.addf %get3A_3, %get3A_8 : vector<1000x64xf32>
    %get3A_9 = arith.constant 0 : index
    %get3A_10 = arith.constant 0 : index
    %get3A_11 = vector.load %arg3[%get3A_9, %get3A_10] : memref<1000x1xf32, #tpu.memory_space<vmem>>, vector<1000x1xf32>
    %mul3A = vector.broadcast %get3A_11 : vector<1000x1xf32> to vector<1000x64xf32>
    %mul3A_12 = arith.mulf %add3A, %mul3A : vector<1000x64xf32>
    %get3A_13 = arith.constant 0 : index
    %get3A_14 = arith.constant 0 : index
    %get3A_15 = vector.load %arg4[%get3A_13, %get3A_14] : memref<1x64xf32, #tpu.memory_space<vmem>>, vector<1x64xf32>
    %add3A_16 = vector.broadcast %get3A_15 : vector<1x64xf32> to vector<1000x64xf32>
    %add3A_17 = arith.addf %mul3A_12, %add3A_16 : vector<1000x64xf32>
    %swap3A = arith.constant 0 : index
    %swap3A_18 = arith.constant 0 : index
    %swap3A_19 = vector.load %arg5[%swap3A, %swap3A_18] : memref<1000x64xf32, #tpu.memory_space<vmem>>, vector<1000x64xf32>
    tpu.vector_store %arg5[%swap3A, %swap3A_18], %add3A_17 {strides = array<i32>} : memref<1000x64xf32, #tpu.memory_space<vmem>>, vector<1000x64xf32>,
    return
  }
  func.func @transform_0(%arg0: i32) -> (i32, i32, i32) {
    %c0_i32 = arith.constant 0 : i32
    %c0_i32_0 = arith.constant 0 : i32
    %c0_i32_1 = arith.constant 0 : i32
    return %c0_i32, %arg0, %c0_i32_0 : i32, i32, i32
  }
  func.func @transform_1(%arg0: i32) -> (i32, i32, i32) {
    %c1_i32 = arith.constant 1 : i32
    %c0_i32 = arith.constant 0 : i32
    %c0_i32_0 = arith.constant 0 : i32
    return %c1_i32, %arg0, %c0_i32 : i32, i32, i32
  }
  func.func @transform_2(%arg0: i32) -> (i32, i32) {
    %c0_i32 = arith.constant 0 : i32
    %c0_i32_0 = arith.constant 0 : i32
    return %arg0, %c0_i32 : i32, i32
  }
  func.func @transform_3(%arg0: i32) -> (i32, i32) {
    %c0_i32 = arith.constant 0 : i32
    %c0_i32_0 = arith.constant 0 : i32
    %c0_i32_1 = arith.constant 0 : i32
    return %c0_i32, %c0_i32_0 : i32, i32
  }
  func.func @transform_4(%arg0: i32) -> (i32, i32) {
    %c0_i32 = arith.constant 0 : i32
    %c0_i32_0 = arith.constant 0 : i32
    return %arg0, %c0_i32 : i32, i32
  }
}

</mosaic_0001>

<sc_bundles>
// kernel: kernel.10.cloned.1.call-start
scs
__scs_entry_jumppad:
0x0: {  	(pc) =	sbr.rel $0x88, $3  }
0x1: {  	(tag) =	ssettag $0x0;
	lr =	simm.s32 $0x1  }
0x2: {  	[smem:$0x3F99] =	sst lr;
	_ =	strace $0xD0000000  }
0x3: {  	_ = 	snop  }
0x4: {  	_ = 	snop  }
0x5: {  	_ = 	snop  }
0x6: {  	_ = 	snop  }
0x7: {  	_ = 	snop  }
__scs_overlays_trampoline_lowered:
0x8: {  	[smem:$0x3FA8] =	sst s0  }
0x9: {  	[smem:$0x3FA9] =	sst s1  }
0xa: {  	[smem:$0x3FAA] =	sst s2  }
0xb: {  	[smem:$0x3FAB] =	sst s3  }
0xc: {  	[smem:$0x3FAC] =	sst s4  }
0xd: {  	[smem:$0x3FAD] =	sst s5  }
0xe: {  	[smem:$0x3FAE] =	sst s6  }
0xf: {  	[smem:$0x3FAF] =	sst s7  }
0x10: {  	[smem:$0x3FB0] =	sst s8  }
0x11: {  	[smem:$0x3FB1] =	sst s9;
	s0 =	simm.s32 @!p0 $0x0  }
0x12: {  	s1 =	sld [smem:$0x3F97];
	s0 =	simm.s32 @p0 $0x1  }
0x13: {  	[smem:$0x3FB2] =	sst s0;
	s0 =	simm.s32 @!p1 $0x0  }
0x14: {  	s2 =	sld [smem:$0x3F96];
	s0 =	simm.s32 @p1 $0x1  }
0x15: {  	[smem:$0x3FB3] =	sst s0;
	s0 =	simm.s32 @!p2 $0x0  }
0x16: {  	s3 =	sld [smem:$0x3FDB];
	s0 =	simm.s32 @p2 $0x1  }
0x17: {  	s4 =	simm.s32 $0x1BF5;
	[smem:$0x3FB5] =	sst s0  }
0x18: {  	s0 =	sld [smem:$0x3F98];
	_ =	swait.ge [sflag:s4], $0x0  }
0x19: {  	s7 =	sld [smem:$0x3F99]  }
0x1a: {  	s8 =	sadd.s32 $0xFFFFE003, lr  }
0x1b: {  	s9 =	sadd.s32 $0xFFFFFEF7, lr;
	s5 =	simm.s32 $0xFFFFFFFF;
	p2 =	slt.u32 s8, $0xFFFFF086  }
0x1c: {  	p1 =	slt.u32 s9, $0xF7A;
	s5 =	simm.s32 @!p2 $0x0  }
0x1d: {  	s5 =	simm.s32 @p1 $0x1;
	p0 =	seq.s32 s7, s2  }
0x1e: {  	s7 =	smul.u32 @!p0 $0xF7A, s2;
	p2 =	seq.s32 @!p0 s5, $0x0  }
0x1f: {  	s9 =	smul.u32 $0xF7A, s1;
	s8 =	simm.s32 @!p0 $0x1BF5;
	p2 =	por !p2, p0  }
0x20: {  	[sflag:s8] =	ssyncset.s32 @!p0 $0xFFFFF086;
	s6 =	sadd.s32 @!p0 s3, s7;
	s7 =	simm.s32 @!p0 $0x108  }
0x21: {  	s3 =	sadd.s32 s3, s9;
	s6 =	sadd.s32 @!p0 $0x88, s6;
	s7 =	simm.s32 @p2 $0x1082  }
0x22: {  	[simem:s7], [sflag:s8] =	dma.local @!p0 [hbm:s6], $0xF7A  }
0x23: {  	s9 =	sor.u32 $0xD0000000, s2;
	s6 =	simm.s32 $0x108;
	_ =	swait.ge @!p0 [sflag:s8], $0x0  }
0x24: {  	s3 =	sadd.s32 $0x88, s3;
	s6 =	simm.s32 @!p1 $0x1082;
	[sflag:s4] =	ssyncset.s32 $0xFFFFF086  }
0x25: {  	[simem:s6], [sflag:s4] =	dma.local [hbm:s3], $0xF7A  }
0x26: {  	[smem:$0x3F99] =	sst s1;
	(tag) =	ssettag s2;
	_ =	strace s9  }
0x27: {  	s1 =	sld [smem:$0x3FA9]  }
0x28: {  	s2 =	sld [smem:$0x3FAA]  }
0x29: {  	s4 =	sld [smem:$0x3FAC]  }
0x2a: {  	p0 =	seq.s32 s5, $0x0;
	s5 =	sld [smem:$0x3FAD]  }
0x2b: {  	s6 =	sld [smem:$0x3FAE]  }
0x2c: {  	s7 =	sld [smem:$0x3FAF]  }
0x2d: {  	s3 =	simm.s32 $0x108;
	s8 =	sld [smem:$0x3FB0]  }
0x2e: {  	s3 =	simm.s32 @!p0 $0x1082;
	s9 =	sld [smem:$0x3FB1]  }
0x2f: {  	lr =	sadd.s32 s0, s3;
	s0 =	sld [smem:$0x3FA8]  }
0x30: {  	s3 =	sld [smem:$0x3FAB]  }
0x31: {  	[smem:$0x3FB4] =	sst s10  }
0x32: {  	s10 =	sld [smem:$0x3FB2];
	_ =	sdelay $0x3  }
0x33: {  	p0 =	seq.s32 s10, $0x1;
	s10 =	sld [smem:$0x3FB4];
	_ =	sdelay $0x3  }
0x34: {  	[smem:$0x3FB4] =	sst s10  }
0x35: {  	s10 =	sld [smem:$0x3FB3];
	_ =	sdelay $0x3  }
0x36: {  	p1 =	seq.s32 s10, $0x1;
	s10 =	sld [smem:$0x3FB4];
	_ =	sdelay $0x3  }
0x37: {  	[smem:$0x3FB4] =	sst s10  }
0x38: {  	s10 =	sld [smem:$0x3FB5]  }
0x39: {  	_ = 	snop;
	(pc) =	sbr.ind lr, $3  }
0x3a: {  	_ = 	snop  }
0x3b: {  	_ = 	snop  }
0x3c: {  	p2 =	seq.s32 s10, $0x1;
	s10 =	sld [smem:$0x3FB4]  }
0x3d: {  	_ =	shalt  }
0x3e: {  	_ =	shalt  }
0x3f: {  	_ =	shalt  }
0x40: {  	_ =	shalt  }
0x41: {  	_ =	shalt  }
0x42: {  	_ =	shalt  }
0x43: {  	_ =	shalt  }
0x44: {  	_ =	shalt  }
0x45: {  	_ =	shalt  }
0x46: {  	_ =	shalt  }
0x47: {  	_ =	shalt  }
0x48: {  	_ =	shalt  }
0x49: {  	_ =	shalt  }
0x4a: {  	_ =	shalt  }
0x4b: {  	_ =	shalt  }
0x4c: {  	_ =	shalt  }
0x4d: {  	_ =	shalt  }
0x4e: {  	_ =	shalt  }
0x4f: {  	_ =	shalt  }
0x50: {  	_ =	shalt  }
0x51: {  	_ =	shalt  }
0x52: {  	_ =	shalt  }
0x53: {  	_ =	shalt  }
0x54: {  	_ =	shalt  }
0x55: {  	_ =	shalt  }
0x56: {  	_ =	shalt  }
0x57: {  	_ =	shalt  }
0x58: {  	_ =	shalt  }
0x59: {  	_ =	shalt  }
0x5a: {  	_ =	shalt  }
0x5b: {  	_ =	shalt  }
0x5c: {  	_ =	shalt  }
0x5d: {  	_ =	shalt  }
0x5e: {  	_ =	shalt  }
0x5f: {  	_ =	shalt  }
0x60: {  	_ =	shalt  }
0x61: {  	_ =	shalt  }
0x62: {  	_ =	shalt  }
0x63: {  	_ =	shalt  }
0x64: {  	_ =	shalt  }
0x65: {  	_ =	shalt  }
0x66: {  	_ =	shalt  }
0x67: {  	_ =	shalt  }
0x68: {  	_ =	shalt  }
0x69: {  	_ =	shalt  }
0x6a: {  	_ =	shalt  }
0x6b: {  	_ =	shalt  }
0x6c: {  	_ =	shalt  }
0x6d: {  	_ =	shalt  }
0x6e: {  	_ =	shalt  }
0x6f: {  	_ =	shalt  }
0x70: {  	_ =	shalt  }
0x71: {  	_ =	shalt  }
0x72: {  	_ =	shalt  }
0x73: {  	_ =	shalt  }
0x74: {  	_ =	shalt  }
0x75: {  	_ =	shalt  }
0x76: {  	_ =	shalt  }
0x77: {  	_ =	shalt  }
0x78: {  	_ =	shalt  }
0x79: {  	_ =	shalt  }
0x7a: {  	_ =	shalt  }
0x7b: {  	_ =	shalt  }
0x7c: {  	_ =	shalt  }
0x7d: {  	_ =	shalt  }
0x7e: {  	_ =	shalt  }
0x7f: {  	_ =	shalt  }
0x80: {  	_ =	shalt  }
0x81: {  	_ =	shalt  }
0x82: {  	_ =	shalt  }
0x83: {  	_ =	shalt  }
0x84: {  	_ =	shalt  }
0x85: {  	_ =	shalt  }
0x86: {  	_ =	shalt  }
0x87: {  	_ =	shalt  }
.Lfunc_end0:
.L_simem_size_0:
called_computation_lowered:
.L_overlay_start_0:
0x88: {  	s2 =	sld [smem:$0x3FD9]  }
0x89: {  	s3 =	sld [smem:$0x3FFE];
	_ =	sdelay $0x1  }
0x8a: {  	s1 =	srdreg.scid  }
0x8b: {  	s0 =	sand.u32 $0x1, s1  }
0x8c: {  	s17 =	sshll.u32 s0, $0xA;
	s2 =	sadd.s32 s3, s2  }
0x8d: {  	s2 =	sadd.s32 s2, s17  }
0x8e: {  	[smem:$0x3FC0] =	sst s2  }
0x8f: {  	_ = 	snop  }
0x90: {  	s2 =	sld [smem:$0x3FD0];
	(tm) =	ssettm $0x1  }
0x91: {  	s18 =	sld [smem:$0x3FFB];
	_ =	sdelay $0x3  }
0x92: {  	_ =	strace s18  }
0x93: {  	s3 =	sld [smem:$0x3FFC];
	_ =	sdelay $0x3  }
0x94: {  	_ =	strace s3  }
0x95: {  	s3 =	sld [smem:$0x3FFD];
	_ =	sdelay $0x3  }
0x96: {  	_ =	strace s3  }
0x97: {  	_ =	strace $0x8FFFFFFF  }
0x98: {  	s19 =	sld [smem:$0x3FDB];
	_ =	sdelay $0x1  }
0x99: {  	s4 =	simm.s32 $_scs_section_size  }
0x9a: {  	s5 =	simm.s32 $_size__tile_overlayer_lowered;
	s6 =	simm.s32 $_tile_overlayer_lowered  }
0x9b: {  	s22 =	simm.s32 $0x1BFF;
	s21 =	sshll.u32 s6, $0x1;
	s3 =	sadd.s32 s4, s19  }
0x9c: {  	s7 =	simm.s32 $0x0;
	s20 =	sshll.u32 s5, $0x1;
	s5 =	sadd.s32 s21, s3  }
0x9d: {  	[timem:s7], [sflag:s22] =	dma.local [hbm:s5], s20  }
0x9e: {  	_ =	swait.ge [sflag:s22], s20  }
0x9f: {  	s4 =	ssub.s32 $0x0, s20;
	[sflag:s22] =	ssyncset.done $0x0  }
0xa0: {  	[sflag:s22] =	ssyncadd.s32 s4;
	_ =	sdelay $0x1  }
0xa1: {  	s23 =	simm.s32 $0x1B8B  }
0xa2: {  	_ =	swait.ge [sflag:s23], $0x1  }
0xa3: {  	[sflag:s23] =	ssyncset.done $0x0  }
0xa4: {  	s25 =	simm.s32 $0x1B8E;
	s24 =	sld [smem:$0x3FFE];
	[sflag:s23] =	ssyncadd.s32 $0xFFFFFFFF  }
0xa5: {  	s26 =	simm.s32 $execute0_lowered;
	[smem:$0x3FD2] =	sst s25  }
0xa6: {  	s5 =	sshll.u32 s26, $0x1;
	_ =	strace $0x80000046;
	[dreg:$0x1] =	wrdreg $0xFFFFFFFF  }
0xa7: {  	s28 =	simm.s32 $_size_execute0_lowered;
	s3 =	sadd.s32 s3, s5;
	[dreg:$0x0] =	wrdreg $0x0  }
0xa8: {  	s5 =	sshll.u32 s28, $0x1;
	[dreg:$0x2] =	wrdreg s3  }
0xa9: {  	[dreg:$0x3] =	wrdreg s5  }
0xaa: {  	[dreg:$0x4] =	wrdreg $0xC0  }
0xab: {  	_ =	task [dreg:s7], $0x5FFFF  }
0xac: {  	[dreg:$0x1] =	wrdreg $0xFFFFFFFF  }
0xad: {  	[dreg:$0x0] =	wrdreg $0x60  }
0xae: {  	[dreg:$0x2] =	wrdreg s24  }
0xaf: {  	[dreg:$0x3] =	wrdreg s2  }
0xb0: {  	[dreg:$0x4] =	wrdreg $0x2B000  }
0xb1: {  	[dreg:$0x5] =	wrdreg $0x9  }
0xb2: {  	_ =	task.clear_ibuf [dreg:s7], $0x6FFFF;
	_ =	strace $0x90000046  }
0xb3: {  	s29 =	simm.s32 $0x9;
	_ =	strace $0x80000048  }
0xb4: {  	_ =	swait.ge [sflag:s29], $0x1  }
0xb5: {  	[sflag:s29] =	ssyncadd.s32 $0xFFFFFFFF  }
0xb6: {  	_ =	strace $0x90000048  }
0xb7: {  	_ =	sfence  }
0xb8: {  	s30 =	sld [smem:$0x0];
	_ =	sdelay $0x2  }
0xb9: {  	s31 =	sshll.u32 s1, $0xD;
	s1 =	sshrl.u32 s1, $0x2  }
0xba: {  	s3 =	sand.u32 $0x4000, s31;
	s1 =	sadd.s32 s1, s30  }
0xbb: {  	s0 =	sor.u32 s3, s0;
	s1 =	sshll.u32 s1, $0x11  }
0xbc: {  	s0 =	sor.u32 s1, s0  }
0xbd: {  	s0 =	sadd.s32 $0x8F2B, s0  }
0xbe: {  	[sflag:s0] =	ssyncadd.remote.s32 $0x1  }
0xbf: {  	_ =	sfence.sel $0xFFFF  }
0xc0: {  	[dreg:$0x0] =	wrdreg $0xFFFFFFFF;
	(pc) =	sbr.abs _section_cstart, $3  }
0xc1: {  	[dreg:$0x1] =	wrdreg $0xFFFFFFFF  }
0xc2: {  	_ =	task.clear_ibuf [dreg:s7], $0x2FFFF;
	_ =	strace $0x9FFFFFFF  }
0xc3: {  	(tm) =	ssettm $0x7FFFFFFF  }
tec
execute0_lowered:
.L_overlay_start_1:
0x0: {  	(tag) =	ssettag $0x1  }
0x1: {  	s1 =	srdreg.scid;
	s4 =	rddreg [dreg:$0x0]  }
0x2: {  	s0 =	stileid.u32;
	s6 =	rddreg [dreg:$0x1]  }
0x3: {  	s2 =	rddreg [dreg:$0x2];
	s3 =	simm.s32 $0x0;
	s11 =	simm.s32 $0x2800  }
0x4: {  	s12 =	simm.s32 $0x1;
	s15 =	simm.s32 $0x0;
	s5 =	sand.u32 $0x1, s1  }
0x5: {  	s29 =	sshll.u32 s0, $0x1;
	s8 =	smul.u32 $0x280, s0;
	[smem:$0x7FF] =	sst s3  }
0x6: {  	s13 =	sshll.u32 s0, $0x6;
	s1 =	sor.u32 s5, s29;
	s9 =	smul.u32 $0x2800, s5  }
0x7: {  	s5 =	ssub.s32 $0x2, s5;
	s13 =	sor.u32 $0x1C02, s13;
	s7 =	smul.u32 $0x500, s1  }
0x8: {  	s1 =	rddreg [dreg:$0x3];
	_ =	strace $0x80000047;
	s30 =	sshrl.u32 s5, $0x1  }
0x9: {  	s9 =	sadd.s32 s8, s9;
	s10 =	ssub.s32 s5, s30;
	s7 =	sadd.s32 s7, s4  }
0xa: {  	s4 =	sadd.s32 s8, s2;
	s31 =	sshrl.u32 s9, $0x3;
	s8 =	simm.s32 $0x2880  }
0xb: {  	s9 =	simm.s32 $0x2;
	s5 =	sadd.s32 $0xC400, s7;
	s6 =	sadd.s32 s6, s31  }
0xc: {  	v0 =	vimm.f32 $0.0e+00;
	v1 =	vimm.f32 $1.000000000e+00;
	s7 =	smax.u32 s10, $0x1;
	s10 =	simm.s32 $0x80;
	s14 =	sshrl.u32 s4, $0x3  }
.LBB2_1:
0xd: {  	[tilespmem:$0x2880] =	vst v0  }
0xe: {  	[tilespmem:$0x2890] =	vst v0  }
0xf: {  	[tilespmem:$0x28A0] =	vst v0  }
0x10: {  	[tilespmem:$0x28B0] =	vst v0  }
0x11: {  	[tilespmem:$0x28C0] =	vst v0  }
0x12: {  	[tilespmem:$0x28D0] =	vst v0  }
0x13: {  	[tilespmem:$0x28E0] =	vst v0  }
0x14: {  	[tilespmem:$0x28F0] =	vst v0  }
0x15: {  	[tilespmem:$0x2900] =	vst v0  }
0x16: {  	[tilespmem:$0x2910] =	vst v0  }
0x17: {  	[tilespmem:$0x2920] =	vst v0  }
0x18: {  	[tilespmem:$0x2930] =	vst v0  }
0x19: {  	[tilespmem:$0x2940] =	vst v0  }
0x1a: {  	[tilespmem:$0x2950] =	vst v0  }
0x1b: {  	[tilespmem:$0x2960] =	vst v0  }
0x1c: {  	[tilespmem:$0x2970] =	vst v0  }
0x1d: {  	[tilespmem:$0x2980] =	vst v0  }
0x1e: {  	[tilespmem:$0x2990] =	vst v0  }
0x1f: {  	[tilespmem:$0x29A0] =	vst v0  }
0x20: {  	[tilespmem:$0x29B0] =	vst v0  }
0x21: {  	[tilespmem:$0x29C0] =	vst v0  }
0x22: {  	[tilespmem:$0x29D0] =	vst v0  }
0x23: {  	[tilespmem:$0x29E0] =	vst v0  }
0x24: {  	[tilespmem:$0x29F0] =	vst v0  }
0x25: {  	[tilespmem:$0x2A00] =	vst v0  }
0x26: {  	[tilespmem:$0x2A10] =	vst v0  }
0x27: {  	[tilespmem:$0x2A20] =	vst v0  }
0x28: {  	[tilespmem:$0x2A30] =	vst v0  }
0x29: {  	[tilespmem:$0x2A40] =	vst v0  }
0x2a: {  	[tilespmem:$0x2A50] =	vst v0  }
0x2b: {  	[tilespmem:$0x2A60] =	vst v0  }
0x2c: {  	[tilespmem:$0x2A70] =	vst v0  }
0x2d: {  	[tilespmem:$0x2A80] =	vst v0  }
0x2e: {  	[tilespmem:$0x2A90] =	vst v0  }
0x2f: {  	[tilespmem:$0x2AA0] =	vst v0  }
0x30: {  	[tilespmem:$0x2AB0] =	vst v0  }
0x31: {  	[tilespmem:$0x2AC0] =	vst v0  }
0x32: {  	[tilespmem:$0x2AD0] =	vst v0  }
0x33: {  	[tilespmem:$0x2AE0] =	vst v0  }
0x34: {  	[tilespmem:$0x2AF0] =	vst v0  }
0x35: {  	[tilespmem:$0x2800] =	vst v1  }
0x36: {  	[tilespmem:$0x2810] =	vst v1  }
0x37: {  	[tilespmem:$0x2820] =	vst v1  }
0x38: {  	[tilespmem:$0x2830] =	vst v1  }
0x39: {  	[tilespmem:$0x2840] =	vst v1  }
0x3a: {  	[tilespmem:$0x2850] =	vst v1  }
0x3b: {  	[tilespmem:$0x2860] =	vst v1  }
0x3c: {  	[tilespmem:$0x2870] =	vst v1  }
0x3d: {  	[spmem:s4] =	stream.linear.scatter [tilespmem:s8], [sflag:$0x2], $0x280, $0x38;
	[tilespmem:$0x2D80] =	vst v63  }
0x3e: {  	_ =	swait.ge [sflag:s9], $0x280  }
0x3f: {  	[sflag:s9] =	ssyncset.done $0x0  }
0x40: {  	[sflag:s9] =	ssyncadd.s32 $0xFFFFFD80  }
0x41: {  	[tilespmem:s3], [sflag:$0x2] =	stream.linear.gather [hbm4b:s5+s3], $0x2800, $0x38;
	[tilespmem:$0x2D80] =	vst v63  }
0x42: {  	_ =	swait.ge [sflag:s9], $0x2800  }
0x43: {  	[sflag:s9] =	ssyncset.done $0x0  }
0x44: {  	[sflag:s9] =	ssyncadd.s32 $0xFFFFD800  }
0x45: {  	s16 =	simm.s32 $0x0;
	[bflag:$0x0] =	sbarrier.arrive $0xFFFF  }
0x46: {  	[spmem:s2] =	stream.indirect.scatter.add.f32 [tilespmem:s11], [sflag:$0x1], $0x1, s16, s10, $0xb8;
	[tilespmem:$0x2D80] =	vst v63  }
0x47: {  	s24 =	simm.s32 $0x80  }
0x48: {  	[spmem:s2] =	stream.indirect.scatter.add.f32 [tilespmem:s11], [sflag:$0x1], $0x1, s24, s10, $0xb8;
	[tilespmem:$0x2D80] =	vst v63  }
0x49: {  	s25 =	simm.s32 $0x100  }
0x4a: {  	[spmem:s2] =	stream.indirect.scatter.add.f32 [tilespmem:s11], [sflag:$0x1], $0x1, s25, s10, $0xb8;
	[tilespmem:$0x2D80] =	vst v63  }
0x4b: {  	s26 =	simm.s32 $0x180  }
0x4c: {  	[spmem:s2] =	stream.indirect.scatter.add.f32 [tilespmem:s11], [sflag:$0x1], $0x1, s26, s10, $0xb8;
	[tilespmem:$0x2D80] =	vst v63  }
0x4d: {  	s28 =	simm.s32 $0x200  }
0x4e: {  	[spmem:s2] =	stream.indirect.scatter.add.f32 [tilespmem:s11], [sflag:$0x1], $0x1, s28, s10, $0xb8;
	[tilespmem:$0x2D80] =	vst v63  }
0x4f: {  	s29 =	simm.s32 $0x280  }
0x50: {  	[spmem:s2] =	stream.indirect.scatter.add.f32 [tilespmem:s11], [sflag:$0x1], $0x1, s29, s10, $0xb8;
	[tilespmem:$0x2D80] =	vst v63  }
0x51: {  	s30 =	simm.s32 $0x300  }
0x52: {  	[spmem:s2] =	stream.indirect.scatter.add.f32 [tilespmem:s11], [sflag:$0x1], $0x1, s30, s10, $0xb8;
	[tilespmem:$0x2D80] =	vst v63  }
0x53: {  	s31 =	simm.s32 $0x380  }
0x54: {  	[spmem:s2] =	stream.indirect.scatter.add.f32 [tilespmem:s11], [sflag:$0x1], $0x1, s31, s10, $0xb8;
	[tilespmem:$0x2D80] =	vst v63  }
0x55: {  	_ =	swait.ge [sflag:s12], $0x80  }
0x56: {  	[sflag:s12] =	ssyncset.done $0x0  }
0x57: {  	[sflag:s12] =	ssyncadd.s32 $0xFFFFFF80  }
0x58: {  	_ =	swait.ge [sflag:s12], $0x80  }
0x59: {  	[sflag:s12] =	ssyncset.done $0x0  }
0x5a: {  	[sflag:s12] =	ssyncadd.s32 $0xFFFFFF80  }
0x5b: {  	_ =	swait.ge [sflag:s12], $0x80  }
0x5c: {  	[sflag:s12] =	ssyncset.done $0x0  }
0x5d: {  	[sflag:s12] =	ssyncadd.s32 $0xFFFFFF80  }
0x5e: {  	_ =	swait.ge [sflag:s12], $0x80  }
0x5f: {  	[sflag:s12] =	ssyncset.done $0x0  }
0x60: {  	[sflag:s12] =	ssyncadd.s32 $0xFFFFFF80  }
0x61: {  	_ =	swait.ge [sflag:s12], $0x80  }
0x62: {  	[sflag:s12] =	ssyncset.done $0x0  }
0x63: {  	[sflag:s12] =	ssyncadd.s32 $0xFFFFFF80  }
0x64: {  	_ =	swait.ge [sflag:s12], $0x80  }
0x65: {  	[sflag:s12] =	ssyncset.done $0x0  }
0x66: {  	[sflag:s12] =	ssyncadd.s32 $0xFFFFFF80  }
0x67: {  	_ =	swait.ge [sflag:s12], $0x80  }
0x68: {  	[sflag:s12] =	ssyncset.done $0x0  }
0x69: {  	[sflag:s12] =	ssyncadd.s32 $0xFFFFFF80  }
0x6a: {  	_ =	swait.ge [sflag:s12], $0x80  }
0x6b: {  	s18 =	simm.s32 $0x2000;
	s16 =	simm.s32 $0x1000;
	[sflag:s12] =	ssyncset.done $0x0  }
.LBB2_2:
0x6c: {  	s19 =	sshra.s32 s16, $0x2  }
0x6d: {  	[sflag:s12] =	ssyncadd.s32 $0xFFFFFF80;
	s16 =	smov.u32 s18;
	s17 =	sadd.s32 $0x1000, s18  }
0x6e: {  	[spmem:s2] =	stream.indirect.scatter.add.f32 [tilespmem:s11], [sflag:$0x1], $0x1, s19, s10, $0xb8;
	[tilespmem:$0x2D80] =	vst v63  }
0x6f: {  	p0 =	sne.s32 s18, $0x9000;
	s18 =	sadd.s32 $0x80, s19  }
0x70: {  	[spmem:s2] =	stream.indirect.scatter.add.f32 [tilespmem:s11], [sflag:$0x1], $0x1, s18, s10, $0xb8;
	[tilespmem:$0x2D80] =	vst v63  }
0x71: {  	s18 =	sadd.s32 $0x100, s19  }
0x72: {  	[spmem:s2] =	stream.indirect.scatter.add.f32 [tilespmem:s11], [sflag:$0x1], $0x1, s18, s10, $0xb8;
	[tilespmem:$0x2D80] =	vst v63  }
0x73: {  	s18 =	sadd.s32 $0x180, s19  }
0x74: {  	[spmem:s2] =	stream.indirect.scatter.add.f32 [tilespmem:s11], [sflag:$0x1], $0x1, s18, s10, $0xb8;
	[tilespmem:$0x2D80] =	vst v63  }
0x75: {  	s18 =	sadd.s32 $0x200, s19  }
0x76: {  	[spmem:s2] =	stream.indirect.scatter.add.f32 [tilespmem:s11], [sflag:$0x1], $0x1, s18, s10, $0xb8;
	[tilespmem:$0x2D80] =	vst v63  }
0x77: {  	s18 =	sadd.s32 $0x280, s19  }
0x78: {  	[spmem:s2] =	stream.indirect.scatter.add.f32 [tilespmem:s11], [sflag:$0x1], $0x1, s18, s10, $0xb8;
	[tilespmem:$0x2D80] =	vst v63  }
0x79: {  	s18 =	sadd.s32 $0x300, s19  }
0x7a: {  	[spmem:s2] =	stream.indirect.scatter.add.f32 [tilespmem:s11], [sflag:$0x1], $0x1, s18, s10, $0xb8;
	[tilespmem:$0x2D80] =	vst v63  }
0x7b: {  	s18 =	sadd.s32 $0x380, s19  }
0x7c: {  	[spmem:s2] =	stream.indirect.scatter.add.f32 [tilespmem:s11], [sflag:$0x1], $0x1, s18, s10, $0xb8;
	[tilespmem:$0x2D80] =	vst v63  }
0x7d: {  	_ =	swait.ge [sflag:s12], $0x80  }
0x7e: {  	[sflag:s12] =	ssyncset.done $0x0  }
0x7f: {  	[sflag:s12] =	ssyncadd.s32 $0xFFFFFF80  }
0x80: {  	_ =	swait.ge [sflag:s12], $0x80  }
0x81: {  	[sflag:s12] =	ssyncset.done $0x0  }
0x82: {  	[sflag:s12] =	ssyncadd.s32 $0xFFFFFF80  }
0x83: {  	_ =	swait.ge [sflag:s12], $0x80  }
0x84: {  	[sflag:s12] =	ssyncset.done $0x0  }
0x85: {  	[sflag:s12] =	ssyncadd.s32 $0xFFFFFF80  }
0x86: {  	_ =	swait.ge [sflag:s12], $0x80  }
0x87: {  	[sflag:s12] =	ssyncset.done $0x0  }
0x88: {  	[sflag:s12] =	ssyncadd.s32 $0xFFFFFF80  }
0x89: {  	_ =	swait.ge [sflag:s12], $0x80  }
0x8a: {  	[sflag:s12] =	ssyncset.done $0x0  }
0x8b: {  	[sflag:s12] =	ssyncadd.s32 $0xFFFFFF80  }
0x8c: {  	_ =	swait.ge [sflag:s12], $0x80  }
0x8d: {  	[sflag:s12] =	ssyncset.done $0x0  }
0x8e: {  	[sflag:s12] =	ssyncadd.s32 $0xFFFFFF80  }
.Ltmp0:
0x8f: {  	_ =	swait.ge [sflag:s12], $0x80;
	(pc) =	sbr.rel @p0 .LBB2_2-.Ltmp0, $4  }
0x90: {  	[sflag:s12] =	ssyncset.done $0x0  }
0x91: {  	[sflag:s12] =	ssyncadd.s32 $0xFFFFFF80  }
0x92: {  	_ =	swait.ge [sflag:s12], $0x80  }
0x93: {  	s18 =	smov.u32 s17;
	[sflag:s12] =	ssyncset.done $0x0  }
0x94: {  	s16 =	sshra.s32 s16, $0x2;
	[sflag:s12] =	ssyncadd.s32 $0xFFFFFF80  }
0x95: {  	[spmem:s2] =	stream.indirect.scatter.add.f32 [tilespmem:s11], [sflag:$0x1], $0x1, s16, s10, $0xb8;
	[tilespmem:$0x2D80] =	vst v63  }
0x96: {  	s17 =	sadd.s32 $0x80, s16  }
0x97: {  	[spmem:s2] =	stream.indirect.scatter.add.f32 [tilespmem:s11], [sflag:$0x1], $0x1, s17, s10, $0xb8;
	[tilespmem:$0x2D80] =	vst v63  }
0x98: {  	s26 =	sadd.s32 $0x100, s16  }
0x99: {  	[spmem:s2] =	stream.indirect.scatter.add.f32 [tilespmem:s11], [sflag:$0x1], $0x1, s26, s10, $0xb8;
	[tilespmem:$0x2D80] =	vst v63  }
0x9a: {  	s28 =	sadd.s32 $0x180, s16  }
0x9b: {  	[spmem:s2] =	stream.indirect.scatter.add.f32 [tilespmem:s11], [sflag:$0x1], $0x1, s28, s10, $0xb8;
	[tilespmem:$0x2D80] =	vst v63  }
0x9c: {  	s29 =	sadd.s32 $0x200, s16  }
0x9d: {  	[spmem:s2] =	stream.indirect.scatter.add.f32 [tilespmem:s11], [sflag:$0x1], $0x1, s29, s10, $0xb8;
	[tilespmem:$0x2D80] =	vst v63  }
0x9e: {  	s30 =	sadd.s32 $0x280, s16  }
0x9f: {  	[spmem:s2] =	stream.indirect.scatter.add.f32 [tilespmem:s11], [sflag:$0x1], $0x1, s30, s10, $0xb8;
	[tilespmem:$0x2D80] =	vst v63  }
0xa0: {  	s31 =	sadd.s32 $0x300, s16  }
0xa1: {  	[spmem:s2] =	stream.indirect.scatter.add.f32 [tilespmem:s11], [sflag:$0x1], $0x1, s31, s10, $0xb8;
	[tilespmem:$0x2D80] =	vst v63  }
0xa2: {  	s16 =	sadd.s32 $0x380, s16  }
0xa3: {  	[spmem:s2] =	stream.indirect.scatter.add.f32 [tilespmem:s11], [sflag:$0x1], $0x1, s16, s10, $0xb8;
	[tilespmem:$0x2D80] =	vst v63  }
0xa4: {  	_ =	swait.ge [sflag:s12], $0x80  }
0xa5: {  	[sflag:s12] =	ssyncset.done $0x0  }
0xa6: {  	[sflag:s12] =	ssyncadd.s32 $0xFFFFFF80  }
0xa7: {  	_ =	swait.ge [sflag:s12], $0x80  }
0xa8: {  	[sflag:s12] =	ssyncset.done $0x0  }
0xa9: {  	[sflag:s12] =	ssyncadd.s32 $0xFFFFFF80  }
0xaa: {  	_ =	swait.ge [sflag:s12], $0x80  }
0xab: {  	[sflag:s12] =	ssyncset.done $0x0  }
0xac: {  	[sflag:s12] =	ssyncadd.s32 $0xFFFFFF80  }
0xad: {  	_ =	swait.ge [sflag:s12], $0x80  }
0xae: {  	[sflag:s12] =	ssyncset.done $0x0  }
0xaf: {  	[sflag:s12] =	ssyncadd.s32 $0xFFFFFF80  }
0xb0: {  	_ =	swait.ge [sflag:s12], $0x80  }
0xb1: {  	[sflag:s12] =	ssyncset.done $0x0  }
0xb2: {  	[sflag:s12] =	ssyncadd.s32 $0xFFFFFF80  }
0xb3: {  	_ =	swait.ge [sflag:s12], $0x80  }
0xb4: {  	[sflag:s12] =	ssyncset.done $0x0  }
0xb5: {  	[sflag:s12] =	ssyncadd.s32 $0xFFFFFF80  }
0xb6: {  	_ =	swait.ge [sflag:s12], $0x80  }
0xb7: {  	[sflag:s12] =	ssyncset.done $0x0  }
0xb8: {  	[sflag:s12] =	ssyncadd.s32 $0xFFFFFF80  }
0xb9: {  	_ =	swait.ge [sflag:s12], $0x80  }
0xba: {  	s15 =	sadd.s32 $0x1, s15;
	[sflag:s12] =	ssyncset.done $0x0  }
0xbb: {  	p0 =	sne.s32 s15, s7;
	[sflag:s12] =	ssyncadd.s32 $0xFFFFFF80  }
.Ltmp1:
0xbc: {  	[bflag:$0x0] =	sbarrier.arrive $0xFFFF;
	(pc) =	sbr.rel @p0 .LBB2_1-.Ltmp1, $4  }
0xbd: {  	[hbm:s6], [sflag:s13] =	dma.local [spmem:s14], $0x50  }
0xbe: {  	_ =	swait.ge [sflag:s9], $0x50  }
0xbf: {  	[sflag:s9] =	ssyncset.done $0x0  }
0xc0: {  	[sflag:s9] =	ssyncadd.s32 $0xFFFFFFB0  }
0xc1: {  	_ =	sfence.sel $0x180000  }
0xc2: {  	[bflag:$0x0] =	sbarrier.arrive $0xFFFF  }
0xc3: {  	p0 =	sne.s32 s0, $0x0;
	_ =	strace $0x90000047  }
0xc4: {  	s0 =	sadd.s32 @!p0 $0x100000, s1;
	[bflag:$0x2] =	sbarrier.arrive $0xFFFF  }
0xc5: {  	[sflag:s0] =	ssyncadd.tile.s32 @!p0 $0x1;
	_ =	shalt  }
.Lfunc_end2:
_tile_overlayer_lowered:
.L_overlay_start_2:
0xc6: {  	(tag) =	ssettag $0x2  }
0xc7: {  	s0 =	rddreg [dreg:$0x0];
	s2 =	stileid.u32  }
0xc8: {  	s1 =	rddreg [dreg:$0x1];
	p0 =	sne.s32 s2, $0x0  }
0xc9: {  	s3 =	rddreg [dreg:$0x2];
	[bflag:$0x3] =	sbarrier.arrive $0xFFFF;
	s2 =	simm.s32 @!p0 $0x1C02  }
0xca: {  	[timem:s3], [sflag:s2] =	dma.local @!p0 [hbm:s0], s1  }
0xcb: {  	s0 =	simm.s32 @!p0 $0x2  }
0xcc: {  	_ =	swait.ge @!p0 [sflag:s0], s1  }
0xcd: {  	s1 =	ssub.s32 @!p0 $0x0, s1;
	[sflag:s0] =	ssyncset.done @!p0 $0x0  }
0xce: {  	[sflag:s0] =	ssyncadd.s32 @!p0 s1  }
0xcf: {  	[bflag:$0x3] =	sbarrier.arrive $0xFFFF  }
0xd0: {  	_ =	shalt  }

// kernel: kernel.13.cloned.1.call-start
scs
__scs_entry_jumppad:
0x0: {  	(pc) =	sbr.rel $0x88, $3  }
0x1: {  	(tag) =	ssettag $0x0;
	lr =	simm.s32 $0x1  }
0x2: {  	[smem:$0x3F99] =	sst lr;
	_ =	strace $0xD0000000  }
0x3: {  	_ = 	snop  }
0x4: {  	_ = 	snop  }
0x5: {  	_ = 	snop  }
0x6: {  	_ = 	snop  }
0x7: {  	_ = 	snop  }
__scs_overlays_trampoline_lowered:
0x8: {  	[smem:$0x3FA8] =	sst s0  }
0x9: {  	[smem:$0x3FA9] =	sst s1  }
0xa: {  	[smem:$0x3FAA] =	sst s2  }
0xb: {  	[smem:$0x3FAB] =	sst s3  }
0xc: {  	[smem:$0x3FAC] =	sst s4  }
0xd: {  	[smem:$0x3FAD] =	sst s5  }
0xe: {  	[smem:$0x3FAE] =	sst s6  }
0xf: {  	[smem:$0x3FAF] =	sst s7  }
0x10: {  	[smem:$0x3FB0] =	sst s8  }
0x11: {  	[smem:$0x3FB1] =	sst s9;
	s0 =	simm.s32 @!p0 $0x0  }
0x12: {  	s1 =	sld [smem:$0x3F97];
	s0 =	simm.s32 @p0 $0x1  }
0x13: {  	[smem:$0x3FB2] =	sst s0;
	s0 =	simm.s32 @!p1 $0x0  }
0x14: {  	s2 =	sld [smem:$0x3F96];
	s0 =	simm.s32 @p1 $0x1  }
0x15: {  	[smem:$0x3FB3] =	sst s0;
	s0 =	simm.s32 @!p2 $0x0  }
0x16: {  	s3 =	sld [smem:$0x3FDB];
	s0 =	simm.s32 @p2 $0x1  }
0x17: {  	s4 =	simm.s32 $0x1BF5;
	[smem:$0x3FB5] =	sst s0  }
0x18: {  	s0 =	sld [smem:$0x3F98];
	_ =	swait.ge [sflag:s4], $0x0  }
0x19: {  	s7 =	sld [smem:$0x3F99]  }
0x1a: {  	s8 =	sadd.s32 $0xFFFFE003, lr  }
0x1b: {  	s9 =	sadd.s32 $0xFFFFFEF7, lr;
	s5 =	simm.s32 $0xFFFFFFFF;
	p2 =	slt.u32 s8, $0xFFFFF086  }
0x1c: {  	p1 =	slt.u32 s9, $0xF7A;
	s5 =	simm.s32 @!p2 $0x0  }
0x1d: {  	s5 =	simm.s32 @p1 $0x1;
	p0 =	seq.s32 s7, s2  }
0x1e: {  	s7 =	smul.u32 @!p0 $0xF7A, s2;
	p2 =	seq.s32 @!p0 s5, $0x0  }
0x1f: {  	s9 =	smul.u32 $0xF7A, s1;
	s8 =	simm.s32 @!p0 $0x1BF5;
	p2 =	por !p2, p0  }
0x20: {  	[sflag:s8] =	ssyncset.s32 @!p0 $0xFFFFF086;
	s6 =	sadd.s32 @!p0 s3, s7;
	s7 =	simm.s32 @!p0 $0x108  }
0x21: {  	s3 =	sadd.s32 s3, s9;
	s6 =	sadd.s32 @!p0 $0x88, s6;
	s7 =	simm.s32 @p2 $0x1082  }
0x22: {  	[simem:s7], [sflag:s8] =	dma.local @!p0 [hbm:s6], $0xF7A  }
0x23: {  	s9 =	sor.u32 $0xD0000000, s2;
	s6 =	simm.s32 $0x108;
	_ =	swait.ge @!p0 [sflag:s8], $0x0  }
0x24: {  	s3 =	sadd.s32 $0x88, s3;
	s6 =	simm.s32 @!p1 $0x1082;
	[sflag:s4] =	ssyncset.s32 $0xFFFFF086  }
0x25: {  	[simem:s6], [sflag:s4] =	dma.local [hbm:s3], $0xF7A  }
0x26: {  	[smem:$0x3F99] =	sst s1;
	(tag) =	ssettag s2;
	_ =	strace s9  }
0x27: {  	s1 =	sld [smem:$0x3FA9]  }
0x28: {  	s2 =	sld [smem:$0x3FAA]  }
0x29: {  	s4 =	sld [smem:$0x3FAC]  }
0x2a: {  	p0 =	seq.s32 s5, $0x0;
	s5 =	sld [smem:$0x3FAD]  }
0x2b: {  	s6 =	sld [smem:$0x3FAE]  }
0x2c: {  	s7 =	sld [smem:$0x3FAF]  }
0x2d: {  	s3 =	simm.s32 $0x108;
	s8 =	sld [smem:$0x3FB0]  }
0x2e: {  	s3 =	simm.s32 @!p0 $0x1082;
	s9 =	sld [smem:$0x3FB1]  }
0x2f: {  	lr =	sadd.s32 s0, s3;
	s0 =	sld [smem:$0x3FA8]  }
0x30: {  	s3 =	sld [smem:$0x3FAB]  }
0x31: {  	[smem:$0x3FB4] =	sst s10  }
0x32: {  	s10 =	sld [smem:$0x3FB2];
	_ =	sdelay $0x3  }
0x33: {  	p0 =	seq.s32 s10, $0x1;
	s10 =	sld [smem:$0x3FB4];
	_ =	sdelay $0x3  }
0x34: {  	[smem:$0x3FB4] =	sst s10  }
0x35: {  	s10 =	sld [smem:$0x3FB3];
	_ =	sdelay $0x3  }
0x36: {  	p1 =	seq.s32 s10, $0x1;
	s10 =	sld [smem:$0x3FB4];
	_ =	sdelay $0x3  }
0x37: {  	[smem:$0x3FB4] =	sst s10  }
0x38: {  	s10 =	sld [smem:$0x3FB5]  }
0x39: {  	_ = 	snop;
	(pc) =	sbr.ind lr, $3  }
0x3a: {  	_ = 	snop  }
0x3b: {  	_ = 	snop  }
0x3c: {  	p2 =	seq.s32 s10, $0x1;
	s10 =	sld [smem:$0x3FB4]  }
0x3d: {  	_ =	shalt  }
0x3e: {  	_ =	shalt  }
0x3f: {  	_ =	shalt  }
0x40: {  	_ =	shalt  }
0x41: {  	_ =	shalt  }
0x42: {  	_ =	shalt  }
0x43: {  	_ =	shalt  }
0x44: {  	_ =	shalt  }
0x45: {  	_ =	shalt  }
0x46: {  	_ =	shalt  }
0x47: {  	_ =	shalt  }
0x48: {  	_ =	shalt  }
0x49: {  	_ =	shalt  }
0x4a: {  	_ =	shalt  }
0x4b: {  	_ =	shalt  }
0x4c: {  	_ =	shalt  }
0x4d: {  	_ =	shalt  }
0x4e: {  	_ =	shalt  }
0x4f: {  	_ =	shalt  }
0x50: {  	_ =	shalt  }
0x51: {  	_ =	shalt  }
0x52: {  	_ =	shalt  }
0x53: {  	_ =	shalt  }
0x54: {  	_ =	shalt  }
0x55: {  	_ =	shalt  }
0x56: {  	_ =	shalt  }
0x57: {  	_ =	shalt  }
0x58: {  	_ =	shalt  }
0x59: {  	_ =	shalt  }
0x5a: {  	_ =	shalt  }
0x5b: {  	_ =	shalt  }
0x5c: {  	_ =	shalt  }
0x5d: {  	_ =	shalt  }
0x5e: {  	_ =	shalt  }
0x5f: {  	_ =	shalt  }
0x60: {  	_ =	shalt  }
0x61: {  	_ =	shalt  }
0x62: {  	_ =	shalt  }
0x63: {  	_ =	shalt  }
0x64: {  	_ =	shalt  }
0x65: {  	_ =	shalt  }
0x66: {  	_ =	shalt  }
0x67: {  	_ =	shalt  }
0x68: {  	_ =	shalt  }
0x69: {  	_ =	shalt  }
0x6a: {  	_ =	shalt  }
0x6b: {  	_ =	shalt  }
0x6c: {  	_ =	shalt  }
0x6d: {  	_ =	shalt  }
0x6e: {  	_ =	shalt  }
0x6f: {  	_ =	shalt  }
0x70: {  	_ =	shalt  }
0x71: {  	_ =	shalt  }
0x72: {  	_ =	shalt  }
0x73: {  	_ =	shalt  }
0x74: {  	_ =	shalt  }
0x75: {  	_ =	shalt  }
0x76: {  	_ =	shalt  }
0x77: {  	_ =	shalt  }
0x78: {  	_ =	shalt  }
0x79: {  	_ =	shalt  }
0x7a: {  	_ =	shalt  }
0x7b: {  	_ =	shalt  }
0x7c: {  	_ =	shalt  }
0x7d: {  	_ =	shalt  }
0x7e: {  	_ =	shalt  }
0x7f: {  	_ =	shalt  }
0x80: {  	_ =	shalt  }
0x81: {  	_ =	shalt  }
0x82: {  	_ =	shalt  }
0x83: {  	_ =	shalt  }
0x84: {  	_ =	shalt  }
0x85: {  	_ =	shalt  }
0x86: {  	_ =	shalt  }
0x87: {  	_ =	shalt  }
.Lfunc_end0:
.L_simem_size_0:
called_computation.1_lowered:
.L_overlay_start_0:
0x88: {  	s2 =	sld [smem:$0x3FD9]  }
0x89: {  	s3 =	sld [smem:$0x3FFE];
	_ =	sdelay $0x1  }
0x8a: {  	s1 =	srdreg.scid  }
0x8b: {  	s0 =	sand.u32 $0x1, s1  }
0x8c: {  	s16 =	sshll.u32 s0, $0xA;
	s2 =	sadd.s32 s3, s2  }
0x8d: {  	s2 =	sadd.s32 s2, s16  }
0x8e: {  	[smem:$0x3FC0] =	sst s2  }
0x8f: {  	_ = 	snop  }
0x90: {  	(tm) =	ssettm $0x1  }
0x91: {  	s17 =	sld [smem:$0x3FFB];
	_ =	sdelay $0x3  }
0x92: {  	_ =	strace s17  }
0x93: {  	s2 =	sld [smem:$0x3FFC];
	_ =	sdelay $0x3  }
0x94: {  	_ =	strace s2  }
0x95: {  	s2 =	sld [smem:$0x3FFD];
	_ =	sdelay $0x3  }
0x96: {  	_ =	strace s2  }
0x97: {  	_ =	strace $0x8FFFFFFF  }
0x98: {  	s18 =	sld [smem:$0x3FDB];
	_ =	sdelay $0x1  }
0x99: {  	s19 =	simm.s32 $_scs_section_size  }
0x9a: {  	s4 =	simm.s32 $_size__tile_overlayer_lowered;
	s5 =	simm.s32 $_tile_overlayer_lowered  }
0x9b: {  	s22 =	simm.s32 $0x1BFF;
	s21 =	sshll.u32 s5, $0x1;
	s2 =	sadd.s32 s19, s18  }
0x9c: {  	s6 =	simm.s32 $0x0;
	s20 =	sshll.u32 s4, $0x1;
	s4 =	sadd.s32 s21, s2  }
0x9d: {  	[timem:s6], [sflag:s22] =	dma.local [hbm:s4], s20  }
0x9e: {  	_ =	swait.ge [sflag:s22], s20  }
0x9f: {  	s3 =	ssub.s32 $0x0, s20;
	[sflag:s22] =	ssyncset.done $0x0  }
0xa0: {  	[sflag:s22] =	ssyncadd.s32 s3;
	_ =	sdelay $0x1  }
0xa1: {  	s23 =	simm.s32 $0x1B8B  }
0xa2: {  	_ =	swait.ge [sflag:s23], $0x1  }
0xa3: {  	[sflag:s23] =	ssyncset.done $0x0  }
0xa4: {  	s25 =	simm.s32 $0x1B8E;
	s24 =	sld [smem:$0x3FFE];
	[sflag:s23] =	ssyncadd.s32 $0xFFFFFFFF  }
0xa5: {  	s26 =	simm.s32 $execute0_lowered;
	[smem:$0x3FD2] =	sst s25  }
0xa6: {  	s4 =	sshll.u32 s26, $0x1;
	_ =	strace $0x80000049;
	[dreg:$0x1] =	wrdreg $0xFFFFFFFF  }
0xa7: {  	s28 =	simm.s32 $_size_execute0_lowered;
	s2 =	sadd.s32 s2, s4;
	[dreg:$0x0] =	wrdreg $0x0  }
0xa8: {  	s4 =	sshll.u32 s28, $0x1;
	[dreg:$0x2] =	wrdreg s2  }
0xa9: {  	[dreg:$0x3] =	wrdreg s4  }
0xaa: {  	[dreg:$0x4] =	wrdreg $0xC0  }
0xab: {  	_ =	task [dreg:s6], $0x5FFFF  }
0xac: {  	[dreg:$0x1] =	wrdreg $0xFFFFFFFF  }
0xad: {  	[dreg:$0x0] =	wrdreg $0x60  }
0xae: {  	[dreg:$0x2] =	wrdreg s24  }
0xaf: {  	[dreg:$0x3] =	wrdreg $0x140000  }
0xb0: {  	[dreg:$0x4] =	wrdreg $0x9  }
0xb1: {  	_ =	task.clear_ibuf [dreg:s6], $0x5FFFF;
	_ =	strace $0x90000049  }
0xb2: {  	s29 =	simm.s32 $0x9;
	_ =	strace $0x8000004B  }
0xb3: {  	_ =	swait.ge [sflag:s29], $0x1  }
0xb4: {  	[sflag:s29] =	ssyncadd.s32 $0xFFFFFFFF  }
0xb5: {  	_ =	strace $0x9000004B  }
0xb6: {  	_ =	sfence  }
0xb7: {  	s30 =	sld [smem:$0x0];
	_ =	sdelay $0x2  }
0xb8: {  	s31 =	sshll.u32 s1, $0xD;
	s1 =	sshrl.u32 s1, $0x2  }
0xb9: {  	s3 =	sand.u32 $0x4000, s31;
	s1 =	sadd.s32 s1, s30  }
0xba: {  	s0 =	sor.u32 s3, s0;
	s1 =	sshll.u32 s1, $0x11  }
0xbb: {  	s0 =	sor.u32 s1, s0  }
0xbc: {  	s0 =	sadd.s32 $0x8F2B, s0  }
0xbd: {  	[sflag:s0] =	ssyncadd.remote.s32 $0x1  }
0xbe: {  	_ =	sfence.sel $0xFFFF  }
0xbf: {  	[dreg:$0x0] =	wrdreg $0xFFFFFFFF;
	(pc) =	sbr.abs _section_cstart, $3  }
0xc0: {  	[dreg:$0x1] =	wrdreg $0xFFFFFFFF  }
0xc1: {  	_ =	task.clear_ibuf [dreg:s6], $0x2FFFF;
	_ =	strace $0x9FFFFFFF  }
0xc2: {  	(tm) =	ssettm $0x7FFFFFFF  }
0xc3: {  	_ =	shalt  }
tec
execute0_lowered:
.L_overlay_start_1:
0x0: {  	(tag) =	ssettag $0x1  }
0x1: {  	s0 =	srdreg.scid;
	s1 =	rddreg [dreg:$0x0]  }
0x2: {  	s9 =	stileid.u32;
	s2 =	rddreg [dreg:$0x1]  }
0x3: {  	s3 =	simm.s32 $0x0;
	s14 =	simm.s32 $0xA000;
	s15 =	simm.s32 $0x7  }
0x4: {  	s17 =	simm.s32 $0x80;
	s18 =	simm.s32 $0xC000;
	s20 =	simm.s32 $0xE000  }
0x5: {  	s28 =	simm.s32 $0x3;
	s29 =	simm.s32 $0x4;
	s5 =	smul.u32 $0x5000, s9  }
0x6: {  	s30 =	simm.s32 $0x5;
	s16 =	simm.s32 $0x9E80;
	s6 =	smul.u32 $0xA000, s9  }
0x7: {  	s19 =	simm.s32 $0x9F00;
	s0 =	sand.u32 $0x1, s0;
	s23 =	smul.u32 $0x28000, s9  }
0x8: {  	s21 =	simm.s32 $0x9F80;
	[smem:$0x7FF] =	sst s3;
	s4 =	smul.u32 $0x50000, s0  }
0x9: {  	s8 =	smul.u32 $0xA0000, s0;
	_ =	strace $0x8000004A;
	s0 =	ssub.s32 $0x2, s0  }
0xa: {  	s25 =	sshrl.u32 s0, $0x1;
	s26 =	sshrl.u32 s23, $0x2;
	s23 =	simm.s32 $0x1  }
0xb: {  	s4 =	sadd.s32 s5, s4;
	s5 =	sshrl.u32 s5, $0x3;
	s22 =	sadd.s32 s6, s8  }
0xc: {  	s0 =	ssub.s32 s0, s25;
	s31 =	sadd.s32 s26, s2;
	s25 =	simm.s32 $0x12000  }
0xd: {  	s26 =	simm.s32 $0x2;
	s7 =	sshrl.u32 s4, $0x3;
	s4 =	sadd.s32 $0x2A400, s1  }
0xe: {  	s11 =	sadd.s32 s5, s1;
	s24 =	sshrl.u32 s22, $0x3;
	s5 =	sadd.s32 s6, s2  }
0xf: {  	s6 =	sadd.s32 $0x2000, s31;
	s8 =	sadd.s32 $0x6000, s31;
	s9 =	sadd.s32 $0x8000, s31  }
0x10: {  	s13 =	smax.u32 s0, $0x1;
	s22 =	simm.s32 $0x10000;
	s10 =	sadd.s32 s7, s1  }
0x11: {  	s1 =	sadd.s32 s24, s1;
	s7 =	sadd.s32 $0x4000, s31;
	s11 =	sadd.s32 $0xC400, s11  }
0x12: {  	v0 =	vimm.f32 $0.0e+00;
	s24 =	simm.s32 $0x6;
	s10 =	sadd.s32 $0x16400, s10;
	s12 =	sadd.s32 $0x51600, s1  }
.LBB2_1:
0x13: {  	s31 =	simm.s32 $0x100;
	s1 =	simm.s32 $0x0  }
.LBB2_2:
0x14: {  	p0 =	sne.s32 s31, $0x7F00;
	[tilespmem:s1+$0xA030] =	vst v0;
	s0 =	smov.u32 s31;
	s31 =	sadd.s32 $0x100, s31  }
.Ltmp0:
0x15: {  	[tilespmem:s1+$0xA020] =	vst v0;
	(pc) =	sbr.rel @p0 .LBB2_2-.Ltmp0, $3  }
0x16: {  	[tilespmem:s1+$0xA000] =	vst v0  }
0x17: {  	[tilespmem:s1+$0xA010] =	vst v0;
	_ =	sdelay $0x1  }
0x18: {  	s1 =	sshra.s32 s0, $0x2  }
0x19: {  	[tilespmem:s1+$0xA030] =	vst v0  }
0x1a: {  	[tilespmem:s1+$0xA020] =	vst v0  }
0x1b: {  	[tilespmem:s1+$0xA000] =	vst v0  }
0x1c: {  	[tilespmem:s1+$0xA010] =	vst v0  }
0x1d: {  	[spmem:s5] =	stream.linear.scatter [tilespmem:s14], [sflag:$0x7], $0x2000, $0x38;
	[tilespmem:$0x1E000] =	vst v63  }
0x1e: {  	_ =	swait.ge [sflag:s15], $0x2000  }
0x1f: {  	[sflag:s15] =	ssyncset.done $0x0  }
0x20: {  	[sflag:s15] =	ssyncadd.s32 $0xFFFFE000  }
0x21: {  	[spmem:s6] =	stream.linear.scatter [tilespmem:s14], [sflag:$0x7], $0x2000, $0x38;
	[tilespmem:$0x1E000] =	vst v63  }
0x22: {  	_ =	swait.ge [sflag:s15], $0x2000  }
0x23: {  	[sflag:s15] =	ssyncset.done $0x0  }
0x24: {  	[sflag:s15] =	ssyncadd.s32 $0xFFFFE000  }
0x25: {  	[spmem:s7] =	stream.linear.scatter [tilespmem:s14], [sflag:$0x7], $0x2000, $0x38;
	[tilespmem:$0x1E000] =	vst v63  }
0x26: {  	_ =	swait.ge [sflag:s15], $0x2000  }
0x27: {  	[sflag:s15] =	ssyncset.done $0x0  }
0x28: {  	[sflag:s15] =	ssyncadd.s32 $0xFFFFE000  }
0x29: {  	[spmem:s8] =	stream.linear.scatter [tilespmem:s14], [sflag:$0x7], $0x2000, $0x38;
	[tilespmem:$0x1E000] =	vst v63  }
0x2a: {  	_ =	swait.ge [sflag:s15], $0x2000  }
0x2b: {  	[sflag:s15] =	ssyncset.done $0x0  }
0x2c: {  	[sflag:s15] =	ssyncadd.s32 $0xFFFFE000  }
0x2d: {  	[spmem:s9] =	stream.linear.scatter [tilespmem:s14], [sflag:$0x7], $0x2000, $0x38;
	[tilespmem:$0x1E000] =	vst v63  }
0x2e: {  	_ =	swait.ge [sflag:s15], $0x2000  }
0x2f: {  	[sflag:s15] =	ssyncset.done $0x0  }
0x30: {  	s0 =	simm.s32 $0x0;
	[sflag:s15] =	ssyncadd.s32 $0xFFFFE000  }
0x31: {  	[tilespmem:s0], [sflag:$0x7] =	stream.linear.gather [hbm4b:s10+s0], $0x5000, $0x38;
	[tilespmem:$0x1E000] =	vst v63  }
0x32: {  	_ =	swait.ge [sflag:s15], $0x5000  }
0x33: {  	[sflag:s15] =	ssyncset.done $0x0  }
0x34: {  	s1 =	simm.s32 $0x5000;
	[sflag:s15] =	ssyncadd.s32 $0xFFFFB000  }
0x35: {  	[tilespmem:s1], [sflag:$0x7] =	stream.linear.gather [hbm4b:s11+s0], $0x5000, $0x38;
	[tilespmem:$0x1E000] =	vst v63  }
0x36: {  	_ =	swait.ge [sflag:s15], $0x5000  }
0x37: {  	[sflag:s15] =	ssyncset.done $0x0  }
0x38: {  	[sflag:s15] =	ssyncadd.s32 $0xFFFFB000  }
0x39: {  	[bflag:$0x0] =	sbarrier.arrive $0xFFFF  }
0x3a: {  	[tilespmem:s14], [sflag:$0x1] =	stream.indirect.gather [hbm4b:s4+s17], $0x40, s0, s17, $0xb8;
	[tilespmem:$0x1E000] =	vst v63  }
0x3b: {  	_ = 	snop  }
0x3c: {  	[tilespmem:s18], [sflag:$0x2] =	stream.indirect.gather [hbm4b:s4+s17], $0x40, s17, s17, $0xb8;
	[tilespmem:$0x1E000] =	vst v63  }
0x3d: {  	s1 =	simm.s32 $0x100  }
0x3e: {  	[tilespmem:s20], [sflag:$0x3] =	stream.indirect.gather [hbm4b:s4+s17], $0x40, s1, s17, $0xb8;
	[tilespmem:$0x1E000] =	vst v63  }
0x3f: {  	s1 =	simm.s32 $0x180  }
0x40: {  	[tilespmem:s22], [sflag:$0x4] =	stream.indirect.gather [hbm4b:s4+s17], $0x40, s1, s17, $0xb8;
	[tilespmem:$0x1E000] =	vst v63  }
0x41: {  	_ =	swait.ge [sflag:s23], $0x2000  }
0x42: {  	[sflag:s23] =	ssyncset.done $0x0  }
0x43: {  	s1 =	simm.s32 $0x5000;
	[sflag:s23] =	ssyncadd.s32 $0xFFFFE000  }
0x44: {  	[spmem:s2] =	stream.indirect.scatter.add.f32 [tilespmem:s14], [sflag:$0x6], $0x40, s1, s17, $0xb8;
	[tilespmem:$0x1E000] =	vst v63  }
0x45: {  	_ =	swait.ge [sflag:s24], $0x2000  }
0x46: {  	[sflag:s24] =	ssyncset.done $0x0  }
0x47: {  	s1 =	simm.s32 $0x200;
	[sflag:s24] =	ssyncadd.s32 $0xFFFFE000  }
0x48: {  	[tilespmem:s25], [sflag:$0x5] =	stream.indirect.gather [hbm4b:s4+s17], $0x40, s1, s17, $0xb8;
	[tilespmem:$0x1E000] =	vst v63  }
0x49: {  	_ =	swait.ge [sflag:s26], $0x2000  }
0x4a: {  	[sflag:s26] =	ssyncset.done $0x0  }
0x4b: {  	s1 =	simm.s32 $0x5080;
	[sflag:s26] =	ssyncadd.s32 $0xFFFFE000  }
0x4c: {  	[spmem:s2] =	stream.indirect.scatter.add.f32 [tilespmem:s18], [sflag:$0x6], $0x40, s1, s17, $0xb8;
	[tilespmem:$0x1E000] =	vst v63  }
0x4d: {  	_ =	swait.ge [sflag:s24], $0x2000  }
0x4e: {  	[sflag:s24] =	ssyncset.done $0x0  }
0x4f: {  	s1 =	simm.s32 $0x280;
	[sflag:s24] =	ssyncadd.s32 $0xFFFFE000  }
0x50: {  	[tilespmem:s14], [sflag:$0x1] =	stream.indirect.gather [hbm4b:s4+s17], $0x40, s1, s17, $0xb8;
	[tilespmem:$0x1E000] =	vst v63  }
0x51: {  	_ =	swait.ge [sflag:s28], $0x2000  }
0x52: {  	[sflag:s28] =	ssyncset.done $0x0  }
0x53: {  	s1 =	simm.s32 $0x5100;
	[sflag:s28] =	ssyncadd.s32 $0xFFFFE000  }
0x54: {  	[spmem:s2] =	stream.indirect.scatter.add.f32 [tilespmem:s20], [sflag:$0x6], $0x40, s1, s17, $0xb8;
	[tilespmem:$0x1E000] =	vst v63  }
0x55: {  	_ =	swait.ge [sflag:s24], $0x2000  }
0x56: {  	[sflag:s24] =	ssyncset.done $0x0  }
0x57: {  	s1 =	simm.s32 $0x300;
	[sflag:s24] =	ssyncadd.s32 $0xFFFFE000  }
0x58: {  	[tilespmem:s18], [sflag:$0x2] =	stream.indirect.gather [hbm4b:s4+s17], $0x40, s1, s17, $0xb8;
	[tilespmem:$0x1E000] =	vst v63  }
0x59: {  	_ =	swait.ge [sflag:s29], $0x2000  }
0x5a: {  	[sflag:s29] =	ssyncset.done $0x0  }
0x5b: {  	s1 =	simm.s32 $0x5180;
	[sflag:s29] =	ssyncadd.s32 $0xFFFFE000  }
0x5c: {  	[spmem:s2] =	stream.indirect.scatter.add.f32 [tilespmem:s22], [sflag:$0x6], $0x40, s1, s17, $0xb8;
	[tilespmem:$0x1E000] =	vst v63  }
0x5d: {  	_ =	swait.ge [sflag:s24], $0x2000  }
0x5e: {  	[sflag:s24] =	ssyncset.done $0x0  }
0x5f: {  	s1 =	simm.s32 $0x380;
	[sflag:s24] =	ssyncadd.s32 $0xFFFFE000  }
0x60: {  	[tilespmem:s20], [sflag:$0x3] =	stream.indirect.gather [hbm4b:s4+s17], $0x40, s1, s17, $0xb8;
	[tilespmem:$0x1E000] =	vst v63  }
0x61: {  	_ =	swait.ge [sflag:s30], $0x2000  }
0x62: {  	[sflag:s30] =	ssyncset.done $0x0  }
0x63: {  	s1 =	simm.s32 $0x5200;
	[sflag:s30] =	ssyncadd.s32 $0xFFFFE000  }
0x64: {  	[spmem:s2] =	stream.indirect.scatter.add.f32 [tilespmem:s25], [sflag:$0x6], $0x40, s1, s17, $0xb8;
	[tilespmem:$0x1E000] =	vst v63  }
0x65: {  	_ =	swait.ge [sflag:s24], $0x2000  }
0x66: {  	[sflag:s24] =	ssyncset.done $0x0  }
0x67: {  	s31 =	simm.s32 $0xA00;
	s1 =	simm.s32 $0x400;
	[sflag:s24] =	ssyncadd.s32 $0xFFFFE000  }
.LBB2_4:
0x68: {  	[tilespmem:s22], [sflag:$0x4] =	stream.indirect.gather [hbm4b:s4+s17], $0x40, s1, s17, $0xb8;
	[tilespmem:$0x1E000] =	vst v63  }
0x69: {  	s0 =	smov.u32 s31  }
0x6a: {  	p0 =	sne.s32 s31, $0x12C00;
	s31 =	sadd.s32 $0xA00, s31;
	_ =	swait.ge [sflag:s23], $0x2000  }
0x6b: {  	s1 =	sshra.s32 s0, $0x2;
	[sflag:s23] =	ssyncset.done $0x0  }
0x6c: {  	s0 =	sadd.s32 $0x5000, s1;
	[sflag:s23] =	ssyncadd.s32 $0xFFFFE000  }
0x6d: {  	[spmem:s2] =	stream.indirect.scatter.add.f32 [tilespmem:s14], [sflag:$0x6], $0x40, s0, s17, $0xb8;
	[tilespmem:$0x1E000] =	vst v63  }
0x6e: {  	_ =	swait.ge [sflag:s24], $0x2000  }
0x6f: {  	[sflag:s24] =	ssyncset.done $0x0  }
0x70: {  	s0 =	sadd.s32 $0x200, s1;
	[sflag:s24] =	ssyncadd.s32 $0xFFFFE000  }
0x71: {  	[tilespmem:s25], [sflag:$0x5] =	stream.indirect.gather [hbm4b:s4+s17], $0x40, s0, s17, $0xb8;
	[tilespmem:$0x1E000] =	vst v63  }
0x72: {  	_ =	swait.ge [sflag:s26], $0x2000  }
0x73: {  	[sflag:s26] =	ssyncset.done $0x0  }
0x74: {  	s0 =	sadd.s32 $0x5080, s1;
	[sflag:s26] =	ssyncadd.s32 $0xFFFFE000  }
0x75: {  	[spmem:s2] =	stream.indirect.scatter.add.f32 [tilespmem:s18], [sflag:$0x6], $0x40, s0, s17, $0xb8;
	[tilespmem:$0x1E000] =	vst v63  }
0x76: {  	_ =	swait.ge [sflag:s24], $0x2000  }
0x77: {  	[sflag:s24] =	ssyncset.done $0x0  }
0x78: {  	s0 =	sadd.s32 $0x280, s1;
	[sflag:s24] =	ssyncadd.s32 $0xFFFFE000  }
0x79: {  	[tilespmem:s14], [sflag:$0x1] =	stream.indirect.gather [hbm4b:s4+s17], $0x40, s0, s17, $0xb8;
	[tilespmem:$0x1E000] =	vst v63  }
0x7a: {  	_ =	swait.ge [sflag:s28], $0x2000  }
0x7b: {  	[sflag:s28] =	ssyncset.done $0x0  }
0x7c: {  	s0 =	sadd.s32 $0x5100, s1;
	[sflag:s28] =	ssyncadd.s32 $0xFFFFE000  }
0x7d: {  	[spmem:s2] =	stream.indirect.scatter.add.f32 [tilespmem:s20], [sflag:$0x6], $0x40, s0, s17, $0xb8;
	[tilespmem:$0x1E000] =	vst v63  }
0x7e: {  	_ =	swait.ge [sflag:s24], $0x2000  }
0x7f: {  	[sflag:s24] =	ssyncset.done $0x0  }
0x80: {  	s0 =	sadd.s32 $0x300, s1;
	[sflag:s24] =	ssyncadd.s32 $0xFFFFE000  }
0x81: {  	[tilespmem:s18], [sflag:$0x2] =	stream.indirect.gather [hbm4b:s4+s17], $0x40, s0, s17, $0xb8;
	[tilespmem:$0x1E000] =	vst v63  }
0x82: {  	_ =	swait.ge [sflag:s29], $0x2000  }
0x83: {  	[sflag:s29] =	ssyncset.done $0x0  }
0x84: {  	s0 =	sadd.s32 $0x5180, s1;
	[sflag:s29] =	ssyncadd.s32 $0xFFFFE000  }
0x85: {  	[spmem:s2] =	stream.indirect.scatter.add.f32 [tilespmem:s22], [sflag:$0x6], $0x40, s0, s17, $0xb8;
	[tilespmem:$0x1E000] =	vst v63  }
0x86: {  	_ =	swait.ge [sflag:s24], $0x2000  }
0x87: {  	[sflag:s24] =	ssyncset.done $0x0  }
0x88: {  	s0 =	sadd.s32 $0x380, s1;
	[sflag:s24] =	ssyncadd.s32 $0xFFFFE000  }
0x89: {  	[tilespmem:s20], [sflag:$0x3] =	stream.indirect.gather [hbm4b:s4+s17], $0x40, s0, s17, $0xb8;
	[tilespmem:$0x1E000] =	vst v63  }
0x8a: {  	_ =	swait.ge [sflag:s30], $0x2000  }
0x8b: {  	[sflag:s30] =	ssyncset.done $0x0  }
.Ltmp1:
0x8c: {  	s0 =	sadd.s32 $0x5200, s1;
	[sflag:s30] =	ssyncadd.s32 $0xFFFFE000;
	(pc) =	sbr.rel @p0 .LBB2_4-.Ltmp1, $4  }
0x8d: {  	[spmem:s2] =	stream.indirect.scatter.add.f32 [tilespmem:s25], [sflag:$0x6], $0x40, s0, s17, $0xb8;
	[tilespmem:$0x1E000] =	vst v63  }
0x8e: {  	_ =	swait.ge [sflag:s24], $0x2000  }
0x8f: {  	[sflag:s24] =	ssyncset.done $0x0  }
0x90: {  	s1 =	sadd.s32 $0x400, s1;
	[sflag:s24] =	ssyncadd.s32 $0xFFFFE000  }
0x91: {  	[tilespmem:s22], [sflag:$0x4] =	stream.indirect.gather [hbm4b:s4+s17], $0x40, s1, s17, $0xb8;
	[tilespmem:$0x1E000] =	vst v63  }
0x92: {  	_ =	swait.ge [sflag:s23], $0x2000  }
0x93: {  	[sflag:s23] =	ssyncset.done $0x0  }
0x94: {  	s0 =	simm.s32 $0x9D80;
	[sflag:s23] =	ssyncadd.s32 $0xFFFFE000  }
0x95: {  	[spmem:s2] =	stream.indirect.scatter.add.f32 [tilespmem:s14], [sflag:$0x6], $0x40, s0, s17, $0xb8;
	[tilespmem:$0x1E000] =	vst v63  }
0x96: {  	_ =	swait.ge [sflag:s24], $0x2000  }
0x97: {  	[sflag:s24] =	ssyncset.done $0x0  }
0x98: {  	s1 =	simm.s32 $0x4F80;
	[sflag:s24] =	ssyncadd.s32 $0xFFFFE000  }
0x99: {  	[tilespmem:s25], [sflag:$0x5] =	stream.indirect.gather [hbm4b:s4+s17], $0x40, s1, s17, $0xb8;
	[tilespmem:$0x1E000] =	vst v63  }
0x9a: {  	_ =	swait.ge [sflag:s26], $0x2000  }
0x9b: {  	[sflag:s26] =	ssyncset.done $0x0  }
0x9c: {  	s31 =	simm.s32 $0x9E00;
	[sflag:s26] =	ssyncadd.s32 $0xFFFFE000  }
0x9d: {  	[spmem:s2] =	stream.indirect.scatter.add.f32 [tilespmem:s18], [sflag:$0x6], $0x40, s31, s17, $0xb8;
	[tilespmem:$0x1E000] =	vst v63  }
0x9e: {  	_ =	swait.ge [sflag:s24], $0x2000  }
0x9f: {  	[sflag:s24] =	ssyncset.done $0x0  }
0xa0: {  	[sflag:s24] =	ssyncadd.s32 $0xFFFFE000  }
0xa1: {  	_ =	swait.ge [sflag:s28], $0x2000  }
0xa2: {  	[sflag:s28] =	ssyncset.done $0x0  }
0xa3: {  	[sflag:s28] =	ssyncadd.s32 $0xFFFFE000  }
0xa4: {  	[spmem:s2] =	stream.indirect.scatter.add.f32 [tilespmem:s20], [sflag:$0x6], $0x40, s16, s17, $0xb8;
	[tilespmem:$0x1E000] =	vst v63  }
0xa5: {  	_ =	swait.ge [sflag:s24], $0x2000  }
0xa6: {  	[sflag:s24] =	ssyncset.done $0x0  }
0xa7: {  	[sflag:s24] =	ssyncadd.s32 $0xFFFFE000  }
0xa8: {  	_ =	swait.ge [sflag:s29], $0x2000  }
0xa9: {  	[sflag:s29] =	ssyncset.done $0x0  }
0xaa: {  	[sflag:s29] =	ssyncadd.s32 $0xFFFFE000  }
0xab: {  	[spmem:s2] =	stream.indirect.scatter.add.f32 [tilespmem:s22], [sflag:$0x6], $0x40, s19, s17, $0xb8;
	[tilespmem:$0x1E000] =	vst v63  }
0xac: {  	_ =	swait.ge [sflag:s24], $0x2000  }
0xad: {  	[sflag:s24] =	ssyncset.done $0x0  }
0xae: {  	[sflag:s24] =	ssyncadd.s32 $0xFFFFE000  }
0xaf: {  	_ =	swait.ge [sflag:s30], $0x2000  }
0xb0: {  	[sflag:s30] =	ssyncset.done $0x0  }
0xb1: {  	[sflag:s30] =	ssyncadd.s32 $0xFFFFE000  }
0xb2: {  	[spmem:s2] =	stream.indirect.scatter.add.f32 [tilespmem:s25], [sflag:$0x6], $0x40, s21, s17, $0xb8;
	[tilespmem:$0x1E000] =	vst v63  }
0xb3: {  	s1 =	stileid.u32;
	_ =	swait.ge [sflag:s24], $0x2000  }
0xb4: {  	s3 =	sadd.s32 $0x1, s3;
	s0 =	sshll.u32 s1, $0x6;
	[sflag:s24] =	ssyncset.done $0x0  }
0xb5: {  	p0 =	sne.s32 s3, s13;
	s0 =	sor.u32 $0x1C07, s0;
	[sflag:s24] =	ssyncadd.s32 $0xFFFFE000  }
.Ltmp2:
0xb6: {  	s31 =	sshrl.u32 s5, $0x3;
	[bflag:$0x0] =	sbarrier.arrive $0xFFFF;
	(pc) =	sbr.rel @p0 .LBB2_1-.Ltmp2, $4  }
0xb7: {  	[hbm:s12], [sflag:s0] =	dma.local [spmem:s31], $0x1400  }
0xb8: {  	_ =	swait.ge [sflag:s15], $0x1400  }
0xb9: {  	[sflag:s15] =	ssyncset.done $0x0  }
0xba: {  	[sflag:s15] =	ssyncadd.s32 $0xFFFFEC00  }
0xbb: {  	_ =	sfence.sel $0x180000  }
0xbc: {  	[bflag:$0x0] =	sbarrier.arrive $0xFFFF  }
0xbd: {  	_ =	strace $0x9000004A  }
0xbe: {  	s0 =	stileid.u32;
	[bflag:$0x2] =	sbarrier.arrive $0xFFFF  }
0xbf: {  	p0 =	sne.s32 s0, $0x0;
	s0 =	rddreg [dreg:$0x2]  }
0xc0: {  	s0 =	sadd.s32 @!p0 $0x100000, s0  }
0xc1: {  	[sflag:s0] =	ssyncadd.tile.s32 @!p0 $0x1;
	_ =	shalt  }
.Lfunc_end2:
_tile_overlayer_lowered:
.L_overlay_start_2:
0xc2: {  	(tag) =	ssettag $0x2  }
0xc3: {  	s0 =	rddreg [dreg:$0x0];
	s2 =	stileid.u32  }
0xc4: {  	s1 =	rddreg [dreg:$0x1];
	p0 =	sne.s32 s2, $0x0  }
0xc5: {  	s3 =	rddreg [dreg:$0x2];
	[bflag:$0x3] =	sbarrier.arrive $0xFFFF;
	s2 =	simm.s32 @!p0 $0x1C07  }
0xc6: {  	[timem:s3], [sflag:s2] =	dma.local @!p0 [hbm:s0], s1  }
0xc7: {  	s0 =	simm.s32 @!p0 $0x7  }
0xc8: {  	_ =	swait.ge @!p0 [sflag:s0], s1  }
0xc9: {  	s1 =	ssub.s32 @!p0 $0x0, s1;
	[sflag:s0] =	ssyncset.done @!p0 $0x0  }
0xca: {  	[sflag:s0] =	ssyncadd.s32 @!p0 s1  }
0xcb: {  	[bflag:$0x3] =	sbarrier.arrive $0xFFFF  }
0xcc: {  	_ =	shalt  }

// kernel: kernel.16.cloned.1.call-start
scs
__scs_entry_jumppad:
0x0: {  	(pc) =	sbr.rel $0x88, $3  }
0x1: {  	(tag) =	ssettag $0x0;
	lr =	simm.s32 $0x1  }
0x2: {  	[smem:$0x3F99] =	sst lr;
	_ =	strace $0xD0000000  }
0x3: {  	_ = 	snop  }
0x4: {  	_ = 	snop  }
0x5: {  	_ = 	snop  }
0x6: {  	_ = 	snop  }
0x7: {  	_ = 	snop  }
__scs_overlays_trampoline_lowered:
0x8: {  	[smem:$0x3FA8] =	sst s0  }
0x9: {  	[smem:$0x3FA9] =	sst s1  }
0xa: {  	[smem:$0x3FAA] =	sst s2  }
0xb: {  	[smem:$0x3FAB] =	sst s3  }
0xc: {  	[smem:$0x3FAC] =	sst s4  }
0xd: {  	[smem:$0x3FAD] =	sst s5  }
0xe: {  	[smem:$0x3FAE] =	sst s6  }
0xf: {  	[smem:$0x3FAF] =	sst s7  }
0x10: {  	[smem:$0x3FB0] =	sst s8  }
0x11: {  	[smem:$0x3FB1] =	sst s9;
	s0 =	simm.s32 @!p0 $0x0  }
0x12: {  	s1 =	sld [smem:$0x3F97];
	s0 =	simm.s32 @p0 $0x1  }
0x13: {  	[smem:$0x3FB2] =	sst s0;
	s0 =	simm.s32 @!p1 $0x0  }
0x14: {  	s2 =	sld [smem:$0x3F96];
	s0 =	simm.s32 @p1 $0x1  }
0x15: {  	[smem:$0x3FB3] =	sst s0;
	s0 =	simm.s32 @!p2 $0x0  }
0x16: {  	s3 =	sld [smem:$0x3FDB];
	s0 =	simm.s32 @p2 $0x1  }
0x17: {  	s4 =	simm.s32 $0x1BF5;
	[smem:$0x3FB5] =	sst s0  }
0x18: {  	s0 =	sld [smem:$0x3F98];
	_ =	swait.ge [sflag:s4], $0x0  }
0x19: {  	s7 =	sld [smem:$0x3F99]  }
0x1a: {  	s8 =	sadd.s32 $0xFFFFE003, lr  }
0x1b: {  	s9 =	sadd.s32 $0xFFFFFEF7, lr;
	s5 =	simm.s32 $0xFFFFFFFF;
	p2 =	slt.u32 s8, $0xFFFFF086  }
0x1c: {  	p1 =	slt.u32 s9, $0xF7A;
	s5 =	simm.s32 @!p2 $0x0  }
0x1d: {  	s5 =	simm.s32 @p1 $0x1;
	p0 =	seq.s32 s7, s2  }
0x1e: {  	s7 =	smul.u32 @!p0 $0xF7A, s2;
	p2 =	seq.s32 @!p0 s5, $0x0  }
0x1f: {  	s9 =	smul.u32 $0xF7A, s1;
	s8 =	simm.s32 @!p0 $0x1BF5;
	p2 =	por !p2, p0  }
0x20: {  	[sflag:s8] =	ssyncset.s32 @!p0 $0xFFFFF086;
	s6 =	sadd.s32 @!p0 s3, s7;
	s7 =	simm.s32 @!p0 $0x108  }
0x21: {  	s3 =	sadd.s32 s3, s9;
	s6 =	sadd.s32 @!p0 $0x88, s6;
	s7 =	simm.s32 @p2 $0x1082  }
0x22: {  	[simem:s7], [sflag:s8] =	dma.local @!p0 [hbm:s6], $0xF7A  }
0x23: {  	s9 =	sor.u32 $0xD0000000, s2;
	s6 =	simm.s32 $0x108;
	_ =	swait.ge @!p0 [sflag:s8], $0x0  }
0x24: {  	s3 =	sadd.s32 $0x88, s3;
	s6 =	simm.s32 @!p1 $0x1082;
	[sflag:s4] =	ssyncset.s32 $0xFFFFF086  }
0x25: {  	[simem:s6], [sflag:s4] =	dma.local [hbm:s3], $0xF7A  }
0x26: {  	[smem:$0x3F99] =	sst s1;
	(tag) =	ssettag s2;
	_ =	strace s9  }
0x27: {  	s1 =	sld [smem:$0x3FA9]  }
0x28: {  	s2 =	sld [smem:$0x3FAA]  }
0x29: {  	s4 =	sld [smem:$0x3FAC]  }
0x2a: {  	p0 =	seq.s32 s5, $0x0;
	s5 =	sld [smem:$0x3FAD]  }
0x2b: {  	s6 =	sld [smem:$0x3FAE]  }
0x2c: {  	s7 =	sld [smem:$0x3FAF]  }
0x2d: {  	s3 =	simm.s32 $0x108;
	s8 =	sld [smem:$0x3FB0]  }
0x2e: {  	s3 =	simm.s32 @!p0 $0x1082;
	s9 =	sld [smem:$0x3FB1]  }
0x2f: {  	lr =	sadd.s32 s0, s3;
	s0 =	sld [smem:$0x3FA8]  }
0x30: {  	s3 =	sld [smem:$0x3FAB]  }
0x31: {  	[smem:$0x3FB4] =	sst s10  }
0x32: {  	s10 =	sld [smem:$0x3FB2];
	_ =	sdelay $0x3  }
0x33: {  	p0 =	seq.s32 s10, $0x1;
	s10 =	sld [smem:$0x3FB4];
	_ =	sdelay $0x3  }
0x34: {  	[smem:$0x3FB4] =	sst s10  }
0x35: {  	s10 =	sld [smem:$0x3FB3];
	_ =	sdelay $0x3  }
0x36: {  	p1 =	seq.s32 s10, $0x1;
	s10 =	sld [smem:$0x3FB4];
	_ =	sdelay $0x3  }
0x37: {  	[smem:$0x3FB4] =	sst s10  }
0x38: {  	s10 =	sld [smem:$0x3FB5]  }
0x39: {  	_ = 	snop;
	(pc) =	sbr.ind lr, $3  }
0x3a: {  	_ = 	snop  }
0x3b: {  	_ = 	snop  }
0x3c: {  	p2 =	seq.s32 s10, $0x1;
	s10 =	sld [smem:$0x3FB4]  }
0x3d: {  	_ =	shalt  }
0x3e: {  	_ =	shalt  }
0x3f: {  	_ =	shalt  }
0x40: {  	_ =	shalt  }
0x41: {  	_ =	shalt  }
0x42: {  	_ =	shalt  }
0x43: {  	_ =	shalt  }
0x44: {  	_ =	shalt  }
0x45: {  	_ =	shalt  }
0x46: {  	_ =	shalt  }
0x47: {  	_ =	shalt  }
0x48: {  	_ =	shalt  }
0x49: {  	_ =	shalt  }
0x4a: {  	_ =	shalt  }
0x4b: {  	_ =	shalt  }
0x4c: {  	_ =	shalt  }
0x4d: {  	_ =	shalt  }
0x4e: {  	_ =	shalt  }
0x4f: {  	_ =	shalt  }
0x50: {  	_ =	shalt  }
0x51: {  	_ =	shalt  }
0x52: {  	_ =	shalt  }
0x53: {  	_ =	shalt  }
0x54: {  	_ =	shalt  }
0x55: {  	_ =	shalt  }
0x56: {  	_ =	shalt  }
0x57: {  	_ =	shalt  }
0x58: {  	_ =	shalt  }
0x59: {  	_ =	shalt  }
0x5a: {  	_ =	shalt  }
0x5b: {  	_ =	shalt  }
0x5c: {  	_ =	shalt  }
0x5d: {  	_ =	shalt  }
0x5e: {  	_ =	shalt  }
0x5f: {  	_ =	shalt  }
0x60: {  	_ =	shalt  }
0x61: {  	_ =	shalt  }
0x62: {  	_ =	shalt  }
0x63: {  	_ =	shalt  }
0x64: {  	_ =	shalt  }
0x65: {  	_ =	shalt  }
0x66: {  	_ =	shalt  }
0x67: {  	_ =	shalt  }
0x68: {  	_ =	shalt  }
0x69: {  	_ =	shalt  }
0x6a: {  	_ =	shalt  }
0x6b: {  	_ =	shalt  }
0x6c: {  	_ =	shalt  }
0x6d: {  	_ =	shalt  }
0x6e: {  	_ =	shalt  }
0x6f: {  	_ =	shalt  }
0x70: {  	_ =	shalt  }
0x71: {  	_ =	shalt  }
0x72: {  	_ =	shalt  }
0x73: {  	_ =	shalt  }
0x74: {  	_ =	shalt  }
0x75: {  	_ =	shalt  }
0x76: {  	_ =	shalt  }
0x77: {  	_ =	shalt  }
0x78: {  	_ =	shalt  }
0x79: {  	_ =	shalt  }
0x7a: {  	_ =	shalt  }
0x7b: {  	_ =	shalt  }
0x7c: {  	_ =	shalt  }
0x7d: {  	_ =	shalt  }
0x7e: {  	_ =	shalt  }
0x7f: {  	_ =	shalt  }
0x80: {  	_ =	shalt  }
0x81: {  	_ =	shalt  }
0x82: {  	_ =	shalt  }
0x83: {  	_ =	shalt  }
0x84: {  	_ =	shalt  }
0x85: {  	_ =	shalt  }
0x86: {  	_ =	shalt  }
0x87: {  	_ =	shalt  }
.Lfunc_end0:
.L_simem_size_0:
called_computation.2_lowered:
.L_overlay_start_0:
0x88: {  	s2 =	sld [smem:$0x3FD9]  }
0x89: {  	s3 =	sld [smem:$0x3FFE];
	_ =	sdelay $0x1  }
0x8a: {  	s1 =	srdreg.scid  }
0x8b: {  	s0 =	sand.u32 $0x1, s1  }
0x8c: {  	s16 =	sshll.u32 s0, $0xA;
	s2 =	sadd.s32 s3, s2  }
0x8d: {  	s2 =	sadd.s32 s2, s16  }
0x8e: {  	[smem:$0x3FC0] =	sst s2  }
0x8f: {  	_ = 	snop  }
0x90: {  	(tm) =	ssettm $0x1  }
0x91: {  	s17 =	sld [smem:$0x3FFB];
	_ =	sdelay $0x3  }
0x92: {  	_ =	strace s17  }
0x93: {  	s2 =	sld [smem:$0x3FFC];
	_ =	sdelay $0x3  }
0x94: {  	_ =	strace s2  }
0x95: {  	s2 =	sld [smem:$0x3FFD];
	_ =	sdelay $0x3  }
0x96: {  	_ =	strace s2  }
0x97: {  	_ =	strace $0x8FFFFFFF  }
0x98: {  	s18 =	sld [smem:$0x3FDB];
	_ =	sdelay $0x1  }
0x99: {  	s19 =	simm.s32 $_scs_section_size  }
0x9a: {  	s4 =	simm.s32 $_size__tile_overlayer_lowered;
	s5 =	simm.s32 $_tile_overlayer_lowered  }
0x9b: {  	s22 =	simm.s32 $0x1BFF;
	s21 =	sshll.u32 s5, $0x1;
	s2 =	sadd.s32 s19, s18  }
0x9c: {  	s6 =	simm.s32 $0x0;
	s20 =	sshll.u32 s4, $0x1;
	s4 =	sadd.s32 s21, s2  }
0x9d: {  	[timem:s6], [sflag:s22] =	dma.local [hbm:s4], s20  }
0x9e: {  	_ =	swait.ge [sflag:s22], s20  }
0x9f: {  	s3 =	ssub.s32 $0x0, s20;
	[sflag:s22] =	ssyncset.done $0x0  }
0xa0: {  	[sflag:s22] =	ssyncadd.s32 s3;
	_ =	sdelay $0x1  }
0xa1: {  	s23 =	simm.s32 $0x1B8B  }
0xa2: {  	_ =	swait.ge [sflag:s23], $0x1  }
0xa3: {  	[sflag:s23] =	ssyncset.done $0x0  }
0xa4: {  	s25 =	simm.s32 $0x1B8E;
	s24 =	sld [smem:$0x3FFE];
	[sflag:s23] =	ssyncadd.s32 $0xFFFFFFFF  }
0xa5: {  	s26 =	simm.s32 $execute0_lowered;
	[smem:$0x3FD2] =	sst s25  }
0xa6: {  	s4 =	sshll.u32 s26, $0x1;
	_ =	strace $0x8000004C;
	[dreg:$0x1] =	wrdreg $0xFFFFFFFF  }
0xa7: {  	s28 =	simm.s32 $_size_execute0_lowered;
	s2 =	sadd.s32 s2, s4;
	[dreg:$0x0] =	wrdreg $0x0  }
0xa8: {  	s4 =	sshll.u32 s28, $0x1;
	[dreg:$0x2] =	wrdreg s2  }
0xa9: {  	[dreg:$0x3] =	wrdreg s4  }
0xaa: {  	[dreg:$0x4] =	wrdreg $0xC0  }
0xab: {  	_ =	task [dreg:s6], $0x5FFFF  }
0xac: {  	[dreg:$0x1] =	wrdreg $0xFFFFFFFF  }
0xad: {  	[dreg:$0x0] =	wrdreg $0x60  }
0xae: {  	[dreg:$0x2] =	wrdreg s24  }
0xaf: {  	[dreg:$0x3] =	wrdreg $0x140000  }
0xb0: {  	[dreg:$0x4] =	wrdreg $0x9  }
0xb1: {  	_ =	task.clear_ibuf [dreg:s6], $0x5FFFF;
	_ =	strace $0x9000004C  }
0xb2: {  	s29 =	simm.s32 $0x9;
	_ =	strace $0x8000004E  }
0xb3: {  	_ =	swait.ge [sflag:s29], $0x1  }
0xb4: {  	[sflag:s29] =	ssyncadd.s32 $0xFFFFFFFF  }
0xb5: {  	_ =	strace $0x9000004E  }
0xb6: {  	_ =	sfence  }
0xb7: {  	s30 =	sld [smem:$0x0];
	_ =	sdelay $0x2  }
0xb8: {  	s31 =	sshll.u32 s1, $0xD;
	s1 =	sshrl.u32 s1, $0x2  }
0xb9: {  	s3 =	sand.u32 $0x4000, s31;
	s1 =	sadd.s32 s1, s30  }
0xba: {  	s0 =	sor.u32 s3, s0;
	s1 =	sshll.u32 s1, $0x11  }
0xbb: {  	s0 =	sor.u32 s1, s0  }
0xbc: {  	s0 =	sadd.s32 $0x8F2B, s0  }
0xbd: {  	[sflag:s0] =	ssyncadd.remote.s32 $0x1  }
0xbe: {  	_ =	sfence.sel $0xFFFF  }
0xbf: {  	[dreg:$0x0] =	wrdreg $0xFFFFFFFF;
	(pc) =	sbr.abs _section_cstart, $3  }
0xc0: {  	[dreg:$0x1] =	wrdreg $0xFFFFFFFF  }
0xc1: {  	_ =	task.clear_ibuf [dreg:s6], $0x2FFFF;
	_ =	strace $0x9FFFFFFF  }
0xc2: {  	(tm) =	ssettm $0x7FFFFFFF  }
0xc3: {  	_ =	shalt  }
tec
execute0_lowered:
.L_overlay_start_1:
0x0: {  	(tag) =	ssettag $0x1  }
0x1: {  	s0 =	srdreg.scid;
	s1 =	rddreg [dreg:$0x0]  }
0x2: {  	s9 =	stileid.u32;
	s2 =	rddreg [dreg:$0x1]  }
0x3: {  	s3 =	simm.s32 $0x0;
	s14 =	simm.s32 $0xA000;
	s15 =	simm.s32 $0x7  }
0x4: {  	s17 =	simm.s32 $0x80;
	s18 =	simm.s32 $0xC000;
	s20 =	simm.s32 $0xE000  }
0x5: {  	s28 =	simm.s32 $0x3;
	s29 =	simm.s32 $0x4;
	s5 =	smul.u32 $0x5000, s9  }
0x6: {  	s30 =	simm.s32 $0x5;
	s16 =	simm.s32 $0x9E80;
	s6 =	smul.u32 $0xA000, s9  }
0x7: {  	s19 =	simm.s32 $0x9F00;
	s0 =	sand.u32 $0x1, s0;
	s23 =	smul.u32 $0x28000, s9  }
0x8: {  	s21 =	simm.s32 $0x9F80;
	[smem:$0x7FF] =	sst s3;
	s4 =	smul.u32 $0x50000, s0  }
0x9: {  	s8 =	smul.u32 $0xA0000, s0;
	_ =	strace $0x8000004D;
	s0 =	ssub.s32 $0x2, s0  }
0xa: {  	s25 =	sshrl.u32 s0, $0x1;
	s26 =	sshrl.u32 s23, $0x2;
	s23 =	simm.s32 $0x1  }
0xb: {  	s4 =	sadd.s32 s5, s4;
	s5 =	sshrl.u32 s5, $0x3;
	s22 =	sadd.s32 s6, s8  }
0xc: {  	s0 =	ssub.s32 s0, s25;
	s31 =	sadd.s32 s26, s2;
	s25 =	simm.s32 $0x12000  }
0xd: {  	s26 =	simm.s32 $0x2;
	s7 =	sshrl.u32 s4, $0x3;
	s4 =	sadd.s32 $0x2A400, s1  }
0xe: {  	s11 =	sadd.s32 s5, s1;
	s24 =	sshrl.u32 s22, $0x3;
	s5 =	sadd.s32 s6, s2  }
0xf: {  	s6 =	sadd.s32 $0x2000, s31;
	s8 =	sadd.s32 $0x6000, s31;
	s9 =	sadd.s32 $0x8000, s31  }
0x10: {  	s13 =	smax.u32 s0, $0x1;
	s22 =	simm.s32 $0x10000;
	s10 =	sadd.s32 s7, s1  }
0x11: {  	s1 =	sadd.s32 s24, s1;
	s7 =	sadd.s32 $0x4000, s31;
	s11 =	sadd.s32 $0xC400, s11  }
0x12: {  	v0 =	vimm.f32 $0.0e+00;
	s24 =	simm.s32 $0x6;
	s10 =	sadd.s32 $0x16400, s10;
	s12 =	sadd.s32 $0x51600, s1  }
.LBB2_1:
0x13: {  	s31 =	simm.s32 $0x100;
	s1 =	simm.s32 $0x0  }
.LBB2_2:
0x14: {  	p0 =	sne.s32 s31, $0x7F00;
	[tilespmem:s1+$0xA030] =	vst v0;
	s0 =	smov.u32 s31;
	s31 =	sadd.s32 $0x100, s31  }
.Ltmp0:
0x15: {  	[tilespmem:s1+$0xA020] =	vst v0;
	(pc) =	sbr.rel @p0 .LBB2_2-.Ltmp0, $3  }
0x16: {  	[tilespmem:s1+$0xA000] =	vst v0  }
0x17: {  	[tilespmem:s1+$0xA010] =	vst v0;
	_ =	sdelay $0x1  }
0x18: {  	s1 =	sshra.s32 s0, $0x2  }
0x19: {  	[tilespmem:s1+$0xA030] =	vst v0  }
0x1a: {  	[tilespmem:s1+$0xA020] =	vst v0  }
0x1b: {  	[tilespmem:s1+$0xA000] =	vst v0  }
0x1c: {  	[tilespmem:s1+$0xA010] =	vst v0  }
0x1d: {  	[spmem:s5] =	stream.linear.scatter [tilespmem:s14], [sflag:$0x7], $0x2000, $0x38;
	[tilespmem:$0x1E000] =	vst v63  }
0x1e: {  	_ =	swait.ge [sflag:s15], $0x2000  }
0x1f: {  	[sflag:s15] =	ssyncset.done $0x0  }
0x20: {  	[sflag:s15] =	ssyncadd.s32 $0xFFFFE000  }
0x21: {  	[spmem:s6] =	stream.linear.scatter [tilespmem:s14], [sflag:$0x7], $0x2000, $0x38;
	[tilespmem:$0x1E000] =	vst v63  }
0x22: {  	_ =	swait.ge [sflag:s15], $0x2000  }
0x23: {  	[sflag:s15] =	ssyncset.done $0x0  }
0x24: {  	[sflag:s15] =	ssyncadd.s32 $0xFFFFE000  }
0x25: {  	[spmem:s7] =	stream.linear.scatter [tilespmem:s14], [sflag:$0x7], $0x2000, $0x38;
	[tilespmem:$0x1E000] =	vst v63  }
0x26: {  	_ =	swait.ge [sflag:s15], $0x2000  }
0x27: {  	[sflag:s15] =	ssyncset.done $0x0  }
0x28: {  	[sflag:s15] =	ssyncadd.s32 $0xFFFFE000  }
0x29: {  	[spmem:s8] =	stream.linear.scatter [tilespmem:s14], [sflag:$0x7], $0x2000, $0x38;
	[tilespmem:$0x1E000] =	vst v63  }
0x2a: {  	_ =	swait.ge [sflag:s15], $0x2000  }
0x2b: {  	[sflag:s15] =	ssyncset.done $0x0  }
0x2c: {  	[sflag:s15] =	ssyncadd.s32 $0xFFFFE000  }
0x2d: {  	[spmem:s9] =	stream.linear.scatter [tilespmem:s14], [sflag:$0x7], $0x2000, $0x38;
	[tilespmem:$0x1E000] =	vst v63  }
0x2e: {  	_ =	swait.ge [sflag:s15], $0x2000  }
0x2f: {  	[sflag:s15] =	ssyncset.done $0x0  }
0x30: {  	s0 =	simm.s32 $0x0;
	[sflag:s15] =	ssyncadd.s32 $0xFFFFE000  }
0x31: {  	[tilespmem:s0], [sflag:$0x7] =	stream.linear.gather [hbm4b:s10+s0], $0x5000, $0x38;
	[tilespmem:$0x1E000] =	vst v63  }
0x32: {  	_ =	swait.ge [sflag:s15], $0x5000  }
0x33: {  	[sflag:s15] =	ssyncset.done $0x0  }
0x34: {  	s1 =	simm.s32 $0x5000;
	[sflag:s15] =	ssyncadd.s32 $0xFFFFB000  }
0x35: {  	[tilespmem:s1], [sflag:$0x7] =	stream.linear.gather [hbm4b:s11+s0], $0x5000, $0x38;
	[tilespmem:$0x1E000] =	vst v63  }
0x36: {  	_ =	swait.ge [sflag:s15], $0x5000  }
0x37: {  	[sflag:s15] =	ssyncset.done $0x0  }
0x38: {  	[sflag:s15] =	ssyncadd.s32 $0xFFFFB000  }
0x39: {  	[bflag:$0x0] =	sbarrier.arrive $0xFFFF  }
0x3a: {  	[tilespmem:s14], [sflag:$0x1] =	stream.indirect.gather [hbm4b:s4+s17], $0x40, s0, s17, $0xb8;
	[tilespmem:$0x1E000] =	vst v63  }
0x3b: {  	_ = 	snop  }
0x3c: {  	[tilespmem:s18], [sflag:$0x2] =	stream.indirect.gather [hbm4b:s4+s17], $0x40, s17, s17, $0xb8;
	[tilespmem:$0x1E000] =	vst v63  }
0x3d: {  	s1 =	simm.s32 $0x100  }
0x3e: {  	[tilespmem:s20], [sflag:$0x3] =	stream.indirect.gather [hbm4b:s4+s17], $0x40, s1, s17, $0xb8;
	[tilespmem:$0x1E000] =	vst v63  }
0x3f: {  	s1 =	simm.s32 $0x180  }
0x40: {  	[tilespmem:s22], [sflag:$0x4] =	stream.indirect.gather [hbm4b:s4+s17], $0x40, s1, s17, $0xb8;
	[tilespmem:$0x1E000] =	vst v63  }
0x41: {  	_ =	swait.ge [sflag:s23], $0x2000  }
0x42: {  	[sflag:s23] =	ssyncset.done $0x0  }
0x43: {  	s1 =	simm.s32 $0x5000;
	[sflag:s23] =	ssyncadd.s32 $0xFFFFE000  }
0x44: {  	[spmem:s2] =	stream.indirect.scatter.add.f32 [tilespmem:s14], [sflag:$0x6], $0x40, s1, s17, $0xb8;
	[tilespmem:$0x1E000] =	vst v63  }
0x45: {  	_ =	swait.ge [sflag:s24], $0x2000  }
0x46: {  	[sflag:s24] =	ssyncset.done $0x0  }
0x47: {  	s1 =	simm.s32 $0x200;
	[sflag:s24] =	ssyncadd.s32 $0xFFFFE000  }
0x48: {  	[tilespmem:s25], [sflag:$0x5] =	stream.indirect.gather [hbm4b:s4+s17], $0x40, s1, s17, $0xb8;
	[tilespmem:$0x1E000] =	vst v63  }
0x49: {  	_ =	swait.ge [sflag:s26], $0x2000  }
0x4a: {  	[sflag:s26] =	ssyncset.done $0x0  }
0x4b: {  	s1 =	simm.s32 $0x5080;
	[sflag:s26] =	ssyncadd.s32 $0xFFFFE000  }
0x4c: {  	[spmem:s2] =	stream.indirect.scatter.add.f32 [tilespmem:s18], [sflag:$0x6], $0x40, s1, s17, $0xb8;
	[tilespmem:$0x1E000] =	vst v63  }
0x4d: {  	_ =	swait.ge [sflag:s24], $0x2000  }
0x4e: {  	[sflag:s24] =	ssyncset.done $0x0  }
0x4f: {  	s1 =	simm.s32 $0x280;
	[sflag:s24] =	ssyncadd.s32 $0xFFFFE000  }
0x50: {  	[tilespmem:s14], [sflag:$0x1] =	stream.indirect.gather [hbm4b:s4+s17], $0x40, s1, s17, $0xb8;
	[tilespmem:$0x1E000] =	vst v63  }
0x51: {  	_ =	swait.ge [sflag:s28], $0x2000  }
0x52: {  	[sflag:s28] =	ssyncset.done $0x0  }
0x53: {  	s1 =	simm.s32 $0x5100;
	[sflag:s28] =	ssyncadd.s32 $0xFFFFE000  }
0x54: {  	[spmem:s2] =	stream.indirect.scatter.add.f32 [tilespmem:s20], [sflag:$0x6], $0x40, s1, s17, $0xb8;
	[tilespmem:$0x1E000] =	vst v63  }
0x55: {  	_ =	swait.ge [sflag:s24], $0x2000  }
0x56: {  	[sflag:s24] =	ssyncset.done $0x0  }
0x57: {  	s1 =	simm.s32 $0x300;
	[sflag:s24] =	ssyncadd.s32 $0xFFFFE000  }
0x58: {  	[tilespmem:s18], [sflag:$0x2] =	stream.indirect.gather [hbm4b:s4+s17], $0x40, s1, s17, $0xb8;
	[tilespmem:$0x1E000] =	vst v63  }
0x59: {  	_ =	swait.ge [sflag:s29], $0x2000  }
0x5a: {  	[sflag:s29] =	ssyncset.done $0x0  }
0x5b: {  	s1 =	simm.s32 $0x5180;
	[sflag:s29] =	ssyncadd.s32 $0xFFFFE000  }
0x5c: {  	[spmem:s2] =	stream.indirect.scatter.add.f32 [tilespmem:s22], [sflag:$0x6], $0x40, s1, s17, $0xb8;
	[tilespmem:$0x1E000] =	vst v63  }
0x5d: {  	_ =	swait.ge [sflag:s24], $0x2000  }
0x5e: {  	[sflag:s24] =	ssyncset.done $0x0  }
0x5f: {  	s1 =	simm.s32 $0x380;
	[sflag:s24] =	ssyncadd.s32 $0xFFFFE000  }
0x60: {  	[tilespmem:s20], [sflag:$0x3] =	stream.indirect.gather [hbm4b:s4+s17], $0x40, s1, s17, $0xb8;
	[tilespmem:$0x1E000] =	vst v63  }
0x61: {  	_ =	swait.ge [sflag:s30], $0x2000  }
0x62: {  	[sflag:s30] =	ssyncset.done $0x0  }
0x63: {  	s1 =	simm.s32 $0x5200;
	[sflag:s30] =	ssyncadd.s32 $0xFFFFE000  }
0x64: {  	[spmem:s2] =	stream.indirect.scatter.add.f32 [tilespmem:s25], [sflag:$0x6], $0x40, s1, s17, $0xb8;
	[tilespmem:$0x1E000] =	vst v63  }
0x65: {  	_ =	swait.ge [sflag:s24], $0x2000  }
0x66: {  	[sflag:s24] =	ssyncset.done $0x0  }
0x67: {  	s31 =	simm.s32 $0xA00;
	s1 =	simm.s32 $0x400;
	[sflag:s24] =	ssyncadd.s32 $0xFFFFE000  }
.LBB2_4:
0x68: {  	[tilespmem:s22], [sflag:$0x4] =	stream.indirect.gather [hbm4b:s4+s17], $0x40, s1, s17, $0xb8;
	[tilespmem:$0x1E000] =	vst v63  }
0x69: {  	s0 =	smov.u32 s31  }
0x6a: {  	p0 =	sne.s32 s31, $0x12C00;
	s31 =	sadd.s32 $0xA00, s31;
	_ =	swait.ge [sflag:s23], $0x2000  }
0x6b: {  	s1 =	sshra.s32 s0, $0x2;
	[sflag:s23] =	ssyncset.done $0x0  }
0x6c: {  	s0 =	sadd.s32 $0x5000, s1;
	[sflag:s23] =	ssyncadd.s32 $0xFFFFE000  }
0x6d: {  	[spmem:s2] =	stream.indirect.scatter.add.f32 [tilespmem:s14], [sflag:$0x6], $0x40, s0, s17, $0xb8;
	[tilespmem:$0x1E000] =	vst v63  }
0x6e: {  	_ =	swait.ge [sflag:s24], $0x2000  }
0x6f: {  	[sflag:s24] =	ssyncset.done $0x0  }
0x70: {  	s0 =	sadd.s32 $0x200, s1;
	[sflag:s24] =	ssyncadd.s32 $0xFFFFE000  }
0x71: {  	[tilespmem:s25], [sflag:$0x5] =	stream.indirect.gather [hbm4b:s4+s17], $0x40, s0, s17, $0xb8;
	[tilespmem:$0x1E000] =	vst v63  }
0x72: {  	_ =	swait.ge [sflag:s26], $0x2000  }
0x73: {  	[sflag:s26] =	ssyncset.done $0x0  }
0x74: {  	s0 =	sadd.s32 $0x5080, s1;
	[sflag:s26] =	ssyncadd.s32 $0xFFFFE000  }
0x75: {  	[spmem:s2] =	stream.indirect.scatter.add.f32 [tilespmem:s18], [sflag:$0x6], $0x40, s0, s17, $0xb8;
	[tilespmem:$0x1E000] =	vst v63  }
0x76: {  	_ =	swait.ge [sflag:s24], $0x2000  }
0x77: {  	[sflag:s24] =	ssyncset.done $0x0  }
0x78: {  	s0 =	sadd.s32 $0x280, s1;
	[sflag:s24] =	ssyncadd.s32 $0xFFFFE000  }
0x79: {  	[tilespmem:s14], [sflag:$0x1] =	stream.indirect.gather [hbm4b:s4+s17], $0x40, s0, s17, $0xb8;
	[tilespmem:$0x1E000] =	vst v63  }
0x7a: {  	_ =	swait.ge [sflag:s28], $0x2000  }
0x7b: {  	[sflag:s28] =	ssyncset.done $0x0  }
0x7c: {  	s0 =	sadd.s32 $0x5100, s1;
	[sflag:s28] =	ssyncadd.s32 $0xFFFFE000  }
0x7d: {  	[spmem:s2] =	stream.indirect.scatter.add.f32 [tilespmem:s20], [sflag:$0x6], $0x40, s0, s17, $0xb8;
	[tilespmem:$0x1E000] =	vst v63  }
0x7e: {  	_ =	swait.ge [sflag:s24], $0x2000  }
0x7f: {  	[sflag:s24] =	ssyncset.done $0x0  }
0x80: {  	s0 =	sadd.s32 $0x300, s1;
	[sflag:s24] =	ssyncadd.s32 $0xFFFFE000  }
0x81: {  	[tilespmem:s18], [sflag:$0x2] =	stream.indirect.gather [hbm4b:s4+s17], $0x40, s0, s17, $0xb8;
	[tilespmem:$0x1E000] =	vst v63  }
0x82: {  	_ =	swait.ge [sflag:s29], $0x2000  }
0x83: {  	[sflag:s29] =	ssyncset.done $0x0  }
0x84: {  	s0 =	sadd.s32 $0x5180, s1;
	[sflag:s29] =	ssyncadd.s32 $0xFFFFE000  }
0x85: {  	[spmem:s2] =	stream.indirect.scatter.add.f32 [tilespmem:s22], [sflag:$0x6], $0x40, s0, s17, $0xb8;
	[tilespmem:$0x1E000] =	vst v63  }
0x86: {  	_ =	swait.ge [sflag:s24], $0x2000  }
0x87: {  	[sflag:s24] =	ssyncset.done $0x0  }
0x88: {  	s0 =	sadd.s32 $0x380, s1;
	[sflag:s24] =	ssyncadd.s32 $0xFFFFE000  }
0x89: {  	[tilespmem:s20], [sflag:$0x3] =	stream.indirect.gather [hbm4b:s4+s17], $0x40, s0, s17, $0xb8;
	[tilespmem:$0x1E000] =	vst v63  }
0x8a: {  	_ =	swait.ge [sflag:s30], $0x2000  }
0x8b: {  	[sflag:s30] =	ssyncset.done $0x0  }
.Ltmp1:
0x8c: {  	s0 =	sadd.s32 $0x5200, s1;
	[sflag:s30] =	ssyncadd.s32 $0xFFFFE000;
	(pc) =	sbr.rel @p0 .LBB2_4-.Ltmp1, $4  }
0x8d: {  	[spmem:s2] =	stream.indirect.scatter.add.f32 [tilespmem:s25], [sflag:$0x6], $0x40, s0, s17, $0xb8;
	[tilespmem:$0x1E000] =	vst v63  }
0x8e: {  	_ =	swait.ge [sflag:s24], $0x2000  }
0x8f: {  	[sflag:s24] =	ssyncset.done $0x0  }
0x90: {  	s1 =	sadd.s32 $0x400, s1;
	[sflag:s24] =	ssyncadd.s32 $0xFFFFE000  }
0x91: {  	[tilespmem:s22], [sflag:$0x4] =	stream.indirect.gather [hbm4b:s4+s17], $0x40, s1, s17, $0xb8;
	[tilespmem:$0x1E000] =	vst v63  }
0x92: {  	_ =	swait.ge [sflag:s23], $0x2000  }
0x93: {  	[sflag:s23] =	ssyncset.done $0x0  }
0x94: {  	s0 =	simm.s32 $0x9D80;
	[sflag:s23] =	ssyncadd.s32 $0xFFFFE000  }
0x95: {  	[spmem:s2] =	stream.indirect.scatter.add.f32 [tilespmem:s14], [sflag:$0x6], $0x40, s0, s17, $0xb8;
	[tilespmem:$0x1E000] =	vst v63  }
0x96: {  	_ =	swait.ge [sflag:s24], $0x2000  }
0x97: {  	[sflag:s24] =	ssyncset.done $0x0  }
0x98: {  	s1 =	simm.s32 $0x4F80;
	[sflag:s24] =	ssyncadd.s32 $0xFFFFE000  }
0x99: {  	[tilespmem:s25], [sflag:$0x5] =	stream.indirect.gather [hbm4b:s4+s17], $0x40, s1, s17, $0xb8;
	[tilespmem:$0x1E000] =	vst v63  }
0x9a: {  	_ =	swait.ge [sflag:s26], $0x2000  }
0x9b: {  	[sflag:s26] =	ssyncset.done $0x0  }
0x9c: {  	s31 =	simm.s32 $0x9E00;
	[sflag:s26] =	ssyncadd.s32 $0xFFFFE000  }
0x9d: {  	[spmem:s2] =	stream.indirect.scatter.add.f32 [tilespmem:s18], [sflag:$0x6], $0x40, s31, s17, $0xb8;
	[tilespmem:$0x1E000] =	vst v63  }
0x9e: {  	_ =	swait.ge [sflag:s24], $0x2000  }
0x9f: {  	[sflag:s24] =	ssyncset.done $0x0  }
0xa0: {  	[sflag:s24] =	ssyncadd.s32 $0xFFFFE000  }
0xa1: {  	_ =	swait.ge [sflag:s28], $0x2000  }
0xa2: {  	[sflag:s28] =	ssyncset.done $0x0  }
0xa3: {  	[sflag:s28] =	ssyncadd.s32 $0xFFFFE000  }
0xa4: {  	[spmem:s2] =	stream.indirect.scatter.add.f32 [tilespmem:s20], [sflag:$0x6], $0x40, s16, s17, $0xb8;
	[tilespmem:$0x1E000] =	vst v63  }
0xa5: {  	_ =	swait.ge [sflag:s24], $0x2000  }
0xa6: {  	[sflag:s24] =	ssyncset.done $0x0  }
0xa7: {  	[sflag:s24] =	ssyncadd.s32 $0xFFFFE000  }
0xa8: {  	_ =	swait.ge [sflag:s29], $0x2000  }
0xa9: {  	[sflag:s29] =	ssyncset.done $0x0  }
0xaa: {  	[sflag:s29] =	ssyncadd.s32 $0xFFFFE000  }
0xab: {  	[spmem:s2] =	stream.indirect.scatter.add.f32 [tilespmem:s22], [sflag:$0x6], $0x40, s19, s17, $0xb8;
	[tilespmem:$0x1E000] =	vst v63  }
0xac: {  	_ =	swait.ge [sflag:s24], $0x2000  }
0xad: {  	[sflag:s24] =	ssyncset.done $0x0  }
0xae: {  	[sflag:s24] =	ssyncadd.s32 $0xFFFFE000  }
0xaf: {  	_ =	swait.ge [sflag:s30], $0x2000  }
0xb0: {  	[sflag:s30] =	ssyncset.done $0x0  }
0xb1: {  	[sflag:s30] =	ssyncadd.s32 $0xFFFFE000  }
0xb2: {  	[spmem:s2] =	stream.indirect.scatter.add.f32 [tilespmem:s25], [sflag:$0x6], $0x40, s21, s17, $0xb8;
	[tilespmem:$0x1E000] =	vst v63  }
0xb3: {  	s1 =	stileid.u32;
	_ =	swait.ge [sflag:s24], $0x2000  }
0xb4: {  	s3 =	sadd.s32 $0x1, s3;
	s0 =	sshll.u32 s1, $0x6;
	[sflag:s24] =	ssyncset.done $0x0  }
0xb5: {  	p0 =	sne.s32 s3, s13;
	s0 =	sor.u32 $0x1C07, s0;
	[sflag:s24] =	ssyncadd.s32 $0xFFFFE000  }
.Ltmp2:
0xb6: {  	s31 =	sshrl.u32 s5, $0x3;
	[bflag:$0x0] =	sbarrier.arrive $0xFFFF;
	(pc) =	sbr.rel @p0 .LBB2_1-.Ltmp2, $4  }
0xb7: {  	[hbm:s12], [sflag:s0] =	dma.local [spmem:s31], $0x1400  }
0xb8: {  	_ =	swait.ge [sflag:s15], $0x1400  }
0xb9: {  	[sflag:s15] =	ssyncset.done $0x0  }
0xba: {  	[sflag:s15] =	ssyncadd.s32 $0xFFFFEC00  }
0xbb: {  	_ =	sfence.sel $0x180000  }
0xbc: {  	[bflag:$0x0] =	sbarrier.arrive $0xFFFF  }
0xbd: {  	_ =	strace $0x9000004D  }
0xbe: {  	s0 =	stileid.u32;
	[bflag:$0x2] =	sbarrier.arrive $0xFFFF  }
0xbf: {  	p0 =	sne.s32 s0, $0x0;
	s0 =	rddreg [dreg:$0x2]  }
0xc0: {  	s0 =	sadd.s32 @!p0 $0x100000, s0  }
0xc1: {  	[sflag:s0] =	ssyncadd.tile.s32 @!p0 $0x1;
	_ =	shalt  }
.Lfunc_end2:
_tile_overlayer_lowered:
.L_overlay_start_2:
0xc2: {  	(tag) =	ssettag $0x2  }
0xc3: {  	s0 =	rddreg [dreg:$0x0];
	s2 =	stileid.u32  }
0xc4: {  	s1 =	rddreg [dreg:$0x1];
	p0 =	sne.s32 s2, $0x0  }
0xc5: {  	s3 =	rddreg [dreg:$0x2];
	[bflag:$0x3] =	sbarrier.arrive $0xFFFF;
	s2 =	simm.s32 @!p0 $0x1C07  }
0xc6: {  	[timem:s3], [sflag:s2] =	dma.local @!p0 [hbm:s0], s1  }
0xc7: {  	s0 =	simm.s32 @!p0 $0x7  }
0xc8: {  	_ =	swait.ge @!p0 [sflag:s0], s1  }
0xc9: {  	s1 =	ssub.s32 @!p0 $0x0, s1;
	[sflag:s0] =	ssyncset.done @!p0 $0x0  }
0xca: {  	[sflag:s0] =	ssyncadd.s32 @!p0 s1  }
0xcb: {  	[bflag:$0x3] =	sbarrier.arrive $0xFFFF  }
0xcc: {  	_ =	shalt  }

// kernel: kernel.19.cloned.1.call-start
scs
__scs_entry_jumppad:
0x0: {  	(pc) =	sbr.rel $0x88, $3  }
0x1: {  	(tag) =	ssettag $0x0;
	lr =	simm.s32 $0x1  }
0x2: {  	[smem:$0x3F99] =	sst lr;
	_ =	strace $0xD0000000  }
0x3: {  	_ = 	snop  }
0x4: {  	_ = 	snop  }
0x5: {  	_ = 	snop  }
0x6: {  	_ = 	snop  }
0x7: {  	_ = 	snop  }
__scs_overlays_trampoline_lowered:
0x8: {  	[smem:$0x3FA8] =	sst s0  }
0x9: {  	[smem:$0x3FA9] =	sst s1  }
0xa: {  	[smem:$0x3FAA] =	sst s2  }
0xb: {  	[smem:$0x3FAB] =	sst s3  }
0xc: {  	[smem:$0x3FAC] =	sst s4  }
0xd: {  	[smem:$0x3FAD] =	sst s5  }
0xe: {  	[smem:$0x3FAE] =	sst s6  }
0xf: {  	[smem:$0x3FAF] =	sst s7  }
0x10: {  	[smem:$0x3FB0] =	sst s8  }
0x11: {  	[smem:$0x3FB1] =	sst s9;
	s0 =	simm.s32 @!p0 $0x0  }
0x12: {  	s1 =	sld [smem:$0x3F97];
	s0 =	simm.s32 @p0 $0x1  }
0x13: {  	[smem:$0x3FB2] =	sst s0;
	s0 =	simm.s32 @!p1 $0x0  }
0x14: {  	s2 =	sld [smem:$0x3F96];
	s0 =	simm.s32 @p1 $0x1  }
0x15: {  	[smem:$0x3FB3] =	sst s0;
	s0 =	simm.s32 @!p2 $0x0  }
0x16: {  	s3 =	sld [smem:$0x3FDB];
	s0 =	simm.s32 @p2 $0x1  }
0x17: {  	s4 =	simm.s32 $0x1BF5;
	[smem:$0x3FB5] =	sst s0  }
0x18: {  	s0 =	sld [smem:$0x3F98];
	_ =	swait.ge [sflag:s4], $0x0  }
0x19: {  	s7 =	sld [smem:$0x3F99]  }
0x1a: {  	s8 =	sadd.s32 $0xFFFFE003, lr  }
0x1b: {  	s9 =	sadd.s32 $0xFFFFFEF7, lr;
	s5 =	simm.s32 $0xFFFFFFFF;
	p2 =	slt.u32 s8, $0xFFFFF086  }
0x1c: {  	p1 =	slt.u32 s9, $0xF7A;
	s5 =	simm.s32 @!p2 $0x0  }
0x1d: {  	s5 =	simm.s32 @p1 $0x1;
	p0 =	seq.s32 s7, s2  }
0x1e: {  	s7 =	smul.u32 @!p0 $0xF7A, s2;
	p2 =	seq.s32 @!p0 s5, $0x0  }
0x1f: {  	s9 =	smul.u32 $0xF7A, s1;
	s8 =	simm.s32 @!p0 $0x1BF5;
	p2 =	por !p2, p0  }
0x20: {  	[sflag:s8] =	ssyncset.s32 @!p0 $0xFFFFF086;
	s6 =	sadd.s32 @!p0 s3, s7;
	s7 =	simm.s32 @!p0 $0x108  }
0x21: {  	s3 =	sadd.s32 s3, s9;
	s6 =	sadd.s32 @!p0 $0x88, s6;
	s7 =	simm.s32 @p2 $0x1082  }
0x22: {  	[simem:s7], [sflag:s8] =	dma.local @!p0 [hbm:s6], $0xF7A  }
0x23: {  	s9 =	sor.u32 $0xD0000000, s2;
	s6 =	simm.s32 $0x108;
	_ =	swait.ge @!p0 [sflag:s8], $0x0  }
0x24: {  	s3 =	sadd.s32 $0x88, s3;
	s6 =	simm.s32 @!p1 $0x1082;
	[sflag:s4] =	ssyncset.s32 $0xFFFFF086  }
0x25: {  	[simem:s6], [sflag:s4] =	dma.local [hbm:s3], $0xF7A  }
0x26: {  	[smem:$0x3F99] =	sst s1;
	(tag) =	ssettag s2;
	_ =	strace s9  }
0x27: {  	s1 =	sld [smem:$0x3FA9]  }
0x28: {  	s2 =	sld [smem:$0x3FAA]  }
0x29: {  	s4 =	sld [smem:$0x3FAC]  }
0x2a: {  	p0 =	seq.s32 s5, $0x0;
	s5 =	sld [smem:$0x3FAD]  }
0x2b: {  	s6 =	sld [smem:$0x3FAE]  }
0x2c: {  	s7 =	sld [smem:$0x3FAF]  }
0x2d: {  	s3 =	simm.s32 $0x108;
	s8 =	sld [smem:$0x3FB0]  }
0x2e: {  	s3 =	simm.s32 @!p0 $0x1082;
	s9 =	sld [smem:$0x3FB1]  }
0x2f: {  	lr =	sadd.s32 s0, s3;
	s0 =	sld [smem:$0x3FA8]  }
0x30: {  	s3 =	sld [smem:$0x3FAB]  }
0x31: {  	[smem:$0x3FB4] =	sst s10  }
0x32: {  	s10 =	sld [smem:$0x3FB2];
	_ =	sdelay $0x3  }
0x33: {  	p0 =	seq.s32 s10, $0x1;
	s10 =	sld [smem:$0x3FB4];
	_ =	sdelay $0x3  }
0x34: {  	[smem:$0x3FB4] =	sst s10  }
0x35: {  	s10 =	sld [smem:$0x3FB3];
	_ =	sdelay $0x3  }
0x36: {  	p1 =	seq.s32 s10, $0x1;
	s10 =	sld [smem:$0x3FB4];
	_ =	sdelay $0x3  }
0x37: {  	[smem:$0x3FB4] =	sst s10  }
0x38: {  	s10 =	sld [smem:$0x3FB5]  }
0x39: {  	_ = 	snop;
	(pc) =	sbr.ind lr, $3  }
0x3a: {  	_ = 	snop  }
0x3b: {  	_ = 	snop  }
0x3c: {  	p2 =	seq.s32 s10, $0x1;
	s10 =	sld [smem:$0x3FB4]  }
0x3d: {  	_ =	shalt  }
0x3e: {  	_ =	shalt  }
0x3f: {  	_ =	shalt  }
0x40: {  	_ =	shalt  }
0x41: {  	_ =	shalt  }
0x42: {  	_ =	shalt  }
0x43: {  	_ =	shalt  }
0x44: {  	_ =	shalt  }
0x45: {  	_ =	shalt  }
0x46: {  	_ =	shalt  }
0x47: {  	_ =	shalt  }
0x48: {  	_ =	shalt  }
0x49: {  	_ =	shalt  }
0x4a: {  	_ =	shalt  }
0x4b: {  	_ =	shalt  }
0x4c: {  	_ =	shalt  }
0x4d: {  	_ =	shalt  }
0x4e: {  	_ =	shalt  }
0x4f: {  	_ =	shalt  }
0x50: {  	_ =	shalt  }
0x51: {  	_ =	shalt  }
0x52: {  	_ =	shalt  }
0x53: {  	_ =	shalt  }
0x54: {  	_ =	shalt  }
0x55: {  	_ =	shalt  }
0x56: {  	_ =	shalt  }
0x57: {  	_ =	shalt  }
0x58: {  	_ =	shalt  }
0x59: {  	_ =	shalt  }
0x5a: {  	_ =	shalt  }
0x5b: {  	_ =	shalt  }
0x5c: {  	_ =	shalt  }
0x5d: {  	_ =	shalt  }
0x5e: {  	_ =	shalt  }
0x5f: {  	_ =	shalt  }
0x60: {  	_ =	shalt  }
0x61: {  	_ =	shalt  }
0x62: {  	_ =	shalt  }
0x63: {  	_ =	shalt  }
0x64: {  	_ =	shalt  }
0x65: {  	_ =	shalt  }
0x66: {  	_ =	shalt  }
0x67: {  	_ =	shalt  }
0x68: {  	_ =	shalt  }
0x69: {  	_ =	shalt  }
0x6a: {  	_ =	shalt  }
0x6b: {  	_ =	shalt  }
0x6c: {  	_ =	shalt  }
0x6d: {  	_ =	shalt  }
0x6e: {  	_ =	shalt  }
0x6f: {  	_ =	shalt  }
0x70: {  	_ =	shalt  }
0x71: {  	_ =	shalt  }
0x72: {  	_ =	shalt  }
0x73: {  	_ =	shalt  }
0x74: {  	_ =	shalt  }
0x75: {  	_ =	shalt  }
0x76: {  	_ =	shalt  }
0x77: {  	_ =	shalt  }
0x78: {  	_ =	shalt  }
0x79: {  	_ =	shalt  }
0x7a: {  	_ =	shalt  }
0x7b: {  	_ =	shalt  }
0x7c: {  	_ =	shalt  }
0x7d: {  	_ =	shalt  }
0x7e: {  	_ =	shalt  }
0x7f: {  	_ =	shalt  }
0x80: {  	_ =	shalt  }
0x81: {  	_ =	shalt  }
0x82: {  	_ =	shalt  }
0x83: {  	_ =	shalt  }
0x84: {  	_ =	shalt  }
0x85: {  	_ =	shalt  }
0x86: {  	_ =	shalt  }
0x87: {  	_ =	shalt  }
.Lfunc_end0:
.L_simem_size_0:
called_computation.3_lowered:
.L_overlay_start_0:
0x88: {  	s2 =	sld [smem:$0x3FD9]  }
0x89: {  	s3 =	sld [smem:$0x3FFE];
	_ =	sdelay $0x1  }
0x8a: {  	s1 =	srdreg.scid  }
0x8b: {  	s0 =	sand.u32 $0x1, s1  }
0x8c: {  	s17 =	sshll.u32 s0, $0xA;
	s2 =	sadd.s32 s3, s2  }
0x8d: {  	s2 =	sadd.s32 s2, s17  }
0x8e: {  	[smem:$0x3FC0] =	sst s2  }
0x8f: {  	_ = 	snop  }
0x90: {  	s2 =	sld [smem:$0x3FD0];
	(tm) =	ssettm $0x1  }
0x91: {  	s18 =	sld [smem:$0x3FFB];
	_ =	sdelay $0x3  }
0x92: {  	_ =	strace s18  }
0x93: {  	s3 =	sld [smem:$0x3FFC];
	_ =	sdelay $0x3  }
0x94: {  	_ =	strace s3  }
0x95: {  	s3 =	sld [smem:$0x3FFD];
	_ =	sdelay $0x3  }
0x96: {  	_ =	strace s3  }
0x97: {  	_ =	strace $0x8FFFFFFF  }
0x98: {  	s19 =	sld [smem:$0x3FDB];
	_ =	sdelay $0x1  }
0x99: {  	s4 =	simm.s32 $_scs_section_size  }
0x9a: {  	s5 =	simm.s32 $_size__tile_overlayer_lowered;
	s6 =	simm.s32 $_tile_overlayer_lowered  }
0x9b: {  	s22 =	simm.s32 $0x1BFF;
	s21 =	sshll.u32 s6, $0x1;
	s3 =	sadd.s32 s4, s19  }
0x9c: {  	s7 =	simm.s32 $0x0;
	s20 =	sshll.u32 s5, $0x1;
	s5 =	sadd.s32 s21, s3  }
0x9d: {  	[timem:s7], [sflag:s22] =	dma.local [hbm:s5], s20  }
0x9e: {  	_ =	swait.ge [sflag:s22], s20  }
0x9f: {  	s4 =	ssub.s32 $0x0, s20;
	[sflag:s22] =	ssyncset.done $0x0  }
0xa0: {  	[sflag:s22] =	ssyncadd.s32 s4;
	_ =	sdelay $0x1  }
0xa1: {  	s23 =	simm.s32 $0x1B8B  }
0xa2: {  	_ =	swait.ge [sflag:s23], $0x1  }
0xa3: {  	[sflag:s23] =	ssyncset.done $0x0  }
0xa4: {  	s25 =	simm.s32 $0x1B8E;
	s24 =	sld [smem:$0x3FFE];
	[sflag:s23] =	ssyncadd.s32 $0xFFFFFFFF  }
0xa5: {  	s26 =	simm.s32 $execute0_lowered;
	[smem:$0x3FD2] =	sst s25  }
0xa6: {  	s5 =	sshll.u32 s26, $0x1;
	_ =	strace $0x8000004F;
	[dreg:$0x1] =	wrdreg $0xFFFFFFFF  }
0xa7: {  	s28 =	simm.s32 $_size_execute0_lowered;
	s3 =	sadd.s32 s3, s5;
	[dreg:$0x0] =	wrdreg $0x0  }
0xa8: {  	s5 =	sshll.u32 s28, $0x1;
	[dreg:$0x2] =	wrdreg s3  }
0xa9: {  	[dreg:$0x3] =	wrdreg s5  }
0xaa: {  	[dreg:$0x4] =	wrdreg $0xC0  }
0xab: {  	_ =	task [dreg:s7], $0x5FFFF  }
0xac: {  	[dreg:$0x1] =	wrdreg $0xFFFFFFFF  }
0xad: {  	[dreg:$0x0] =	wrdreg $0x60  }
0xae: {  	[dreg:$0x2] =	wrdreg s2  }
0xaf: {  	[dreg:$0x3] =	wrdreg s24  }
0xb0: {  	[dreg:$0x4] =	wrdreg $0xF0000  }
0xb1: {  	[dreg:$0x5] =	wrdreg $0x9  }
0xb2: {  	_ =	task.clear_ibuf [dreg:s7], $0x6FFFF;
	_ =	strace $0x9000004F  }
0xb3: {  	s29 =	simm.s32 $0x9;
	_ =	strace $0x80000051  }
0xb4: {  	_ =	swait.ge [sflag:s29], $0x1  }
0xb5: {  	[sflag:s29] =	ssyncadd.s32 $0xFFFFFFFF  }
0xb6: {  	_ =	strace $0x90000051  }
0xb7: {  	_ =	sfence  }
0xb8: {  	s30 =	sld [smem:$0x0];
	_ =	sdelay $0x2  }
0xb9: {  	s31 =	sshll.u32 s1, $0xD;
	s1 =	sshrl.u32 s1, $0x2  }
0xba: {  	s3 =	sand.u32 $0x4000, s31;
	s1 =	sadd.s32 s1, s30  }
0xbb: {  	s0 =	sor.u32 s3, s0;
	s1 =	sshll.u32 s1, $0x11  }
0xbc: {  	s0 =	sor.u32 s1, s0  }
0xbd: {  	s0 =	sadd.s32 $0x8F2B, s0  }
0xbe: {  	[sflag:s0] =	ssyncadd.remote.s32 $0x1  }
0xbf: {  	_ =	sfence.sel $0xFFFF  }
0xc0: {  	[dreg:$0x0] =	wrdreg $0xFFFFFFFF;
	(pc) =	sbr.abs _section_cstart, $3  }
0xc1: {  	[dreg:$0x1] =	wrdreg $0xFFFFFFFF  }
0xc2: {  	_ =	task.clear_ibuf [dreg:s7], $0x2FFFF;
	_ =	strace $0x9FFFFFFF  }
0xc3: {  	(tm) =	ssettm $0x7FFFFFFF  }
tec
execute0_lowered:
.L_overlay_start_1:
0x0: {  	(tag) =	ssettag $0x1  }
0x1: {  	s1 =	rddreg [dreg:$0x0]  }
0x2: {  	s0 =	rddreg [dreg:$0x1]  }
0x3: {  	s3 =	rddreg [dreg:$0x2];
	s2 =	srdreg.scid  }
0x4: {  	s8 =	stileid.u32;
	s4 =	simm.s32 $0x0;
	s14 =	simm.s32 $0x5000  }
0x5: {  	s15 =	simm.s32 $0x7;
	s17 =	simm.s32 $0x80;
	s18 =	simm.s32 $0x7000  }
0x6: {  	s20 =	simm.s32 $0x9000;
	s22 =	simm.s32 $0xB000;
	s23 =	simm.s32 $0x1  }
0x7: {  	s24 =	simm.s32 $0x6;
	s28 =	simm.s32 $0x3;
	s29 =	simm.s32 $0x4  }
0x8: {  	s30 =	simm.s32 $0x5;
	s19 =	simm.s32 $0x4F00;
	s21 =	simm.s32 $0x4F80  }
0x9: {  	s2 =	sand.u32 $0x1, s2;
	s5 =	sshll.u32 s8, $0x1;
	s6 =	smul.u32 $0xA000, s8  }
0xa: {  	[smem:$0x7FF] =	sst s4;
	s8 =	smul.u32 $0x28000, s8;
	s5 =	sor.u32 s2, s5  }
0xb: {  	s7 =	smul.u32 $0xA0000, s2;
	_ =	strace $0x80000050;
	s2 =	ssub.s32 $0x2, s2  }
0xc: {  	s5 =	smul.u32 $0x500, s5;
	s26 =	sshrl.u32 s2, $0x1;
	s31 =	sshrl.u32 s8, $0x2  }
0xd: {  	s7 =	sadd.s32 s6, s7;
	s2 =	ssub.s32 s2, s26;
	s9 =	sadd.s32 s31, s3  }
0xe: {  	s26 =	simm.s32 $0x2;
	s11 =	sadd.s32 s5, s0;
	s25 =	sshrl.u32 s7, $0x3  }
0xf: {  	s5 =	sadd.s32 s6, s3;
	s6 =	sadd.s32 $0x2000, s9;
	s7 =	sadd.s32 $0x4000, s9  }
0x10: {  	s8 =	sadd.s32 $0x6000, s9;
	s9 =	sadd.s32 $0x8000, s9;
	s13 =	smax.u32 s2, $0x1  }
0x11: {  	s2 =	simm.s32 $0x4E80;
	s0 =	sadd.s32 s25, s0;
	s10 =	sadd.s32 $0x2400, s11  }
0x12: {  	v0 =	vimm.f32 $0.0e+00;
	s11 =	sadd.s32 $0xC400, s11;
	s25 =	simm.s32 $0xD000;
	s12 =	sadd.s32 $0x16400, s0  }
.LBB2_1:
0x13: {  	s31 =	simm.s32 $0x100;
	s0 =	simm.s32 $0x0  }
.LBB2_2:
0x14: {  	p0 =	sne.s32 s31, $0x7F00;
	[tilespmem:s0+$0x5030] =	vst v0;
	s16 =	smov.u32 s31;
	s31 =	sadd.s32 $0x100, s31  }
.Ltmp0:
0x15: {  	[tilespmem:s0+$0x5020] =	vst v0;
	(pc) =	sbr.rel @p0 .LBB2_2-.Ltmp0, $3  }
0x16: {  	[tilespmem:s0+$0x5000] =	vst v0  }
0x17: {  	[tilespmem:s0+$0x5010] =	vst v0;
	_ =	sdelay $0x1  }
0x18: {  	s0 =	sshra.s32 s16, $0x2  }
0x19: {  	[tilespmem:s0+$0x5030] =	vst v0  }
0x1a: {  	[tilespmem:s0+$0x5020] =	vst v0  }
0x1b: {  	[tilespmem:s0+$0x5000] =	vst v0  }
0x1c: {  	[tilespmem:s0+$0x5010] =	vst v0  }
0x1d: {  	[spmem:s5] =	stream.linear.scatter [tilespmem:s14], [sflag:$0x7], $0x2000, $0x38;
	[tilespmem:$0x19000] =	vst v63  }
0x1e: {  	_ =	swait.ge [sflag:s15], $0x2000  }
0x1f: {  	[sflag:s15] =	ssyncset.done $0x0  }
0x20: {  	[sflag:s15] =	ssyncadd.s32 $0xFFFFE000  }
0x21: {  	[spmem:s6] =	stream.linear.scatter [tilespmem:s14], [sflag:$0x7], $0x2000, $0x38;
	[tilespmem:$0x19000] =	vst v63  }
0x22: {  	_ =	swait.ge [sflag:s15], $0x2000  }
0x23: {  	[sflag:s15] =	ssyncset.done $0x0  }
0x24: {  	[sflag:s15] =	ssyncadd.s32 $0xFFFFE000  }
0x25: {  	[spmem:s7] =	stream.linear.scatter [tilespmem:s14], [sflag:$0x7], $0x2000, $0x38;
	[tilespmem:$0x19000] =	vst v63  }
0x26: {  	_ =	swait.ge [sflag:s15], $0x2000  }
0x27: {  	[sflag:s15] =	ssyncset.done $0x0  }
0x28: {  	[sflag:s15] =	ssyncadd.s32 $0xFFFFE000  }
0x29: {  	[spmem:s8] =	stream.linear.scatter [tilespmem:s14], [sflag:$0x7], $0x2000, $0x38;
	[tilespmem:$0x19000] =	vst v63  }
0x2a: {  	_ =	swait.ge [sflag:s15], $0x2000  }
0x2b: {  	[sflag:s15] =	ssyncset.done $0x0  }
0x2c: {  	[sflag:s15] =	ssyncadd.s32 $0xFFFFE000  }
0x2d: {  	[spmem:s9] =	stream.linear.scatter [tilespmem:s14], [sflag:$0x7], $0x2000, $0x38;
	[tilespmem:$0x19000] =	vst v63  }
0x2e: {  	_ =	swait.ge [sflag:s15], $0x2000  }
0x2f: {  	[sflag:s15] =	ssyncset.done $0x0  }
0x30: {  	s0 =	simm.s32 $0x0;
	[sflag:s15] =	ssyncadd.s32 $0xFFFFE000  }
0x31: {  	[tilespmem:s0], [sflag:$0x7] =	stream.linear.gather [hbm4b:s10+s0], $0x2800, $0x38;
	[tilespmem:$0x19000] =	vst v63  }
0x32: {  	_ =	swait.ge [sflag:s15], $0x2800  }
0x33: {  	[sflag:s15] =	ssyncset.done $0x0  }
0x34: {  	s16 =	simm.s32 $0x2800;
	[sflag:s15] =	ssyncadd.s32 $0xFFFFD800  }
0x35: {  	[tilespmem:s16], [sflag:$0x7] =	stream.linear.gather [hbm4b:s11+s0], $0x2800, $0x38;
	[tilespmem:$0x19000] =	vst v63  }
0x36: {  	_ =	swait.ge [sflag:s15], $0x2800  }
0x37: {  	[sflag:s15] =	ssyncset.done $0x0  }
0x38: {  	[sflag:s15] =	ssyncadd.s32 $0xFFFFD800  }
0x39: {  	[bflag:$0x0] =	sbarrier.arrive $0xFFFF  }
0x3a: {  	[tilespmem:s14], [sflag:$0x1] =	stream.indirect.gather [hbm4b:s1+s17], $0x40, s0, s17, $0xb8;
	[tilespmem:$0x19000] =	vst v63  }
0x3b: {  	_ = 	snop  }
0x3c: {  	[tilespmem:s18], [sflag:$0x2] =	stream.indirect.gather [hbm4b:s1+s17], $0x40, s17, s17, $0xb8;
	[tilespmem:$0x19000] =	vst v63  }
0x3d: {  	s16 =	simm.s32 $0x100  }
0x3e: {  	[tilespmem:s20], [sflag:$0x3] =	stream.indirect.gather [hbm4b:s1+s17], $0x40, s16, s17, $0xb8;
	[tilespmem:$0x19000] =	vst v63  }
0x3f: {  	s16 =	simm.s32 $0x180  }
0x40: {  	[tilespmem:s22], [sflag:$0x4] =	stream.indirect.gather [hbm4b:s1+s17], $0x40, s16, s17, $0xb8;
	[tilespmem:$0x19000] =	vst v63  }
0x41: {  	_ =	swait.ge [sflag:s23], $0x2000  }
0x42: {  	[sflag:s23] =	ssyncset.done $0x0  }
0x43: {  	s16 =	simm.s32 $0x2800;
	[sflag:s23] =	ssyncadd.s32 $0xFFFFE000  }
0x44: {  	[spmem:s3] =	stream.indirect.scatter.add.f32 [tilespmem:s14], [sflag:$0x6], $0x40, s16, s17, $0xb8;
	[tilespmem:$0x19000] =	vst v63  }
0x45: {  	_ =	swait.ge [sflag:s24], $0x2000  }
0x46: {  	[sflag:s24] =	ssyncset.done $0x0  }
0x47: {  	s16 =	simm.s32 $0x200;
	[sflag:s24] =	ssyncadd.s32 $0xFFFFE000  }
0x48: {  	[tilespmem:s25], [sflag:$0x5] =	stream.indirect.gather [hbm4b:s1+s17], $0x40, s16, s17, $0xb8;
	[tilespmem:$0x19000] =	vst v63  }
0x49: {  	_ =	swait.ge [sflag:s26], $0x2000  }
0x4a: {  	[sflag:s26] =	ssyncset.done $0x0  }
0x4b: {  	s16 =	simm.s32 $0x2880;
	[sflag:s26] =	ssyncadd.s32 $0xFFFFE000  }
0x4c: {  	[spmem:s3] =	stream.indirect.scatter.add.f32 [tilespmem:s18], [sflag:$0x6], $0x40, s16, s17, $0xb8;
	[tilespmem:$0x19000] =	vst v63  }
0x4d: {  	_ =	swait.ge [sflag:s24], $0x2000  }
0x4e: {  	[sflag:s24] =	ssyncset.done $0x0  }
0x4f: {  	s16 =	simm.s32 $0x280;
	[sflag:s24] =	ssyncadd.s32 $0xFFFFE000  }
0x50: {  	[tilespmem:s14], [sflag:$0x1] =	stream.indirect.gather [hbm4b:s1+s17], $0x40, s16, s17, $0xb8;
	[tilespmem:$0x19000] =	vst v63  }
0x51: {  	_ =	swait.ge [sflag:s28], $0x2000  }
0x52: {  	[sflag:s28] =	ssyncset.done $0x0  }
0x53: {  	s16 =	simm.s32 $0x2900;
	[sflag:s28] =	ssyncadd.s32 $0xFFFFE000  }
0x54: {  	[spmem:s3] =	stream.indirect.scatter.add.f32 [tilespmem:s20], [sflag:$0x6], $0x40, s16, s17, $0xb8;
	[tilespmem:$0x19000] =	vst v63  }
0x55: {  	_ =	swait.ge [sflag:s24], $0x2000  }
0x56: {  	[sflag:s24] =	ssyncset.done $0x0  }
0x57: {  	s16 =	simm.s32 $0x300;
	[sflag:s24] =	ssyncadd.s32 $0xFFFFE000  }
0x58: {  	[tilespmem:s18], [sflag:$0x2] =	stream.indirect.gather [hbm4b:s1+s17], $0x40, s16, s17, $0xb8;
	[tilespmem:$0x19000] =	vst v63  }
0x59: {  	_ =	swait.ge [sflag:s29], $0x2000  }
0x5a: {  	[sflag:s29] =	ssyncset.done $0x0  }
0x5b: {  	s16 =	simm.s32 $0x2980;
	[sflag:s29] =	ssyncadd.s32 $0xFFFFE000  }
0x5c: {  	[spmem:s3] =	stream.indirect.scatter.add.f32 [tilespmem:s22], [sflag:$0x6], $0x40, s16, s17, $0xb8;
	[tilespmem:$0x19000] =	vst v63  }
0x5d: {  	_ =	swait.ge [sflag:s24], $0x2000  }
0x5e: {  	[sflag:s24] =	ssyncset.done $0x0  }
0x5f: {  	s16 =	simm.s32 $0x380;
	[sflag:s24] =	ssyncadd.s32 $0xFFFFE000  }
0x60: {  	[tilespmem:s20], [sflag:$0x3] =	stream.indirect.gather [hbm4b:s1+s17], $0x40, s16, s17, $0xb8;
	[tilespmem:$0x19000] =	vst v63  }
0x61: {  	_ =	swait.ge [sflag:s30], $0x2000  }
0x62: {  	[sflag:s30] =	ssyncset.done $0x0  }
0x63: {  	s16 =	simm.s32 $0x2A00;
	[sflag:s30] =	ssyncadd.s32 $0xFFFFE000  }
0x64: {  	[spmem:s3] =	stream.indirect.scatter.add.f32 [tilespmem:s25], [sflag:$0x6], $0x40, s16, s17, $0xb8;
	[tilespmem:$0x19000] =	vst v63  }
0x65: {  	_ =	swait.ge [sflag:s24], $0x2000  }
0x66: {  	[sflag:s24] =	ssyncset.done $0x0  }
0x67: {  	s31 =	simm.s32 $0xA00;
	s0 =	simm.s32 $0x400;
	[sflag:s24] =	ssyncadd.s32 $0xFFFFE000  }
.LBB2_4:
0x68: {  	[tilespmem:s22], [sflag:$0x4] =	stream.indirect.gather [hbm4b:s1+s17], $0x40, s0, s17, $0xb8;
	[tilespmem:$0x19000] =	vst v63  }
0x69: {  	s0 =	smov.u32 s31  }
0x6a: {  	p0 =	sne.s32 s31, $0x8C00;
	s31 =	sadd.s32 $0xA00, s31;
	_ =	swait.ge [sflag:s23], $0x2000  }
0x6b: {  	s0 =	sshra.s32 s0, $0x2;
	[sflag:s23] =	ssyncset.done $0x0  }
0x6c: {  	s16 =	sadd.s32 $0x2800, s0;
	[sflag:s23] =	ssyncadd.s32 $0xFFFFE000  }
0x6d: {  	[spmem:s3] =	stream.indirect.scatter.add.f32 [tilespmem:s14], [sflag:$0x6], $0x40, s16, s17, $0xb8;
	[tilespmem:$0x19000] =	vst v63  }
0x6e: {  	_ =	swait.ge [sflag:s24], $0x2000  }
0x6f: {  	[sflag:s24] =	ssyncset.done $0x0  }
0x70: {  	s16 =	sadd.s32 $0x200, s0;
	[sflag:s24] =	ssyncadd.s32 $0xFFFFE000  }
0x71: {  	[tilespmem:s25], [sflag:$0x5] =	stream.indirect.gather [hbm4b:s1+s17], $0x40, s16, s17, $0xb8;
	[tilespmem:$0x19000] =	vst v63  }
0x72: {  	_ =	swait.ge [sflag:s26], $0x2000  }
0x73: {  	[sflag:s26] =	ssyncset.done $0x0  }
0x74: {  	s16 =	sadd.s32 $0x2880, s0;
	[sflag:s26] =	ssyncadd.s32 $0xFFFFE000  }
0x75: {  	[spmem:s3] =	stream.indirect.scatter.add.f32 [tilespmem:s18], [sflag:$0x6], $0x40, s16, s17, $0xb8;
	[tilespmem:$0x19000] =	vst v63  }
0x76: {  	_ =	swait.ge [sflag:s24], $0x2000  }
0x77: {  	[sflag:s24] =	ssyncset.done $0x0  }
0x78: {  	s16 =	sadd.s32 $0x280, s0;
	[sflag:s24] =	ssyncadd.s32 $0xFFFFE000  }
0x79: {  	[tilespmem:s14], [sflag:$0x1] =	stream.indirect.gather [hbm4b:s1+s17], $0x40, s16, s17, $0xb8;
	[tilespmem:$0x19000] =	vst v63  }
0x7a: {  	_ =	swait.ge [sflag:s28], $0x2000  }
0x7b: {  	[sflag:s28] =	ssyncset.done $0x0  }
0x7c: {  	s16 =	sadd.s32 $0x2900, s0;
	[sflag:s28] =	ssyncadd.s32 $0xFFFFE000  }
0x7d: {  	[spmem:s3] =	stream.indirect.scatter.add.f32 [tilespmem:s20], [sflag:$0x6], $0x40, s16, s17, $0xb8;
	[tilespmem:$0x19000] =	vst v63  }
0x7e: {  	_ =	swait.ge [sflag:s24], $0x2000  }
0x7f: {  	[sflag:s24] =	ssyncset.done $0x0  }
0x80: {  	s16 =	sadd.s32 $0x300, s0;
	[sflag:s24] =	ssyncadd.s32 $0xFFFFE000  }
0x81: {  	[tilespmem:s18], [sflag:$0x2] =	stream.indirect.gather [hbm4b:s1+s17], $0x40, s16, s17, $0xb8;
	[tilespmem:$0x19000] =	vst v63  }
0x82: {  	_ =	swait.ge [sflag:s29], $0x2000  }
0x83: {  	[sflag:s29] =	ssyncset.done $0x0  }
0x84: {  	s16 =	sadd.s32 $0x2980, s0;
	[sflag:s29] =	ssyncadd.s32 $0xFFFFE000  }
0x85: {  	[spmem:s3] =	stream.indirect.scatter.add.f32 [tilespmem:s22], [sflag:$0x6], $0x40, s16, s17, $0xb8;
	[tilespmem:$0x19000] =	vst v63  }
0x86: {  	_ =	swait.ge [sflag:s24], $0x2000  }
0x87: {  	[sflag:s24] =	ssyncset.done $0x0  }
0x88: {  	s16 =	sadd.s32 $0x380, s0;
	[sflag:s24] =	ssyncadd.s32 $0xFFFFE000  }
0x89: {  	[tilespmem:s20], [sflag:$0x3] =	stream.indirect.gather [hbm4b:s1+s17], $0x40, s16, s17, $0xb8;
	[tilespmem:$0x19000] =	vst v63  }
0x8a: {  	_ =	swait.ge [sflag:s30], $0x2000  }
0x8b: {  	[sflag:s30] =	ssyncset.done $0x0  }
.Ltmp1:
0x8c: {  	s16 =	sadd.s32 $0x2A00, s0;
	[sflag:s30] =	ssyncadd.s32 $0xFFFFE000;
	(pc) =	sbr.rel @p0 .LBB2_4-.Ltmp1, $4  }
0x8d: {  	[spmem:s3] =	stream.indirect.scatter.add.f32 [tilespmem:s25], [sflag:$0x6], $0x40, s16, s17, $0xb8;
	[tilespmem:$0x19000] =	vst v63  }
0x8e: {  	_ =	swait.ge [sflag:s24], $0x2000  }
0x8f: {  	[sflag:s24] =	ssyncset.done $0x0  }
0x90: {  	s0 =	sadd.s32 $0x400, s0;
	[sflag:s24] =	ssyncadd.s32 $0xFFFFE000  }
0x91: {  	[tilespmem:s22], [sflag:$0x4] =	stream.indirect.gather [hbm4b:s1+s17], $0x40, s0, s17, $0xb8;
	[tilespmem:$0x19000] =	vst v63  }
0x92: {  	_ =	swait.ge [sflag:s23], $0x2000  }
0x93: {  	[sflag:s23] =	ssyncset.done $0x0  }
0x94: {  	s16 =	simm.s32 $0x4D80;
	[sflag:s23] =	ssyncadd.s32 $0xFFFFE000  }
0x95: {  	[spmem:s3] =	stream.indirect.scatter.add.f32 [tilespmem:s14], [sflag:$0x6], $0x40, s16, s17, $0xb8;
	[tilespmem:$0x19000] =	vst v63  }
0x96: {  	_ =	swait.ge [sflag:s24], $0x2000  }
0x97: {  	[sflag:s24] =	ssyncset.done $0x0  }
0x98: {  	s31 =	simm.s32 $0x2780;
	[sflag:s24] =	ssyncadd.s32 $0xFFFFE000  }
0x99: {  	[tilespmem:s25], [sflag:$0x5] =	stream.indirect.gather [hbm4b:s1+s17], $0x40, s31, s17, $0xb8;
	[tilespmem:$0x19000] =	vst v63  }
0x9a: {  	_ =	swait.ge [sflag:s26], $0x2000  }
0x9b: {  	[sflag:s26] =	ssyncset.done $0x0  }
0x9c: {  	s16 =	simm.s32 $0x4E00;
	[sflag:s26] =	ssyncadd.s32 $0xFFFFE000  }
0x9d: {  	[spmem:s3] =	stream.indirect.scatter.add.f32 [tilespmem:s18], [sflag:$0x6], $0x40, s16, s17, $0xb8;
	[tilespmem:$0x19000] =	vst v63  }
0x9e: {  	_ =	swait.ge [sflag:s24], $0x2000  }
0x9f: {  	[sflag:s24] =	ssyncset.done $0x0  }
0xa0: {  	[sflag:s24] =	ssyncadd.s32 $0xFFFFE000  }
0xa1: {  	_ =	swait.ge [sflag:s28], $0x2000  }
0xa2: {  	[sflag:s28] =	ssyncset.done $0x0  }
0xa3: {  	[sflag:s28] =	ssyncadd.s32 $0xFFFFE000  }
0xa4: {  	[spmem:s3] =	stream.indirect.scatter.add.f32 [tilespmem:s20], [sflag:$0x6], $0x40, s2, s17, $0xb8;
	[tilespmem:$0x19000] =	vst v63  }
0xa5: {  	_ =	swait.ge [sflag:s24], $0x2000  }
0xa6: {  	[sflag:s24] =	ssyncset.done $0x0  }
0xa7: {  	[sflag:s24] =	ssyncadd.s32 $0xFFFFE000  }
0xa8: {  	_ =	swait.ge [sflag:s29], $0x2000  }
0xa9: {  	[sflag:s29] =	ssyncset.done $0x0  }
0xaa: {  	[sflag:s29] =	ssyncadd.s32 $0xFFFFE000  }
0xab: {  	[spmem:s3] =	stream.indirect.scatter.add.f32 [tilespmem:s22], [sflag:$0x6], $0x40, s19, s17, $0xb8;
	[tilespmem:$0x19000] =	vst v63  }
0xac: {  	_ =	swait.ge [sflag:s24], $0x2000  }
0xad: {  	[sflag:s24] =	ssyncset.done $0x0  }
0xae: {  	[sflag:s24] =	ssyncadd.s32 $0xFFFFE000  }
0xaf: {  	_ =	swait.ge [sflag:s30], $0x2000  }
0xb0: {  	[sflag:s30] =	ssyncset.done $0x0  }
0xb1: {  	[sflag:s30] =	ssyncadd.s32 $0xFFFFE000  }
0xb2: {  	[spmem:s3] =	stream.indirect.scatter.add.f32 [tilespmem:s25], [sflag:$0x6], $0x40, s21, s17, $0xb8;
	[tilespmem:$0x19000] =	vst v63  }
0xb3: {  	s31 =	stileid.u32;
	_ =	swait.ge [sflag:s24], $0x2000  }
0xb4: {  	s4 =	sadd.s32 $0x1, s4;
	s0 =	sshll.u32 s31, $0x6;
	[sflag:s24] =	ssyncset.done $0x0  }
0xb5: {  	p0 =	sne.s32 s4, s13;
	s0 =	sor.u32 $0x1C07, s0;
	[sflag:s24] =	ssyncadd.s32 $0xFFFFE000  }
.Ltmp2:
0xb6: {  	s16 =	sshrl.u32 s5, $0x3;
	[bflag:$0x0] =	sbarrier.arrive $0xFFFF;
	(pc) =	sbr.rel @p0 .LBB2_1-.Ltmp2, $4  }
0xb7: {  	[hbm:s12], [sflag:s0] =	dma.local [spmem:s16], $0x1400  }
0xb8: {  	_ =	swait.ge [sflag:s15], $0x1400  }
0xb9: {  	[sflag:s15] =	ssyncset.done $0x0  }
0xba: {  	[sflag:s15] =	ssyncadd.s32 $0xFFFFEC00  }
0xbb: {  	_ =	sfence.sel $0x180000  }
0xbc: {  	[bflag:$0x0] =	sbarrier.arrive $0xFFFF  }
0xbd: {  	_ =	strace $0x90000050  }
0xbe: {  	s0 =	stileid.u32;
	[bflag:$0x2] =	sbarrier.arrive $0xFFFF  }
0xbf: {  	p0 =	sne.s32 s0, $0x0;
	s0 =	rddreg [dreg:$0x3]  }
0xc0: {  	s0 =	sadd.s32 @!p0 $0x100000, s0  }
0xc1: {  	[sflag:s0] =	ssyncadd.tile.s32 @!p0 $0x1;
	_ =	shalt  }
.Lfunc_end2:
_tile_overlayer_lowered:
.L_overlay_start_2:
0xc2: {  	(tag) =	ssettag $0x2  }
0xc3: {  	s0 =	rddreg [dreg:$0x0];
	s2 =	stileid.u32  }
0xc4: {  	s1 =	rddreg [dreg:$0x1];
	p0 =	sne.s32 s2, $0x0  }
0xc5: {  	s3 =	rddreg [dreg:$0x2];
	[bflag:$0x3] =	sbarrier.arrive $0xFFFF;
	s2 =	simm.s32 @!p0 $0x1C07  }
0xc6: {  	[timem:s3], [sflag:s2] =	dma.local @!p0 [hbm:s0], s1  }
0xc7: {  	s0 =	simm.s32 @!p0 $0x7  }
0xc8: {  	_ =	swait.ge @!p0 [sflag:s0], s1  }
0xc9: {  	s1 =	ssub.s32 @!p0 $0x0, s1;
	[sflag:s0] =	ssyncset.done @!p0 $0x0  }
0xca: {  	[sflag:s0] =	ssyncadd.s32 @!p0 s1  }
0xcb: {  	[bflag:$0x3] =	sbarrier.arrive $0xFFFF  }
0xcc: {  	_ =	shalt  }

</sc_bundles>
